<compile_context>
chip_gen: v7x
topology: tpu7x:2x2x1
jax: 0.10.2.dev20260603
libtpu: 0.0.44.dev20260713+nightly
codegen_flags: <defaults>
</compile_context>

<pallas_src>
import functools

import jax
import jax.numpy as jnp
from jax import lax
from jax.experimental import pallas as pl
from jax.experimental.pallas import tpu as pltpu
from jax.experimental.pallas import tpu_sc as plsc

_B = 16384
_DIM = 32
_NW = 32
_BPW = _B // _NW
_NBUF = 8
_G = 16

_mesh = plsc.VectorSubcoreMesh(core_axis_name="c", subcore_axis_name="s")


@functools.partial(
    pl.kernel,
    mesh=_mesh,
    out_type=jax.ShapeDtypeStruct((_B, 4 * _DIM), jnp.float32),
    compiler_params=pltpu.CompilerParams(needs_layout_passes=False),
    scratch_types=[
        pltpu.VMEM((_BPW + _G,), jnp.int32),
        pltpu.VMEM((_BPW,), jnp.int32),
        pltpu.VMEM((_BPW,), jnp.int32),
        pltpu.VMEM((_BPW,), jnp.int32),
        pltpu.VMEM((_DIM, 128), jnp.float32),
        pltpu.VMEM((_DIM, 128), jnp.float32),
        pltpu.VMEM((_DIM, 128), jnp.float32),
        [pltpu.VMEM((_DIM, 128), jnp.float32)] * _NBUF,
        pltpu.VMEM((_BPW, 4 * _DIM), jnp.float32),
        [pltpu.SemaphoreType.DMA] * _NBUF,
    ],
)
def _emb_concat(cid, age, col, pg, utT, aT, cT, pT, out,
                i0, i1, i2, i3, av, cv, pv, bufs, ov, sems):
    wid = lax.axis_index("s") * 2 + lax.axis_index("c")
    base = wid * _BPW

    pltpu.sync_copy(cid.at[pl.ds(base, _BPW)], i0.at[pl.ds(0, _BPW)])
    pltpu.sync_copy(age.at[pl.ds(base, _BPW)], i1)
    pltpu.sync_copy(col.at[pl.ds(base, _BPW)], i2)
    pltpu.sync_copy(pg.at[pl.ds(base, _BPW)], i3)
    pltpu.sync_copy(aT, av)
    pltpu.sync_copy(cT, cv)
    pltpu.sync_copy(pT, pv)

    rows_lo = jax.lax.iota(jnp.int32, 16)
    rows_hi = rows_lo + 16

    def fetch(x, b):
        c0 = pl.multiple_of((x // 128) * 128, 128)
        for f in range(4):
            pltpu.async_copy(utT.at[pl.ds(8 * f, 8), pl.ds(c0, 128)],
                             bufs[b].at[pl.ds(8 * f, 8)], sems[b])

    def gather_col(tbl, lane):
        l16 = jnp.full((16,), lane, jnp.int32)
        lo = plsc.load_gather(tbl, [rows_lo, l16])
        hi = plsc.load_gather(tbl, [rows_hi, l16])
        return lo, hi

    xv0 = i0[pl.ds(0, _G)]
    for b in range(_NBUF):
        fetch(xv0[b], b)

    def body(g, carry):
        xv = i0[pl.ds(g * _G, _G)]
        xnv = i0[pl.ds(g * _G + _G, _G)]
        av_ = i1[pl.ds(g * _G, _G)]
        cv_ = i2[pl.ds(g * _G, _G)]
        pv_ = i3[pl.ds(g * _G, _G)]
        for b in range(_G):
            j = g * _G + b
            slot = b % _NBUF
            for f in range(4):
                pltpu.make_async_copy(
                    utT.at[pl.ds(8 * f, 8), pl.ds(0, 128)],
                    bufs[slot].at[pl.ds(8 * f, 8)], sems[slot]).wait()
            lo, hi = gather_col(bufs[slot], xv[b] % 128)
            ov[j, pl.ds(0, 16)] = lo
            ov[j, pl.ds(16, 16)] = hi
            lo, hi = gather_col(av, av_[b])
            ov[j, pl.ds(32, 16)] = lo
            ov[j, pl.ds(48, 16)] = hi
            lo, hi = gather_col(cv, cv_[b])
            ov[j, pl.ds(64, 16)] = lo
            ov[j, pl.ds(80, 16)] = hi
            lo, hi = gather_col(pv, pv_[b])
            ov[j, pl.ds(96, 16)] = lo
            ov[j, pl.ds(112, 16)] = hi
            xn = xv[b + _NBUF] if b < _G - _NBUF else xnv[b - (_G - _NBUF)]

            @pl.when(j + _NBUF < _BPW)
            def _():
                fetch(xn, slot)

        return carry

    lax.fori_loop(0, _BPW // _G, body, 0)
    pltpu.sync_copy(ov, out.at[pl.ds(base, _BPW)])


def kernel(customer_id, age, colour_group_name, product_group_name,
           user_table, age_table, colour_table, prod_group_table):
    cid = jnp.asarray(customer_id, jnp.int32)
    a = jnp.asarray(age, jnp.int32)
    c = jnp.asarray(colour_group_name, jnp.int32)
    p = jnp.asarray(product_group_name, jnp.int32)
    utT = user_table.T
    aT = jnp.pad(age_table.T, ((0, 0), (0, 128 - age_table.shape[0])))
    cT = jnp.pad(colour_table.T, ((0, 0), (0, 128 - colour_table.shape[0])))
    pT = jnp.pad(prod_group_table.T,
                 ((0, 0), (0, 128 - prod_group_table.shape[0])))
    return _emb_concat(cid, a, c, p, utT, aT, cT, pT)

# --- scband reference (transcript-rebuilt; emitter-appended) ---
"""Pipeline reference for scband-user-model-43611097924353 (READ-ONLY COPY).

The authoritative reference and input builder live on the scoring server;
editing this copy changes nothing except your own understanding.
"""

import jax, jax.numpy as jnp
import numpy as np

B = 16384
N_CUSTOMER = 1000000
N_AGE = 100
N_COLOUR = 50
N_PROD_GROUP = 20
DIM = 32


def setup_inputs(seed: int = 0) -> dict:
    key = jax.random.key(seed)
    ks = jax.random.split(key, 8)
    customer_id = jax.random.randint(ks[0], (B,), 0, N_CUSTOMER + 1)
    age = jax.random.randint(ks[1], (B,), 0, N_AGE + 1)
    colour_group_name = jax.random.randint(ks[2], (B,), 0, N_COLOUR + 1)
    product_group_name = jax.random.randint(ks[3], (B,), 0, N_PROD_GROUP + 1)
    # Embedding tables sized len(vocab)+1 to mirror StringLookup OOV slot
    user_table = jax.random.normal(ks[4], (N_CUSTOMER + 1, DIM), dtype=jnp.float32) * 0.05
    age_table = jax.random.normal(ks[5], (N_AGE + 1, DIM), dtype=jnp.float32) * 0.05
    colour_table = jax.random.normal(ks[6], (N_COLOUR + 1, DIM), dtype=jnp.float32) * 0.05
    prod_group_table = jax.random.normal(ks[7], (N_PROD_GROUP + 1, DIM), dtype=jnp.float32) * 0.05
    return {
        "customer_id": customer_id,
        "age": age,
        "colour_group_name": colour_group_name,
        "product_group_name": product_group_name,
        "user_table": user_table,
        "age_table": age_table,
        "colour_table": colour_table,
        "prod_group_table": prod_group_table,
    }


def reference(customer_id, age, colour_group_name, product_group_name,
              user_table, age_table, colour_table, prod_group_table):
    # StringLookup is an id-mapping preprocessing step; indices here are already
    # integer vocabulary ids. Each Sequential is then just an embedding gather.
    u = jnp.take(user_table, customer_id, axis=0)
    a = jnp.take(age_table, age, axis=0)
    c = jnp.take(colour_table, colour_group_name, axis=0)
    p = jnp.take(prod_group_table, product_group_name, axis=0)
    return jnp.concatenate([u, a, c, p], axis=1)

if __name__ == "__main__":
    import jax
    _d = setup_inputs()
    print(jax.jit(kernel)(*tuple(_d.values())))

</pallas_src>

<mosaic_0001>
#map = affine_map<(d0, d1) -> (0)>
#map1 = affine_map<(d0, d1) -> (0, 0)>
module attributes {stable_mosaic.version = 14 : i64} {
  func.func @_emb_concat(%arg0: i32, %arg1: i32, %arg2: memref<16384xi32, #tpu.memory_space<hbm>>, %arg3: memref<16384xi32, #tpu.memory_space<hbm>>, %arg4: memref<16384xi32, #tpu.memory_space<hbm>>, %arg5: memref<16384xi32, #tpu.memory_space<hbm>>, %arg6: memref<32x1000001xf32, #tpu.memory_space<hbm>>, %arg7: memref<32x128xf32, #tpu.memory_space<hbm>>, %arg8: memref<32x128xf32, #tpu.memory_space<hbm>>, %arg9: memref<32x128xf32, #tpu.memory_space<hbm>>, %arg10: memref<16384x128xf32, #tpu.memory_space<hbm>>, %arg11: memref<528xi32, #tpu.memory_space<vmem>>, %arg12: memref<512xi32, #tpu.memory_space<vmem>>, %arg13: memref<512xi32, #tpu.memory_space<vmem>>, %arg14: memref<512xi32, #tpu.memory_space<vmem>>, %arg15: memref<32x128xf32, #tpu.memory_space<vmem>>, %arg16: memref<32x128xf32, #tpu.memory_space<vmem>>, %arg17: memref<32x128xf32, #tpu.memory_space<vmem>>, %arg18: memref<32x128xf32, #tpu.memory_space<vmem>>, %arg19: memref<32x128xf32, #tpu.memory_space<vmem>>, %arg20: memref<32x128xf32, #tpu.memory_space<vmem>>, %arg21: memref<32x128xf32, #tpu.memory_space<vmem>>, %arg22: memref<32x128xf32, #tpu.memory_space<vmem>>, %arg23: memref<32x128xf32, #tpu.memory_space<vmem>>, %arg24: memref<32x128xf32, #tpu.memory_space<vmem>>, %arg25: memref<32x128xf32, #tpu.memory_space<vmem>>, %arg26: memref<512x128xf32, #tpu.memory_space<vmem>>, %arg27: memref<!tpu.dma_semaphore, #tpu.memory_space<semaphore_mem>>, %arg28: memref<!tpu.dma_semaphore, #tpu.memory_space<semaphore_mem>>, %arg29: memref<!tpu.dma_semaphore, #tpu.memory_space<semaphore_mem>>, %arg30: memref<!tpu.dma_semaphore, #tpu.memory_space<semaphore_mem>>, %arg31: memref<!tpu.dma_semaphore, #tpu.memory_space<semaphore_mem>>, %arg32: memref<!tpu.dma_semaphore, #tpu.memory_space<semaphore_mem>>, %arg33: memref<!tpu.dma_semaphore, #tpu.memory_space<semaphore_mem>>, %arg34: memref<!tpu.dma_semaphore, #tpu.memory_space<semaphore_mem>>) attributes {dimension_semantics = [#tpu.dimension_semantics<core_parallel>, #tpu.dimension_semantics<subcore_parallel>], iteration_bounds = array<i64: 2, 16>, scalar_prefetch = 0 : i64, scratch_operands = 24 : i64, tpu.core_type = #tpu.core_type<sc_vector_subcore>, window_params = [{transform_indices = #map}, {transform_indices = #map}, {transform_indices = #map}, {transform_indices = #map}, {transform_indices = #map1}, {transform_indices = #map1}, {transform_indices = #map1}, {transform_indices = #map1}, {transform_indices = #map1}]} {
    %mul3A = arith.constant 2 : i32
    %mul3A_0 = arith.muli %arg1, %mul3A : i32
    %add3A = arith.addi %mul3A_0, %arg0 : i32
    %mul3A_1 = arith.constant 512 : i32
    %mul3A_2 = arith.muli %add3A, %mul3A_1 : i32
    "tpu.region"() ({
      %run_scoped3A = tpu.sem_alloc : memref<!tpu.dma_semaphore, #tpu.memory_space<semaphore_mem>>
      %dma_start3A_552 = arith.constant 0 : i32
      %dma_start3A_553 = tpu.memref_slice %arg11[%dma_start3A_552] : memref<528xi32, #tpu.memory_space<vmem>> -> memref<512xi32, #tpu.memory_space<vmem>>
      %dma_start3A_554 = tpu.memref_slice %arg2[%mul3A_2] : memref<16384xi32, #tpu.memory_space<hbm>> -> memref<512xi32, #tpu.memory_space<hbm>>
      %dma_start3A_555 = arith.constant 0 : i32
      %dma_start3A_556 = tpu.memref_slice %arg11[%dma_start3A_555] : memref<528xi32, #tpu.memory_space<vmem>> -> memref<512xi32, #tpu.memory_space<vmem>>
      %dma_start3A_557 = tpu.memref_slice %arg2[%mul3A_2] : memref<16384xi32, #tpu.memory_space<hbm>> -> memref<512xi32, #tpu.memory_space<hbm>>
      tpu.enqueue_dma source(%dma_start3A_557 : memref<512xi32, #tpu.memory_space<hbm>>) target(%dma_start3A_556 : memref<512xi32, #tpu.memory_space<vmem>>) target_semaphore(%run_scoped3A : memref<!tpu.dma_semaphore, #tpu.memory_space<semaphore_mem>>)
      %dma_wait3A = arith.constant 0 : i32
      %dma_wait3A_558 = tpu.memref_slice %arg11[%dma_wait3A] : memref<528xi32, #tpu.memory_space<vmem>> -> memref<512xi32, #tpu.memory_space<vmem>>
      %dma_wait3A_559 = tpu.memref_slice %arg2[%mul3A_2] : memref<16384xi32, #tpu.memory_space<hbm>> -> memref<512xi32, #tpu.memory_space<hbm>>
      %dma_wait3A_560 = arith.constant 0 : i32
      %dma_wait3A_561 = tpu.memref_slice %arg11[%dma_wait3A_560] : memref<528xi32, #tpu.memory_space<vmem>> -> memref<512xi32, #tpu.memory_space<vmem>>
      %dma_wait3A_562 = tpu.memref_slice %arg2[%mul3A_2] : memref<16384xi32, #tpu.memory_space<hbm>> -> memref<512xi32, #tpu.memory_space<hbm>>
      tpu.wait_dma2 semaphore(%run_scoped3A : memref<!tpu.dma_semaphore, #tpu.memory_space<semaphore_mem>>) src(%dma_wait3A_562 : memref<512xi32, #tpu.memory_space<hbm>>) dst(%dma_wait3A_561 : memref<512xi32, #tpu.memory_space<vmem>>)
      tpu.yield
    }) : () -> ()
    "tpu.region"() ({
      %run_scoped3A = tpu.sem_alloc : memref<!tpu.dma_semaphore, #tpu.memory_space<semaphore_mem>>
      %dma_start3A_552 = tpu.memref_slice %arg3[%mul3A_2] : memref<16384xi32, #tpu.memory_space<hbm>> -> memref<512xi32, #tpu.memory_space<hbm>>
      %dma_start3A_553 = tpu.memref_slice %arg3[%mul3A_2] : memref<16384xi32, #tpu.memory_space<hbm>> -> memref<512xi32, #tpu.memory_space<hbm>>
      tpu.enqueue_dma source(%dma_start3A_553 : memref<512xi32, #tpu.memory_space<hbm>>) target(%arg12 : memref<512xi32, #tpu.memory_space<vmem>>) target_semaphore(%run_scoped3A : memref<!tpu.dma_semaphore, #tpu.memory_space<semaphore_mem>>)
      %dma_wait3A = tpu.memref_slice %arg3[%mul3A_2] : memref<16384xi32, #tpu.memory_space<hbm>> -> memref<512xi32, #tpu.memory_space<hbm>>
      %dma_wait3A_554 = tpu.memref_slice %arg3[%mul3A_2] : memref<16384xi32, #tpu.memory_space<hbm>> -> memref<512xi32, #tpu.memory_space<hbm>>
      tpu.wait_dma2 semaphore(%run_scoped3A : memref<!tpu.dma_semaphore, #tpu.memory_space<semaphore_mem>>) src(%dma_wait3A_554 : memref<512xi32, #tpu.memory_space<hbm>>) dst(%arg12 : memref<512xi32, #tpu.memory_space<vmem>>)
      tpu.yield
    }) : () -> ()
    "tpu.region"() ({
      %run_scoped3A = tpu.sem_alloc : memref<!tpu.dma_semaphore, #tpu.memory_space<semaphore_mem>>
      %dma_start3A_552 = tpu.memref_slice %arg4[%mul3A_2] : memref<16384xi32, #tpu.memory_space<hbm>> -> memref<512xi32, #tpu.memory_space<hbm>>
      %dma_start3A_553 = tpu.memref_slice %arg4[%mul3A_2] : memref<16384xi32, #tpu.memory_space<hbm>> -> memref<512xi32, #tpu.memory_space<hbm>>
      tpu.enqueue_dma source(%dma_start3A_553 : memref<512xi32, #tpu.memory_space<hbm>>) target(%arg13 : memref<512xi32, #tpu.memory_space<vmem>>) target_semaphore(%run_scoped3A : memref<!tpu.dma_semaphore, #tpu.memory_space<semaphore_mem>>)
      %dma_wait3A = tpu.memref_slice %arg4[%mul3A_2] : memref<16384xi32, #tpu.memory_space<hbm>> -> memref<512xi32, #tpu.memory_space<hbm>>
      %dma_wait3A_554 = tpu.memref_slice %arg4[%mul3A_2] : memref<16384xi32, #tpu.memory_space<hbm>> -> memref<512xi32, #tpu.memory_space<hbm>>
      tpu.wait_dma2 semaphore(%run_scoped3A : memref<!tpu.dma_semaphore, #tpu.memory_space<semaphore_mem>>) src(%dma_wait3A_554 : memref<512xi32, #tpu.memory_space<hbm>>) dst(%arg13 : memref<512xi32, #tpu.memory_space<vmem>>)
      tpu.yield
    }) : () -> ()
    "tpu.region"() ({
      %run_scoped3A = tpu.sem_alloc : memref<!tpu.dma_semaphore, #tpu.memory_space<semaphore_mem>>
      %dma_start3A_552 = tpu.memref_slice %arg5[%mul3A_2] : memref<16384xi32, #tpu.memory_space<hbm>> -> memref<512xi32, #tpu.memory_space<hbm>>
      %dma_start3A_553 = tpu.memref_slice %arg5[%mul3A_2] : memref<16384xi32, #tpu.memory_space<hbm>> -> memref<512xi32, #tpu.memory_space<hbm>>
      tpu.enqueue_dma source(%dma_start3A_553 : memref<512xi32, #tpu.memory_space<hbm>>) target(%arg14 : memref<512xi32, #tpu.memory_space<vmem>>) target_semaphore(%run_scoped3A : memref<!tpu.dma_semaphore, #tpu.memory_space<semaphore_mem>>)
      %dma_wait3A = tpu.memref_slice %arg5[%mul3A_2] : memref<16384xi32, #tpu.memory_space<hbm>> -> memref<512xi32, #tpu.memory_space<hbm>>
      %dma_wait3A_554 = tpu.memref_slice %arg5[%mul3A_2] : memref<16384xi32, #tpu.memory_space<hbm>> -> memref<512xi32, #tpu.memory_space<hbm>>
      tpu.wait_dma2 semaphore(%run_scoped3A : memref<!tpu.dma_semaphore, #tpu.memory_space<semaphore_mem>>) src(%dma_wait3A_554 : memref<512xi32, #tpu.memory_space<hbm>>) dst(%arg14 : memref<512xi32, #tpu.memory_space<vmem>>)
      tpu.yield
    }) : () -> ()
    "tpu.region"() ({
      %run_scoped3A = tpu.sem_alloc : memref<!tpu.dma_semaphore, #tpu.memory_space<semaphore_mem>>
      tpu.enqueue_dma source(%arg7 : memref<32x128xf32, #tpu.memory_space<hbm>>) target(%arg15 : memref<32x128xf32, #tpu.memory_space<vmem>>) target_semaphore(%run_scoped3A : memref<!tpu.dma_semaphore, #tpu.memory_space<semaphore_mem>>)
      tpu.wait_dma2 semaphore(%run_scoped3A : memref<!tpu.dma_semaphore, #tpu.memory_space<semaphore_mem>>) src(%arg7 : memref<32x128xf32, #tpu.memory_space<hbm>>) dst(%arg15 : memref<32x128xf32, #tpu.memory_space<vmem>>)
      tpu.yield
    }) : () -> ()
    "tpu.region"() ({
      %run_scoped3A = tpu.sem_alloc : memref<!tpu.dma_semaphore, #tpu.memory_space<semaphore_mem>>
      tpu.enqueue_dma source(%arg8 : memref<32x128xf32, #tpu.memory_space<hbm>>) target(%arg16 : memref<32x128xf32, #tpu.memory_space<vmem>>) target_semaphore(%run_scoped3A : memref<!tpu.dma_semaphore, #tpu.memory_space<semaphore_mem>>)
      tpu.wait_dma2 semaphore(%run_scoped3A : memref<!tpu.dma_semaphore, #tpu.memory_space<semaphore_mem>>) src(%arg8 : memref<32x128xf32, #tpu.memory_space<hbm>>) dst(%arg16 : memref<32x128xf32, #tpu.memory_space<vmem>>)
      tpu.yield
    }) : () -> ()
    "tpu.region"() ({
      %run_scoped3A = tpu.sem_alloc : memref<!tpu.dma_semaphore, #tpu.memory_space<semaphore_mem>>
      tpu.enqueue_dma source(%arg9 : memref<32x128xf32, #tpu.memory_space<hbm>>) target(%arg17 : memref<32x128xf32, #tpu.memory_space<vmem>>) target_semaphore(%run_scoped3A : memref<!tpu.dma_semaphore, #tpu.memory_space<semaphore_mem>>)
      tpu.wait_dma2 semaphore(%run_scoped3A : memref<!tpu.dma_semaphore, #tpu.memory_space<semaphore_mem>>) src(%arg9 : memref<32x128xf32, #tpu.memory_space<hbm>>) dst(%arg17 : memref<32x128xf32, #tpu.memory_space<vmem>>)
      tpu.yield
    }) : () -> ()
    %iota3A = tpu.iota {dimensions = array<i32: 0>} : vector<16xi32>
    %add3A_3 = arith.constant 16 : i32
    %add3A_4 = vector.broadcast %add3A_3 : i32 to vector<16xi32>
    %add3A_5 = arith.addi %iota3A, %add3A_4 : vector<16xi32>
    %get3A = arith.constant 0 : index
    %get3A_6 = tpu.vector_load %arg11[%get3A] {strides = array<i32>} : memref<528xi32, #tpu.memory_space<vmem>>, vector<16xi32>,
    %slice3A = vector.extract_strided_slice %get3A_6 {offsets = [0], sizes = [1], strides = [1]} : vector<16xi32> to vector<1xi32>
    %squeeze3A = vector.extract %slice3A[0] : i32 from vector<1xi32>
    %jit3A = arith.constant 128 : i32
    %div3A = arith.divsi %squeeze3A, %jit3A : i32
    %sign3A = arith.constant 0 : i32
    %sign3A_7 = arith.cmpi sgt, %squeeze3A, %sign3A : i32
    %sign3A_8 = arith.extui %sign3A_7 : i1 to i32
    %sign3A_9 = arith.constant 0 : i32
    %sign3A_10 = arith.cmpi slt, %squeeze3A, %sign3A_9 : i32
    %sign3A_11 = arith.extui %sign3A_10 : i1 to i32
    %sign3A_12 = arith.subi %sign3A_8, %sign3A_11 : i32
    %sign3A_13 = arith.constant 0 : i32
    %sign3A_14 = arith.cmpi sgt, %jit3A, %sign3A_13 : i32
    %sign3A_15 = arith.extui %sign3A_14 : i1 to i32
    %sign3A_16 = arith.constant 0 : i32
    %sign3A_17 = arith.cmpi slt, %jit3A, %sign3A_16 : i32
    %sign3A_18 = arith.extui %sign3A_17 : i1 to i32
    %sign3A_19 = arith.subi %sign3A_15, %sign3A_18 : i32
    %ne3A = arith.cmpi ne, %sign3A_12, %sign3A_19 : i32
    %rem3A = arith.remsi %squeeze3A, %jit3A : i32
    %ne3A_20 = arith.constant 0 : i32
    %ne3A_21 = arith.cmpi ne, %rem3A, %ne3A_20 : i32
    %and3A = arith.andi %ne3A, %ne3A_21 : i1
    %sub3A = arith.constant 1 : i32
    %sub3A_22 = arith.subi %div3A, %sub3A : i32
    %select_n3A = arith.select %and3A, %sub3A_22, %div3A : i32
    %mul3A_23 = arith.constant 128 : i32
    %mul3A_24 = arith.muli %select_n3A, %mul3A_23 : i32
    %multiple_of3A = tpu.assume_multiple %mul3A_24, 128 : i32
    %dma_start3A = arith.constant 0 : i32
    %dma_start3A_25 = arith.constant 0 : i32
    %dma_start3A_26 = tpu.memref_slice %arg18[%dma_start3A, %dma_start3A_25] : memref<32x128xf32, #tpu.memory_space<vmem>> -> memref<8x128xf32, #tpu.memory_space<vmem>>
    %dma_start3A_27 = arith.constant 0 : i32
    %dma_start3A_28 = tpu.memref_slice %arg6[%dma_start3A_27, %multiple_of3A] : memref<32x1000001xf32, #tpu.memory_space<hbm>> -> memref<8x128xf32, #tpu.memory_space<hbm>>
    %dma_start3A_29 = arith.constant 0 : i32
    %dma_start3A_30 = arith.constant 0 : i32
    %dma_start3A_31 = tpu.memref_slice %arg18[%dma_start3A_29, %dma_start3A_30] : memref<32x128xf32, #tpu.memory_space<vmem>> -> memref<8x128xf32, #tpu.memory_space<vmem>>
    %dma_start3A_32 = arith.constant 0 : i32
    %dma_start3A_33 = tpu.memref_slice %arg6[%dma_start3A_32, %multiple_of3A] : memref<32x1000001xf32, #tpu.memory_space<hbm>> -> memref<8x128xf32, #tpu.memory_space<hbm>>
    tpu.enqueue_dma source(%dma_start3A_33 : memref<8x128xf32, #tpu.memory_space<hbm>>) target(%dma_start3A_31 : memref<8x128xf32, #tpu.memory_space<vmem>>) target_semaphore(%arg27 : memref<!tpu.dma_semaphore, #tpu.memory_space<semaphore_mem>>)
    %dma_start3A_34 = arith.constant 8 : i32
    %dma_start3A_35 = arith.constant 0 : i32
    %dma_start3A_36 = tpu.memref_slice %arg18[%dma_start3A_34, %dma_start3A_35] : memref<32x128xf32, #tpu.memory_space<vmem>> -> memref<8x128xf32, #tpu.memory_space<vmem>>
    %dma_start3A_37 = arith.constant 8 : i32
    %dma_start3A_38 = tpu.memref_slice %arg6[%dma_start3A_37, %multiple_of3A] : memref<32x1000001xf32, #tpu.memory_space<hbm>> -> memref<8x128xf32, #tpu.memory_space<hbm>>
    %dma_start3A_39 = arith.constant 8 : i32
    %dma_start3A_40 = arith.constant 0 : i32
    %dma_start3A_41 = tpu.memref_slice %arg18[%dma_start3A_39, %dma_start3A_40] : memref<32x128xf32, #tpu.memory_space<vmem>> -> memref<8x128xf32, #tpu.memory_space<vmem>>
    %dma_start3A_42 = arith.constant 8 : i32
    %dma_start3A_43 = tpu.memref_slice %arg6[%dma_start3A_42, %multiple_of3A] : memref<32x1000001xf32, #tpu.memory_space<hbm>> -> memref<8x128xf32, #tpu.memory_space<hbm>>
    tpu.enqueue_dma source(%dma_start3A_43 : memref<8x128xf32, #tpu.memory_space<hbm>>) target(%dma_start3A_41 : memref<8x128xf32, #tpu.memory_space<vmem>>) target_semaphore(%arg27 : memref<!tpu.dma_semaphore, #tpu.memory_space<semaphore_mem>>)
    %dma_start3A_44 = arith.constant 16 : i32
    %dma_start3A_45 = arith.constant 0 : i32
    %dma_start3A_46 = tpu.memref_slice %arg18[%dma_start3A_44, %dma_start3A_45] : memref<32x128xf32, #tpu.memory_space<vmem>> -> memref<8x128xf32, #tpu.memory_space<vmem>>
    %dma_start3A_47 = arith.constant 16 : i32
    %dma_start3A_48 = tpu.memref_slice %arg6[%dma_start3A_47, %multiple_of3A] : memref<32x1000001xf32, #tpu.memory_space<hbm>> -> memref<8x128xf32, #tpu.memory_space<hbm>>
    %dma_start3A_49 = arith.constant 16 : i32
    %dma_start3A_50 = arith.constant 0 : i32
    %dma_start3A_51 = tpu.memref_slice %arg18[%dma_start3A_49, %dma_start3A_50] : memref<32x128xf32, #tpu.memory_space<vmem>> -> memref<8x128xf32, #tpu.memory_space<vmem>>
    %dma_start3A_52 = arith.constant 16 : i32
    %dma_start3A_53 = tpu.memref_slice %arg6[%dma_start3A_52, %multiple_of3A] : memref<32x1000001xf32, #tpu.memory_space<hbm>> -> memref<8x128xf32, #tpu.memory_space<hbm>>
    tpu.enqueue_dma source(%dma_start3A_53 : memref<8x128xf32, #tpu.memory_space<hbm>>) target(%dma_start3A_51 : memref<8x128xf32, #tpu.memory_space<vmem>>) target_semaphore(%arg27 : memref<!tpu.dma_semaphore, #tpu.memory_space<semaphore_mem>>)
    %dma_start3A_54 = arith.constant 24 : i32
    %dma_start3A_55 = arith.constant 0 : i32
    %dma_start3A_56 = tpu.memref_slice %arg18[%dma_start3A_54, %dma_start3A_55] : memref<32x128xf32, #tpu.memory_space<vmem>> -> memref<8x128xf32, #tpu.memory_space<vmem>>
    %dma_start3A_57 = arith.constant 24 : i32
    %dma_start3A_58 = tpu.memref_slice %arg6[%dma_start3A_57, %multiple_of3A] : memref<32x1000001xf32, #tpu.memory_space<hbm>> -> memref<8x128xf32, #tpu.memory_space<hbm>>
    %dma_start3A_59 = arith.constant 24 : i32
    %dma_start3A_60 = arith.constant 0 : i32
    %dma_start3A_61 = tpu.memref_slice %arg18[%dma_start3A_59, %dma_start3A_60] : memref<32x128xf32, #tpu.memory_space<vmem>> -> memref<8x128xf32, #tpu.memory_space<vmem>>
    %dma_start3A_62 = arith.constant 24 : i32
    %dma_start3A_63 = tpu.memref_slice %arg6[%dma_start3A_62, %multiple_of3A] : memref<32x1000001xf32, #tpu.memory_space<hbm>> -> memref<8x128xf32, #tpu.memory_space<hbm>>
    tpu.enqueue_dma source(%dma_start3A_63 : memref<8x128xf32, #tpu.memory_space<hbm>>) target(%dma_start3A_61 : memref<8x128xf32, #tpu.memory_space<vmem>>) target_semaphore(%arg27 : memref<!tpu.dma_semaphore, #tpu.memory_space<semaphore_mem>>)
    %slice3A_64 = vector.extract_strided_slice %get3A_6 {offsets = [1], sizes = [1], strides = [1]} : vector<16xi32> to vector<1xi32>
    %squeeze3A_65 = vector.extract %slice3A_64[0] : i32 from vector<1xi32>
    %jit3A_66 = arith.constant 128 : i32
    %div3A_67 = arith.divsi %squeeze3A_65, %jit3A_66 : i32
    %sign3A_68 = arith.constant 0 : i32
    %sign3A_69 = arith.cmpi sgt, %squeeze3A_65, %sign3A_68 : i32
    %sign3A_70 = arith.extui %sign3A_69 : i1 to i32
    %sign3A_71 = arith.constant 0 : i32
    %sign3A_72 = arith.cmpi slt, %squeeze3A_65, %sign3A_71 : i32
    %sign3A_73 = arith.extui %sign3A_72 : i1 to i32
    %sign3A_74 = arith.subi %sign3A_70, %sign3A_73 : i32
    %sign3A_75 = arith.constant 0 : i32
    %sign3A_76 = arith.cmpi sgt, %jit3A_66, %sign3A_75 : i32
    %sign3A_77 = arith.extui %sign3A_76 : i1 to i32
    %sign3A_78 = arith.constant 0 : i32
    %sign3A_79 = arith.cmpi slt, %jit3A_66, %sign3A_78 : i32
    %sign3A_80 = arith.extui %sign3A_79 : i1 to i32
    %sign3A_81 = arith.subi %sign3A_77, %sign3A_80 : i32
    %ne3A_82 = arith.cmpi ne, %sign3A_74, %sign3A_81 : i32
    %rem3A_83 = arith.remsi %squeeze3A_65, %jit3A_66 : i32
    %ne3A_84 = arith.constant 0 : i32
    %ne3A_85 = arith.cmpi ne, %rem3A_83, %ne3A_84 : i32
    %and3A_86 = arith.andi %ne3A_82, %ne3A_85 : i1
    %sub3A_87 = arith.constant 1 : i32
    %sub3A_88 = arith.subi %div3A_67, %sub3A_87 : i32
    %select_n3A_89 = arith.select %and3A_86, %sub3A_88, %div3A_67 : i32
    %mul3A_90 = arith.constant 128 : i32
    %mul3A_91 = arith.muli %select_n3A_89, %mul3A_90 : i32
    %multiple_of3A_92 = tpu.assume_multiple %mul3A_91, 128 : i32
    %dma_start3A_93 = arith.constant 0 : i32
    %dma_start3A_94 = arith.constant 0 : i32
    %dma_start3A_95 = tpu.memref_slice %arg19[%dma_start3A_93, %dma_start3A_94] : memref<32x128xf32, #tpu.memory_space<vmem>> -> memref<8x128xf32, #tpu.memory_space<vmem>>
    %dma_start3A_96 = arith.constant 0 : i32
    %dma_start3A_97 = tpu.memref_slice %arg6[%dma_start3A_96, %multiple_of3A_92] : memref<32x1000001xf32, #tpu.memory_space<hbm>> -> memref<8x128xf32, #tpu.memory_space<hbm>>
    %dma_start3A_98 = arith.constant 0 : i32
    %dma_start3A_99 = arith.constant 0 : i32
    %dma_start3A_100 = tpu.memref_slice %arg19[%dma_start3A_98, %dma_start3A_99] : memref<32x128xf32, #tpu.memory_space<vmem>> -> memref<8x128xf32, #tpu.memory_space<vmem>>
    %dma_start3A_101 = arith.constant 0 : i32
    %dma_start3A_102 = tpu.memref_slice %arg6[%dma_start3A_101, %multiple_of3A_92] : memref<32x1000001xf32, #tpu.memory_space<hbm>> -> memref<8x128xf32, #tpu.memory_space<hbm>>
    tpu.enqueue_dma source(%dma_start3A_102 : memref<8x128xf32, #tpu.memory_space<hbm>>) target(%dma_start3A_100 : memref<8x128xf32, #tpu.memory_space<vmem>>) target_semaphore(%arg28 : memref<!tpu.dma_semaphore, #tpu.memory_space<semaphore_mem>>)
    %dma_start3A_103 = arith.constant 8 : i32
    %dma_start3A_104 = arith.constant 0 : i32
    %dma_start3A_105 = tpu.memref_slice %arg19[%dma_start3A_103, %dma_start3A_104] : memref<32x128xf32, #tpu.memory_space<vmem>> -> memref<8x128xf32, #tpu.memory_space<vmem>>
    %dma_start3A_106 = arith.constant 8 : i32
    %dma_start3A_107 = tpu.memref_slice %arg6[%dma_start3A_106, %multiple_of3A_92] : memref<32x1000001xf32, #tpu.memory_space<hbm>> -> memref<8x128xf32, #tpu.memory_space<hbm>>
    %dma_start3A_108 = arith.constant 8 : i32
    %dma_start3A_109 = arith.constant 0 : i32
    %dma_start3A_110 = tpu.memref_slice %arg19[%dma_start3A_108, %dma_start3A_109] : memref<32x128xf32, #tpu.memory_space<vmem>> -> memref<8x128xf32, #tpu.memory_space<vmem>>
    %dma_start3A_111 = arith.constant 8 : i32
    %dma_start3A_112 = tpu.memref_slice %arg6[%dma_start3A_111, %multiple_of3A_92] : memref<32x1000001xf32, #tpu.memory_space<hbm>> -> memref<8x128xf32, #tpu.memory_space<hbm>>
    tpu.enqueue_dma source(%dma_start3A_112 : memref<8x128xf32, #tpu.memory_space<hbm>>) target(%dma_start3A_110 : memref<8x128xf32, #tpu.memory_space<vmem>>) target_semaphore(%arg28 : memref<!tpu.dma_semaphore, #tpu.memory_space<semaphore_mem>>)
    %dma_start3A_113 = arith.constant 16 : i32
    %dma_start3A_114 = arith.constant 0 : i32
    %dma_start3A_115 = tpu.memref_slice %arg19[%dma_start3A_113, %dma_start3A_114] : memref<32x128xf32, #tpu.memory_space<vmem>> -> memref<8x128xf32, #tpu.memory_space<vmem>>
    %dma_start3A_116 = arith.constant 16 : i32
    %dma_start3A_117 = tpu.memref_slice %arg6[%dma_start3A_116, %multiple_of3A_92] : memref<32x1000001xf32, #tpu.memory_space<hbm>> -> memref<8x128xf32, #tpu.memory_space<hbm>>
    %dma_start3A_118 = arith.constant 16 : i32
    %dma_start3A_119 = arith.constant 0 : i32
    %dma_start3A_120 = tpu.memref_slice %arg19[%dma_start3A_118, %dma_start3A_119] : memref<32x128xf32, #tpu.memory_space<vmem>> -> memref<8x128xf32, #tpu.memory_space<vmem>>
    %dma_start3A_121 = arith.constant 16 : i32
    %dma_start3A_122 = tpu.memref_slice %arg6[%dma_start3A_121, %multiple_of3A_92] : memref<32x1000001xf32, #tpu.memory_space<hbm>> -> memref<8x128xf32, #tpu.memory_space<hbm>>
    tpu.enqueue_dma source(%dma_start3A_122 : memref<8x128xf32, #tpu.memory_space<hbm>>) target(%dma_start3A_120 : memref<8x128xf32, #tpu.memory_space<vmem>>) target_semaphore(%arg28 : memref<!tpu.dma_semaphore, #tpu.memory_space<semaphore_mem>>)
    %dma_start3A_123 = arith.constant 24 : i32
    %dma_start3A_124 = arith.constant 0 : i32
    %dma_start3A_125 = tpu.memref_slice %arg19[%dma_start3A_123, %dma_start3A_124] : memref<32x128xf32, #tpu.memory_space<vmem>> -> memref<8x128xf32, #tpu.memory_space<vmem>>
    %dma_start3A_126 = arith.constant 24 : i32
    %dma_start3A_127 = tpu.memref_slice %arg6[%dma_start3A_126, %multiple_of3A_92] : memref<32x1000001xf32, #tpu.memory_space<hbm>> -> memref<8x128xf32, #tpu.memory_space<hbm>>
    %dma_start3A_128 = arith.constant 24 : i32
    %dma_start3A_129 = arith.constant 0 : i32
    %dma_start3A_130 = tpu.memref_slice %arg19[%dma_start3A_128, %dma_start3A_129] : memref<32x128xf32, #tpu.memory_space<vmem>> -> memref<8x128xf32, #tpu.memory_space<vmem>>
    %dma_start3A_131 = arith.constant 24 : i32
    %dma_start3A_132 = tpu.memref_slice %arg6[%dma_start3A_131, %multiple_of3A_92] : memref<32x1000001xf32, #tpu.memory_space<hbm>> -> memref<8x128xf32, #tpu.memory_space<hbm>>
    tpu.enqueue_dma source(%dma_start3A_132 : memref<8x128xf32, #tpu.memory_space<hbm>>) target(%dma_start3A_130 : memref<8x128xf32, #tpu.memory_space<vmem>>) target_semaphore(%arg28 : memref<!tpu.dma_semaphore, #tpu.memory_space<semaphore_mem>>)
    %slice3A_133 = vector.extract_strided_slice %get3A_6 {offsets = [2], sizes = [1], strides = [1]} : vector<16xi32> to vector<1xi32>
    %squeeze3A_134 = vector.extract %slice3A_133[0] : i32 from vector<1xi32>
    %jit3A_135 = arith.constant 128 : i32
    %div3A_136 = arith.divsi %squeeze3A_134, %jit3A_135 : i32
    %sign3A_137 = arith.constant 0 : i32
    %sign3A_138 = arith.cmpi sgt, %squeeze3A_134, %sign3A_137 : i32
    %sign3A_139 = arith.extui %sign3A_138 : i1 to i32
    %sign3A_140 = arith.constant 0 : i32
    %sign3A_141 = arith.cmpi slt, %squeeze3A_134, %sign3A_140 : i32
    %sign3A_142 = arith.extui %sign3A_141 : i1 to i32
    %sign3A_143 = arith.subi %sign3A_139, %sign3A_142 : i32
    %sign3A_144 = arith.constant 0 : i32
    %sign3A_145 = arith.cmpi sgt, %jit3A_135, %sign3A_144 : i32
    %sign3A_146 = arith.extui %sign3A_145 : i1 to i32
    %sign3A_147 = arith.constant 0 : i32
    %sign3A_148 = arith.cmpi slt, %jit3A_135, %sign3A_147 : i32
    %sign3A_149 = arith.extui %sign3A_148 : i1 to i32
    %sign3A_150 = arith.subi %sign3A_146, %sign3A_149 : i32
    %ne3A_151 = arith.cmpi ne, %sign3A_143, %sign3A_150 : i32
    %rem3A_152 = arith.remsi %squeeze3A_134, %jit3A_135 : i32
    %ne3A_153 = arith.constant 0 : i32
    %ne3A_154 = arith.cmpi ne, %rem3A_152, %ne3A_153 : i32
    %and3A_155 = arith.andi %ne3A_151, %ne3A_154 : i1
    %sub3A_156 = arith.constant 1 : i32
    %sub3A_157 = arith.subi %div3A_136, %sub3A_156 : i32
    %select_n3A_158 = arith.select %and3A_155, %sub3A_157, %div3A_136 : i32
    %mul3A_159 = arith.constant 128 : i32
    %mul3A_160 = arith.muli %select_n3A_158, %mul3A_159 : i32
    %multiple_of3A_161 = tpu.assume_multiple %mul3A_160, 128 : i32
    %dma_start3A_162 = arith.constant 0 : i32
    %dma_start3A_163 = arith.constant 0 : i32
    %dma_start3A_164 = tpu.memref_slice %arg20[%dma_start3A_162, %dma_start3A_163] : memref<32x128xf32, #tpu.memory_space<vmem>> -> memref<8x128xf32, #tpu.memory_space<vmem>>
    %dma_start3A_165 = arith.constant 0 : i32
    %dma_start3A_166 = tpu.memref_slice %arg6[%dma_start3A_165, %multiple_of3A_161] : memref<32x1000001xf32, #tpu.memory_space<hbm>> -> memref<8x128xf32, #tpu.memory_space<hbm>>
    %dma_start3A_167 = arith.constant 0 : i32
    %dma_start3A_168 = arith.constant 0 : i32
    %dma_start3A_169 = tpu.memref_slice %arg20[%dma_start3A_167, %dma_start3A_168] : memref<32x128xf32, #tpu.memory_space<vmem>> -> memref<8x128xf32, #tpu.memory_space<vmem>>
    %dma_start3A_170 = arith.constant 0 : i32
    %dma_start3A_171 = tpu.memref_slice %arg6[%dma_start3A_170, %multiple_of3A_161] : memref<32x1000001xf32, #tpu.memory_space<hbm>> -> memref<8x128xf32, #tpu.memory_space<hbm>>
    tpu.enqueue_dma source(%dma_start3A_171 : memref<8x128xf32, #tpu.memory_space<hbm>>) target(%dma_start3A_169 : memref<8x128xf32, #tpu.memory_space<vmem>>) target_semaphore(%arg29 : memref<!tpu.dma_semaphore, #tpu.memory_space<semaphore_mem>>)
    %dma_start3A_172 = arith.constant 8 : i32
    %dma_start3A_173 = arith.constant 0 : i32
    %dma_start3A_174 = tpu.memref_slice %arg20[%dma_start3A_172, %dma_start3A_173] : memref<32x128xf32, #tpu.memory_space<vmem>> -> memref<8x128xf32, #tpu.memory_space<vmem>>
    %dma_start3A_175 = arith.constant 8 : i32
    %dma_start3A_176 = tpu.memref_slice %arg6[%dma_start3A_175, %multiple_of3A_161] : memref<32x1000001xf32, #tpu.memory_space<hbm>> -> memref<8x128xf32, #tpu.memory_space<hbm>>
    %dma_start3A_177 = arith.constant 8 : i32
    %dma_start3A_178 = arith.constant 0 : i32
    %dma_start3A_179 = tpu.memref_slice %arg20[%dma_start3A_177, %dma_start3A_178] : memref<32x128xf32, #tpu.memory_space<vmem>> -> memref<8x128xf32, #tpu.memory_space<vmem>>
    %dma_start3A_180 = arith.constant 8 : i32
    %dma_start3A_181 = tpu.memref_slice %arg6[%dma_start3A_180, %multiple_of3A_161] : memref<32x1000001xf32, #tpu.memory_space<hbm>> -> memref<8x128xf32, #tpu.memory_space<hbm>>
    tpu.enqueue_dma source(%dma_start3A_181 : memref<8x128xf32, #tpu.memory_space<hbm>>) target(%dma_start3A_179 : memref<8x128xf32, #tpu.memory_space<vmem>>) target_semaphore(%arg29 : memref<!tpu.dma_semaphore, #tpu.memory_space<semaphore_mem>>)
    %dma_start3A_182 = arith.constant 16 : i32
    %dma_start3A_183 = arith.constant 0 : i32
    %dma_start3A_184 = tpu.memref_slice %arg20[%dma_start3A_182, %dma_start3A_183] : memref<32x128xf32, #tpu.memory_space<vmem>> -> memref<8x128xf32, #tpu.memory_space<vmem>>
    %dma_start3A_185 = arith.constant 16 : i32
    %dma_start3A_186 = tpu.memref_slice %arg6[%dma_start3A_185, %multiple_of3A_161] : memref<32x1000001xf32, #tpu.memory_space<hbm>> -> memref<8x128xf32, #tpu.memory_space<hbm>>
    %dma_start3A_187 = arith.constant 16 : i32
    %dma_start3A_188 = arith.constant 0 : i32
    %dma_start3A_189 = tpu.memref_slice %arg20[%dma_start3A_187, %dma_start3A_188] : memref<32x128xf32, #tpu.memory_space<vmem>> -> memref<8x128xf32, #tpu.memory_space<vmem>>
    %dma_start3A_190 = arith.constant 16 : i32
    %dma_start3A_191 = tpu.memref_slice %arg6[%dma_start3A_190, %multiple_of3A_161] : memref<32x1000001xf32, #tpu.memory_space<hbm>> -> memref<8x128xf32, #tpu.memory_space<hbm>>
    tpu.enqueue_dma source(%dma_start3A_191 : memref<8x128xf32, #tpu.memory_space<hbm>>) target(%dma_start3A_189 : memref<8x128xf32, #tpu.memory_space<vmem>>) target_semaphore(%arg29 : memref<!tpu.dma_semaphore, #tpu.memory_space<semaphore_mem>>)
    %dma_start3A_192 = arith.constant 24 : i32
    %dma_start3A_193 = arith.constant 0 : i32
    %dma_start3A_194 = tpu.memref_slice %arg20[%dma_start3A_192, %dma_start3A_193] : memref<32x128xf32, #tpu.memory_space<vmem>> -> memref<8x128xf32, #tpu.memory_space<vmem>>
    %dma_start3A_195 = arith.constant 24 : i32
    %dma_start3A_196 = tpu.memref_slice %arg6[%dma_start3A_195, %multiple_of3A_161] : memref<32x1000001xf32, #tpu.memory_space<hbm>> -> memref<8x128xf32, #tpu.memory_space<hbm>>
    %dma_start3A_197 = arith.constant 24 : i32
    %dma_start3A_198 = arith.constant 0 : i32
    %dma_start3A_199 = tpu.memref_slice %arg20[%dma_start3A_197, %dma_start3A_198] : memref<32x128xf32, #tpu.memory_space<vmem>> -> memref<8x128xf32, #tpu.memory_space<vmem>>
    %dma_start3A_200 = arith.constant 24 : i32
    %dma_start3A_201 = tpu.memref_slice %arg6[%dma_start3A_200, %multiple_of3A_161] : memref<32x1000001xf32, #tpu.memory_space<hbm>> -> memref<8x128xf32, #tpu.memory_space<hbm>>
    tpu.enqueue_dma source(%dma_start3A_201 : memref<8x128xf32, #tpu.memory_space<hbm>>) target(%dma_start3A_199 : memref<8x128xf32, #tpu.memory_space<vmem>>) target_semaphore(%arg29 : memref<!tpu.dma_semaphore, #tpu.memory_space<semaphore_mem>>)
    %slice3A_202 = vector.extract_strided_slice %get3A_6 {offsets = [3], sizes = [1], strides = [1]} : vector<16xi32> to vector<1xi32>
    %squeeze3A_203 = vector.extract %slice3A_202[0] : i32 from vector<1xi32>
    %jit3A_204 = arith.constant 128 : i32
    %div3A_205 = arith.divsi %squeeze3A_203, %jit3A_204 : i32
    %sign3A_206 = arith.constant 0 : i32
    %sign3A_207 = arith.cmpi sgt, %squeeze3A_203, %sign3A_206 : i32
    %sign3A_208 = arith.extui %sign3A_207 : i1 to i32
    %sign3A_209 = arith.constant 0 : i32
    %sign3A_210 = arith.cmpi slt, %squeeze3A_203, %sign3A_209 : i32
    %sign3A_211 = arith.extui %sign3A_210 : i1 to i32
    %sign3A_212 = arith.subi %sign3A_208, %sign3A_211 : i32
    %sign3A_213 = arith.constant 0 : i32
    %sign3A_214 = arith.cmpi sgt, %jit3A_204, %sign3A_213 : i32
    %sign3A_215 = arith.extui %sign3A_214 : i1 to i32
    %sign3A_216 = arith.constant 0 : i32
    %sign3A_217 = arith.cmpi slt, %jit3A_204, %sign3A_216 : i32
    %sign3A_218 = arith.extui %sign3A_217 : i1 to i32
    %sign3A_219 = arith.subi %sign3A_215, %sign3A_218 : i32
    %ne3A_220 = arith.cmpi ne, %sign3A_212, %sign3A_219 : i32
    %rem3A_221 = arith.remsi %squeeze3A_203, %jit3A_204 : i32
    %ne3A_222 = arith.constant 0 : i32
    %ne3A_223 = arith.cmpi ne, %rem3A_221, %ne3A_222 : i32
    %and3A_224 = arith.andi %ne3A_220, %ne3A_223 : i1
    %sub3A_225 = arith.constant 1 : i32
    %sub3A_226 = arith.subi %div3A_205, %sub3A_225 : i32
    %select_n3A_227 = arith.select %and3A_224, %sub3A_226, %div3A_205 : i32
    %mul3A_228 = arith.constant 128 : i32
    %mul3A_229 = arith.muli %select_n3A_227, %mul3A_228 : i32
    %multiple_of3A_230 = tpu.assume_multiple %mul3A_229, 128 : i32
    %dma_start3A_231 = arith.constant 0 : i32
    %dma_start3A_232 = arith.constant 0 : i32
    %dma_start3A_233 = tpu.memref_slice %arg21[%dma_start3A_231, %dma_start3A_232] : memref<32x128xf32, #tpu.memory_space<vmem>> -> memref<8x128xf32, #tpu.memory_space<vmem>>
    %dma_start3A_234 = arith.constant 0 : i32
    %dma_start3A_235 = tpu.memref_slice %arg6[%dma_start3A_234, %multiple_of3A_230] : memref<32x1000001xf32, #tpu.memory_space<hbm>> -> memref<8x128xf32, #tpu.memory_space<hbm>>
    %dma_start3A_236 = arith.constant 0 : i32
    %dma_start3A_237 = arith.constant 0 : i32
    %dma_start3A_238 = tpu.memref_slice %arg21[%dma_start3A_236, %dma_start3A_237] : memref<32x128xf32, #tpu.memory_space<vmem>> -> memref<8x128xf32, #tpu.memory_space<vmem>>
    %dma_start3A_239 = arith.constant 0 : i32
    %dma_start3A_240 = tpu.memref_slice %arg6[%dma_start3A_239, %multiple_of3A_230] : memref<32x1000001xf32, #tpu.memory_space<hbm>> -> memref<8x128xf32, #tpu.memory_space<hbm>>
    tpu.enqueue_dma source(%dma_start3A_240 : memref<8x128xf32, #tpu.memory_space<hbm>>) target(%dma_start3A_238 : memref<8x128xf32, #tpu.memory_space<vmem>>) target_semaphore(%arg30 : memref<!tpu.dma_semaphore, #tpu.memory_space<semaphore_mem>>)
    %dma_start3A_241 = arith.constant 8 : i32
    %dma_start3A_242 = arith.constant 0 : i32
    %dma_start3A_243 = tpu.memref_slice %arg21[%dma_start3A_241, %dma_start3A_242] : memref<32x128xf32, #tpu.memory_space<vmem>> -> memref<8x128xf32, #tpu.memory_space<vmem>>
    %dma_start3A_244 = arith.constant 8 : i32
    %dma_start3A_245 = tpu.memref_slice %arg6[%dma_start3A_244, %multiple_of3A_230] : memref<32x1000001xf32, #tpu.memory_space<hbm>> -> memref<8x128xf32, #tpu.memory_space<hbm>>
    %dma_start3A_246 = arith.constant 8 : i32
    %dma_start3A_247 = arith.constant 0 : i32
    %dma_start3A_248 = tpu.memref_slice %arg21[%dma_start3A_246, %dma_start3A_247] : memref<32x128xf32, #tpu.memory_space<vmem>> -> memref<8x128xf32, #tpu.memory_space<vmem>>
    %dma_start3A_249 = arith.constant 8 : i32
    %dma_start3A_250 = tpu.memref_slice %arg6[%dma_start3A_249, %multiple_of3A_230] : memref<32x1000001xf32, #tpu.memory_space<hbm>> -> memref<8x128xf32, #tpu.memory_space<hbm>>
    tpu.enqueue_dma source(%dma_start3A_250 : memref<8x128xf32, #tpu.memory_space<hbm>>) target(%dma_start3A_248 : memref<8x128xf32, #tpu.memory_space<vmem>>) target_semaphore(%arg30 : memref<!tpu.dma_semaphore, #tpu.memory_space<semaphore_mem>>)
    %dma_start3A_251 = arith.constant 16 : i32
    %dma_start3A_252 = arith.constant 0 : i32
    %dma_start3A_253 = tpu.memref_slice %arg21[%dma_start3A_251, %dma_start3A_252] : memref<32x128xf32, #tpu.memory_space<vmem>> -> memref<8x128xf32, #tpu.memory_space<vmem>>
    %dma_start3A_254 = arith.constant 16 : i32
    %dma_start3A_255 = tpu.memref_slice %arg6[%dma_start3A_254, %multiple_of3A_230] : memref<32x1000001xf32, #tpu.memory_space<hbm>> -> memref<8x128xf32, #tpu.memory_space<hbm>>
    %dma_start3A_256 = arith.constant 16 : i32
    %dma_start3A_257 = arith.constant 0 : i32
    %dma_start3A_258 = tpu.memref_slice %arg21[%dma_start3A_256, %dma_start3A_257] : memref<32x128xf32, #tpu.memory_space<vmem>> -> memref<8x128xf32, #tpu.memory_space<vmem>>
    %dma_start3A_259 = arith.constant 16 : i32
    %dma_start3A_260 = tpu.memref_slice %arg6[%dma_start3A_259, %multiple_of3A_230] : memref<32x1000001xf32, #tpu.memory_space<hbm>> -> memref<8x128xf32, #tpu.memory_space<hbm>>
    tpu.enqueue_dma source(%dma_start3A_260 : memref<8x128xf32, #tpu.memory_space<hbm>>) target(%dma_start3A_258 : memref<8x128xf32, #tpu.memory_space<vmem>>) target_semaphore(%arg30 : memref<!tpu.dma_semaphore, #tpu.memory_space<semaphore_mem>>)
    %dma_start3A_261 = arith.constant 24 : i32
    %dma_start3A_262 = arith.constant 0 : i32
    %dma_start3A_263 = tpu.memref_slice %arg21[%dma_start3A_261, %dma_start3A_262] : memref<32x128xf32, #tpu.memory_space<vmem>> -> memref<8x128xf32, #tpu.memory_space<vmem>>
    %dma_start3A_264 = arith.constant 24 : i32
    %dma_start3A_265 = tpu.memref_slice %arg6[%dma_start3A_264, %multiple_of3A_230] : memref<32x1000001xf32, #tpu.memory_space<hbm>> -> memref<8x128xf32, #tpu.memory_space<hbm>>
    %dma_start3A_266 = arith.constant 24 : i32
    %dma_start3A_267 = arith.constant 0 : i32
    %dma_start3A_268 = tpu.memref_slice %arg21[%dma_start3A_266, %dma_start3A_267] : memref<32x128xf32, #tpu.memory_space<vmem>> -> memref<8x128xf32, #tpu.memory_space<vmem>>
    %dma_start3A_269 = arith.constant 24 : i32
    %dma_start3A_270 = tpu.memref_slice %arg6[%dma_start3A_269, %multiple_of3A_230] : memref<32x1000001xf32, #tpu.memory_space<hbm>> -> memref<8x128xf32, #tpu.memory_space<hbm>>
    tpu.enqueue_dma source(%dma_start3A_270 : memref<8x128xf32, #tpu.memory_space<hbm>>) target(%dma_start3A_268 : memref<8x128xf32, #tpu.memory_space<vmem>>) target_semaphore(%arg30 : memref<!tpu.dma_semaphore, #tpu.memory_space<semaphore_mem>>)
    %slice3A_271 = vector.extract_strided_slice %get3A_6 {offsets = [4], sizes = [1], strides = [1]} : vector<16xi32> to vector<1xi32>
    %squeeze3A_272 = vector.extract %slice3A_271[0] : i32 from vector<1xi32>
    %jit3A_273 = arith.constant 128 : i32
    %div3A_274 = arith.divsi %squeeze3A_272, %jit3A_273 : i32
    %sign3A_275 = arith.constant 0 : i32
    %sign3A_276 = arith.cmpi sgt, %squeeze3A_272, %sign3A_275 : i32
    %sign3A_277 = arith.extui %sign3A_276 : i1 to i32
    %sign3A_278 = arith.constant 0 : i32
    %sign3A_279 = arith.cmpi slt, %squeeze3A_272, %sign3A_278 : i32
    %sign3A_280 = arith.extui %sign3A_279 : i1 to i32
    %sign3A_281 = arith.subi %sign3A_277, %sign3A_280 : i32
    %sign3A_282 = arith.constant 0 : i32
    %sign3A_283 = arith.cmpi sgt, %jit3A_273, %sign3A_282 : i32
    %sign3A_284 = arith.extui %sign3A_283 : i1 to i32
    %sign3A_285 = arith.constant 0 : i32
    %sign3A_286 = arith.cmpi slt, %jit3A_273, %sign3A_285 : i32
    %sign3A_287 = arith.extui %sign3A_286 : i1 to i32
    %sign3A_288 = arith.subi %sign3A_284, %sign3A_287 : i32
    %ne3A_289 = arith.cmpi ne, %sign3A_281, %sign3A_288 : i32
    %rem3A_290 = arith.remsi %squeeze3A_272, %jit3A_273 : i32
    %ne3A_291 = arith.constant 0 : i32
    %ne3A_292 = arith.cmpi ne, %rem3A_290, %ne3A_291 : i32
    %and3A_293 = arith.andi %ne3A_289, %ne3A_292 : i1
    %sub3A_294 = arith.constant 1 : i32
    %sub3A_295 = arith.subi %div3A_274, %sub3A_294 : i32
    %select_n3A_296 = arith.select %and3A_293, %sub3A_295, %div3A_274 : i32
    %mul3A_297 = arith.constant 128 : i32
    %mul3A_298 = arith.muli %select_n3A_296, %mul3A_297 : i32
    %multiple_of3A_299 = tpu.assume_multiple %mul3A_298, 128 : i32
    %dma_start3A_300 = arith.constant 0 : i32
    %dma_start3A_301 = arith.constant 0 : i32
    %dma_start3A_302 = tpu.memref_slice %arg22[%dma_start3A_300, %dma_start3A_301] : memref<32x128xf32, #tpu.memory_space<vmem>> -> memref<8x128xf32, #tpu.memory_space<vmem>>
    %dma_start3A_303 = arith.constant 0 : i32
    %dma_start3A_304 = tpu.memref_slice %arg6[%dma_start3A_303, %multiple_of3A_299] : memref<32x1000001xf32, #tpu.memory_space<hbm>> -> memref<8x128xf32, #tpu.memory_space<hbm>>
    %dma_start3A_305 = arith.constant 0 : i32
    %dma_start3A_306 = arith.constant 0 : i32
    %dma_start3A_307 = tpu.memref_slice %arg22[%dma_start3A_305, %dma_start3A_306] : memref<32x128xf32, #tpu.memory_space<vmem>> -> memref<8x128xf32, #tpu.memory_space<vmem>>
    %dma_start3A_308 = arith.constant 0 : i32
    %dma_start3A_309 = tpu.memref_slice %arg6[%dma_start3A_308, %multiple_of3A_299] : memref<32x1000001xf32, #tpu.memory_space<hbm>> -> memref<8x128xf32, #tpu.memory_space<hbm>>
    tpu.enqueue_dma source(%dma_start3A_309 : memref<8x128xf32, #tpu.memory_space<hbm>>) target(%dma_start3A_307 : memref<8x128xf32, #tpu.memory_space<vmem>>) target_semaphore(%arg31 : memref<!tpu.dma_semaphore, #tpu.memory_space<semaphore_mem>>)
    %dma_start3A_310 = arith.constant 8 : i32
    %dma_start3A_311 = arith.constant 0 : i32
    %dma_start3A_312 = tpu.memref_slice %arg22[%dma_start3A_310, %dma_start3A_311] : memref<32x128xf32, #tpu.memory_space<vmem>> -> memref<8x128xf32, #tpu.memory_space<vmem>>
    %dma_start3A_313 = arith.constant 8 : i32
    %dma_start3A_314 = tpu.memref_slice %arg6[%dma_start3A_313, %multiple_of3A_299] : memref<32x1000001xf32, #tpu.memory_space<hbm>> -> memref<8x128xf32, #tpu.memory_space<hbm>>
    %dma_start3A_315 = arith.constant 8 : i32
    %dma_start3A_316 = arith.constant 0 : i32
    %dma_start3A_317 = tpu.memref_slice %arg22[%dma_start3A_315, %dma_start3A_316] : memref<32x128xf32, #tpu.memory_space<vmem>> -> memref<8x128xf32, #tpu.memory_space<vmem>>
    %dma_start3A_318 = arith.constant 8 : i32
    %dma_start3A_319 = tpu.memref_slice %arg6[%dma_start3A_318, %multiple_of3A_299] : memref<32x1000001xf32, #tpu.memory_space<hbm>> -> memref<8x128xf32, #tpu.memory_space<hbm>>
    tpu.enqueue_dma source(%dma_start3A_319 : memref<8x128xf32, #tpu.memory_space<hbm>>) target(%dma_start3A_317 : memref<8x128xf32, #tpu.memory_space<vmem>>) target_semaphore(%arg31 : memref<!tpu.dma_semaphore, #tpu.memory_space<semaphore_mem>>)
    %dma_start3A_320 = arith.constant 16 : i32
    %dma_start3A_321 = arith.constant 0 : i32
    %dma_start3A_322 = tpu.memref_slice %arg22[%dma_start3A_320, %dma_start3A_321] : memref<32x128xf32, #tpu.memory_space<vmem>> -> memref<8x128xf32, #tpu.memory_space<vmem>>
    %dma_start3A_323 = arith.constant 16 : i32
    %dma_start3A_324 = tpu.memref_slice %arg6[%dma_start3A_323, %multiple_of3A_299] : memref<32x1000001xf32, #tpu.memory_space<hbm>> -> memref<8x128xf32, #tpu.memory_space<hbm>>
    %dma_start3A_325 = arith.constant 16 : i32
    %dma_start3A_326 = arith.constant 0 : i32
    %dma_start3A_327 = tpu.memref_slice %arg22[%dma_start3A_325, %dma_start3A_326] : memref<32x128xf32, #tpu.memory_space<vmem>> -> memref<8x128xf32, #tpu.memory_space<vmem>>
    %dma_start3A_328 = arith.constant 16 : i32
    %dma_start3A_329 = tpu.memref_slice %arg6[%dma_start3A_328, %multiple_of3A_299] : memref<32x1000001xf32, #tpu.memory_space<hbm>> -> memref<8x128xf32, #tpu.memory_space<hbm>>
    tpu.enqueue_dma source(%dma_start3A_329 : memref<8x128xf32, #tpu.memory_space<hbm>>) target(%dma_start3A_327 : memref<8x128xf32, #tpu.memory_space<vmem>>) target_semaphore(%arg31 : memref<!tpu.dma_semaphore, #tpu.memory_space<semaphore_mem>>)
    %dma_start3A_330 = arith.constant 24 : i32
    %dma_start3A_331 = arith.constant 0 : i32
    %dma_start3A_332 = tpu.memref_slice %arg22[%dma_start3A_330, %dma_start3A_331] : memref<32x128xf32, #tpu.memory_space<vmem>> -> memref<8x128xf32, #tpu.memory_space<vmem>>
    %dma_start3A_333 = arith.constant 24 : i32
    %dma_start3A_334 = tpu.memref_slice %arg6[%dma_start3A_333, %multiple_of3A_299] : memref<32x1000001xf32, #tpu.memory_space<hbm>> -> memref<8x128xf32, #tpu.memory_space<hbm>>
    %dma_start3A_335 = arith.constant 24 : i32
    %dma_start3A_336 = arith.constant 0 : i32
    %dma_start3A_337 = tpu.memref_slice %arg22[%dma_start3A_335, %dma_start3A_336] : memref<32x128xf32, #tpu.memory_space<vmem>> -> memref<8x128xf32, #tpu.memory_space<vmem>>
    %dma_start3A_338 = arith.constant 24 : i32
    %dma_start3A_339 = tpu.memref_slice %arg6[%dma_start3A_338, %multiple_of3A_299] : memref<32x1000001xf32, #tpu.memory_space<hbm>> -> memref<8x128xf32, #tpu.memory_space<hbm>>
    tpu.enqueue_dma source(%dma_start3A_339 : memref<8x128xf32, #tpu.memory_space<hbm>>) target(%dma_start3A_337 : memref<8x128xf32, #tpu.memory_space<vmem>>) target_semaphore(%arg31 : memref<!tpu.dma_semaphore, #tpu.memory_space<semaphore_mem>>)
    %slice3A_340 = vector.extract_strided_slice %get3A_6 {offsets = [5], sizes = [1], strides = [1]} : vector<16xi32> to vector<1xi32>
    %squeeze3A_341 = vector.extract %slice3A_340[0] : i32 from vector<1xi32>
    %jit3A_342 = arith.constant 128 : i32
    %div3A_343 = arith.divsi %squeeze3A_341, %jit3A_342 : i32
    %sign3A_344 = arith.constant 0 : i32
    %sign3A_345 = arith.cmpi sgt, %squeeze3A_341, %sign3A_344 : i32
    %sign3A_346 = arith.extui %sign3A_345 : i1 to i32
    %sign3A_347 = arith.constant 0 : i32
    %sign3A_348 = arith.cmpi slt, %squeeze3A_341, %sign3A_347 : i32
    %sign3A_349 = arith.extui %sign3A_348 : i1 to i32
    %sign3A_350 = arith.subi %sign3A_346, %sign3A_349 : i32
    %sign3A_351 = arith.constant 0 : i32
    %sign3A_352 = arith.cmpi sgt, %jit3A_342, %sign3A_351 : i32
    %sign3A_353 = arith.extui %sign3A_352 : i1 to i32
    %sign3A_354 = arith.constant 0 : i32
    %sign3A_355 = arith.cmpi slt, %jit3A_342, %sign3A_354 : i32
    %sign3A_356 = arith.extui %sign3A_355 : i1 to i32
    %sign3A_357 = arith.subi %sign3A_353, %sign3A_356 : i32
    %ne3A_358 = arith.cmpi ne, %sign3A_350, %sign3A_357 : i32
    %rem3A_359 = arith.remsi %squeeze3A_341, %jit3A_342 : i32
    %ne3A_360 = arith.constant 0 : i32
    %ne3A_361 = arith.cmpi ne, %rem3A_359, %ne3A_360 : i32
    %and3A_362 = arith.andi %ne3A_358, %ne3A_361 : i1
    %sub3A_363 = arith.constant 1 : i32
    %sub3A_364 = arith.subi %div3A_343, %sub3A_363 : i32
    %select_n3A_365 = arith.select %and3A_362, %sub3A_364, %div3A_343 : i32
    %mul3A_366 = arith.constant 128 : i32
    %mul3A_367 = arith.muli %select_n3A_365, %mul3A_366 : i32
    %multiple_of3A_368 = tpu.assume_multiple %mul3A_367, 128 : i32
    %dma_start3A_369 = arith.constant 0 : i32
    %dma_start3A_370 = arith.constant 0 : i32
    %dma_start3A_371 = tpu.memref_slice %arg23[%dma_start3A_369, %dma_start3A_370] : memref<32x128xf32, #tpu.memory_space<vmem>> -> memref<8x128xf32, #tpu.memory_space<vmem>>
    %dma_start3A_372 = arith.constant 0 : i32
    %dma_start3A_373 = tpu.memref_slice %arg6[%dma_start3A_372, %multiple_of3A_368] : memref<32x1000001xf32, #tpu.memory_space<hbm>> -> memref<8x128xf32, #tpu.memory_space<hbm>>
    %dma_start3A_374 = arith.constant 0 : i32
    %dma_start3A_375 = arith.constant 0 : i32
    %dma_start3A_376 = tpu.memref_slice %arg23[%dma_start3A_374, %dma_start3A_375] : memref<32x128xf32, #tpu.memory_space<vmem>> -> memref<8x128xf32, #tpu.memory_space<vmem>>
    %dma_start3A_377 = arith.constant 0 : i32
    %dma_start3A_378 = tpu.memref_slice %arg6[%dma_start3A_377, %multiple_of3A_368] : memref<32x1000001xf32, #tpu.memory_space<hbm>> -> memref<8x128xf32, #tpu.memory_space<hbm>>
    tpu.enqueue_dma source(%dma_start3A_378 : memref<8x128xf32, #tpu.memory_space<hbm>>) target(%dma_start3A_376 : memref<8x128xf32, #tpu.memory_space<vmem>>) target_semaphore(%arg32 : memref<!tpu.dma_semaphore, #tpu.memory_space<semaphore_mem>>)
    %dma_start3A_379 = arith.constant 8 : i32
    %dma_start3A_380 = arith.constant 0 : i32
    %dma_start3A_381 = tpu.memref_slice %arg23[%dma_start3A_379, %dma_start3A_380] : memref<32x128xf32, #tpu.memory_space<vmem>> -> memref<8x128xf32, #tpu.memory_space<vmem>>
    %dma_start3A_382 = arith.constant 8 : i32
    %dma_start3A_383 = tpu.memref_slice %arg6[%dma_start3A_382, %multiple_of3A_368] : memref<32x1000001xf32, #tpu.memory_space<hbm>> -> memref<8x128xf32, #tpu.memory_space<hbm>>
    %dma_start3A_384 = arith.constant 8 : i32
    %dma_start3A_385 = arith.constant 0 : i32
    %dma_start3A_386 = tpu.memref_slice %arg23[%dma_start3A_384, %dma_start3A_385] : memref<32x128xf32, #tpu.memory_space<vmem>> -> memref<8x128xf32, #tpu.memory_space<vmem>>
    %dma_start3A_387 = arith.constant 8 : i32
    %dma_start3A_388 = tpu.memref_slice %arg6[%dma_start3A_387, %multiple_of3A_368] : memref<32x1000001xf32, #tpu.memory_space<hbm>> -> memref<8x128xf32, #tpu.memory_space<hbm>>
    tpu.enqueue_dma source(%dma_start3A_388 : memref<8x128xf32, #tpu.memory_space<hbm>>) target(%dma_start3A_386 : memref<8x128xf32, #tpu.memory_space<vmem>>) target_semaphore(%arg32 : memref<!tpu.dma_semaphore, #tpu.memory_space<semaphore_mem>>)
    %dma_start3A_389 = arith.constant 16 : i32
    %dma_start3A_390 = arith.constant 0 : i32
    %dma_start3A_391 = tpu.memref_slice %arg23[%dma_start3A_389, %dma_start3A_390] : memref<32x128xf32, #tpu.memory_space<vmem>> -> memref<8x128xf32, #tpu.memory_space<vmem>>
    %dma_start3A_392 = arith.constant 16 : i32
    %dma_start3A_393 = tpu.memref_slice %arg6[%dma_start3A_392, %multiple_of3A_368] : memref<32x1000001xf32, #tpu.memory_space<hbm>> -> memref<8x128xf32, #tpu.memory_space<hbm>>
    %dma_start3A_394 = arith.constant 16 : i32
    %dma_start3A_395 = arith.constant 0 : i32
    %dma_start3A_396 = tpu.memref_slice %arg23[%dma_start3A_394, %dma_start3A_395] : memref<32x128xf32, #tpu.memory_space<vmem>> -> memref<8x128xf32, #tpu.memory_space<vmem>>
    %dma_start3A_397 = arith.constant 16 : i32
    %dma_start3A_398 = tpu.memref_slice %arg6[%dma_start3A_397, %multiple_of3A_368] : memref<32x1000001xf32, #tpu.memory_space<hbm>> -> memref<8x128xf32, #tpu.memory_space<hbm>>
    tpu.enqueue_dma source(%dma_start3A_398 : memref<8x128xf32, #tpu.memory_space<hbm>>) target(%dma_start3A_396 : memref<8x128xf32, #tpu.memory_space<vmem>>) target_semaphore(%arg32 : memref<!tpu.dma_semaphore, #tpu.memory_space<semaphore_mem>>)
    %dma_start3A_399 = arith.constant 24 : i32
    %dma_start3A_400 = arith.constant 0 : i32
    %dma_start3A_401 = tpu.memref_slice %arg23[%dma_start3A_399, %dma_start3A_400] : memref<32x128xf32, #tpu.memory_space<vmem>> -> memref<8x128xf32, #tpu.memory_space<vmem>>
    %dma_start3A_402 = arith.constant 24 : i32
    %dma_start3A_403 = tpu.memref_slice %arg6[%dma_start3A_402, %multiple_of3A_368] : memref<32x1000001xf32, #tpu.memory_space<hbm>> -> memref<8x128xf32, #tpu.memory_space<hbm>>
    %dma_start3A_404 = arith.constant 24 : i32
    %dma_start3A_405 = arith.constant 0 : i32
    %dma_start3A_406 = tpu.memref_slice %arg23[%dma_start3A_404, %dma_start3A_405] : memref<32x128xf32, #tpu.memory_space<vmem>> -> memref<8x128xf32, #tpu.memory_space<vmem>>
    %dma_start3A_407 = arith.constant 24 : i32
    %dma_start3A_408 = tpu.memref_slice %arg6[%dma_start3A_407, %multiple_of3A_368] : memref<32x1000001xf32, #tpu.memory_space<hbm>> -> memref<8x128xf32, #tpu.memory_space<hbm>>
    tpu.enqueue_dma source(%dma_start3A_408 : memref<8x128xf32, #tpu.memory_space<hbm>>) target(%dma_start3A_406 : memref<8x128xf32, #tpu.memory_space<vmem>>) target_semaphore(%arg32 : memref<!tpu.dma_semaphore, #tpu.memory_space<semaphore_mem>>)
    %slice3A_409 = vector.extract_strided_slice %get3A_6 {offsets = [6], sizes = [1], strides = [1]} : vector<16xi32> to vector<1xi32>
    %squeeze3A_410 = vector.extract %slice3A_409[0] : i32 from vector<1xi32>
    %jit3A_411 = arith.constant 128 : i32
    %div3A_412 = arith.divsi %squeeze3A_410, %jit3A_411 : i32
    %sign3A_413 = arith.constant 0 : i32
    %sign3A_414 = arith.cmpi sgt, %squeeze3A_410, %sign3A_413 : i32
    %sign3A_415 = arith.extui %sign3A_414 : i1 to i32
    %sign3A_416 = arith.constant 0 : i32
    %sign3A_417 = arith.cmpi slt, %squeeze3A_410, %sign3A_416 : i32
    %sign3A_418 = arith.extui %sign3A_417 : i1 to i32
    %sign3A_419 = arith.subi %sign3A_415, %sign3A_418 : i32
    %sign3A_420 = arith.constant 0 : i32
    %sign3A_421 = arith.cmpi sgt, %jit3A_411, %sign3A_420 : i32
    %sign3A_422 = arith.extui %sign3A_421 : i1 to i32
    %sign3A_423 = arith.constant 0 : i32
    %sign3A_424 = arith.cmpi slt, %jit3A_411, %sign3A_423 : i32
    %sign3A_425 = arith.extui %sign3A_424 : i1 to i32
    %sign3A_426 = arith.subi %sign3A_422, %sign3A_425 : i32
    %ne3A_427 = arith.cmpi ne, %sign3A_419, %sign3A_426 : i32
    %rem3A_428 = arith.remsi %squeeze3A_410, %jit3A_411 : i32
    %ne3A_429 = arith.constant 0 : i32
    %ne3A_430 = arith.cmpi ne, %rem3A_428, %ne3A_429 : i32
    %and3A_431 = arith.andi %ne3A_427, %ne3A_430 : i1
    %sub3A_432 = arith.constant 1 : i32
    %sub3A_433 = arith.subi %div3A_412, %sub3A_432 : i32
    %select_n3A_434 = arith.select %and3A_431, %sub3A_433, %div3A_412 : i32
    %mul3A_435 = arith.constant 128 : i32
    %mul3A_436 = arith.muli %select_n3A_434, %mul3A_435 : i32
    %multiple_of3A_437 = tpu.assume_multiple %mul3A_436, 128 : i32
    %dma_start3A_438 = arith.constant 0 : i32
    %dma_start3A_439 = arith.constant 0 : i32
    %dma_start3A_440 = tpu.memref_slice %arg24[%dma_start3A_438, %dma_start3A_439] : memref<32x128xf32, #tpu.memory_space<vmem>> -> memref<8x128xf32, #tpu.memory_space<vmem>>
    %dma_start3A_441 = arith.constant 0 : i32
    %dma_start3A_442 = tpu.memref_slice %arg6[%dma_start3A_441, %multiple_of3A_437] : memref<32x1000001xf32, #tpu.memory_space<hbm>> -> memref<8x128xf32, #tpu.memory_space<hbm>>
    %dma_start3A_443 = arith.constant 0 : i32
    %dma_start3A_444 = arith.constant 0 : i32
    %dma_start3A_445 = tpu.memref_slice %arg24[%dma_start3A_443, %dma_start3A_444] : memref<32x128xf32, #tpu.memory_space<vmem>> -> memref<8x128xf32, #tpu.memory_space<vmem>>
    %dma_start3A_446 = arith.constant 0 : i32
    %dma_start3A_447 = tpu.memref_slice %arg6[%dma_start3A_446, %multiple_of3A_437] : memref<32x1000001xf32, #tpu.memory_space<hbm>> -> memref<8x128xf32, #tpu.memory_space<hbm>>
    tpu.enqueue_dma source(%dma_start3A_447 : memref<8x128xf32, #tpu.memory_space<hbm>>) target(%dma_start3A_445 : memref<8x128xf32, #tpu.memory_space<vmem>>) target_semaphore(%arg33 : memref<!tpu.dma_semaphore, #tpu.memory_space<semaphore_mem>>)
    %dma_start3A_448 = arith.constant 8 : i32
    %dma_start3A_449 = arith.constant 0 : i32
    %dma_start3A_450 = tpu.memref_slice %arg24[%dma_start3A_448, %dma_start3A_449] : memref<32x128xf32, #tpu.memory_space<vmem>> -> memref<8x128xf32, #tpu.memory_space<vmem>>
    %dma_start3A_451 = arith.constant 8 : i32
    %dma_start3A_452 = tpu.memref_slice %arg6[%dma_start3A_451, %multiple_of3A_437] : memref<32x1000001xf32, #tpu.memory_space<hbm>> -> memref<8x128xf32, #tpu.memory_space<hbm>>
    %dma_start3A_453 = arith.constant 8 : i32
    %dma_start3A_454 = arith.constant 0 : i32
    %dma_start3A_455 = tpu.memref_slice %arg24[%dma_start3A_453, %dma_start3A_454] : memref<32x128xf32, #tpu.memory_space<vmem>> -> memref<8x128xf32, #tpu.memory_space<vmem>>
    %dma_start3A_456 = arith.constant 8 : i32
    %dma_start3A_457 = tpu.memref_slice %arg6[%dma_start3A_456, %multiple_of3A_437] : memref<32x1000001xf32, #tpu.memory_space<hbm>> -> memref<8x128xf32, #tpu.memory_space<hbm>>
    tpu.enqueue_dma source(%dma_start3A_457 : memref<8x128xf32, #tpu.memory_space<hbm>>) target(%dma_start3A_455 : memref<8x128xf32, #tpu.memory_space<vmem>>) target_semaphore(%arg33 : memref<!tpu.dma_semaphore, #tpu.memory_space<semaphore_mem>>)
    %dma_start3A_458 = arith.constant 16 : i32
    %dma_start3A_459 = arith.constant 0 : i32
    %dma_start3A_460 = tpu.memref_slice %arg24[%dma_start3A_458, %dma_start3A_459] : memref<32x128xf32, #tpu.memory_space<vmem>> -> memref<8x128xf32, #tpu.memory_space<vmem>>
    %dma_start3A_461 = arith.constant 16 : i32
    %dma_start3A_462 = tpu.memref_slice %arg6[%dma_start3A_461, %multiple_of3A_437] : memref<32x1000001xf32, #tpu.memory_space<hbm>> -> memref<8x128xf32, #tpu.memory_space<hbm>>
    %dma_start3A_463 = arith.constant 16 : i32
    %dma_start3A_464 = arith.constant 0 : i32
    %dma_start3A_465 = tpu.memref_slice %arg24[%dma_start3A_463, %dma_start3A_464] : memref<32x128xf32, #tpu.memory_space<vmem>> -> memref<8x128xf32, #tpu.memory_space<vmem>>
    %dma_start3A_466 = arith.constant 16 : i32
    %dma_start3A_467 = tpu.memref_slice %arg6[%dma_start3A_466, %multiple_of3A_437] : memref<32x1000001xf32, #tpu.memory_space<hbm>> -> memref<8x128xf32, #tpu.memory_space<hbm>>
    tpu.enqueue_dma source(%dma_start3A_467 : memref<8x128xf32, #tpu.memory_space<hbm>>) target(%dma_start3A_465 : memref<8x128xf32, #tpu.memory_space<vmem>>) target_semaphore(%arg33 : memref<!tpu.dma_semaphore, #tpu.memory_space<semaphore_mem>>)
    %dma_start3A_468 = arith.constant 24 : i32
    %dma_start3A_469 = arith.constant 0 : i32
    %dma_start3A_470 = tpu.memref_slice %arg24[%dma_start3A_468, %dma_start3A_469] : memref<32x128xf32, #tpu.memory_space<vmem>> -> memref<8x128xf32, #tpu.memory_space<vmem>>
    %dma_start3A_471 = arith.constant 24 : i32
    %dma_start3A_472 = tpu.memref_slice %arg6[%dma_start3A_471, %multiple_of3A_437] : memref<32x1000001xf32, #tpu.memory_space<hbm>> -> memref<8x128xf32, #tpu.memory_space<hbm>>
    %dma_start3A_473 = arith.constant 24 : i32
    %dma_start3A_474 = arith.constant 0 : i32
    %dma_start3A_475 = tpu.memref_slice %arg24[%dma_start3A_473, %dma_start3A_474] : memref<32x128xf32, #tpu.memory_space<vmem>> -> memref<8x128xf32, #tpu.memory_space<vmem>>
    %dma_start3A_476 = arith.constant 24 : i32
    %dma_start3A_477 = tpu.memref_slice %arg6[%dma_start3A_476, %multiple_of3A_437] : memref<32x1000001xf32, #tpu.memory_space<hbm>> -> memref<8x128xf32, #tpu.memory_space<hbm>>
    tpu.enqueue_dma source(%dma_start3A_477 : memref<8x128xf32, #tpu.memory_space<hbm>>) target(%dma_start3A_475 : memref<8x128xf32, #tpu.memory_space<vmem>>) target_semaphore(%arg33 : memref<!tpu.dma_semaphore, #tpu.memory_space<semaphore_mem>>)
    %slice3A_478 = vector.extract_strided_slice %get3A_6 {offsets = [7], sizes = [1], strides = [1]} : vector<16xi32> to vector<1xi32>
    %squeeze3A_479 = vector.extract %slice3A_478[0] : i32 from vector<1xi32>
    %jit3A_480 = arith.constant 128 : i32
    %div3A_481 = arith.divsi %squeeze3A_479, %jit3A_480 : i32
    %sign3A_482 = arith.constant 0 : i32
    %sign3A_483 = arith.cmpi sgt, %squeeze3A_479, %sign3A_482 : i32
    %sign3A_484 = arith.extui %sign3A_483 : i1 to i32
    %sign3A_485 = arith.constant 0 : i32
    %sign3A_486 = arith.cmpi slt, %squeeze3A_479, %sign3A_485 : i32
    %sign3A_487 = arith.extui %sign3A_486 : i1 to i32
    %sign3A_488 = arith.subi %sign3A_484, %sign3A_487 : i32
    %sign3A_489 = arith.constant 0 : i32
    %sign3A_490 = arith.cmpi sgt, %jit3A_480, %sign3A_489 : i32
    %sign3A_491 = arith.extui %sign3A_490 : i1 to i32
    %sign3A_492 = arith.constant 0 : i32
    %sign3A_493 = arith.cmpi slt, %jit3A_480, %sign3A_492 : i32
    %sign3A_494 = arith.extui %sign3A_493 : i1 to i32
    %sign3A_495 = arith.subi %sign3A_491, %sign3A_494 : i32
    %ne3A_496 = arith.cmpi ne, %sign3A_488, %sign3A_495 : i32
    %rem3A_497 = arith.remsi %squeeze3A_479, %jit3A_480 : i32
    %ne3A_498 = arith.constant 0 : i32
    %ne3A_499 = arith.cmpi ne, %rem3A_497, %ne3A_498 : i32
    %and3A_500 = arith.andi %ne3A_496, %ne3A_499 : i1
    %sub3A_501 = arith.constant 1 : i32
    %sub3A_502 = arith.subi %div3A_481, %sub3A_501 : i32
    %select_n3A_503 = arith.select %and3A_500, %sub3A_502, %div3A_481 : i32
    %mul3A_504 = arith.constant 128 : i32
    %mul3A_505 = arith.muli %select_n3A_503, %mul3A_504 : i32
    %multiple_of3A_506 = tpu.assume_multiple %mul3A_505, 128 : i32
    %dma_start3A_507 = arith.constant 0 : i32
    %dma_start3A_508 = arith.constant 0 : i32
    %dma_start3A_509 = tpu.memref_slice %arg25[%dma_start3A_507, %dma_start3A_508] : memref<32x128xf32, #tpu.memory_space<vmem>> -> memref<8x128xf32, #tpu.memory_space<vmem>>
    %dma_start3A_510 = arith.constant 0 : i32
    %dma_start3A_511 = tpu.memref_slice %arg6[%dma_start3A_510, %multiple_of3A_506] : memref<32x1000001xf32, #tpu.memory_space<hbm>> -> memref<8x128xf32, #tpu.memory_space<hbm>>
    %dma_start3A_512 = arith.constant 0 : i32
    %dma_start3A_513 = arith.constant 0 : i32
    %dma_start3A_514 = tpu.memref_slice %arg25[%dma_start3A_512, %dma_start3A_513] : memref<32x128xf32, #tpu.memory_space<vmem>> -> memref<8x128xf32, #tpu.memory_space<vmem>>
    %dma_start3A_515 = arith.constant 0 : i32
    %dma_start3A_516 = tpu.memref_slice %arg6[%dma_start3A_515, %multiple_of3A_506] : memref<32x1000001xf32, #tpu.memory_space<hbm>> -> memref<8x128xf32, #tpu.memory_space<hbm>>
    tpu.enqueue_dma source(%dma_start3A_516 : memref<8x128xf32, #tpu.memory_space<hbm>>) target(%dma_start3A_514 : memref<8x128xf32, #tpu.memory_space<vmem>>) target_semaphore(%arg34 : memref<!tpu.dma_semaphore, #tpu.memory_space<semaphore_mem>>)
    %dma_start3A_517 = arith.constant 8 : i32
    %dma_start3A_518 = arith.constant 0 : i32
    %dma_start3A_519 = tpu.memref_slice %arg25[%dma_start3A_517, %dma_start3A_518] : memref<32x128xf32, #tpu.memory_space<vmem>> -> memref<8x128xf32, #tpu.memory_space<vmem>>
    %dma_start3A_520 = arith.constant 8 : i32
    %dma_start3A_521 = tpu.memref_slice %arg6[%dma_start3A_520, %multiple_of3A_506] : memref<32x1000001xf32, #tpu.memory_space<hbm>> -> memref<8x128xf32, #tpu.memory_space<hbm>>
    %dma_start3A_522 = arith.constant 8 : i32
    %dma_start3A_523 = arith.constant 0 : i32
    %dma_start3A_524 = tpu.memref_slice %arg25[%dma_start3A_522, %dma_start3A_523] : memref<32x128xf32, #tpu.memory_space<vmem>> -> memref<8x128xf32, #tpu.memory_space<vmem>>
    %dma_start3A_525 = arith.constant 8 : i32
    %dma_start3A_526 = tpu.memref_slice %arg6[%dma_start3A_525, %multiple_of3A_506] : memref<32x1000001xf32, #tpu.memory_space<hbm>> -> memref<8x128xf32, #tpu.memory_space<hbm>>
    tpu.enqueue_dma source(%dma_start3A_526 : memref<8x128xf32, #tpu.memory_space<hbm>>) target(%dma_start3A_524 : memref<8x128xf32, #tpu.memory_space<vmem>>) target_semaphore(%arg34 : memref<!tpu.dma_semaphore, #tpu.memory_space<semaphore_mem>>)
    %dma_start3A_527 = arith.constant 16 : i32
    %dma_start3A_528 = arith.constant 0 : i32
    %dma_start3A_529 = tpu.memref_slice %arg25[%dma_start3A_527, %dma_start3A_528] : memref<32x128xf32, #tpu.memory_space<vmem>> -> memref<8x128xf32, #tpu.memory_space<vmem>>
    %dma_start3A_530 = arith.constant 16 : i32
    %dma_start3A_531 = tpu.memref_slice %arg6[%dma_start3A_530, %multiple_of3A_506] : memref<32x1000001xf32, #tpu.memory_space<hbm>> -> memref<8x128xf32, #tpu.memory_space<hbm>>
    %dma_start3A_532 = arith.constant 16 : i32
    %dma_start3A_533 = arith.constant 0 : i32
    %dma_start3A_534 = tpu.memref_slice %arg25[%dma_start3A_532, %dma_start3A_533] : memref<32x128xf32, #tpu.memory_space<vmem>> -> memref<8x128xf32, #tpu.memory_space<vmem>>
    %dma_start3A_535 = arith.constant 16 : i32
    %dma_start3A_536 = tpu.memref_slice %arg6[%dma_start3A_535, %multiple_of3A_506] : memref<32x1000001xf32, #tpu.memory_space<hbm>> -> memref<8x128xf32, #tpu.memory_space<hbm>>
    tpu.enqueue_dma source(%dma_start3A_536 : memref<8x128xf32, #tpu.memory_space<hbm>>) target(%dma_start3A_534 : memref<8x128xf32, #tpu.memory_space<vmem>>) target_semaphore(%arg34 : memref<!tpu.dma_semaphore, #tpu.memory_space<semaphore_mem>>)
    %dma_start3A_537 = arith.constant 24 : i32
    %dma_start3A_538 = arith.constant 0 : i32
    %dma_start3A_539 = tpu.memref_slice %arg25[%dma_start3A_537, %dma_start3A_538] : memref<32x128xf32, #tpu.memory_space<vmem>> -> memref<8x128xf32, #tpu.memory_space<vmem>>
    %dma_start3A_540 = arith.constant 24 : i32
    %dma_start3A_541 = tpu.memref_slice %arg6[%dma_start3A_540, %multiple_of3A_506] : memref<32x1000001xf32, #tpu.memory_space<hbm>> -> memref<8x128xf32, #tpu.memory_space<hbm>>
    %dma_start3A_542 = arith.constant 24 : i32
    %dma_start3A_543 = arith.constant 0 : i32
    %dma_start3A_544 = tpu.memref_slice %arg25[%dma_start3A_542, %dma_start3A_543] : memref<32x128xf32, #tpu.memory_space<vmem>> -> memref<8x128xf32, #tpu.memory_space<vmem>>
    %dma_start3A_545 = arith.constant 24 : i32
    %dma_start3A_546 = tpu.memref_slice %arg6[%dma_start3A_545, %multiple_of3A_506] : memref<32x1000001xf32, #tpu.memory_space<hbm>> -> memref<8x128xf32, #tpu.memory_space<hbm>>
    tpu.enqueue_dma source(%dma_start3A_546 : memref<8x128xf32, #tpu.memory_space<hbm>>) target(%dma_start3A_544 : memref<8x128xf32, #tpu.memory_space<vmem>>) target_semaphore(%arg34 : memref<!tpu.dma_semaphore, #tpu.memory_space<semaphore_mem>>)
    %scan3A = arith.constant 0 : i32
    %scan3A_547 = arith.constant 0 : i32
    %scan3A_548 = arith.constant 32 : i32
    %scan3A_549 = arith.addi %scan3A_547, %scan3A_548 : i32
    %scan3A_550 = arith.constant 1 : i32
    scf.for %scan3A_552 = %scan3A_547 to %scan3A_549 step %scan3A_550  : i32 {
      %mul3A_553 = arith.constant 16 : i32
      %mul3A_554 = arith.muli %scan3A_552, %mul3A_553 : i32
      %get3A_555 = arith.index_cast %mul3A_554 : i32 to index
      %get3A_556 = tpu.vector_load %arg11[%get3A_555] {strides = array<i32>} : memref<528xi32, #tpu.memory_space<vmem>>, vector<16xi32>,
      %mul3A_557 = arith.constant 16 : i32
      %mul3A_558 = arith.muli %scan3A_552, %mul3A_557 : i32
      %add3A_559 = arith.constant 16 : i32
      %add3A_560 = arith.addi %mul3A_558, %add3A_559 : i32
      %get3A_561 = arith.index_cast %add3A_560 : i32 to index
      %get3A_562 = tpu.vector_load %arg11[%get3A_561] {strides = array<i32>} : memref<528xi32, #tpu.memory_space<vmem>>, vector<16xi32>,
      %mul3A_563 = arith.constant 16 : i32
      %mul3A_564 = arith.muli %scan3A_552, %mul3A_563 : i32
      %get3A_565 = arith.index_cast %mul3A_564 : i32 to index
      %get3A_566 = tpu.vector_load %arg12[%get3A_565] {strides = array<i32>} : memref<512xi32, #tpu.memory_space<vmem>>, vector<16xi32>,
      %mul3A_567 = arith.constant 16 : i32
      %mul3A_568 = arith.muli %scan3A_552, %mul3A_567 : i32
      %get3A_569 = arith.index_cast %mul3A_568 : i32 to index
      %get3A_570 = tpu.vector_load %arg13[%get3A_569] {strides = array<i32>} : memref<512xi32, #tpu.memory_space<vmem>>, vector<16xi32>,
      %mul3A_571 = arith.constant 16 : i32
      %mul3A_572 = arith.muli %scan3A_552, %mul3A_571 : i32
      %get3A_573 = arith.index_cast %mul3A_572 : i32 to index
      %get3A_574 = tpu.vector_load %arg14[%get3A_573] {strides = array<i32>} : memref<512xi32, #tpu.memory_space<vmem>>, vector<16xi32>,
      %mul3A_575 = arith.constant 16 : i32
      %mul3A_576 = arith.muli %scan3A_552, %mul3A_575 : i32
      %add3A_577 = arith.constant 0 : i32
      %add3A_578 = arith.addi %mul3A_576, %add3A_577 : i32
      %dma_wait3A = arith.constant 0 : i32
      %dma_wait3A_579 = arith.constant 0 : i32
      %dma_wait3A_580 = tpu.memref_slice %arg18[%dma_wait3A, %dma_wait3A_579] : memref<32x128xf32, #tpu.memory_space<vmem>> -> memref<8x128xf32, #tpu.memory_space<vmem>>
      %dma_wait3A_581 = arith.constant 0 : i32
      %dma_wait3A_582 = arith.constant 0 : i32
      %dma_wait3A_583 = tpu.memref_slice %arg6[%dma_wait3A_581, %dma_wait3A_582] : memref<32x1000001xf32, #tpu.memory_space<hbm>> -> memref<8x128xf32, #tpu.memory_space<hbm>>
      %dma_wait3A_584 = arith.constant 0 : i32
      %dma_wait3A_585 = arith.constant 0 : i32
      %dma_wait3A_586 = tpu.memref_slice %arg18[%dma_wait3A_584, %dma_wait3A_585] : memref<32x128xf32, #tpu.memory_space<vmem>> -> memref<8x128xf32, #tpu.memory_space<vmem>>
      %dma_wait3A_587 = arith.constant 0 : i32
      %dma_wait3A_588 = arith.constant 0 : i32
      %dma_wait3A_589 = tpu.memref_slice %arg6[%dma_wait3A_587, %dma_wait3A_588] : memref<32x1000001xf32, #tpu.memory_space<hbm>> -> memref<8x128xf32, #tpu.memory_space<hbm>>
      tpu.wait_dma2 semaphore(%arg27 : memref<!tpu.dma_semaphore, #tpu.memory_space<semaphore_mem>>) src(%dma_wait3A_589 : memref<8x128xf32, #tpu.memory_space<hbm>>) dst(%dma_wait3A_586 : memref<8x128xf32, #tpu.memory_space<vmem>>)
      %dma_wait3A_590 = arith.constant 8 : i32
      %dma_wait3A_591 = arith.constant 0 : i32
      %dma_wait3A_592 = tpu.memref_slice %arg18[%dma_wait3A_590, %dma_wait3A_591] : memref<32x128xf32, #tpu.memory_space<vmem>> -> memref<8x128xf32, #tpu.memory_space<vmem>>
      %dma_wait3A_593 = arith.constant 8 : i32
      %dma_wait3A_594 = arith.constant 0 : i32
      %dma_wait3A_595 = tpu.memref_slice %arg6[%dma_wait3A_593, %dma_wait3A_594] : memref<32x1000001xf32, #tpu.memory_space<hbm>> -> memref<8x128xf32, #tpu.memory_space<hbm>>
      %dma_wait3A_596 = arith.constant 8 : i32
      %dma_wait3A_597 = arith.constant 0 : i32
      %dma_wait3A_598 = tpu.memref_slice %arg18[%dma_wait3A_596, %dma_wait3A_597] : memref<32x128xf32, #tpu.memory_space<vmem>> -> memref<8x128xf32, #tpu.memory_space<vmem>>
      %dma_wait3A_599 = arith.constant 8 : i32
      %dma_wait3A_600 = arith.constant 0 : i32
      %dma_wait3A_601 = tpu.memref_slice %arg6[%dma_wait3A_599, %dma_wait3A_600] : memref<32x1000001xf32, #tpu.memory_space<hbm>> -> memref<8x128xf32, #tpu.memory_space<hbm>>
      tpu.wait_dma2 semaphore(%arg27 : memref<!tpu.dma_semaphore, #tpu.memory_space<semaphore_mem>>) src(%dma_wait3A_601 : memref<8x128xf32, #tpu.memory_space<hbm>>) dst(%dma_wait3A_598 : memref<8x128xf32, #tpu.memory_space<vmem>>)
      %dma_wait3A_602 = arith.constant 16 : i32
      %dma_wait3A_603 = arith.constant 0 : i32
      %dma_wait3A_604 = tpu.memref_slice %arg18[%dma_wait3A_602, %dma_wait3A_603] : memref<32x128xf32, #tpu.memory_space<vmem>> -> memref<8x128xf32, #tpu.memory_space<vmem>>
      %dma_wait3A_605 = arith.constant 16 : i32
      %dma_wait3A_606 = arith.constant 0 : i32
      %dma_wait3A_607 = tpu.memref_slice %arg6[%dma_wait3A_605, %dma_wait3A_606] : memref<32x1000001xf32, #tpu.memory_space<hbm>> -> memref<8x128xf32, #tpu.memory_space<hbm>>
      %dma_wait3A_608 = arith.constant 16 : i32
      %dma_wait3A_609 = arith.constant 0 : i32
      %dma_wait3A_610 = tpu.memref_slice %arg18[%dma_wait3A_608, %dma_wait3A_609] : memref<32x128xf32, #tpu.memory_space<vmem>> -> memref<8x128xf32, #tpu.memory_space<vmem>>
      %dma_wait3A_611 = arith.constant 16 : i32
      %dma_wait3A_612 = arith.constant 0 : i32
      %dma_wait3A_613 = tpu.memref_slice %arg6[%dma_wait3A_611, %dma_wait3A_612] : memref<32x1000001xf32, #tpu.memory_space<hbm>> -> memref<8x128xf32, #tpu.memory_space<hbm>>
      tpu.wait_dma2 semaphore(%arg27 : memref<!tpu.dma_semaphore, #tpu.memory_space<semaphore_mem>>) src(%dma_wait3A_613 : memref<8x128xf32, #tpu.memory_space<hbm>>) dst(%dma_wait3A_610 : memref<8x128xf32, #tpu.memory_space<vmem>>)
      %dma_wait3A_614 = arith.constant 24 : i32
      %dma_wait3A_615 = arith.constant 0 : i32
      %dma_wait3A_616 = tpu.memref_slice %arg18[%dma_wait3A_614, %dma_wait3A_615] : memref<32x128xf32, #tpu.memory_space<vmem>> -> memref<8x128xf32, #tpu.memory_space<vmem>>
      %dma_wait3A_617 = arith.constant 24 : i32
      %dma_wait3A_618 = arith.constant 0 : i32
      %dma_wait3A_619 = tpu.memref_slice %arg6[%dma_wait3A_617, %dma_wait3A_618] : memref<32x1000001xf32, #tpu.memory_space<hbm>> -> memref<8x128xf32, #tpu.memory_space<hbm>>
      %dma_wait3A_620 = arith.constant 24 : i32
      %dma_wait3A_621 = arith.constant 0 : i32
      %dma_wait3A_622 = tpu.memref_slice %arg18[%dma_wait3A_620, %dma_wait3A_621] : memref<32x128xf32, #tpu.memory_space<vmem>> -> memref<8x128xf32, #tpu.memory_space<vmem>>
      %dma_wait3A_623 = arith.constant 24 : i32
      %dma_wait3A_624 = arith.constant 0 : i32
      %dma_wait3A_625 = tpu.memref_slice %arg6[%dma_wait3A_623, %dma_wait3A_624] : memref<32x1000001xf32, #tpu.memory_space<hbm>> -> memref<8x128xf32, #tpu.memory_space<hbm>>
      tpu.wait_dma2 semaphore(%arg27 : memref<!tpu.dma_semaphore, #tpu.memory_space<semaphore_mem>>) src(%dma_wait3A_625 : memref<8x128xf32, #tpu.memory_space<hbm>>) dst(%dma_wait3A_622 : memref<8x128xf32, #tpu.memory_space<vmem>>)
      %slice3A_626 = vector.extract_strided_slice %get3A_556 {offsets = [0], sizes = [1], strides = [1]} : vector<16xi32> to vector<1xi32>
      %squeeze3A_627 = vector.extract %slice3A_626[0] : i32 from vector<1xi32>
      %jit3A_628 = arith.constant 128 : i32
      %eq3A = arith.constant 0 : i32
      %eq3A_629 = arith.cmpi eq, %jit3A_628, %eq3A : i32
      %jit3A_630 = arith.constant 1 : i32
      %select_n3A_631 = arith.select %eq3A_629, %jit3A_630, %jit3A_628 : i32
      %rem3A_632 = arith.remsi %squeeze3A_627, %select_n3A_631 : i32
      %ne3A_633 = arith.constant 0 : i32
      %ne3A_634 = arith.cmpi ne, %rem3A_632, %ne3A_633 : i32
      %lt3A = arith.constant 0 : i32
      %lt3A_635 = arith.cmpi slt, %rem3A_632, %lt3A : i32
      %lt3A_636 = arith.constant 0 : i32
      %lt3A_637 = arith.cmpi slt, %select_n3A_631, %lt3A_636 : i32
      %ne3A_638 = arith.xori %lt3A_635, %lt3A_637 : i1
      %and3A_639 = arith.andi %ne3A_638, %ne3A_634 : i1
      %add3A_640 = arith.addi %rem3A_632, %select_n3A_631 : i32
      %select_n3A_641 = arith.select %and3A_639, %add3A_640, %rem3A_632 : i32
      %broadcast_in_dim3A = vector.broadcast %select_n3A_641 : i32 to vector<16xi32>
      %gather3A = tpu.vector_load_idx %arg18[%iota3A, %broadcast_in_dim3A] : memref<32x128xf32, #tpu.memory_space<vmem>>[vector<16xi32>, vector<16xi32>], vector<16xf32>,
      %gather3A_642 = tpu.vector_load_idx %arg18[%add3A_5, %broadcast_in_dim3A] : memref<32x128xf32, #tpu.memory_space<vmem>>[vector<16xi32>, vector<16xi32>], vector<16xf32>,
      %swap3A = arith.index_cast %add3A_578 : i32 to index
      %swap3A_643 = arith.constant 0 : index
      %swap3A_644 = tpu.vector_load %arg26[%swap3A, %swap3A_643] {strides = array<i32>} : memref<512x128xf32, #tpu.memory_space<vmem>>, vector<16xf32>,
      tpu.vector_store %arg26[%swap3A, %swap3A_643], %gather3A {strides = array<i32>} : memref<512x128xf32, #tpu.memory_space<vmem>>, vector<16xf32>,
      %swap3A_645 = arith.index_cast %add3A_578 : i32 to index
      %swap3A_646 = arith.constant 16 : index
      %swap3A_647 = tpu.vector_load %arg26[%swap3A_645, %swap3A_646] {strides = array<i32>} : memref<512x128xf32, #tpu.memory_space<vmem>>, vector<16xf32>,
      tpu.vector_store %arg26[%swap3A_645, %swap3A_646], %gather3A_642 {strides = array<i32>} : memref<512x128xf32, #tpu.memory_space<vmem>>, vector<16xf32>,
      %slice3A_648 = vector.extract_strided_slice %get3A_566 {offsets = [0], sizes = [1], strides = [1]} : vector<16xi32> to vector<1xi32>
      %squeeze3A_649 = vector.extract %slice3A_648[0] : i32 from vector<1xi32>
      %broadcast_in_dim3A_650 = vector.broadcast %squeeze3A_649 : i32 to vector<16xi32>
      %gather3A_651 = tpu.vector_load_idx %arg15[%iota3A, %broadcast_in_dim3A_650] : memref<32x128xf32, #tpu.memory_space<vmem>>[vector<16xi32>, vector<16xi32>], vector<16xf32>,
      %gather3A_652 = tpu.vector_load_idx %arg15[%add3A_5, %broadcast_in_dim3A_650] : memref<32x128xf32, #tpu.memory_space<vmem>>[vector<16xi32>, vector<16xi32>], vector<16xf32>,
      %swap3A_653 = arith.index_cast %add3A_578 : i32 to index
      %swap3A_654 = arith.constant 32 : index
      %swap3A_655 = tpu.vector_load %arg26[%swap3A_653, %swap3A_654] {strides = array<i32>} : memref<512x128xf32, #tpu.memory_space<vmem>>, vector<16xf32>,
      tpu.vector_store %arg26[%swap3A_653, %swap3A_654], %gather3A_651 {strides = array<i32>} : memref<512x128xf32, #tpu.memory_space<vmem>>, vector<16xf32>,
      %swap3A_656 = arith.index_cast %add3A_578 : i32 to index
      %swap3A_657 = arith.constant 48 : index
      %swap3A_658 = tpu.vector_load %arg26[%swap3A_656, %swap3A_657] {strides = array<i32>} : memref<512x128xf32, #tpu.memory_space<vmem>>, vector<16xf32>,
      tpu.vector_store %arg26[%swap3A_656, %swap3A_657], %gather3A_652 {strides = array<i32>} : memref<512x128xf32, #tpu.memory_space<vmem>>, vector<16xf32>,
      %slice3A_659 = vector.extract_strided_slice %get3A_570 {offsets = [0], sizes = [1], strides = [1]} : vector<16xi32> to vector<1xi32>
      %squeeze3A_660 = vector.extract %slice3A_659[0] : i32 from vector<1xi32>
      %broadcast_in_dim3A_661 = vector.broadcast %squeeze3A_660 : i32 to vector<16xi32>
      %gather3A_662 = tpu.vector_load_idx %arg16[%iota3A, %broadcast_in_dim3A_661] : memref<32x128xf32, #tpu.memory_space<vmem>>[vector<16xi32>, vector<16xi32>], vector<16xf32>,
      %gather3A_663 = tpu.vector_load_idx %arg16[%add3A_5, %broadcast_in_dim3A_661] : memref<32x128xf32, #tpu.memory_space<vmem>>[vector<16xi32>, vector<16xi32>], vector<16xf32>,
      %swap3A_664 = arith.index_cast %add3A_578 : i32 to index
      %swap3A_665 = arith.constant 64 : index
      %swap3A_666 = tpu.vector_load %arg26[%swap3A_664, %swap3A_665] {strides = array<i32>} : memref<512x128xf32, #tpu.memory_space<vmem>>, vector<16xf32>,
      tpu.vector_store %arg26[%swap3A_664, %swap3A_665], %gather3A_662 {strides = array<i32>} : memref<512x128xf32, #tpu.memory_space<vmem>>, vector<16xf32>,
      %swap3A_667 = arith.index_cast %add3A_578 : i32 to index
      %swap3A_668 = arith.constant 80 : index
      %swap3A_669 = tpu.vector_load %arg26[%swap3A_667, %swap3A_668] {strides = array<i32>} : memref<512x128xf32, #tpu.memory_space<vmem>>, vector<16xf32>,
      tpu.vector_store %arg26[%swap3A_667, %swap3A_668], %gather3A_663 {strides = array<i32>} : memref<512x128xf32, #tpu.memory_space<vmem>>, vector<16xf32>,
      %slice3A_670 = vector.extract_strided_slice %get3A_574 {offsets = [0], sizes = [1], strides = [1]} : vector<16xi32> to vector<1xi32>
      %squeeze3A_671 = vector.extract %slice3A_670[0] : i32 from vector<1xi32>
      %broadcast_in_dim3A_672 = vector.broadcast %squeeze3A_671 : i32 to vector<16xi32>
      %gather3A_673 = tpu.vector_load_idx %arg17[%iota3A, %broadcast_in_dim3A_672] : memref<32x128xf32, #tpu.memory_space<vmem>>[vector<16xi32>, vector<16xi32>], vector<16xf32>,
      %gather3A_674 = tpu.vector_load_idx %arg17[%add3A_5, %broadcast_in_dim3A_672] : memref<32x128xf32, #tpu.memory_space<vmem>>[vector<16xi32>, vector<16xi32>], vector<16xf32>,
      %swap3A_675 = arith.index_cast %add3A_578 : i32 to index
      %swap3A_676 = arith.constant 96 : index
      %swap3A_677 = tpu.vector_load %arg26[%swap3A_675, %swap3A_676] {strides = array<i32>} : memref<512x128xf32, #tpu.memory_space<vmem>>, vector<16xf32>,
      tpu.vector_store %arg26[%swap3A_675, %swap3A_676], %gather3A_673 {strides = array<i32>} : memref<512x128xf32, #tpu.memory_space<vmem>>, vector<16xf32>,
      %swap3A_678 = arith.index_cast %add3A_578 : i32 to index
      %swap3A_679 = arith.constant 112 : index
      %swap3A_680 = tpu.vector_load %arg26[%swap3A_678, %swap3A_679] {strides = array<i32>} : memref<512x128xf32, #tpu.memory_space<vmem>>, vector<16xf32>,
      tpu.vector_store %arg26[%swap3A_678, %swap3A_679], %gather3A_674 {strides = array<i32>} : memref<512x128xf32, #tpu.memory_space<vmem>>, vector<16xf32>,
      %slice3A_681 = vector.extract_strided_slice %get3A_556 {offsets = [8], sizes = [1], strides = [1]} : vector<16xi32> to vector<1xi32>
      %squeeze3A_682 = vector.extract %slice3A_681[0] : i32 from vector<1xi32>
      %add3A_683 = arith.constant 8 : i32
      %add3A_684 = arith.addi %add3A_578, %add3A_683 : i32
      %lt3A_685 = arith.constant 512 : i32
      %lt3A_686 = arith.cmpi slt, %add3A_684, %lt3A_685 : i32
      %convert_element_type3A = arith.extui %lt3A_686 : i1 to i32
      %cond3A = arith.constant 0 : i32
      %cond3A_687 = arith.cmpi ne, %convert_element_type3A, %cond3A : i32
      scf.if %cond3A_687 {
        %jit3A_2503 = arith.constant 128 : i32
        %div3A_2504 = arith.divsi %squeeze3A_682, %jit3A_2503 : i32
        %sign3A_2505 = arith.constant 0 : i32
        %sign3A_2506 = arith.cmpi sgt, %squeeze3A_682, %sign3A_2505 : i32
        %sign3A_2507 = arith.extui %sign3A_2506 : i1 to i32
        %sign3A_2508 = arith.constant 0 : i32
        %sign3A_2509 = arith.cmpi slt, %squeeze3A_682, %sign3A_2508 : i32
        %sign3A_2510 = arith.extui %sign3A_2509 : i1 to i32
        %sign3A_2511 = arith.subi %sign3A_2507, %sign3A_2510 : i32
        %sign3A_2512 = arith.constant 0 : i32
        %sign3A_2513 = arith.cmpi sgt, %jit3A_2503, %sign3A_2512 : i32
        %sign3A_2514 = arith.extui %sign3A_2513 : i1 to i32
        %sign3A_2515 = arith.constant 0 : i32
        %sign3A_2516 = arith.cmpi slt, %jit3A_2503, %sign3A_2515 : i32
        %sign3A_2517 = arith.extui %sign3A_2516 : i1 to i32
        %sign3A_2518 = arith.subi %sign3A_2514, %sign3A_2517 : i32
        %ne3A_2519 = arith.cmpi ne, %sign3A_2511, %sign3A_2518 : i32
        %rem3A_2520 = arith.remsi %squeeze3A_682, %jit3A_2503 : i32
        %ne3A_2521 = arith.constant 0 : i32
        %ne3A_2522 = arith.cmpi ne, %rem3A_2520, %ne3A_2521 : i32
        %and3A_2523 = arith.andi %ne3A_2519, %ne3A_2522 : i1
        %sub3A_2524 = arith.constant 1 : i32
        %sub3A_2525 = arith.subi %div3A_2504, %sub3A_2524 : i32
        %select_n3A_2526 = arith.select %and3A_2523, %sub3A_2525, %div3A_2504 : i32
        %mul3A_2527 = arith.constant 128 : i32
        %mul3A_2528 = arith.muli %select_n3A_2526, %mul3A_2527 : i32
        %multiple_of3A_2529 = tpu.assume_multiple %mul3A_2528, 128 : i32
        %dma_start3A_2530 = arith.constant 0 : i32
        %dma_start3A_2531 = arith.constant 0 : i32
        %dma_start3A_2532 = tpu.memref_slice %arg18[%dma_start3A_2530, %dma_start3A_2531] : memref<32x128xf32, #tpu.memory_space<vmem>> -> memref<8x128xf32, #tpu.memory_space<vmem>>
        %dma_start3A_2533 = arith.constant 0 : i32
        %dma_start3A_2534 = tpu.memref_slice %arg6[%dma_start3A_2533, %multiple_of3A_2529] : memref<32x1000001xf32, #tpu.memory_space<hbm>> -> memref<8x128xf32, #tpu.memory_space<hbm>>
        %dma_start3A_2535 = arith.constant 0 : i32
        %dma_start3A_2536 = arith.constant 0 : i32
        %dma_start3A_2537 = tpu.memref_slice %arg18[%dma_start3A_2535, %dma_start3A_2536] : memref<32x128xf32, #tpu.memory_space<vmem>> -> memref<8x128xf32, #tpu.memory_space<vmem>>
        %dma_start3A_2538 = arith.constant 0 : i32
        %dma_start3A_2539 = tpu.memref_slice %arg6[%dma_start3A_2538, %multiple_of3A_2529] : memref<32x1000001xf32, #tpu.memory_space<hbm>> -> memref<8x128xf32, #tpu.memory_space<hbm>>
        tpu.enqueue_dma source(%dma_start3A_2539 : memref<8x128xf32, #tpu.memory_space<hbm>>) target(%dma_start3A_2537 : memref<8x128xf32, #tpu.memory_space<vmem>>) target_semaphore(%arg27 : memref<!tpu.dma_semaphore, #tpu.memory_space<semaphore_mem>>)
        %dma_start3A_2540 = arith.constant 8 : i32
        %dma_start3A_2541 = arith.constant 0 : i32
        %dma_start3A_2542 = tpu.memref_slice %arg18[%dma_start3A_2540, %dma_start3A_2541] : memref<32x128xf32, #tpu.memory_space<vmem>> -> memref<8x128xf32, #tpu.memory_space<vmem>>
        %dma_start3A_2543 = arith.constant 8 : i32
        %dma_start3A_2544 = tpu.memref_slice %arg6[%dma_start3A_2543, %multiple_of3A_2529] : memref<32x1000001xf32, #tpu.memory_space<hbm>> -> memref<8x128xf32, #tpu.memory_space<hbm>>
        %dma_start3A_2545 = arith.constant 8 : i32
        %dma_start3A_2546 = arith.constant 0 : i32
        %dma_start3A_2547 = tpu.memref_slice %arg18[%dma_start3A_2545, %dma_start3A_2546] : memref<32x128xf32, #tpu.memory_space<vmem>> -> memref<8x128xf32, #tpu.memory_space<vmem>>
        %dma_start3A_2548 = arith.constant 8 : i32
        %dma_start3A_2549 = tpu.memref_slice %arg6[%dma_start3A_2548, %multiple_of3A_2529] : memref<32x1000001xf32, #tpu.memory_space<hbm>> -> memref<8x128xf32, #tpu.memory_space<hbm>>
        tpu.enqueue_dma source(%dma_start3A_2549 : memref<8x128xf32, #tpu.memory_space<hbm>>) target(%dma_start3A_2547 : memref<8x128xf32, #tpu.memory_space<vmem>>) target_semaphore(%arg27 : memref<!tpu.dma_semaphore, #tpu.memory_space<semaphore_mem>>)
        %dma_start3A_2550 = arith.constant 16 : i32
        %dma_start3A_2551 = arith.constant 0 : i32
        %dma_start3A_2552 = tpu.memref_slice %arg18[%dma_start3A_2550, %dma_start3A_2551] : memref<32x128xf32, #tpu.memory_space<vmem>> -> memref<8x128xf32, #tpu.memory_space<vmem>>
        %dma_start3A_2553 = arith.constant 16 : i32
        %dma_start3A_2554 = tpu.memref_slice %arg6[%dma_start3A_2553, %multiple_of3A_2529] : memref<32x1000001xf32, #tpu.memory_space<hbm>> -> memref<8x128xf32, #tpu.memory_space<hbm>>
        %dma_start3A_2555 = arith.constant 16 : i32
        %dma_start3A_2556 = arith.constant 0 : i32
        %dma_start3A_2557 = tpu.memref_slice %arg18[%dma_start3A_2555, %dma_start3A_2556] : memref<32x128xf32, #tpu.memory_space<vmem>> -> memref<8x128xf32, #tpu.memory_space<vmem>>
        %dma_start3A_2558 = arith.constant 16 : i32
        %dma_start3A_2559 = tpu.memref_slice %arg6[%dma_start3A_2558, %multiple_of3A_2529] : memref<32x1000001xf32, #tpu.memory_space<hbm>> -> memref<8x128xf32, #tpu.memory_space<hbm>>
        tpu.enqueue_dma source(%dma_start3A_2559 : memref<8x128xf32, #tpu.memory_space<hbm>>) target(%dma_start3A_2557 : memref<8x128xf32, #tpu.memory_space<vmem>>) target_semaphore(%arg27 : memref<!tpu.dma_semaphore, #tpu.memory_space<semaphore_mem>>)
        %dma_start3A_2560 = arith.constant 24 : i32
        %dma_start3A_2561 = arith.constant 0 : i32
        %dma_start3A_2562 = tpu.memref_slice %arg18[%dma_start3A_2560, %dma_start3A_2561] : memref<32x128xf32, #tpu.memory_space<vmem>> -> memref<8x128xf32, #tpu.memory_space<vmem>>
        %dma_start3A_2563 = arith.constant 24 : i32
        %dma_start3A_2564 = tpu.memref_slice %arg6[%dma_start3A_2563, %multiple_of3A_2529] : memref<32x1000001xf32, #tpu.memory_space<hbm>> -> memref<8x128xf32, #tpu.memory_space<hbm>>
        %dma_start3A_2565 = arith.constant 24 : i32
        %dma_start3A_2566 = arith.constant 0 : i32
        %dma_start3A_2567 = tpu.memref_slice %arg18[%dma_start3A_2565, %dma_start3A_2566] : memref<32x128xf32, #tpu.memory_space<vmem>> -> memref<8x128xf32, #tpu.memory_space<vmem>>
        %dma_start3A_2568 = arith.constant 24 : i32
        %dma_start3A_2569 = tpu.memref_slice %arg6[%dma_start3A_2568, %multiple_of3A_2529] : memref<32x1000001xf32, #tpu.memory_space<hbm>> -> memref<8x128xf32, #tpu.memory_space<hbm>>
        tpu.enqueue_dma source(%dma_start3A_2569 : memref<8x128xf32, #tpu.memory_space<hbm>>) target(%dma_start3A_2567 : memref<8x128xf32, #tpu.memory_space<vmem>>) target_semaphore(%arg27 : memref<!tpu.dma_semaphore, #tpu.memory_space<semaphore_mem>>)
      } else {
      }
      %mul3A_688 = arith.constant 16 : i32
      %mul3A_689 = arith.muli %scan3A_552, %mul3A_688 : i32
      %add3A_690 = arith.constant 1 : i32
      %add3A_691 = arith.addi %mul3A_689, %add3A_690 : i32
      %dma_wait3A_692 = arith.constant 0 : i32
      %dma_wait3A_693 = arith.constant 0 : i32
      %dma_wait3A_694 = tpu.memref_slice %arg19[%dma_wait3A_692, %dma_wait3A_693] : memref<32x128xf32, #tpu.memory_space<vmem>> -> memref<8x128xf32, #tpu.memory_space<vmem>>
      %dma_wait3A_695 = arith.constant 0 : i32
      %dma_wait3A_696 = arith.constant 0 : i32
      %dma_wait3A_697 = tpu.memref_slice %arg6[%dma_wait3A_695, %dma_wait3A_696] : memref<32x1000001xf32, #tpu.memory_space<hbm>> -> memref<8x128xf32, #tpu.memory_space<hbm>>
      %dma_wait3A_698 = arith.constant 0 : i32
      %dma_wait3A_699 = arith.constant 0 : i32
      %dma_wait3A_700 = tpu.memref_slice %arg19[%dma_wait3A_698, %dma_wait3A_699] : memref<32x128xf32, #tpu.memory_space<vmem>> -> memref<8x128xf32, #tpu.memory_space<vmem>>
      %dma_wait3A_701 = arith.constant 0 : i32
      %dma_wait3A_702 = arith.constant 0 : i32
      %dma_wait3A_703 = tpu.memref_slice %arg6[%dma_wait3A_701, %dma_wait3A_702] : memref<32x1000001xf32, #tpu.memory_space<hbm>> -> memref<8x128xf32, #tpu.memory_space<hbm>>
      tpu.wait_dma2 semaphore(%arg28 : memref<!tpu.dma_semaphore, #tpu.memory_space<semaphore_mem>>) src(%dma_wait3A_703 : memref<8x128xf32, #tpu.memory_space<hbm>>) dst(%dma_wait3A_700 : memref<8x128xf32, #tpu.memory_space<vmem>>)
      %dma_wait3A_704 = arith.constant 8 : i32
      %dma_wait3A_705 = arith.constant 0 : i32
      %dma_wait3A_706 = tpu.memref_slice %arg19[%dma_wait3A_704, %dma_wait3A_705] : memref<32x128xf32, #tpu.memory_space<vmem>> -> memref<8x128xf32, #tpu.memory_space<vmem>>
      %dma_wait3A_707 = arith.constant 8 : i32
      %dma_wait3A_708 = arith.constant 0 : i32
      %dma_wait3A_709 = tpu.memref_slice %arg6[%dma_wait3A_707, %dma_wait3A_708] : memref<32x1000001xf32, #tpu.memory_space<hbm>> -> memref<8x128xf32, #tpu.memory_space<hbm>>
      %dma_wait3A_710 = arith.constant 8 : i32
      %dma_wait3A_711 = arith.constant 0 : i32
      %dma_wait3A_712 = tpu.memref_slice %arg19[%dma_wait3A_710, %dma_wait3A_711] : memref<32x128xf32, #tpu.memory_space<vmem>> -> memref<8x128xf32, #tpu.memory_space<vmem>>
      %dma_wait3A_713 = arith.constant 8 : i32
      %dma_wait3A_714 = arith.constant 0 : i32
      %dma_wait3A_715 = tpu.memref_slice %arg6[%dma_wait3A_713, %dma_wait3A_714] : memref<32x1000001xf32, #tpu.memory_space<hbm>> -> memref<8x128xf32, #tpu.memory_space<hbm>>
      tpu.wait_dma2 semaphore(%arg28 : memref<!tpu.dma_semaphore, #tpu.memory_space<semaphore_mem>>) src(%dma_wait3A_715 : memref<8x128xf32, #tpu.memory_space<hbm>>) dst(%dma_wait3A_712 : memref<8x128xf32, #tpu.memory_space<vmem>>)
      %dma_wait3A_716 = arith.constant 16 : i32
      %dma_wait3A_717 = arith.constant 0 : i32
      %dma_wait3A_718 = tpu.memref_slice %arg19[%dma_wait3A_716, %dma_wait3A_717] : memref<32x128xf32, #tpu.memory_space<vmem>> -> memref<8x128xf32, #tpu.memory_space<vmem>>
      %dma_wait3A_719 = arith.constant 16 : i32
      %dma_wait3A_720 = arith.constant 0 : i32
      %dma_wait3A_721 = tpu.memref_slice %arg6[%dma_wait3A_719, %dma_wait3A_720] : memref<32x1000001xf32, #tpu.memory_space<hbm>> -> memref<8x128xf32, #tpu.memory_space<hbm>>
      %dma_wait3A_722 = arith.constant 16 : i32
      %dma_wait3A_723 = arith.constant 0 : i32
      %dma_wait3A_724 = tpu.memref_slice %arg19[%dma_wait3A_722, %dma_wait3A_723] : memref<32x128xf32, #tpu.memory_space<vmem>> -> memref<8x128xf32, #tpu.memory_space<vmem>>
      %dma_wait3A_725 = arith.constant 16 : i32
      %dma_wait3A_726 = arith.constant 0 : i32
      %dma_wait3A_727 = tpu.memref_slice %arg6[%dma_wait3A_725, %dma_wait3A_726] : memref<32x1000001xf32, #tpu.memory_space<hbm>> -> memref<8x128xf32, #tpu.memory_space<hbm>>
      tpu.wait_dma2 semaphore(%arg28 : memref<!tpu.dma_semaphore, #tpu.memory_space<semaphore_mem>>) src(%dma_wait3A_727 : memref<8x128xf32, #tpu.memory_space<hbm>>) dst(%dma_wait3A_724 : memref<8x128xf32, #tpu.memory_space<vmem>>)
      %dma_wait3A_728 = arith.constant 24 : i32
      %dma_wait3A_729 = arith.constant 0 : i32
      %dma_wait3A_730 = tpu.memref_slice %arg19[%dma_wait3A_728, %dma_wait3A_729] : memref<32x128xf32, #tpu.memory_space<vmem>> -> memref<8x128xf32, #tpu.memory_space<vmem>>
      %dma_wait3A_731 = arith.constant 24 : i32
      %dma_wait3A_732 = arith.constant 0 : i32
      %dma_wait3A_733 = tpu.memref_slice %arg6[%dma_wait3A_731, %dma_wait3A_732] : memref<32x1000001xf32, #tpu.memory_space<hbm>> -> memref<8x128xf32, #tpu.memory_space<hbm>>
      %dma_wait3A_734 = arith.constant 24 : i32
      %dma_wait3A_735 = arith.constant 0 : i32
      %dma_wait3A_736 = tpu.memref_slice %arg19[%dma_wait3A_734, %dma_wait3A_735] : memref<32x128xf32, #tpu.memory_space<vmem>> -> memref<8x128xf32, #tpu.memory_space<vmem>>
      %dma_wait3A_737 = arith.constant 24 : i32
      %dma_wait3A_738 = arith.constant 0 : i32
      %dma_wait3A_739 = tpu.memref_slice %arg6[%dma_wait3A_737, %dma_wait3A_738] : memref<32x1000001xf32, #tpu.memory_space<hbm>> -> memref<8x128xf32, #tpu.memory_space<hbm>>
      tpu.wait_dma2 semaphore(%arg28 : memref<!tpu.dma_semaphore, #tpu.memory_space<semaphore_mem>>) src(%dma_wait3A_739 : memref<8x128xf32, #tpu.memory_space<hbm>>) dst(%dma_wait3A_736 : memref<8x128xf32, #tpu.memory_space<vmem>>)
      %slice3A_740 = vector.extract_strided_slice %get3A_556 {offsets = [1], sizes = [1], strides = [1]} : vector<16xi32> to vector<1xi32>
      %squeeze3A_741 = vector.extract %slice3A_740[0] : i32 from vector<1xi32>
      %jit3A_742 = arith.constant 128 : i32
      %eq3A_743 = arith.constant 0 : i32
      %eq3A_744 = arith.cmpi eq, %jit3A_742, %eq3A_743 : i32
      %jit3A_745 = arith.constant 1 : i32
      %select_n3A_746 = arith.select %eq3A_744, %jit3A_745, %jit3A_742 : i32
      %rem3A_747 = arith.remsi %squeeze3A_741, %select_n3A_746 : i32
      %ne3A_748 = arith.constant 0 : i32
      %ne3A_749 = arith.cmpi ne, %rem3A_747, %ne3A_748 : i32
      %lt3A_750 = arith.constant 0 : i32
      %lt3A_751 = arith.cmpi slt, %rem3A_747, %lt3A_750 : i32
      %lt3A_752 = arith.constant 0 : i32
      %lt3A_753 = arith.cmpi slt, %select_n3A_746, %lt3A_752 : i32
      %ne3A_754 = arith.xori %lt3A_751, %lt3A_753 : i1
      %and3A_755 = arith.andi %ne3A_754, %ne3A_749 : i1
      %add3A_756 = arith.addi %rem3A_747, %select_n3A_746 : i32
      %select_n3A_757 = arith.select %and3A_755, %add3A_756, %rem3A_747 : i32
      %broadcast_in_dim3A_758 = vector.broadcast %select_n3A_757 : i32 to vector<16xi32>
      %gather3A_759 = tpu.vector_load_idx %arg19[%iota3A, %broadcast_in_dim3A_758] : memref<32x128xf32, #tpu.memory_space<vmem>>[vector<16xi32>, vector<16xi32>], vector<16xf32>,
      %gather3A_760 = tpu.vector_load_idx %arg19[%add3A_5, %broadcast_in_dim3A_758] : memref<32x128xf32, #tpu.memory_space<vmem>>[vector<16xi32>, vector<16xi32>], vector<16xf32>,
      %swap3A_761 = arith.index_cast %add3A_691 : i32 to index
      %swap3A_762 = arith.constant 0 : index
      %swap3A_763 = tpu.vector_load %arg26[%swap3A_761, %swap3A_762] {strides = array<i32>} : memref<512x128xf32, #tpu.memory_space<vmem>>, vector<16xf32>,
      tpu.vector_store %arg26[%swap3A_761, %swap3A_762], %gather3A_759 {strides = array<i32>} : memref<512x128xf32, #tpu.memory_space<vmem>>, vector<16xf32>,
      %swap3A_764 = arith.index_cast %add3A_691 : i32 to index
      %swap3A_765 = arith.constant 16 : index
      %swap3A_766 = tpu.vector_load %arg26[%swap3A_764, %swap3A_765] {strides = array<i32>} : memref<512x128xf32, #tpu.memory_space<vmem>>, vector<16xf32>,
      tpu.vector_store %arg26[%swap3A_764, %swap3A_765], %gather3A_760 {strides = array<i32>} : memref<512x128xf32, #tpu.memory_space<vmem>>, vector<16xf32>,
      %slice3A_767 = vector.extract_strided_slice %get3A_566 {offsets = [1], sizes = [1], strides = [1]} : vector<16xi32> to vector<1xi32>
      %squeeze3A_768 = vector.extract %slice3A_767[0] : i32 from vector<1xi32>
      %broadcast_in_dim3A_769 = vector.broadcast %squeeze3A_768 : i32 to vector<16xi32>
      %gather3A_770 = tpu.vector_load_idx %arg15[%iota3A, %broadcast_in_dim3A_769] : memref<32x128xf32, #tpu.memory_space<vmem>>[vector<16xi32>, vector<16xi32>], vector<16xf32>,
      %gather3A_771 = tpu.vector_load_idx %arg15[%add3A_5, %broadcast_in_dim3A_769] : memref<32x128xf32, #tpu.memory_space<vmem>>[vector<16xi32>, vector<16xi32>], vector<16xf32>,
      %swap3A_772 = arith.index_cast %add3A_691 : i32 to index
      %swap3A_773 = arith.constant 32 : index
      %swap3A_774 = tpu.vector_load %arg26[%swap3A_772, %swap3A_773] {strides = array<i32>} : memref<512x128xf32, #tpu.memory_space<vmem>>, vector<16xf32>,
      tpu.vector_store %arg26[%swap3A_772, %swap3A_773], %gather3A_770 {strides = array<i32>} : memref<512x128xf32, #tpu.memory_space<vmem>>, vector<16xf32>,
      %swap3A_775 = arith.index_cast %add3A_691 : i32 to index
      %swap3A_776 = arith.constant 48 : index
      %swap3A_777 = tpu.vector_load %arg26[%swap3A_775, %swap3A_776] {strides = array<i32>} : memref<512x128xf32, #tpu.memory_space<vmem>>, vector<16xf32>,
      tpu.vector_store %arg26[%swap3A_775, %swap3A_776], %gather3A_771 {strides = array<i32>} : memref<512x128xf32, #tpu.memory_space<vmem>>, vector<16xf32>,
      %slice3A_778 = vector.extract_strided_slice %get3A_570 {offsets = [1], sizes = [1], strides = [1]} : vector<16xi32> to vector<1xi32>
      %squeeze3A_779 = vector.extract %slice3A_778[0] : i32 from vector<1xi32>
      %broadcast_in_dim3A_780 = vector.broadcast %squeeze3A_779 : i32 to vector<16xi32>
      %gather3A_781 = tpu.vector_load_idx %arg16[%iota3A, %broadcast_in_dim3A_780] : memref<32x128xf32, #tpu.memory_space<vmem>>[vector<16xi32>, vector<16xi32>], vector<16xf32>,
      %gather3A_782 = tpu.vector_load_idx %arg16[%add3A_5, %broadcast_in_dim3A_780] : memref<32x128xf32, #tpu.memory_space<vmem>>[vector<16xi32>, vector<16xi32>], vector<16xf32>,
      %swap3A_783 = arith.index_cast %add3A_691 : i32 to index
      %swap3A_784 = arith.constant 64 : index
      %swap3A_785 = tpu.vector_load %arg26[%swap3A_783, %swap3A_784] {strides = array<i32>} : memref<512x128xf32, #tpu.memory_space<vmem>>, vector<16xf32>,
      tpu.vector_store %arg26[%swap3A_783, %swap3A_784], %gather3A_781 {strides = array<i32>} : memref<512x128xf32, #tpu.memory_space<vmem>>, vector<16xf32>,
      %swap3A_786 = arith.index_cast %add3A_691 : i32 to index
      %swap3A_787 = arith.constant 80 : index
      %swap3A_788 = tpu.vector_load %arg26[%swap3A_786, %swap3A_787] {strides = array<i32>} : memref<512x128xf32, #tpu.memory_space<vmem>>, vector<16xf32>,
      tpu.vector_store %arg26[%swap3A_786, %swap3A_787], %gather3A_782 {strides = array<i32>} : memref<512x128xf32, #tpu.memory_space<vmem>>, vector<16xf32>,
      %slice3A_789 = vector.extract_strided_slice %get3A_574 {offsets = [1], sizes = [1], strides = [1]} : vector<16xi32> to vector<1xi32>
      %squeeze3A_790 = vector.extract %slice3A_789[0] : i32 from vector<1xi32>
      %broadcast_in_dim3A_791 = vector.broadcast %squeeze3A_790 : i32 to vector<16xi32>
      %gather3A_792 = tpu.vector_load_idx %arg17[%iota3A, %broadcast_in_dim3A_791] : memref<32x128xf32, #tpu.memory_space<vmem>>[vector<16xi32>, vector<16xi32>], vector<16xf32>,
      %gather3A_793 = tpu.vector_load_idx %arg17[%add3A_5, %broadcast_in_dim3A_791] : memref<32x128xf32, #tpu.memory_space<vmem>>[vector<16xi32>, vector<16xi32>], vector<16xf32>,
      %swap3A_794 = arith.index_cast %add3A_691 : i32 to index
      %swap3A_795 = arith.constant 96 : index
      %swap3A_796 = tpu.vector_load %arg26[%swap3A_794, %swap3A_795] {strides = array<i32>} : memref<512x128xf32, #tpu.memory_space<vmem>>, vector<16xf32>,
      tpu.vector_store %arg26[%swap3A_794, %swap3A_795], %gather3A_792 {strides = array<i32>} : memref<512x128xf32, #tpu.memory_space<vmem>>, vector<16xf32>,
      %swap3A_797 = arith.index_cast %add3A_691 : i32 to index
      %swap3A_798 = arith.constant 112 : index
      %swap3A_799 = tpu.vector_load %arg26[%swap3A_797, %swap3A_798] {strides = array<i32>} : memref<512x128xf32, #tpu.memory_space<vmem>>, vector<16xf32>,
      tpu.vector_store %arg26[%swap3A_797, %swap3A_798], %gather3A_793 {strides = array<i32>} : memref<512x128xf32, #tpu.memory_space<vmem>>, vector<16xf32>,
      %slice3A_800 = vector.extract_strided_slice %get3A_556 {offsets = [9], sizes = [1], strides = [1]} : vector<16xi32> to vector<1xi32>
      %squeeze3A_801 = vector.extract %slice3A_800[0] : i32 from vector<1xi32>
      %add3A_802 = arith.constant 8 : i32
      %add3A_803 = arith.addi %add3A_691, %add3A_802 : i32
      %lt3A_804 = arith.constant 512 : i32
      %lt3A_805 = arith.cmpi slt, %add3A_803, %lt3A_804 : i32
      %convert_element_type3A_806 = arith.extui %lt3A_805 : i1 to i32
      %cond3A_807 = arith.constant 0 : i32
      %cond3A_808 = arith.cmpi ne, %convert_element_type3A_806, %cond3A_807 : i32
      scf.if %cond3A_808 {
        %jit3A_2503 = arith.constant 128 : i32
        %div3A_2504 = arith.divsi %squeeze3A_801, %jit3A_2503 : i32
        %sign3A_2505 = arith.constant 0 : i32
        %sign3A_2506 = arith.cmpi sgt, %squeeze3A_801, %sign3A_2505 : i32
        %sign3A_2507 = arith.extui %sign3A_2506 : i1 to i32
        %sign3A_2508 = arith.constant 0 : i32
        %sign3A_2509 = arith.cmpi slt, %squeeze3A_801, %sign3A_2508 : i32
        %sign3A_2510 = arith.extui %sign3A_2509 : i1 to i32
        %sign3A_2511 = arith.subi %sign3A_2507, %sign3A_2510 : i32
        %sign3A_2512 = arith.constant 0 : i32
        %sign3A_2513 = arith.cmpi sgt, %jit3A_2503, %sign3A_2512 : i32
        %sign3A_2514 = arith.extui %sign3A_2513 : i1 to i32
        %sign3A_2515 = arith.constant 0 : i32
        %sign3A_2516 = arith.cmpi slt, %jit3A_2503, %sign3A_2515 : i32
        %sign3A_2517 = arith.extui %sign3A_2516 : i1 to i32
        %sign3A_2518 = arith.subi %sign3A_2514, %sign3A_2517 : i32
        %ne3A_2519 = arith.cmpi ne, %sign3A_2511, %sign3A_2518 : i32
        %rem3A_2520 = arith.remsi %squeeze3A_801, %jit3A_2503 : i32
        %ne3A_2521 = arith.constant 0 : i32
        %ne3A_2522 = arith.cmpi ne, %rem3A_2520, %ne3A_2521 : i32
        %and3A_2523 = arith.andi %ne3A_2519, %ne3A_2522 : i1
        %sub3A_2524 = arith.constant 1 : i32
        %sub3A_2525 = arith.subi %div3A_2504, %sub3A_2524 : i32
        %select_n3A_2526 = arith.select %and3A_2523, %sub3A_2525, %div3A_2504 : i32
        %mul3A_2527 = arith.constant 128 : i32
        %mul3A_2528 = arith.muli %select_n3A_2526, %mul3A_2527 : i32
        %multiple_of3A_2529 = tpu.assume_multiple %mul3A_2528, 128 : i32
        %dma_start3A_2530 = arith.constant 0 : i32
        %dma_start3A_2531 = arith.constant 0 : i32
        %dma_start3A_2532 = tpu.memref_slice %arg19[%dma_start3A_2530, %dma_start3A_2531] : memref<32x128xf32, #tpu.memory_space<vmem>> -> memref<8x128xf32, #tpu.memory_space<vmem>>
        %dma_start3A_2533 = arith.constant 0 : i32
        %dma_start3A_2534 = tpu.memref_slice %arg6[%dma_start3A_2533, %multiple_of3A_2529] : memref<32x1000001xf32, #tpu.memory_space<hbm>> -> memref<8x128xf32, #tpu.memory_space<hbm>>
        %dma_start3A_2535 = arith.constant 0 : i32
        %dma_start3A_2536 = arith.constant 0 : i32
        %dma_start3A_2537 = tpu.memref_slice %arg19[%dma_start3A_2535, %dma_start3A_2536] : memref<32x128xf32, #tpu.memory_space<vmem>> -> memref<8x128xf32, #tpu.memory_space<vmem>>
        %dma_start3A_2538 = arith.constant 0 : i32
        %dma_start3A_2539 = tpu.memref_slice %arg6[%dma_start3A_2538, %multiple_of3A_2529] : memref<32x1000001xf32, #tpu.memory_space<hbm>> -> memref<8x128xf32, #tpu.memory_space<hbm>>
        tpu.enqueue_dma source(%dma_start3A_2539 : memref<8x128xf32, #tpu.memory_space<hbm>>) target(%dma_start3A_2537 : memref<8x128xf32, #tpu.memory_space<vmem>>) target_semaphore(%arg28 : memref<!tpu.dma_semaphore, #tpu.memory_space<semaphore_mem>>)
        %dma_start3A_2540 = arith.constant 8 : i32
        %dma_start3A_2541 = arith.constant 0 : i32
        %dma_start3A_2542 = tpu.memref_slice %arg19[%dma_start3A_2540, %dma_start3A_2541] : memref<32x128xf32, #tpu.memory_space<vmem>> -> memref<8x128xf32, #tpu.memory_space<vmem>>
        %dma_start3A_2543 = arith.constant 8 : i32
        %dma_start3A_2544 = tpu.memref_slice %arg6[%dma_start3A_2543, %multiple_of3A_2529] : memref<32x1000001xf32, #tpu.memory_space<hbm>> -> memref<8x128xf32, #tpu.memory_space<hbm>>
        %dma_start3A_2545 = arith.constant 8 : i32
        %dma_start3A_2546 = arith.constant 0 : i32
        %dma_start3A_2547 = tpu.memref_slice %arg19[%dma_start3A_2545, %dma_start3A_2546] : memref<32x128xf32, #tpu.memory_space<vmem>> -> memref<8x128xf32, #tpu.memory_space<vmem>>
        %dma_start3A_2548 = arith.constant 8 : i32
        %dma_start3A_2549 = tpu.memref_slice %arg6[%dma_start3A_2548, %multiple_of3A_2529] : memref<32x1000001xf32, #tpu.memory_space<hbm>> -> memref<8x128xf32, #tpu.memory_space<hbm>>
        tpu.enqueue_dma source(%dma_start3A_2549 : memref<8x128xf32, #tpu.memory_space<hbm>>) target(%dma_start3A_2547 : memref<8x128xf32, #tpu.memory_space<vmem>>) target_semaphore(%arg28 : memref<!tpu.dma_semaphore, #tpu.memory_space<semaphore_mem>>)
        %dma_start3A_2550 = arith.constant 16 : i32
        %dma_start3A_2551 = arith.constant 0 : i32
        %dma_start3A_2552 = tpu.memref_slice %arg19[%dma_start3A_2550, %dma_start3A_2551] : memref<32x128xf32, #tpu.memory_space<vmem>> -> memref<8x128xf32, #tpu.memory_space<vmem>>
        %dma_start3A_2553 = arith.constant 16 : i32
        %dma_start3A_2554 = tpu.memref_slice %arg6[%dma_start3A_2553, %multiple_of3A_2529] : memref<32x1000001xf32, #tpu.memory_space<hbm>> -> memref<8x128xf32, #tpu.memory_space<hbm>>
        %dma_start3A_2555 = arith.constant 16 : i32
        %dma_start3A_2556 = arith.constant 0 : i32
        %dma_start3A_2557 = tpu.memref_slice %arg19[%dma_start3A_2555, %dma_start3A_2556] : memref<32x128xf32, #tpu.memory_space<vmem>> -> memref<8x128xf32, #tpu.memory_space<vmem>>
        %dma_start3A_2558 = arith.constant 16 : i32
        %dma_start3A_2559 = tpu.memref_slice %arg6[%dma_start3A_2558, %multiple_of3A_2529] : memref<32x1000001xf32, #tpu.memory_space<hbm>> -> memref<8x128xf32, #tpu.memory_space<hbm>>
        tpu.enqueue_dma source(%dma_start3A_2559 : memref<8x128xf32, #tpu.memory_space<hbm>>) target(%dma_start3A_2557 : memref<8x128xf32, #tpu.memory_space<vmem>>) target_semaphore(%arg28 : memref<!tpu.dma_semaphore, #tpu.memory_space<semaphore_mem>>)
        %dma_start3A_2560 = arith.constant 24 : i32
        %dma_start3A_2561 = arith.constant 0 : i32
        %dma_start3A_2562 = tpu.memref_slice %arg19[%dma_start3A_2560, %dma_start3A_2561] : memref<32x128xf32, #tpu.memory_space<vmem>> -> memref<8x128xf32, #tpu.memory_space<vmem>>
        %dma_start3A_2563 = arith.constant 24 : i32
        %dma_start3A_2564 = tpu.memref_slice %arg6[%dma_start3A_2563, %multiple_of3A_2529] : memref<32x1000001xf32, #tpu.memory_space<hbm>> -> memref<8x128xf32, #tpu.memory_space<hbm>>
        %dma_start3A_2565 = arith.constant 24 : i32
        %dma_start3A_2566 = arith.constant 0 : i32
        %dma_start3A_2567 = tpu.memref_slice %arg19[%dma_start3A_2565, %dma_start3A_2566] : memref<32x128xf32, #tpu.memory_space<vmem>> -> memref<8x128xf32, #tpu.memory_space<vmem>>
        %dma_start3A_2568 = arith.constant 24 : i32
        %dma_start3A_2569 = tpu.memref_slice %arg6[%dma_start3A_2568, %multiple_of3A_2529] : memref<32x1000001xf32, #tpu.memory_space<hbm>> -> memref<8x128xf32, #tpu.memory_space<hbm>>
        tpu.enqueue_dma source(%dma_start3A_2569 : memref<8x128xf32, #tpu.memory_space<hbm>>) target(%dma_start3A_2567 : memref<8x128xf32, #tpu.memory_space<vmem>>) target_semaphore(%arg28 : memref<!tpu.dma_semaphore, #tpu.memory_space<semaphore_mem>>)
      } else {
      }
      %mul3A_809 = arith.constant 16 : i32
      %mul3A_810 = arith.muli %scan3A_552, %mul3A_809 : i32
      %add3A_811 = arith.constant 2 : i32
      %add3A_812 = arith.addi %mul3A_810, %add3A_811 : i32
      %dma_wait3A_813 = arith.constant 0 : i32
      %dma_wait3A_814 = arith.constant 0 : i32
      %dma_wait3A_815 = tpu.memref_slice %arg20[%dma_wait3A_813, %dma_wait3A_814] : memref<32x128xf32, #tpu.memory_space<vmem>> -> memref<8x128xf32, #tpu.memory_space<vmem>>
      %dma_wait3A_816 = arith.constant 0 : i32
      %dma_wait3A_817 = arith.constant 0 : i32
      %dma_wait3A_818 = tpu.memref_slice %arg6[%dma_wait3A_816, %dma_wait3A_817] : memref<32x1000001xf32, #tpu.memory_space<hbm>> -> memref<8x128xf32, #tpu.memory_space<hbm>>
      %dma_wait3A_819 = arith.constant 0 : i32
      %dma_wait3A_820 = arith.constant 0 : i32
      %dma_wait3A_821 = tpu.memref_slice %arg20[%dma_wait3A_819, %dma_wait3A_820] : memref<32x128xf32, #tpu.memory_space<vmem>> -> memref<8x128xf32, #tpu.memory_space<vmem>>
      %dma_wait3A_822 = arith.constant 0 : i32
      %dma_wait3A_823 = arith.constant 0 : i32
      %dma_wait3A_824 = tpu.memref_slice %arg6[%dma_wait3A_822, %dma_wait3A_823] : memref<32x1000001xf32, #tpu.memory_space<hbm>> -> memref<8x128xf32, #tpu.memory_space<hbm>>
      tpu.wait_dma2 semaphore(%arg29 : memref<!tpu.dma_semaphore, #tpu.memory_space<semaphore_mem>>) src(%dma_wait3A_824 : memref<8x128xf32, #tpu.memory_space<hbm>>) dst(%dma_wait3A_821 : memref<8x128xf32, #tpu.memory_space<vmem>>)
      %dma_wait3A_825 = arith.constant 8 : i32
      %dma_wait3A_826 = arith.constant 0 : i32
      %dma_wait3A_827 = tpu.memref_slice %arg20[%dma_wait3A_825, %dma_wait3A_826] : memref<32x128xf32, #tpu.memory_space<vmem>> -> memref<8x128xf32, #tpu.memory_space<vmem>>
      %dma_wait3A_828 = arith.constant 8 : i32
      %dma_wait3A_829 = arith.constant 0 : i32
      %dma_wait3A_830 = tpu.memref_slice %arg6[%dma_wait3A_828, %dma_wait3A_829] : memref<32x1000001xf32, #tpu.memory_space<hbm>> -> memref<8x128xf32, #tpu.memory_space<hbm>>
      %dma_wait3A_831 = arith.constant 8 : i32
      %dma_wait3A_832 = arith.constant 0 : i32
      %dma_wait3A_833 = tpu.memref_slice %arg20[%dma_wait3A_831, %dma_wait3A_832] : memref<32x128xf32, #tpu.memory_space<vmem>> -> memref<8x128xf32, #tpu.memory_space<vmem>>
      %dma_wait3A_834 = arith.constant 8 : i32
      %dma_wait3A_835 = arith.constant 0 : i32
      %dma_wait3A_836 = tpu.memref_slice %arg6[%dma_wait3A_834, %dma_wait3A_835] : memref<32x1000001xf32, #tpu.memory_space<hbm>> -> memref<8x128xf32, #tpu.memory_space<hbm>>
      tpu.wait_dma2 semaphore(%arg29 : memref<!tpu.dma_semaphore, #tpu.memory_space<semaphore_mem>>) src(%dma_wait3A_836 : memref<8x128xf32, #tpu.memory_space<hbm>>) dst(%dma_wait3A_833 : memref<8x128xf32, #tpu.memory_space<vmem>>)
      %dma_wait3A_837 = arith.constant 16 : i32
      %dma_wait3A_838 = arith.constant 0 : i32
      %dma_wait3A_839 = tpu.memref_slice %arg20[%dma_wait3A_837, %dma_wait3A_838] : memref<32x128xf32, #tpu.memory_space<vmem>> -> memref<8x128xf32, #tpu.memory_space<vmem>>
      %dma_wait3A_840 = arith.constant 16 : i32
      %dma_wait3A_841 = arith.constant 0 : i32
      %dma_wait3A_842 = tpu.memref_slice %arg6[%dma_wait3A_840, %dma_wait3A_841] : memref<32x1000001xf32, #tpu.memory_space<hbm>> -> memref<8x128xf32, #tpu.memory_space<hbm>>
      %dma_wait3A_843 = arith.constant 16 : i32
      %dma_wait3A_844 = arith.constant 0 : i32
      %dma_wait3A_845 = tpu.memref_slice %arg20[%dma_wait3A_843, %dma_wait3A_844] : memref<32x128xf32, #tpu.memory_space<vmem>> -> memref<8x128xf32, #tpu.memory_space<vmem>>
      %dma_wait3A_846 = arith.constant 16 : i32
      %dma_wait3A_847 = arith.constant 0 : i32
      %dma_wait3A_848 = tpu.memref_slice %arg6[%dma_wait3A_846, %dma_wait3A_847] : memref<32x1000001xf32, #tpu.memory_space<hbm>> -> memref<8x128xf32, #tpu.memory_space<hbm>>
      tpu.wait_dma2 semaphore(%arg29 : memref<!tpu.dma_semaphore, #tpu.memory_space<semaphore_mem>>) src(%dma_wait3A_848 : memref<8x128xf32, #tpu.memory_space<hbm>>) dst(%dma_wait3A_845 : memref<8x128xf32, #tpu.memory_space<vmem>>)
      %dma_wait3A_849 = arith.constant 24 : i32
      %dma_wait3A_850 = arith.constant 0 : i32
      %dma_wait3A_851 = tpu.memref_slice %arg20[%dma_wait3A_849, %dma_wait3A_850] : memref<32x128xf32, #tpu.memory_space<vmem>> -> memref<8x128xf32, #tpu.memory_space<vmem>>
      %dma_wait3A_852 = arith.constant 24 : i32
      %dma_wait3A_853 = arith.constant 0 : i32
      %dma_wait3A_854 = tpu.memref_slice %arg6[%dma_wait3A_852, %dma_wait3A_853] : memref<32x1000001xf32, #tpu.memory_space<hbm>> -> memref<8x128xf32, #tpu.memory_space<hbm>>
      %dma_wait3A_855 = arith.constant 24 : i32
      %dma_wait3A_856 = arith.constant 0 : i32
      %dma_wait3A_857 = tpu.memref_slice %arg20[%dma_wait3A_855, %dma_wait3A_856] : memref<32x128xf32, #tpu.memory_space<vmem>> -> memref<8x128xf32, #tpu.memory_space<vmem>>
      %dma_wait3A_858 = arith.constant 24 : i32
      %dma_wait3A_859 = arith.constant 0 : i32
      %dma_wait3A_860 = tpu.memref_slice %arg6[%dma_wait3A_858, %dma_wait3A_859] : memref<32x1000001xf32, #tpu.memory_space<hbm>> -> memref<8x128xf32, #tpu.memory_space<hbm>>
      tpu.wait_dma2 semaphore(%arg29 : memref<!tpu.dma_semaphore, #tpu.memory_space<semaphore_mem>>) src(%dma_wait3A_860 : memref<8x128xf32, #tpu.memory_space<hbm>>) dst(%dma_wait3A_857 : memref<8x128xf32, #tpu.memory_space<vmem>>)
      %slice3A_861 = vector.extract_strided_slice %get3A_556 {offsets = [2], sizes = [1], strides = [1]} : vector<16xi32> to vector<1xi32>
      %squeeze3A_862 = vector.extract %slice3A_861[0] : i32 from vector<1xi32>
      %jit3A_863 = arith.constant 128 : i32
      %eq3A_864 = arith.constant 0 : i32
      %eq3A_865 = arith.cmpi eq, %jit3A_863, %eq3A_864 : i32
      %jit3A_866 = arith.constant 1 : i32
      %select_n3A_867 = arith.select %eq3A_865, %jit3A_866, %jit3A_863 : i32
      %rem3A_868 = arith.remsi %squeeze3A_862, %select_n3A_867 : i32
      %ne3A_869 = arith.constant 0 : i32
      %ne3A_870 = arith.cmpi ne, %rem3A_868, %ne3A_869 : i32
      %lt3A_871 = arith.constant 0 : i32
      %lt3A_872 = arith.cmpi slt, %rem3A_868, %lt3A_871 : i32
      %lt3A_873 = arith.constant 0 : i32
      %lt3A_874 = arith.cmpi slt, %select_n3A_867, %lt3A_873 : i32
      %ne3A_875 = arith.xori %lt3A_872, %lt3A_874 : i1
      %and3A_876 = arith.andi %ne3A_875, %ne3A_870 : i1
      %add3A_877 = arith.addi %rem3A_868, %select_n3A_867 : i32
      %select_n3A_878 = arith.select %and3A_876, %add3A_877, %rem3A_868 : i32
      %broadcast_in_dim3A_879 = vector.broadcast %select_n3A_878 : i32 to vector<16xi32>
      %gather3A_880 = tpu.vector_load_idx %arg20[%iota3A, %broadcast_in_dim3A_879] : memref<32x128xf32, #tpu.memory_space<vmem>>[vector<16xi32>, vector<16xi32>], vector<16xf32>,
      %gather3A_881 = tpu.vector_load_idx %arg20[%add3A_5, %broadcast_in_dim3A_879] : memref<32x128xf32, #tpu.memory_space<vmem>>[vector<16xi32>, vector<16xi32>], vector<16xf32>,
      %swap3A_882 = arith.index_cast %add3A_812 : i32 to index
      %swap3A_883 = arith.constant 0 : index
      %swap3A_884 = tpu.vector_load %arg26[%swap3A_882, %swap3A_883] {strides = array<i32>} : memref<512x128xf32, #tpu.memory_space<vmem>>, vector<16xf32>,
      tpu.vector_store %arg26[%swap3A_882, %swap3A_883], %gather3A_880 {strides = array<i32>} : memref<512x128xf32, #tpu.memory_space<vmem>>, vector<16xf32>,
      %swap3A_885 = arith.index_cast %add3A_812 : i32 to index
      %swap3A_886 = arith.constant 16 : index
      %swap3A_887 = tpu.vector_load %arg26[%swap3A_885, %swap3A_886] {strides = array<i32>} : memref<512x128xf32, #tpu.memory_space<vmem>>, vector<16xf32>,
      tpu.vector_store %arg26[%swap3A_885, %swap3A_886], %gather3A_881 {strides = array<i32>} : memref<512x128xf32, #tpu.memory_space<vmem>>, vector<16xf32>,
      %slice3A_888 = vector.extract_strided_slice %get3A_566 {offsets = [2], sizes = [1], strides = [1]} : vector<16xi32> to vector<1xi32>
      %squeeze3A_889 = vector.extract %slice3A_888[0] : i32 from vector<1xi32>
      %broadcast_in_dim3A_890 = vector.broadcast %squeeze3A_889 : i32 to vector<16xi32>
      %gather3A_891 = tpu.vector_load_idx %arg15[%iota3A, %broadcast_in_dim3A_890] : memref<32x128xf32, #tpu.memory_space<vmem>>[vector<16xi32>, vector<16xi32>], vector<16xf32>,
      %gather3A_892 = tpu.vector_load_idx %arg15[%add3A_5, %broadcast_in_dim3A_890] : memref<32x128xf32, #tpu.memory_space<vmem>>[vector<16xi32>, vector<16xi32>], vector<16xf32>,
      %swap3A_893 = arith.index_cast %add3A_812 : i32 to index
      %swap3A_894 = arith.constant 32 : index
      %swap3A_895 = tpu.vector_load %arg26[%swap3A_893, %swap3A_894] {strides = array<i32>} : memref<512x128xf32, #tpu.memory_space<vmem>>, vector<16xf32>,
      tpu.vector_store %arg26[%swap3A_893, %swap3A_894], %gather3A_891 {strides = array<i32>} : memref<512x128xf32, #tpu.memory_space<vmem>>, vector<16xf32>,
      %swap3A_896 = arith.index_cast %add3A_812 : i32 to index
      %swap3A_897 = arith.constant 48 : index
      %swap3A_898 = tpu.vector_load %arg26[%swap3A_896, %swap3A_897] {strides = array<i32>} : memref<512x128xf32, #tpu.memory_space<vmem>>, vector<16xf32>,
      tpu.vector_store %arg26[%swap3A_896, %swap3A_897], %gather3A_892 {strides = array<i32>} : memref<512x128xf32, #tpu.memory_space<vmem>>, vector<16xf32>,
      %slice3A_899 = vector.extract_strided_slice %get3A_570 {offsets = [2], sizes = [1], strides = [1]} : vector<16xi32> to vector<1xi32>
      %squeeze3A_900 = vector.extract %slice3A_899[0] : i32 from vector<1xi32>
      %broadcast_in_dim3A_901 = vector.broadcast %squeeze3A_900 : i32 to vector<16xi32>
      %gather3A_902 = tpu.vector_load_idx %arg16[%iota3A, %broadcast_in_dim3A_901] : memref<32x128xf32, #tpu.memory_space<vmem>>[vector<16xi32>, vector<16xi32>], vector<16xf32>,
      %gather3A_903 = tpu.vector_load_idx %arg16[%add3A_5, %broadcast_in_dim3A_901] : memref<32x128xf32, #tpu.memory_space<vmem>>[vector<16xi32>, vector<16xi32>], vector<16xf32>,
      %swap3A_904 = arith.index_cast %add3A_812 : i32 to index
      %swap3A_905 = arith.constant 64 : index
      %swap3A_906 = tpu.vector_load %arg26[%swap3A_904, %swap3A_905] {strides = array<i32>} : memref<512x128xf32, #tpu.memory_space<vmem>>, vector<16xf32>,
      tpu.vector_store %arg26[%swap3A_904, %swap3A_905], %gather3A_902 {strides = array<i32>} : memref<512x128xf32, #tpu.memory_space<vmem>>, vector<16xf32>,
      %swap3A_907 = arith.index_cast %add3A_812 : i32 to index
      %swap3A_908 = arith.constant 80 : index
      %swap3A_909 = tpu.vector_load %arg26[%swap3A_907, %swap3A_908] {strides = array<i32>} : memref<512x128xf32, #tpu.memory_space<vmem>>, vector<16xf32>,
      tpu.vector_store %arg26[%swap3A_907, %swap3A_908], %gather3A_903 {strides = array<i32>} : memref<512x128xf32, #tpu.memory_space<vmem>>, vector<16xf32>,
      %slice3A_910 = vector.extract_strided_slice %get3A_574 {offsets = [2], sizes = [1], strides = [1]} : vector<16xi32> to vector<1xi32>
      %squeeze3A_911 = vector.extract %slice3A_910[0] : i32 from vector<1xi32>
      %broadcast_in_dim3A_912 = vector.broadcast %squeeze3A_911 : i32 to vector<16xi32>
      %gather3A_913 = tpu.vector_load_idx %arg17[%iota3A, %broadcast_in_dim3A_912] : memref<32x128xf32, #tpu.memory_space<vmem>>[vector<16xi32>, vector<16xi32>], vector<16xf32>,
      %gather3A_914 = tpu.vector_load_idx %arg17[%add3A_5, %broadcast_in_dim3A_912] : memref<32x128xf32, #tpu.memory_space<vmem>>[vector<16xi32>, vector<16xi32>], vector<16xf32>,
      %swap3A_915 = arith.index_cast %add3A_812 : i32 to index
      %swap3A_916 = arith.constant 96 : index
      %swap3A_917 = tpu.vector_load %arg26[%swap3A_915, %swap3A_916] {strides = array<i32>} : memref<512x128xf32, #tpu.memory_space<vmem>>, vector<16xf32>,
      tpu.vector_store %arg26[%swap3A_915, %swap3A_916], %gather3A_913 {strides = array<i32>} : memref<512x128xf32, #tpu.memory_space<vmem>>, vector<16xf32>,
      %swap3A_918 = arith.index_cast %add3A_812 : i32 to index
      %swap3A_919 = arith.constant 112 : index
      %swap3A_920 = tpu.vector_load %arg26[%swap3A_918, %swap3A_919] {strides = array<i32>} : memref<512x128xf32, #tpu.memory_space<vmem>>, vector<16xf32>,
      tpu.vector_store %arg26[%swap3A_918, %swap3A_919], %gather3A_914 {strides = array<i32>} : memref<512x128xf32, #tpu.memory_space<vmem>>, vector<16xf32>,
      %slice3A_921 = vector.extract_strided_slice %get3A_556 {offsets = [10], sizes = [1], strides = [1]} : vector<16xi32> to vector<1xi32>
      %squeeze3A_922 = vector.extract %slice3A_921[0] : i32 from vector<1xi32>
      %add3A_923 = arith.constant 8 : i32
      %add3A_924 = arith.addi %add3A_812, %add3A_923 : i32
      %lt3A_925 = arith.constant 512 : i32
      %lt3A_926 = arith.cmpi slt, %add3A_924, %lt3A_925 : i32
      %convert_element_type3A_927 = arith.extui %lt3A_926 : i1 to i32
      %cond3A_928 = arith.constant 0 : i32
      %cond3A_929 = arith.cmpi ne, %convert_element_type3A_927, %cond3A_928 : i32
      scf.if %cond3A_929 {
        %jit3A_2503 = arith.constant 128 : i32
        %div3A_2504 = arith.divsi %squeeze3A_922, %jit3A_2503 : i32
        %sign3A_2505 = arith.constant 0 : i32
        %sign3A_2506 = arith.cmpi sgt, %squeeze3A_922, %sign3A_2505 : i32
        %sign3A_2507 = arith.extui %sign3A_2506 : i1 to i32
        %sign3A_2508 = arith.constant 0 : i32
        %sign3A_2509 = arith.cmpi slt, %squeeze3A_922, %sign3A_2508 : i32
        %sign3A_2510 = arith.extui %sign3A_2509 : i1 to i32
        %sign3A_2511 = arith.subi %sign3A_2507, %sign3A_2510 : i32
        %sign3A_2512 = arith.constant 0 : i32
        %sign3A_2513 = arith.cmpi sgt, %jit3A_2503, %sign3A_2512 : i32
        %sign3A_2514 = arith.extui %sign3A_2513 : i1 to i32
        %sign3A_2515 = arith.constant 0 : i32
        %sign3A_2516 = arith.cmpi slt, %jit3A_2503, %sign3A_2515 : i32
        %sign3A_2517 = arith.extui %sign3A_2516 : i1 to i32
        %sign3A_2518 = arith.subi %sign3A_2514, %sign3A_2517 : i32
        %ne3A_2519 = arith.cmpi ne, %sign3A_2511, %sign3A_2518 : i32
        %rem3A_2520 = arith.remsi %squeeze3A_922, %jit3A_2503 : i32
        %ne3A_2521 = arith.constant 0 : i32
        %ne3A_2522 = arith.cmpi ne, %rem3A_2520, %ne3A_2521 : i32
        %and3A_2523 = arith.andi %ne3A_2519, %ne3A_2522 : i1
        %sub3A_2524 = arith.constant 1 : i32
        %sub3A_2525 = arith.subi %div3A_2504, %sub3A_2524 : i32
        %select_n3A_2526 = arith.select %and3A_2523, %sub3A_2525, %div3A_2504 : i32
        %mul3A_2527 = arith.constant 128 : i32
        %mul3A_2528 = arith.muli %select_n3A_2526, %mul3A_2527 : i32
        %multiple_of3A_2529 = tpu.assume_multiple %mul3A_2528, 128 : i32
        %dma_start3A_2530 = arith.constant 0 : i32
        %dma_start3A_2531 = arith.constant 0 : i32
        %dma_start3A_2532 = tpu.memref_slice %arg20[%dma_start3A_2530, %dma_start3A_2531] : memref<32x128xf32, #tpu.memory_space<vmem>> -> memref<8x128xf32, #tpu.memory_space<vmem>>
        %dma_start3A_2533 = arith.constant 0 : i32
        %dma_start3A_2534 = tpu.memref_slice %arg6[%dma_start3A_2533, %multiple_of3A_2529] : memref<32x1000001xf32, #tpu.memory_space<hbm>> -> memref<8x128xf32, #tpu.memory_space<hbm>>
        %dma_start3A_2535 = arith.constant 0 : i32
        %dma_start3A_2536 = arith.constant 0 : i32
        %dma_start3A_2537 = tpu.memref_slice %arg20[%dma_start3A_2535, %dma_start3A_2536] : memref<32x128xf32, #tpu.memory_space<vmem>> -> memref<8x128xf32, #tpu.memory_space<vmem>>
        %dma_start3A_2538 = arith.constant 0 : i32
        %dma_start3A_2539 = tpu.memref_slice %arg6[%dma_start3A_2538, %multiple_of3A_2529] : memref<32x1000001xf32, #tpu.memory_space<hbm>> -> memref<8x128xf32, #tpu.memory_space<hbm>>
        tpu.enqueue_dma source(%dma_start3A_2539 : memref<8x128xf32, #tpu.memory_space<hbm>>) target(%dma_start3A_2537 : memref<8x128xf32, #tpu.memory_space<vmem>>) target_semaphore(%arg29 : memref<!tpu.dma_semaphore, #tpu.memory_space<semaphore_mem>>)
        %dma_start3A_2540 = arith.constant 8 : i32
        %dma_start3A_2541 = arith.constant 0 : i32
        %dma_start3A_2542 = tpu.memref_slice %arg20[%dma_start3A_2540, %dma_start3A_2541] : memref<32x128xf32, #tpu.memory_space<vmem>> -> memref<8x128xf32, #tpu.memory_space<vmem>>
        %dma_start3A_2543 = arith.constant 8 : i32
        %dma_start3A_2544 = tpu.memref_slice %arg6[%dma_start3A_2543, %multiple_of3A_2529] : memref<32x1000001xf32, #tpu.memory_space<hbm>> -> memref<8x128xf32, #tpu.memory_space<hbm>>
        %dma_start3A_2545 = arith.constant 8 : i32
        %dma_start3A_2546 = arith.constant 0 : i32
        %dma_start3A_2547 = tpu.memref_slice %arg20[%dma_start3A_2545, %dma_start3A_2546] : memref<32x128xf32, #tpu.memory_space<vmem>> -> memref<8x128xf32, #tpu.memory_space<vmem>>
        %dma_start3A_2548 = arith.constant 8 : i32
        %dma_start3A_2549 = tpu.memref_slice %arg6[%dma_start3A_2548, %multiple_of3A_2529] : memref<32x1000001xf32, #tpu.memory_space<hbm>> -> memref<8x128xf32, #tpu.memory_space<hbm>>
        tpu.enqueue_dma source(%dma_start3A_2549 : memref<8x128xf32, #tpu.memory_space<hbm>>) target(%dma_start3A_2547 : memref<8x128xf32, #tpu.memory_space<vmem>>) target_semaphore(%arg29 : memref<!tpu.dma_semaphore, #tpu.memory_space<semaphore_mem>>)
        %dma_start3A_2550 = arith.constant 16 : i32
        %dma_start3A_2551 = arith.constant 0 : i32
        %dma_start3A_2552 = tpu.memref_slice %arg20[%dma_start3A_2550, %dma_start3A_2551] : memref<32x128xf32, #tpu.memory_space<vmem>> -> memref<8x128xf32, #tpu.memory_space<vmem>>
        %dma_start3A_2553 = arith.constant 16 : i32
        %dma_start3A_2554 = tpu.memref_slice %arg6[%dma_start3A_2553, %multiple_of3A_2529] : memref<32x1000001xf32, #tpu.memory_space<hbm>> -> memref<8x128xf32, #tpu.memory_space<hbm>>
        %dma_start3A_2555 = arith.constant 16 : i32
        %dma_start3A_2556 = arith.constant 0 : i32
        %dma_start3A_2557 = tpu.memref_slice %arg20[%dma_start3A_2555, %dma_start3A_2556] : memref<32x128xf32, #tpu.memory_space<vmem>> -> memref<8x128xf32, #tpu.memory_space<vmem>>
        %dma_start3A_2558 = arith.constant 16 : i32
        %dma_start3A_2559 = tpu.memref_slice %arg6[%dma_start3A_2558, %multiple_of3A_2529] : memref<32x1000001xf32, #tpu.memory_space<hbm>> -> memref<8x128xf32, #tpu.memory_space<hbm>>
        tpu.enqueue_dma source(%dma_start3A_2559 : memref<8x128xf32, #tpu.memory_space<hbm>>) target(%dma_start3A_2557 : memref<8x128xf32, #tpu.memory_space<vmem>>) target_semaphore(%arg29 : memref<!tpu.dma_semaphore, #tpu.memory_space<semaphore_mem>>)
        %dma_start3A_2560 = arith.constant 24 : i32
        %dma_start3A_2561 = arith.constant 0 : i32
        %dma_start3A_2562 = tpu.memref_slice %arg20[%dma_start3A_2560, %dma_start3A_2561] : memref<32x128xf32, #tpu.memory_space<vmem>> -> memref<8x128xf32, #tpu.memory_space<vmem>>
        %dma_start3A_2563 = arith.constant 24 : i32
        %dma_start3A_2564 = tpu.memref_slice %arg6[%dma_start3A_2563, %multiple_of3A_2529] : memref<32x1000001xf32, #tpu.memory_space<hbm>> -> memref<8x128xf32, #tpu.memory_space<hbm>>
        %dma_start3A_2565 = arith.constant 24 : i32
        %dma_start3A_2566 = arith.constant 0 : i32
        %dma_start3A_2567 = tpu.memref_slice %arg20[%dma_start3A_2565, %dma_start3A_2566] : memref<32x128xf32, #tpu.memory_space<vmem>> -> memref<8x128xf32, #tpu.memory_space<vmem>>
        %dma_start3A_2568 = arith.constant 24 : i32
        %dma_start3A_2569 = tpu.memref_slice %arg6[%dma_start3A_2568, %multiple_of3A_2529] : memref<32x1000001xf32, #tpu.memory_space<hbm>> -> memref<8x128xf32, #tpu.memory_space<hbm>>
        tpu.enqueue_dma source(%dma_start3A_2569 : memref<8x128xf32, #tpu.memory_space<hbm>>) target(%dma_start3A_2567 : memref<8x128xf32, #tpu.memory_space<vmem>>) target_semaphore(%arg29 : memref<!tpu.dma_semaphore, #tpu.memory_space<semaphore_mem>>)
      } else {
      }
      %mul3A_930 = arith.constant 16 : i32
      %mul3A_931 = arith.muli %scan3A_552, %mul3A_930 : i32
      %add3A_932 = arith.constant 3 : i32
      %add3A_933 = arith.addi %mul3A_931, %add3A_932 : i32
      %dma_wait3A_934 = arith.constant 0 : i32
      %dma_wait3A_935 = arith.constant 0 : i32
      %dma_wait3A_936 = tpu.memref_slice %arg21[%dma_wait3A_934, %dma_wait3A_935] : memref<32x128xf32, #tpu.memory_space<vmem>> -> memref<8x128xf32, #tpu.memory_space<vmem>>
      %dma_wait3A_937 = arith.constant 0 : i32
      %dma_wait3A_938 = arith.constant 0 : i32
      %dma_wait3A_939 = tpu.memref_slice %arg6[%dma_wait3A_937, %dma_wait3A_938] : memref<32x1000001xf32, #tpu.memory_space<hbm>> -> memref<8x128xf32, #tpu.memory_space<hbm>>
      %dma_wait3A_940 = arith.constant 0 : i32
      %dma_wait3A_941 = arith.constant 0 : i32
      %dma_wait3A_942 = tpu.memref_slice %arg21[%dma_wait3A_940, %dma_wait3A_941] : memref<32x128xf32, #tpu.memory_space<vmem>> -> memref<8x128xf32, #tpu.memory_space<vmem>>
      %dma_wait3A_943 = arith.constant 0 : i32
      %dma_wait3A_944 = arith.constant 0 : i32
      %dma_wait3A_945 = tpu.memref_slice %arg6[%dma_wait3A_943, %dma_wait3A_944] : memref<32x1000001xf32, #tpu.memory_space<hbm>> -> memref<8x128xf32, #tpu.memory_space<hbm>>
      tpu.wait_dma2 semaphore(%arg30 : memref<!tpu.dma_semaphore, #tpu.memory_space<semaphore_mem>>) src(%dma_wait3A_945 : memref<8x128xf32, #tpu.memory_space<hbm>>) dst(%dma_wait3A_942 : memref<8x128xf32, #tpu.memory_space<vmem>>)
      %dma_wait3A_946 = arith.constant 8 : i32
      %dma_wait3A_947 = arith.constant 0 : i32
      %dma_wait3A_948 = tpu.memref_slice %arg21[%dma_wait3A_946, %dma_wait3A_947] : memref<32x128xf32, #tpu.memory_space<vmem>> -> memref<8x128xf32, #tpu.memory_space<vmem>>
      %dma_wait3A_949 = arith.constant 8 : i32
      %dma_wait3A_950 = arith.constant 0 : i32
      %dma_wait3A_951 = tpu.memref_slice %arg6[%dma_wait3A_949, %dma_wait3A_950] : memref<32x1000001xf32, #tpu.memory_space<hbm>> -> memref<8x128xf32, #tpu.memory_space<hbm>>
      %dma_wait3A_952 = arith.constant 8 : i32
      %dma_wait3A_953 = arith.constant 0 : i32
      %dma_wait3A_954 = tpu.memref_slice %arg21[%dma_wait3A_952, %dma_wait3A_953] : memref<32x128xf32, #tpu.memory_space<vmem>> -> memref<8x128xf32, #tpu.memory_space<vmem>>
      %dma_wait3A_955 = arith.constant 8 : i32
      %dma_wait3A_956 = arith.constant 0 : i32
      %dma_wait3A_957 = tpu.memref_slice %arg6[%dma_wait3A_955, %dma_wait3A_956] : memref<32x1000001xf32, #tpu.memory_space<hbm>> -> memref<8x128xf32, #tpu.memory_space<hbm>>
      tpu.wait_dma2 semaphore(%arg30 : memref<!tpu.dma_semaphore, #tpu.memory_space<semaphore_mem>>) src(%dma_wait3A_957 : memref<8x128xf32, #tpu.memory_space<hbm>>) dst(%dma_wait3A_954 : memref<8x128xf32, #tpu.memory_space<vmem>>)
      %dma_wait3A_958 = arith.constant 16 : i32
      %dma_wait3A_959 = arith.constant 0 : i32
      %dma_wait3A_960 = tpu.memref_slice %arg21[%dma_wait3A_958, %dma_wait3A_959] : memref<32x128xf32, #tpu.memory_space<vmem>> -> memref<8x128xf32, #tpu.memory_space<vmem>>
      %dma_wait3A_961 = arith.constant 16 : i32
      %dma_wait3A_962 = arith.constant 0 : i32
      %dma_wait3A_963 = tpu.memref_slice %arg6[%dma_wait3A_961, %dma_wait3A_962] : memref<32x1000001xf32, #tpu.memory_space<hbm>> -> memref<8x128xf32, #tpu.memory_space<hbm>>
      %dma_wait3A_964 = arith.constant 16 : i32
      %dma_wait3A_965 = arith.constant 0 : i32
      %dma_wait3A_966 = tpu.memref_slice %arg21[%dma_wait3A_964, %dma_wait3A_965] : memref<32x128xf32, #tpu.memory_space<vmem>> -> memref<8x128xf32, #tpu.memory_space<vmem>>
      %dma_wait3A_967 = arith.constant 16 : i32
      %dma_wait3A_968 = arith.constant 0 : i32
      %dma_wait3A_969 = tpu.memref_slice %arg6[%dma_wait3A_967, %dma_wait3A_968] : memref<32x1000001xf32, #tpu.memory_space<hbm>> -> memref<8x128xf32, #tpu.memory_space<hbm>>
      tpu.wait_dma2 semaphore(%arg30 : memref<!tpu.dma_semaphore, #tpu.memory_space<semaphore_mem>>) src(%dma_wait3A_969 : memref<8x128xf32, #tpu.memory_space<hbm>>) dst(%dma_wait3A_966 : memref<8x128xf32, #tpu.memory_space<vmem>>)
      %dma_wait3A_970 = arith.constant 24 : i32
      %dma_wait3A_971 = arith.constant 0 : i32
      %dma_wait3A_972 = tpu.memref_slice %arg21[%dma_wait3A_970, %dma_wait3A_971] : memref<32x128xf32, #tpu.memory_space<vmem>> -> memref<8x128xf32, #tpu.memory_space<vmem>>
      %dma_wait3A_973 = arith.constant 24 : i32
      %dma_wait3A_974 = arith.constant 0 : i32
      %dma_wait3A_975 = tpu.memref_slice %arg6[%dma_wait3A_973, %dma_wait3A_974] : memref<32x1000001xf32, #tpu.memory_space<hbm>> -> memref<8x128xf32, #tpu.memory_space<hbm>>
      %dma_wait3A_976 = arith.constant 24 : i32
      %dma_wait3A_977 = arith.constant 0 : i32
      %dma_wait3A_978 = tpu.memref_slice %arg21[%dma_wait3A_976, %dma_wait3A_977] : memref<32x128xf32, #tpu.memory_space<vmem>> -> memref<8x128xf32, #tpu.memory_space<vmem>>
      %dma_wait3A_979 = arith.constant 24 : i32
      %dma_wait3A_980 = arith.constant 0 : i32
      %dma_wait3A_981 = tpu.memref_slice %arg6[%dma_wait3A_979, %dma_wait3A_980] : memref<32x1000001xf32, #tpu.memory_space<hbm>> -> memref<8x128xf32, #tpu.memory_space<hbm>>
      tpu.wait_dma2 semaphore(%arg30 : memref<!tpu.dma_semaphore, #tpu.memory_space<semaphore_mem>>) src(%dma_wait3A_981 : memref<8x128xf32, #tpu.memory_space<hbm>>) dst(%dma_wait3A_978 : memref<8x128xf32, #tpu.memory_space<vmem>>)
      %slice3A_982 = vector.extract_strided_slice %get3A_556 {offsets = [3], sizes = [1], strides = [1]} : vector<16xi32> to vector<1xi32>
      %squeeze3A_983 = vector.extract %slice3A_982[0] : i32 from vector<1xi32>
      %jit3A_984 = arith.constant 128 : i32
      %eq3A_985 = arith.constant 0 : i32
      %eq3A_986 = arith.cmpi eq, %jit3A_984, %eq3A_985 : i32
      %jit3A_987 = arith.constant 1 : i32
      %select_n3A_988 = arith.select %eq3A_986, %jit3A_987, %jit3A_984 : i32
      %rem3A_989 = arith.remsi %squeeze3A_983, %select_n3A_988 : i32
      %ne3A_990 = arith.constant 0 : i32
      %ne3A_991 = arith.cmpi ne, %rem3A_989, %ne3A_990 : i32
      %lt3A_992 = arith.constant 0 : i32
      %lt3A_993 = arith.cmpi slt, %rem3A_989, %lt3A_992 : i32
      %lt3A_994 = arith.constant 0 : i32
      %lt3A_995 = arith.cmpi slt, %select_n3A_988, %lt3A_994 : i32
      %ne3A_996 = arith.xori %lt3A_993, %lt3A_995 : i1
      %and3A_997 = arith.andi %ne3A_996, %ne3A_991 : i1
      %add3A_998 = arith.addi %rem3A_989, %select_n3A_988 : i32
      %select_n3A_999 = arith.select %and3A_997, %add3A_998, %rem3A_989 : i32
      %broadcast_in_dim3A_1000 = vector.broadcast %select_n3A_999 : i32 to vector<16xi32>
      %gather3A_1001 = tpu.vector_load_idx %arg21[%iota3A, %broadcast_in_dim3A_1000] : memref<32x128xf32, #tpu.memory_space<vmem>>[vector<16xi32>, vector<16xi32>], vector<16xf32>,
      %gather3A_1002 = tpu.vector_load_idx %arg21[%add3A_5, %broadcast_in_dim3A_1000] : memref<32x128xf32, #tpu.memory_space<vmem>>[vector<16xi32>, vector<16xi32>], vector<16xf32>,
      %swap3A_1003 = arith.index_cast %add3A_933 : i32 to index
      %swap3A_1004 = arith.constant 0 : index
      %swap3A_1005 = tpu.vector_load %arg26[%swap3A_1003, %swap3A_1004] {strides = array<i32>} : memref<512x128xf32, #tpu.memory_space<vmem>>, vector<16xf32>,
      tpu.vector_store %arg26[%swap3A_1003, %swap3A_1004], %gather3A_1001 {strides = array<i32>} : memref<512x128xf32, #tpu.memory_space<vmem>>, vector<16xf32>,
      %swap3A_1006 = arith.index_cast %add3A_933 : i32 to index
      %swap3A_1007 = arith.constant 16 : index
      %swap3A_1008 = tpu.vector_load %arg26[%swap3A_1006, %swap3A_1007] {strides = array<i32>} : memref<512x128xf32, #tpu.memory_space<vmem>>, vector<16xf32>,
      tpu.vector_store %arg26[%swap3A_1006, %swap3A_1007], %gather3A_1002 {strides = array<i32>} : memref<512x128xf32, #tpu.memory_space<vmem>>, vector<16xf32>,
      %slice3A_1009 = vector.extract_strided_slice %get3A_566 {offsets = [3], sizes = [1], strides = [1]} : vector<16xi32> to vector<1xi32>
      %squeeze3A_1010 = vector.extract %slice3A_1009[0] : i32 from vector<1xi32>
      %broadcast_in_dim3A_1011 = vector.broadcast %squeeze3A_1010 : i32 to vector<16xi32>
      %gather3A_1012 = tpu.vector_load_idx %arg15[%iota3A, %broadcast_in_dim3A_1011] : memref<32x128xf32, #tpu.memory_space<vmem>>[vector<16xi32>, vector<16xi32>], vector<16xf32>,
      %gather3A_1013 = tpu.vector_load_idx %arg15[%add3A_5, %broadcast_in_dim3A_1011] : memref<32x128xf32, #tpu.memory_space<vmem>>[vector<16xi32>, vector<16xi32>], vector<16xf32>,
      %swap3A_1014 = arith.index_cast %add3A_933 : i32 to index
      %swap3A_1015 = arith.constant 32 : index
      %swap3A_1016 = tpu.vector_load %arg26[%swap3A_1014, %swap3A_1015] {strides = array<i32>} : memref<512x128xf32, #tpu.memory_space<vmem>>, vector<16xf32>,
      tpu.vector_store %arg26[%swap3A_1014, %swap3A_1015], %gather3A_1012 {strides = array<i32>} : memref<512x128xf32, #tpu.memory_space<vmem>>, vector<16xf32>,
      %swap3A_1017 = arith.index_cast %add3A_933 : i32 to index
      %swap3A_1018 = arith.constant 48 : index
      %swap3A_1019 = tpu.vector_load %arg26[%swap3A_1017, %swap3A_1018] {strides = array<i32>} : memref<512x128xf32, #tpu.memory_space<vmem>>, vector<16xf32>,
      tpu.vector_store %arg26[%swap3A_1017, %swap3A_1018], %gather3A_1013 {strides = array<i32>} : memref<512x128xf32, #tpu.memory_space<vmem>>, vector<16xf32>,
      %slice3A_1020 = vector.extract_strided_slice %get3A_570 {offsets = [3], sizes = [1], strides = [1]} : vector<16xi32> to vector<1xi32>
      %squeeze3A_1021 = vector.extract %slice3A_1020[0] : i32 from vector<1xi32>
      %broadcast_in_dim3A_1022 = vector.broadcast %squeeze3A_1021 : i32 to vector<16xi32>
      %gather3A_1023 = tpu.vector_load_idx %arg16[%iota3A, %broadcast_in_dim3A_1022] : memref<32x128xf32, #tpu.memory_space<vmem>>[vector<16xi32>, vector<16xi32>], vector<16xf32>,
      %gather3A_1024 = tpu.vector_load_idx %arg16[%add3A_5, %broadcast_in_dim3A_1022] : memref<32x128xf32, #tpu.memory_space<vmem>>[vector<16xi32>, vector<16xi32>], vector<16xf32>,
      %swap3A_1025 = arith.index_cast %add3A_933 : i32 to index
      %swap3A_1026 = arith.constant 64 : index
      %swap3A_1027 = tpu.vector_load %arg26[%swap3A_1025, %swap3A_1026] {strides = array<i32>} : memref<512x128xf32, #tpu.memory_space<vmem>>, vector<16xf32>,
      tpu.vector_store %arg26[%swap3A_1025, %swap3A_1026], %gather3A_1023 {strides = array<i32>} : memref<512x128xf32, #tpu.memory_space<vmem>>, vector<16xf32>,
      %swap3A_1028 = arith.index_cast %add3A_933 : i32 to index
      %swap3A_1029 = arith.constant 80 : index
      %swap3A_1030 = tpu.vector_load %arg26[%swap3A_1028, %swap3A_1029] {strides = array<i32>} : memref<512x128xf32, #tpu.memory_space<vmem>>, vector<16xf32>,
      tpu.vector_store %arg26[%swap3A_1028, %swap3A_1029], %gather3A_1024 {strides = array<i32>} : memref<512x128xf32, #tpu.memory_space<vmem>>, vector<16xf32>,
      %slice3A_1031 = vector.extract_strided_slice %get3A_574 {offsets = [3], sizes = [1], strides = [1]} : vector<16xi32> to vector<1xi32>
      %squeeze3A_1032 = vector.extract %slice3A_1031[0] : i32 from vector<1xi32>
      %broadcast_in_dim3A_1033 = vector.broadcast %squeeze3A_1032 : i32 to vector<16xi32>
      %gather3A_1034 = tpu.vector_load_idx %arg17[%iota3A, %broadcast_in_dim3A_1033] : memref<32x128xf32, #tpu.memory_space<vmem>>[vector<16xi32>, vector<16xi32>], vector<16xf32>,
      %gather3A_1035 = tpu.vector_load_idx %arg17[%add3A_5, %broadcast_in_dim3A_1033] : memref<32x128xf32, #tpu.memory_space<vmem>>[vector<16xi32>, vector<16xi32>], vector<16xf32>,
      %swap3A_1036 = arith.index_cast %add3A_933 : i32 to index
      %swap3A_1037 = arith.constant 96 : index
      %swap3A_1038 = tpu.vector_load %arg26[%swap3A_1036, %swap3A_1037] {strides = array<i32>} : memref<512x128xf32, #tpu.memory_space<vmem>>, vector<16xf32>,
      tpu.vector_store %arg26[%swap3A_1036, %swap3A_1037], %gather3A_1034 {strides = array<i32>} : memref<512x128xf32, #tpu.memory_space<vmem>>, vector<16xf32>,
      %swap3A_1039 = arith.index_cast %add3A_933 : i32 to index
      %swap3A_1040 = arith.constant 112 : index
      %swap3A_1041 = tpu.vector_load %arg26[%swap3A_1039, %swap3A_1040] {strides = array<i32>} : memref<512x128xf32, #tpu.memory_space<vmem>>, vector<16xf32>,
      tpu.vector_store %arg26[%swap3A_1039, %swap3A_1040], %gather3A_1035 {strides = array<i32>} : memref<512x128xf32, #tpu.memory_space<vmem>>, vector<16xf32>,
      %slice3A_1042 = vector.extract_strided_slice %get3A_556 {offsets = [11], sizes = [1], strides = [1]} : vector<16xi32> to vector<1xi32>
      %squeeze3A_1043 = vector.extract %slice3A_1042[0] : i32 from vector<1xi32>
      %add3A_1044 = arith.constant 8 : i32
      %add3A_1045 = arith.addi %add3A_933, %add3A_1044 : i32
      %lt3A_1046 = arith.constant 512 : i32
      %lt3A_1047 = arith.cmpi slt, %add3A_1045, %lt3A_1046 : i32
      %convert_element_type3A_1048 = arith.extui %lt3A_1047 : i1 to i32
      %cond3A_1049 = arith.constant 0 : i32
      %cond3A_1050 = arith.cmpi ne, %convert_element_type3A_1048, %cond3A_1049 : i32
      scf.if %cond3A_1050 {
        %jit3A_2503 = arith.constant 128 : i32
        %div3A_2504 = arith.divsi %squeeze3A_1043, %jit3A_2503 : i32
        %sign3A_2505 = arith.constant 0 : i32
        %sign3A_2506 = arith.cmpi sgt, %squeeze3A_1043, %sign3A_2505 : i32
        %sign3A_2507 = arith.extui %sign3A_2506 : i1 to i32
        %sign3A_2508 = arith.constant 0 : i32
        %sign3A_2509 = arith.cmpi slt, %squeeze3A_1043, %sign3A_2508 : i32
        %sign3A_2510 = arith.extui %sign3A_2509 : i1 to i32
        %sign3A_2511 = arith.subi %sign3A_2507, %sign3A_2510 : i32
        %sign3A_2512 = arith.constant 0 : i32
        %sign3A_2513 = arith.cmpi sgt, %jit3A_2503, %sign3A_2512 : i32
        %sign3A_2514 = arith.extui %sign3A_2513 : i1 to i32
        %sign3A_2515 = arith.constant 0 : i32
        %sign3A_2516 = arith.cmpi slt, %jit3A_2503, %sign3A_2515 : i32
        %sign3A_2517 = arith.extui %sign3A_2516 : i1 to i32
        %sign3A_2518 = arith.subi %sign3A_2514, %sign3A_2517 : i32
        %ne3A_2519 = arith.cmpi ne, %sign3A_2511, %sign3A_2518 : i32
        %rem3A_2520 = arith.remsi %squeeze3A_1043, %jit3A_2503 : i32
        %ne3A_2521 = arith.constant 0 : i32
        %ne3A_2522 = arith.cmpi ne, %rem3A_2520, %ne3A_2521 : i32
        %and3A_2523 = arith.andi %ne3A_2519, %ne3A_2522 : i1
        %sub3A_2524 = arith.constant 1 : i32
        %sub3A_2525 = arith.subi %div3A_2504, %sub3A_2524 : i32
        %select_n3A_2526 = arith.select %and3A_2523, %sub3A_2525, %div3A_2504 : i32
        %mul3A_2527 = arith.constant 128 : i32
        %mul3A_2528 = arith.muli %select_n3A_2526, %mul3A_2527 : i32
        %multiple_of3A_2529 = tpu.assume_multiple %mul3A_2528, 128 : i32
        %dma_start3A_2530 = arith.constant 0 : i32
        %dma_start3A_2531 = arith.constant 0 : i32
        %dma_start3A_2532 = tpu.memref_slice %arg21[%dma_start3A_2530, %dma_start3A_2531] : memref<32x128xf32, #tpu.memory_space<vmem>> -> memref<8x128xf32, #tpu.memory_space<vmem>>
        %dma_start3A_2533 = arith.constant 0 : i32
        %dma_start3A_2534 = tpu.memref_slice %arg6[%dma_start3A_2533, %multiple_of3A_2529] : memref<32x1000001xf32, #tpu.memory_space<hbm>> -> memref<8x128xf32, #tpu.memory_space<hbm>>
        %dma_start3A_2535 = arith.constant 0 : i32
        %dma_start3A_2536 = arith.constant 0 : i32
        %dma_start3A_2537 = tpu.memref_slice %arg21[%dma_start3A_2535, %dma_start3A_2536] : memref<32x128xf32, #tpu.memory_space<vmem>> -> memref<8x128xf32, #tpu.memory_space<vmem>>
        %dma_start3A_2538 = arith.constant 0 : i32
        %dma_start3A_2539 = tpu.memref_slice %arg6[%dma_start3A_2538, %multiple_of3A_2529] : memref<32x1000001xf32, #tpu.memory_space<hbm>> -> memref<8x128xf32, #tpu.memory_space<hbm>>
        tpu.enqueue_dma source(%dma_start3A_2539 : memref<8x128xf32, #tpu.memory_space<hbm>>) target(%dma_start3A_2537 : memref<8x128xf32, #tpu.memory_space<vmem>>) target_semaphore(%arg30 : memref<!tpu.dma_semaphore, #tpu.memory_space<semaphore_mem>>)
        %dma_start3A_2540 = arith.constant 8 : i32
        %dma_start3A_2541 = arith.constant 0 : i32
        %dma_start3A_2542 = tpu.memref_slice %arg21[%dma_start3A_2540, %dma_start3A_2541] : memref<32x128xf32, #tpu.memory_space<vmem>> -> memref<8x128xf32, #tpu.memory_space<vmem>>
        %dma_start3A_2543 = arith.constant 8 : i32
        %dma_start3A_2544 = tpu.memref_slice %arg6[%dma_start3A_2543, %multiple_of3A_2529] : memref<32x1000001xf32, #tpu.memory_space<hbm>> -> memref<8x128xf32, #tpu.memory_space<hbm>>
        %dma_start3A_2545 = arith.constant 8 : i32
        %dma_start3A_2546 = arith.constant 0 : i32
        %dma_start3A_2547 = tpu.memref_slice %arg21[%dma_start3A_2545, %dma_start3A_2546] : memref<32x128xf32, #tpu.memory_space<vmem>> -> memref<8x128xf32, #tpu.memory_space<vmem>>
        %dma_start3A_2548 = arith.constant 8 : i32
        %dma_start3A_2549 = tpu.memref_slice %arg6[%dma_start3A_2548, %multiple_of3A_2529] : memref<32x1000001xf32, #tpu.memory_space<hbm>> -> memref<8x128xf32, #tpu.memory_space<hbm>>
        tpu.enqueue_dma source(%dma_start3A_2549 : memref<8x128xf32, #tpu.memory_space<hbm>>) target(%dma_start3A_2547 : memref<8x128xf32, #tpu.memory_space<vmem>>) target_semaphore(%arg30 : memref<!tpu.dma_semaphore, #tpu.memory_space<semaphore_mem>>)
        %dma_start3A_2550 = arith.constant 16 : i32
        %dma_start3A_2551 = arith.constant 0 : i32
        %dma_start3A_2552 = tpu.memref_slice %arg21[%dma_start3A_2550, %dma_start3A_2551] : memref<32x128xf32, #tpu.memory_space<vmem>> -> memref<8x128xf32, #tpu.memory_space<vmem>>
        %dma_start3A_2553 = arith.constant 16 : i32
        %dma_start3A_2554 = tpu.memref_slice %arg6[%dma_start3A_2553, %multiple_of3A_2529] : memref<32x1000001xf32, #tpu.memory_space<hbm>> -> memref<8x128xf32, #tpu.memory_space<hbm>>
        %dma_start3A_2555 = arith.constant 16 : i32
        %dma_start3A_2556 = arith.constant 0 : i32
        %dma_start3A_2557 = tpu.memref_slice %arg21[%dma_start3A_2555, %dma_start3A_2556] : memref<32x128xf32, #tpu.memory_space<vmem>> -> memref<8x128xf32, #tpu.memory_space<vmem>>
        %dma_start3A_2558 = arith.constant 16 : i32
        %dma_start3A_2559 = tpu.memref_slice %arg6[%dma_start3A_2558, %multiple_of3A_2529] : memref<32x1000001xf32, #tpu.memory_space<hbm>> -> memref<8x128xf32, #tpu.memory_space<hbm>>
        tpu.enqueue_dma source(%dma_start3A_2559 : memref<8x128xf32, #tpu.memory_space<hbm>>) target(%dma_start3A_2557 : memref<8x128xf32, #tpu.memory_space<vmem>>) target_semaphore(%arg30 : memref<!tpu.dma_semaphore, #tpu.memory_space<semaphore_mem>>)
        %dma_start3A_2560 = arith.constant 24 : i32
        %dma_start3A_2561 = arith.constant 0 : i32
        %dma_start3A_2562 = tpu.memref_slice %arg21[%dma_start3A_2560, %dma_start3A_2561] : memref<32x128xf32, #tpu.memory_space<vmem>> -> memref<8x128xf32, #tpu.memory_space<vmem>>
        %dma_start3A_2563 = arith.constant 24 : i32
        %dma_start3A_2564 = tpu.memref_slice %arg6[%dma_start3A_2563, %multiple_of3A_2529] : memref<32x1000001xf32, #tpu.memory_space<hbm>> -> memref<8x128xf32, #tpu.memory_space<hbm>>
        %dma_start3A_2565 = arith.constant 24 : i32
        %dma_start3A_2566 = arith.constant 0 : i32
        %dma_start3A_2567 = tpu.memref_slice %arg21[%dma_start3A_2565, %dma_start3A_2566] : memref<32x128xf32, #tpu.memory_space<vmem>> -> memref<8x128xf32, #tpu.memory_space<vmem>>
        %dma_start3A_2568 = arith.constant 24 : i32
        %dma_start3A_2569 = tpu.memref_slice %arg6[%dma_start3A_2568, %multiple_of3A_2529] : memref<32x1000001xf32, #tpu.memory_space<hbm>> -> memref<8x128xf32, #tpu.memory_space<hbm>>
        tpu.enqueue_dma source(%dma_start3A_2569 : memref<8x128xf32, #tpu.memory_space<hbm>>) target(%dma_start3A_2567 : memref<8x128xf32, #tpu.memory_space<vmem>>) target_semaphore(%arg30 : memref<!tpu.dma_semaphore, #tpu.memory_space<semaphore_mem>>)
      } else {
      }
      %mul3A_1051 = arith.constant 16 : i32
      %mul3A_1052 = arith.muli %scan3A_552, %mul3A_1051 : i32
      %add3A_1053 = arith.constant 4 : i32
      %add3A_1054 = arith.addi %mul3A_1052, %add3A_1053 : i32
      %dma_wait3A_1055 = arith.constant 0 : i32
      %dma_wait3A_1056 = arith.constant 0 : i32
      %dma_wait3A_1057 = tpu.memref_slice %arg22[%dma_wait3A_1055, %dma_wait3A_1056] : memref<32x128xf32, #tpu.memory_space<vmem>> -> memref<8x128xf32, #tpu.memory_space<vmem>>
      %dma_wait3A_1058 = arith.constant 0 : i32
      %dma_wait3A_1059 = arith.constant 0 : i32
      %dma_wait3A_1060 = tpu.memref_slice %arg6[%dma_wait3A_1058, %dma_wait3A_1059] : memref<32x1000001xf32, #tpu.memory_space<hbm>> -> memref<8x128xf32, #tpu.memory_space<hbm>>
      %dma_wait3A_1061 = arith.constant 0 : i32
      %dma_wait3A_1062 = arith.constant 0 : i32
      %dma_wait3A_1063 = tpu.memref_slice %arg22[%dma_wait3A_1061, %dma_wait3A_1062] : memref<32x128xf32, #tpu.memory_space<vmem>> -> memref<8x128xf32, #tpu.memory_space<vmem>>
      %dma_wait3A_1064 = arith.constant 0 : i32
      %dma_wait3A_1065 = arith.constant 0 : i32
      %dma_wait3A_1066 = tpu.memref_slice %arg6[%dma_wait3A_1064, %dma_wait3A_1065] : memref<32x1000001xf32, #tpu.memory_space<hbm>> -> memref<8x128xf32, #tpu.memory_space<hbm>>
      tpu.wait_dma2 semaphore(%arg31 : memref<!tpu.dma_semaphore, #tpu.memory_space<semaphore_mem>>) src(%dma_wait3A_1066 : memref<8x128xf32, #tpu.memory_space<hbm>>) dst(%dma_wait3A_1063 : memref<8x128xf32, #tpu.memory_space<vmem>>)
      %dma_wait3A_1067 = arith.constant 8 : i32
      %dma_wait3A_1068 = arith.constant 0 : i32
      %dma_wait3A_1069 = tpu.memref_slice %arg22[%dma_wait3A_1067, %dma_wait3A_1068] : memref<32x128xf32, #tpu.memory_space<vmem>> -> memref<8x128xf32, #tpu.memory_space<vmem>>
      %dma_wait3A_1070 = arith.constant 8 : i32
      %dma_wait3A_1071 = arith.constant 0 : i32
      %dma_wait3A_1072 = tpu.memref_slice %arg6[%dma_wait3A_1070, %dma_wait3A_1071] : memref<32x1000001xf32, #tpu.memory_space<hbm>> -> memref<8x128xf32, #tpu.memory_space<hbm>>
      %dma_wait3A_1073 = arith.constant 8 : i32
      %dma_wait3A_1074 = arith.constant 0 : i32
      %dma_wait3A_1075 = tpu.memref_slice %arg22[%dma_wait3A_1073, %dma_wait3A_1074] : memref<32x128xf32, #tpu.memory_space<vmem>> -> memref<8x128xf32, #tpu.memory_space<vmem>>
      %dma_wait3A_1076 = arith.constant 8 : i32
      %dma_wait3A_1077 = arith.constant 0 : i32
      %dma_wait3A_1078 = tpu.memref_slice %arg6[%dma_wait3A_1076, %dma_wait3A_1077] : memref<32x1000001xf32, #tpu.memory_space<hbm>> -> memref<8x128xf32, #tpu.memory_space<hbm>>
      tpu.wait_dma2 semaphore(%arg31 : memref<!tpu.dma_semaphore, #tpu.memory_space<semaphore_mem>>) src(%dma_wait3A_1078 : memref<8x128xf32, #tpu.memory_space<hbm>>) dst(%dma_wait3A_1075 : memref<8x128xf32, #tpu.memory_space<vmem>>)
      %dma_wait3A_1079 = arith.constant 16 : i32
      %dma_wait3A_1080 = arith.constant 0 : i32
      %dma_wait3A_1081 = tpu.memref_slice %arg22[%dma_wait3A_1079, %dma_wait3A_1080] : memref<32x128xf32, #tpu.memory_space<vmem>> -> memref<8x128xf32, #tpu.memory_space<vmem>>
      %dma_wait3A_1082 = arith.constant 16 : i32
      %dma_wait3A_1083 = arith.constant 0 : i32
      %dma_wait3A_1084 = tpu.memref_slice %arg6[%dma_wait3A_1082, %dma_wait3A_1083] : memref<32x1000001xf32, #tpu.memory_space<hbm>> -> memref<8x128xf32, #tpu.memory_space<hbm>>
      %dma_wait3A_1085 = arith.constant 16 : i32
      %dma_wait3A_1086 = arith.constant 0 : i32
      %dma_wait3A_1087 = tpu.memref_slice %arg22[%dma_wait3A_1085, %dma_wait3A_1086] : memref<32x128xf32, #tpu.memory_space<vmem>> -> memref<8x128xf32, #tpu.memory_space<vmem>>
      %dma_wait3A_1088 = arith.constant 16 : i32
      %dma_wait3A_1089 = arith.constant 0 : i32
      %dma_wait3A_1090 = tpu.memref_slice %arg6[%dma_wait3A_1088, %dma_wait3A_1089] : memref<32x1000001xf32, #tpu.memory_space<hbm>> -> memref<8x128xf32, #tpu.memory_space<hbm>>
      tpu.wait_dma2 semaphore(%arg31 : memref<!tpu.dma_semaphore, #tpu.memory_space<semaphore_mem>>) src(%dma_wait3A_1090 : memref<8x128xf32, #tpu.memory_space<hbm>>) dst(%dma_wait3A_1087 : memref<8x128xf32, #tpu.memory_space<vmem>>)
      %dma_wait3A_1091 = arith.constant 24 : i32
      %dma_wait3A_1092 = arith.constant 0 : i32
      %dma_wait3A_1093 = tpu.memref_slice %arg22[%dma_wait3A_1091, %dma_wait3A_1092] : memref<32x128xf32, #tpu.memory_space<vmem>> -> memref<8x128xf32, #tpu.memory_space<vmem>>
      %dma_wait3A_1094 = arith.constant 24 : i32
      %dma_wait3A_1095 = arith.constant 0 : i32
      %dma_wait3A_1096 = tpu.memref_slice %arg6[%dma_wait3A_1094, %dma_wait3A_1095] : memref<32x1000001xf32, #tpu.memory_space<hbm>> -> memref<8x128xf32, #tpu.memory_space<hbm>>
      %dma_wait3A_1097 = arith.constant 24 : i32
      %dma_wait3A_1098 = arith.constant 0 : i32
      %dma_wait3A_1099 = tpu.memref_slice %arg22[%dma_wait3A_1097, %dma_wait3A_1098] : memref<32x128xf32, #tpu.memory_space<vmem>> -> memref<8x128xf32, #tpu.memory_space<vmem>>
      %dma_wait3A_1100 = arith.constant 24 : i32
      %dma_wait3A_1101 = arith.constant 0 : i32
      %dma_wait3A_1102 = tpu.memref_slice %arg6[%dma_wait3A_1100, %dma_wait3A_1101] : memref<32x1000001xf32, #tpu.memory_space<hbm>> -> memref<8x128xf32, #tpu.memory_space<hbm>>
      tpu.wait_dma2 semaphore(%arg31 : memref<!tpu.dma_semaphore, #tpu.memory_space<semaphore_mem>>) src(%dma_wait3A_1102 : memref<8x128xf32, #tpu.memory_space<hbm>>) dst(%dma_wait3A_1099 : memref<8x128xf32, #tpu.memory_space<vmem>>)
      %slice3A_1103 = vector.extract_strided_slice %get3A_556 {offsets = [4], sizes = [1], strides = [1]} : vector<16xi32> to vector<1xi32>
      %squeeze3A_1104 = vector.extract %slice3A_1103[0] : i32 from vector<1xi32>
      %jit3A_1105 = arith.constant 128 : i32
      %eq3A_1106 = arith.constant 0 : i32
      %eq3A_1107 = arith.cmpi eq, %jit3A_1105, %eq3A_1106 : i32
      %jit3A_1108 = arith.constant 1 : i32
      %select_n3A_1109 = arith.select %eq3A_1107, %jit3A_1108, %jit3A_1105 : i32
      %rem3A_1110 = arith.remsi %squeeze3A_1104, %select_n3A_1109 : i32
      %ne3A_1111 = arith.constant 0 : i32
      %ne3A_1112 = arith.cmpi ne, %rem3A_1110, %ne3A_1111 : i32
      %lt3A_1113 = arith.constant 0 : i32
      %lt3A_1114 = arith.cmpi slt, %rem3A_1110, %lt3A_1113 : i32
      %lt3A_1115 = arith.constant 0 : i32
      %lt3A_1116 = arith.cmpi slt, %select_n3A_1109, %lt3A_1115 : i32
      %ne3A_1117 = arith.xori %lt3A_1114, %lt3A_1116 : i1
      %and3A_1118 = arith.andi %ne3A_1117, %ne3A_1112 : i1
      %add3A_1119 = arith.addi %rem3A_1110, %select_n3A_1109 : i32
      %select_n3A_1120 = arith.select %and3A_1118, %add3A_1119, %rem3A_1110 : i32
      %broadcast_in_dim3A_1121 = vector.broadcast %select_n3A_1120 : i32 to vector<16xi32>
      %gather3A_1122 = tpu.vector_load_idx %arg22[%iota3A, %broadcast_in_dim3A_1121] : memref<32x128xf32, #tpu.memory_space<vmem>>[vector<16xi32>, vector<16xi32>], vector<16xf32>,
      %gather3A_1123 = tpu.vector_load_idx %arg22[%add3A_5, %broadcast_in_dim3A_1121] : memref<32x128xf32, #tpu.memory_space<vmem>>[vector<16xi32>, vector<16xi32>], vector<16xf32>,
      %swap3A_1124 = arith.index_cast %add3A_1054 : i32 to index
      %swap3A_1125 = arith.constant 0 : index
      %swap3A_1126 = tpu.vector_load %arg26[%swap3A_1124, %swap3A_1125] {strides = array<i32>} : memref<512x128xf32, #tpu.memory_space<vmem>>, vector<16xf32>,
      tpu.vector_store %arg26[%swap3A_1124, %swap3A_1125], %gather3A_1122 {strides = array<i32>} : memref<512x128xf32, #tpu.memory_space<vmem>>, vector<16xf32>,
      %swap3A_1127 = arith.index_cast %add3A_1054 : i32 to index
      %swap3A_1128 = arith.constant 16 : index
      %swap3A_1129 = tpu.vector_load %arg26[%swap3A_1127, %swap3A_1128] {strides = array<i32>} : memref<512x128xf32, #tpu.memory_space<vmem>>, vector<16xf32>,
      tpu.vector_store %arg26[%swap3A_1127, %swap3A_1128], %gather3A_1123 {strides = array<i32>} : memref<512x128xf32, #tpu.memory_space<vmem>>, vector<16xf32>,
      %slice3A_1130 = vector.extract_strided_slice %get3A_566 {offsets = [4], sizes = [1], strides = [1]} : vector<16xi32> to vector<1xi32>
      %squeeze3A_1131 = vector.extract %slice3A_1130[0] : i32 from vector<1xi32>
      %broadcast_in_dim3A_1132 = vector.broadcast %squeeze3A_1131 : i32 to vector<16xi32>
      %gather3A_1133 = tpu.vector_load_idx %arg15[%iota3A, %broadcast_in_dim3A_1132] : memref<32x128xf32, #tpu.memory_space<vmem>>[vector<16xi32>, vector<16xi32>], vector<16xf32>,
      %gather3A_1134 = tpu.vector_load_idx %arg15[%add3A_5, %broadcast_in_dim3A_1132] : memref<32x128xf32, #tpu.memory_space<vmem>>[vector<16xi32>, vector<16xi32>], vector<16xf32>,
      %swap3A_1135 = arith.index_cast %add3A_1054 : i32 to index
      %swap3A_1136 = arith.constant 32 : index
      %swap3A_1137 = tpu.vector_load %arg26[%swap3A_1135, %swap3A_1136] {strides = array<i32>} : memref<512x128xf32, #tpu.memory_space<vmem>>, vector<16xf32>,
      tpu.vector_store %arg26[%swap3A_1135, %swap3A_1136], %gather3A_1133 {strides = array<i32>} : memref<512x128xf32, #tpu.memory_space<vmem>>, vector<16xf32>,
      %swap3A_1138 = arith.index_cast %add3A_1054 : i32 to index
      %swap3A_1139 = arith.constant 48 : index
      %swap3A_1140 = tpu.vector_load %arg26[%swap3A_1138, %swap3A_1139] {strides = array<i32>} : memref<512x128xf32, #tpu.memory_space<vmem>>, vector<16xf32>,
      tpu.vector_store %arg26[%swap3A_1138, %swap3A_1139], %gather3A_1134 {strides = array<i32>} : memref<512x128xf32, #tpu.memory_space<vmem>>, vector<16xf32>,
      %slice3A_1141 = vector.extract_strided_slice %get3A_570 {offsets = [4], sizes = [1], strides = [1]} : vector<16xi32> to vector<1xi32>
      %squeeze3A_1142 = vector.extract %slice3A_1141[0] : i32 from vector<1xi32>
      %broadcast_in_dim3A_1143 = vector.broadcast %squeeze3A_1142 : i32 to vector<16xi32>
      %gather3A_1144 = tpu.vector_load_idx %arg16[%iota3A, %broadcast_in_dim3A_1143] : memref<32x128xf32, #tpu.memory_space<vmem>>[vector<16xi32>, vector<16xi32>], vector<16xf32>,
      %gather3A_1145 = tpu.vector_load_idx %arg16[%add3A_5, %broadcast_in_dim3A_1143] : memref<32x128xf32, #tpu.memory_space<vmem>>[vector<16xi32>, vector<16xi32>], vector<16xf32>,
      %swap3A_1146 = arith.index_cast %add3A_1054 : i32 to index
      %swap3A_1147 = arith.constant 64 : index
      %swap3A_1148 = tpu.vector_load %arg26[%swap3A_1146, %swap3A_1147] {strides = array<i32>} : memref<512x128xf32, #tpu.memory_space<vmem>>, vector<16xf32>,
      tpu.vector_store %arg26[%swap3A_1146, %swap3A_1147], %gather3A_1144 {strides = array<i32>} : memref<512x128xf32, #tpu.memory_space<vmem>>, vector<16xf32>,
      %swap3A_1149 = arith.index_cast %add3A_1054 : i32 to index
      %swap3A_1150 = arith.constant 80 : index
      %swap3A_1151 = tpu.vector_load %arg26[%swap3A_1149, %swap3A_1150] {strides = array<i32>} : memref<512x128xf32, #tpu.memory_space<vmem>>, vector<16xf32>,
      tpu.vector_store %arg26[%swap3A_1149, %swap3A_1150], %gather3A_1145 {strides = array<i32>} : memref<512x128xf32, #tpu.memory_space<vmem>>, vector<16xf32>,
      %slice3A_1152 = vector.extract_strided_slice %get3A_574 {offsets = [4], sizes = [1], strides = [1]} : vector<16xi32> to vector<1xi32>
      %squeeze3A_1153 = vector.extract %slice3A_1152[0] : i32 from vector<1xi32>
      %broadcast_in_dim3A_1154 = vector.broadcast %squeeze3A_1153 : i32 to vector<16xi32>
      %gather3A_1155 = tpu.vector_load_idx %arg17[%iota3A, %broadcast_in_dim3A_1154] : memref<32x128xf32, #tpu.memory_space<vmem>>[vector<16xi32>, vector<16xi32>], vector<16xf32>,
      %gather3A_1156 = tpu.vector_load_idx %arg17[%add3A_5, %broadcast_in_dim3A_1154] : memref<32x128xf32, #tpu.memory_space<vmem>>[vector<16xi32>, vector<16xi32>], vector<16xf32>,
      %swap3A_1157 = arith.index_cast %add3A_1054 : i32 to index
      %swap3A_1158 = arith.constant 96 : index
      %swap3A_1159 = tpu.vector_load %arg26[%swap3A_1157, %swap3A_1158] {strides = array<i32>} : memref<512x128xf32, #tpu.memory_space<vmem>>, vector<16xf32>,
      tpu.vector_store %arg26[%swap3A_1157, %swap3A_1158], %gather3A_1155 {strides = array<i32>} : memref<512x128xf32, #tpu.memory_space<vmem>>, vector<16xf32>,
      %swap3A_1160 = arith.index_cast %add3A_1054 : i32 to index
      %swap3A_1161 = arith.constant 112 : index
      %swap3A_1162 = tpu.vector_load %arg26[%swap3A_1160, %swap3A_1161] {strides = array<i32>} : memref<512x128xf32, #tpu.memory_space<vmem>>, vector<16xf32>,
      tpu.vector_store %arg26[%swap3A_1160, %swap3A_1161], %gather3A_1156 {strides = array<i32>} : memref<512x128xf32, #tpu.memory_space<vmem>>, vector<16xf32>,
      %slice3A_1163 = vector.extract_strided_slice %get3A_556 {offsets = [12], sizes = [1], strides = [1]} : vector<16xi32> to vector<1xi32>
      %squeeze3A_1164 = vector.extract %slice3A_1163[0] : i32 from vector<1xi32>
      %add3A_1165 = arith.constant 8 : i32
      %add3A_1166 = arith.addi %add3A_1054, %add3A_1165 : i32
      %lt3A_1167 = arith.constant 512 : i32
      %lt3A_1168 = arith.cmpi slt, %add3A_1166, %lt3A_1167 : i32
      %convert_element_type3A_1169 = arith.extui %lt3A_1168 : i1 to i32
      %cond3A_1170 = arith.constant 0 : i32
      %cond3A_1171 = arith.cmpi ne, %convert_element_type3A_1169, %cond3A_1170 : i32
      scf.if %cond3A_1171 {
        %jit3A_2503 = arith.constant 128 : i32
        %div3A_2504 = arith.divsi %squeeze3A_1164, %jit3A_2503 : i32
        %sign3A_2505 = arith.constant 0 : i32
        %sign3A_2506 = arith.cmpi sgt, %squeeze3A_1164, %sign3A_2505 : i32
        %sign3A_2507 = arith.extui %sign3A_2506 : i1 to i32
        %sign3A_2508 = arith.constant 0 : i32
        %sign3A_2509 = arith.cmpi slt, %squeeze3A_1164, %sign3A_2508 : i32
        %sign3A_2510 = arith.extui %sign3A_2509 : i1 to i32
        %sign3A_2511 = arith.subi %sign3A_2507, %sign3A_2510 : i32
        %sign3A_2512 = arith.constant 0 : i32
        %sign3A_2513 = arith.cmpi sgt, %jit3A_2503, %sign3A_2512 : i32
        %sign3A_2514 = arith.extui %sign3A_2513 : i1 to i32
        %sign3A_2515 = arith.constant 0 : i32
        %sign3A_2516 = arith.cmpi slt, %jit3A_2503, %sign3A_2515 : i32
        %sign3A_2517 = arith.extui %sign3A_2516 : i1 to i32
        %sign3A_2518 = arith.subi %sign3A_2514, %sign3A_2517 : i32
        %ne3A_2519 = arith.cmpi ne, %sign3A_2511, %sign3A_2518 : i32
        %rem3A_2520 = arith.remsi %squeeze3A_1164, %jit3A_2503 : i32
        %ne3A_2521 = arith.constant 0 : i32
        %ne3A_2522 = arith.cmpi ne, %rem3A_2520, %ne3A_2521 : i32
        %and3A_2523 = arith.andi %ne3A_2519, %ne3A_2522 : i1
        %sub3A_2524 = arith.constant 1 : i32
        %sub3A_2525 = arith.subi %div3A_2504, %sub3A_2524 : i32
        %select_n3A_2526 = arith.select %and3A_2523, %sub3A_2525, %div3A_2504 : i32
        %mul3A_2527 = arith.constant 128 : i32
        %mul3A_2528 = arith.muli %select_n3A_2526, %mul3A_2527 : i32
        %multiple_of3A_2529 = tpu.assume_multiple %mul3A_2528, 128 : i32
        %dma_start3A_2530 = arith.constant 0 : i32
        %dma_start3A_2531 = arith.constant 0 : i32
        %dma_start3A_2532 = tpu.memref_slice %arg22[%dma_start3A_2530, %dma_start3A_2531] : memref<32x128xf32, #tpu.memory_space<vmem>> -> memref<8x128xf32, #tpu.memory_space<vmem>>
        %dma_start3A_2533 = arith.constant 0 : i32
        %dma_start3A_2534 = tpu.memref_slice %arg6[%dma_start3A_2533, %multiple_of3A_2529] : memref<32x1000001xf32, #tpu.memory_space<hbm>> -> memref<8x128xf32, #tpu.memory_space<hbm>>
        %dma_start3A_2535 = arith.constant 0 : i32
        %dma_start3A_2536 = arith.constant 0 : i32
        %dma_start3A_2537 = tpu.memref_slice %arg22[%dma_start3A_2535, %dma_start3A_2536] : memref<32x128xf32, #tpu.memory_space<vmem>> -> memref<8x128xf32, #tpu.memory_space<vmem>>
        %dma_start3A_2538 = arith.constant 0 : i32
        %dma_start3A_2539 = tpu.memref_slice %arg6[%dma_start3A_2538, %multiple_of3A_2529] : memref<32x1000001xf32, #tpu.memory_space<hbm>> -> memref<8x128xf32, #tpu.memory_space<hbm>>
        tpu.enqueue_dma source(%dma_start3A_2539 : memref<8x128xf32, #tpu.memory_space<hbm>>) target(%dma_start3A_2537 : memref<8x128xf32, #tpu.memory_space<vmem>>) target_semaphore(%arg31 : memref<!tpu.dma_semaphore, #tpu.memory_space<semaphore_mem>>)
        %dma_start3A_2540 = arith.constant 8 : i32
        %dma_start3A_2541 = arith.constant 0 : i32
        %dma_start3A_2542 = tpu.memref_slice %arg22[%dma_start3A_2540, %dma_start3A_2541] : memref<32x128xf32, #tpu.memory_space<vmem>> -> memref<8x128xf32, #tpu.memory_space<vmem>>
        %dma_start3A_2543 = arith.constant 8 : i32
        %dma_start3A_2544 = tpu.memref_slice %arg6[%dma_start3A_2543, %multiple_of3A_2529] : memref<32x1000001xf32, #tpu.memory_space<hbm>> -> memref<8x128xf32, #tpu.memory_space<hbm>>
        %dma_start3A_2545 = arith.constant 8 : i32
        %dma_start3A_2546 = arith.constant 0 : i32
        %dma_start3A_2547 = tpu.memref_slice %arg22[%dma_start3A_2545, %dma_start3A_2546] : memref<32x128xf32, #tpu.memory_space<vmem>> -> memref<8x128xf32, #tpu.memory_space<vmem>>
        %dma_start3A_2548 = arith.constant 8 : i32
        %dma_start3A_2549 = tpu.memref_slice %arg6[%dma_start3A_2548, %multiple_of3A_2529] : memref<32x1000001xf32, #tpu.memory_space<hbm>> -> memref<8x128xf32, #tpu.memory_space<hbm>>
        tpu.enqueue_dma source(%dma_start3A_2549 : memref<8x128xf32, #tpu.memory_space<hbm>>) target(%dma_start3A_2547 : memref<8x128xf32, #tpu.memory_space<vmem>>) target_semaphore(%arg31 : memref<!tpu.dma_semaphore, #tpu.memory_space<semaphore_mem>>)
        %dma_start3A_2550 = arith.constant 16 : i32
        %dma_start3A_2551 = arith.constant 0 : i32
        %dma_start3A_2552 = tpu.memref_slice %arg22[%dma_start3A_2550, %dma_start3A_2551] : memref<32x128xf32, #tpu.memory_space<vmem>> -> memref<8x128xf32, #tpu.memory_space<vmem>>
        %dma_start3A_2553 = arith.constant 16 : i32
        %dma_start3A_2554 = tpu.memref_slice %arg6[%dma_start3A_2553, %multiple_of3A_2529] : memref<32x1000001xf32, #tpu.memory_space<hbm>> -> memref<8x128xf32, #tpu.memory_space<hbm>>
        %dma_start3A_2555 = arith.constant 16 : i32
        %dma_start3A_2556 = arith.constant 0 : i32
        %dma_start3A_2557 = tpu.memref_slice %arg22[%dma_start3A_2555, %dma_start3A_2556] : memref<32x128xf32, #tpu.memory_space<vmem>> -> memref<8x128xf32, #tpu.memory_space<vmem>>
        %dma_start3A_2558 = arith.constant 16 : i32
        %dma_start3A_2559 = tpu.memref_slice %arg6[%dma_start3A_2558, %multiple_of3A_2529] : memref<32x1000001xf32, #tpu.memory_space<hbm>> -> memref<8x128xf32, #tpu.memory_space<hbm>>
        tpu.enqueue_dma source(%dma_start3A_2559 : memref<8x128xf32, #tpu.memory_space<hbm>>) target(%dma_start3A_2557 : memref<8x128xf32, #tpu.memory_space<vmem>>) target_semaphore(%arg31 : memref<!tpu.dma_semaphore, #tpu.memory_space<semaphore_mem>>)
        %dma_start3A_2560 = arith.constant 24 : i32
        %dma_start3A_2561 = arith.constant 0 : i32
        %dma_start3A_2562 = tpu.memref_slice %arg22[%dma_start3A_2560, %dma_start3A_2561] : memref<32x128xf32, #tpu.memory_space<vmem>> -> memref<8x128xf32, #tpu.memory_space<vmem>>
        %dma_start3A_2563 = arith.constant 24 : i32
        %dma_start3A_2564 = tpu.memref_slice %arg6[%dma_start3A_2563, %multiple_of3A_2529] : memref<32x1000001xf32, #tpu.memory_space<hbm>> -> memref<8x128xf32, #tpu.memory_space<hbm>>
        %dma_start3A_2565 = arith.constant 24 : i32
        %dma_start3A_2566 = arith.constant 0 : i32
        %dma_start3A_2567 = tpu.memref_slice %arg22[%dma_start3A_2565, %dma_start3A_2566] : memref<32x128xf32, #tpu.memory_space<vmem>> -> memref<8x128xf32, #tpu.memory_space<vmem>>
        %dma_start3A_2568 = arith.constant 24 : i32
        %dma_start3A_2569 = tpu.memref_slice %arg6[%dma_start3A_2568, %multiple_of3A_2529] : memref<32x1000001xf32, #tpu.memory_space<hbm>> -> memref<8x128xf32, #tpu.memory_space<hbm>>
        tpu.enqueue_dma source(%dma_start3A_2569 : memref<8x128xf32, #tpu.memory_space<hbm>>) target(%dma_start3A_2567 : memref<8x128xf32, #tpu.memory_space<vmem>>) target_semaphore(%arg31 : memref<!tpu.dma_semaphore, #tpu.memory_space<semaphore_mem>>)
      } else {
      }
      %mul3A_1172 = arith.constant 16 : i32
      %mul3A_1173 = arith.muli %scan3A_552, %mul3A_1172 : i32
      %add3A_1174 = arith.constant 5 : i32
      %add3A_1175 = arith.addi %mul3A_1173, %add3A_1174 : i32
      %dma_wait3A_1176 = arith.constant 0 : i32
      %dma_wait3A_1177 = arith.constant 0 : i32
      %dma_wait3A_1178 = tpu.memref_slice %arg23[%dma_wait3A_1176, %dma_wait3A_1177] : memref<32x128xf32, #tpu.memory_space<vmem>> -> memref<8x128xf32, #tpu.memory_space<vmem>>
      %dma_wait3A_1179 = arith.constant 0 : i32
      %dma_wait3A_1180 = arith.constant 0 : i32
      %dma_wait3A_1181 = tpu.memref_slice %arg6[%dma_wait3A_1179, %dma_wait3A_1180] : memref<32x1000001xf32, #tpu.memory_space<hbm>> -> memref<8x128xf32, #tpu.memory_space<hbm>>
      %dma_wait3A_1182 = arith.constant 0 : i32
      %dma_wait3A_1183 = arith.constant 0 : i32
      %dma_wait3A_1184 = tpu.memref_slice %arg23[%dma_wait3A_1182, %dma_wait3A_1183] : memref<32x128xf32, #tpu.memory_space<vmem>> -> memref<8x128xf32, #tpu.memory_space<vmem>>
      %dma_wait3A_1185 = arith.constant 0 : i32
      %dma_wait3A_1186 = arith.constant 0 : i32
      %dma_wait3A_1187 = tpu.memref_slice %arg6[%dma_wait3A_1185, %dma_wait3A_1186] : memref<32x1000001xf32, #tpu.memory_space<hbm>> -> memref<8x128xf32, #tpu.memory_space<hbm>>
      tpu.wait_dma2 semaphore(%arg32 : memref<!tpu.dma_semaphore, #tpu.memory_space<semaphore_mem>>) src(%dma_wait3A_1187 : memref<8x128xf32, #tpu.memory_space<hbm>>) dst(%dma_wait3A_1184 : memref<8x128xf32, #tpu.memory_space<vmem>>)
      %dma_wait3A_1188 = arith.constant 8 : i32
      %dma_wait3A_1189 = arith.constant 0 : i32
      %dma_wait3A_1190 = tpu.memref_slice %arg23[%dma_wait3A_1188, %dma_wait3A_1189] : memref<32x128xf32, #tpu.memory_space<vmem>> -> memref<8x128xf32, #tpu.memory_space<vmem>>
      %dma_wait3A_1191 = arith.constant 8 : i32
      %dma_wait3A_1192 = arith.constant 0 : i32
      %dma_wait3A_1193 = tpu.memref_slice %arg6[%dma_wait3A_1191, %dma_wait3A_1192] : memref<32x1000001xf32, #tpu.memory_space<hbm>> -> memref<8x128xf32, #tpu.memory_space<hbm>>
      %dma_wait3A_1194 = arith.constant 8 : i32
      %dma_wait3A_1195 = arith.constant 0 : i32
      %dma_wait3A_1196 = tpu.memref_slice %arg23[%dma_wait3A_1194, %dma_wait3A_1195] : memref<32x128xf32, #tpu.memory_space<vmem>> -> memref<8x128xf32, #tpu.memory_space<vmem>>
      %dma_wait3A_1197 = arith.constant 8 : i32
      %dma_wait3A_1198 = arith.constant 0 : i32
      %dma_wait3A_1199 = tpu.memref_slice %arg6[%dma_wait3A_1197, %dma_wait3A_1198] : memref<32x1000001xf32, #tpu.memory_space<hbm>> -> memref<8x128xf32, #tpu.memory_space<hbm>>
      tpu.wait_dma2 semaphore(%arg32 : memref<!tpu.dma_semaphore, #tpu.memory_space<semaphore_mem>>) src(%dma_wait3A_1199 : memref<8x128xf32, #tpu.memory_space<hbm>>) dst(%dma_wait3A_1196 : memref<8x128xf32, #tpu.memory_space<vmem>>)
      %dma_wait3A_1200 = arith.constant 16 : i32
      %dma_wait3A_1201 = arith.constant 0 : i32
      %dma_wait3A_1202 = tpu.memref_slice %arg23[%dma_wait3A_1200, %dma_wait3A_1201] : memref<32x128xf32, #tpu.memory_space<vmem>> -> memref<8x128xf32, #tpu.memory_space<vmem>>
      %dma_wait3A_1203 = arith.constant 16 : i32
      %dma_wait3A_1204 = arith.constant 0 : i32
      %dma_wait3A_1205 = tpu.memref_slice %arg6[%dma_wait3A_1203, %dma_wait3A_1204] : memref<32x1000001xf32, #tpu.memory_space<hbm>> -> memref<8x128xf32, #tpu.memory_space<hbm>>
      %dma_wait3A_1206 = arith.constant 16 : i32
      %dma_wait3A_1207 = arith.constant 0 : i32
      %dma_wait3A_1208 = tpu.memref_slice %arg23[%dma_wait3A_1206, %dma_wait3A_1207] : memref<32x128xf32, #tpu.memory_space<vmem>> -> memref<8x128xf32, #tpu.memory_space<vmem>>
      %dma_wait3A_1209 = arith.constant 16 : i32
      %dma_wait3A_1210 = arith.constant 0 : i32
      %dma_wait3A_1211 = tpu.memref_slice %arg6[%dma_wait3A_1209, %dma_wait3A_1210] : memref<32x1000001xf32, #tpu.memory_space<hbm>> -> memref<8x128xf32, #tpu.memory_space<hbm>>
      tpu.wait_dma2 semaphore(%arg32 : memref<!tpu.dma_semaphore, #tpu.memory_space<semaphore_mem>>) src(%dma_wait3A_1211 : memref<8x128xf32, #tpu.memory_space<hbm>>) dst(%dma_wait3A_1208 : memref<8x128xf32, #tpu.memory_space<vmem>>)
      %dma_wait3A_1212 = arith.constant 24 : i32
      %dma_wait3A_1213 = arith.constant 0 : i32
      %dma_wait3A_1214 = tpu.memref_slice %arg23[%dma_wait3A_1212, %dma_wait3A_1213] : memref<32x128xf32, #tpu.memory_space<vmem>> -> memref<8x128xf32, #tpu.memory_space<vmem>>
      %dma_wait3A_1215 = arith.constant 24 : i32
      %dma_wait3A_1216 = arith.constant 0 : i32
      %dma_wait3A_1217 = tpu.memref_slice %arg6[%dma_wait3A_1215, %dma_wait3A_1216] : memref<32x1000001xf32, #tpu.memory_space<hbm>> -> memref<8x128xf32, #tpu.memory_space<hbm>>
      %dma_wait3A_1218 = arith.constant 24 : i32
      %dma_wait3A_1219 = arith.constant 0 : i32
      %dma_wait3A_1220 = tpu.memref_slice %arg23[%dma_wait3A_1218, %dma_wait3A_1219] : memref<32x128xf32, #tpu.memory_space<vmem>> -> memref<8x128xf32, #tpu.memory_space<vmem>>
      %dma_wait3A_1221 = arith.constant 24 : i32
      %dma_wait3A_1222 = arith.constant 0 : i32
      %dma_wait3A_1223 = tpu.memref_slice %arg6[%dma_wait3A_1221, %dma_wait3A_1222] : memref<32x1000001xf32, #tpu.memory_space<hbm>> -> memref<8x128xf32, #tpu.memory_space<hbm>>
      tpu.wait_dma2 semaphore(%arg32 : memref<!tpu.dma_semaphore, #tpu.memory_space<semaphore_mem>>) src(%dma_wait3A_1223 : memref<8x128xf32, #tpu.memory_space<hbm>>) dst(%dma_wait3A_1220 : memref<8x128xf32, #tpu.memory_space<vmem>>)
      %slice3A_1224 = vector.extract_strided_slice %get3A_556 {offsets = [5], sizes = [1], strides = [1]} : vector<16xi32> to vector<1xi32>
      %squeeze3A_1225 = vector.extract %slice3A_1224[0] : i32 from vector<1xi32>
      %jit3A_1226 = arith.constant 128 : i32
      %eq3A_1227 = arith.constant 0 : i32
      %eq3A_1228 = arith.cmpi eq, %jit3A_1226, %eq3A_1227 : i32
      %jit3A_1229 = arith.constant 1 : i32
      %select_n3A_1230 = arith.select %eq3A_1228, %jit3A_1229, %jit3A_1226 : i32
      %rem3A_1231 = arith.remsi %squeeze3A_1225, %select_n3A_1230 : i32
      %ne3A_1232 = arith.constant 0 : i32
      %ne3A_1233 = arith.cmpi ne, %rem3A_1231, %ne3A_1232 : i32
      %lt3A_1234 = arith.constant 0 : i32
      %lt3A_1235 = arith.cmpi slt, %rem3A_1231, %lt3A_1234 : i32
      %lt3A_1236 = arith.constant 0 : i32
      %lt3A_1237 = arith.cmpi slt, %select_n3A_1230, %lt3A_1236 : i32
      %ne3A_1238 = arith.xori %lt3A_1235, %lt3A_1237 : i1
      %and3A_1239 = arith.andi %ne3A_1238, %ne3A_1233 : i1
      %add3A_1240 = arith.addi %rem3A_1231, %select_n3A_1230 : i32
      %select_n3A_1241 = arith.select %and3A_1239, %add3A_1240, %rem3A_1231 : i32
      %broadcast_in_dim3A_1242 = vector.broadcast %select_n3A_1241 : i32 to vector<16xi32>
      %gather3A_1243 = tpu.vector_load_idx %arg23[%iota3A, %broadcast_in_dim3A_1242] : memref<32x128xf32, #tpu.memory_space<vmem>>[vector<16xi32>, vector<16xi32>], vector<16xf32>,
      %gather3A_1244 = tpu.vector_load_idx %arg23[%add3A_5, %broadcast_in_dim3A_1242] : memref<32x128xf32, #tpu.memory_space<vmem>>[vector<16xi32>, vector<16xi32>], vector<16xf32>,
      %swap3A_1245 = arith.index_cast %add3A_1175 : i32 to index
      %swap3A_1246 = arith.constant 0 : index
      %swap3A_1247 = tpu.vector_load %arg26[%swap3A_1245, %swap3A_1246] {strides = array<i32>} : memref<512x128xf32, #tpu.memory_space<vmem>>, vector<16xf32>,
      tpu.vector_store %arg26[%swap3A_1245, %swap3A_1246], %gather3A_1243 {strides = array<i32>} : memref<512x128xf32, #tpu.memory_space<vmem>>, vector<16xf32>,
      %swap3A_1248 = arith.index_cast %add3A_1175 : i32 to index
      %swap3A_1249 = arith.constant 16 : index
      %swap3A_1250 = tpu.vector_load %arg26[%swap3A_1248, %swap3A_1249] {strides = array<i32>} : memref<512x128xf32, #tpu.memory_space<vmem>>, vector<16xf32>,
      tpu.vector_store %arg26[%swap3A_1248, %swap3A_1249], %gather3A_1244 {strides = array<i32>} : memref<512x128xf32, #tpu.memory_space<vmem>>, vector<16xf32>,
      %slice3A_1251 = vector.extract_strided_slice %get3A_566 {offsets = [5], sizes = [1], strides = [1]} : vector<16xi32> to vector<1xi32>
      %squeeze3A_1252 = vector.extract %slice3A_1251[0] : i32 from vector<1xi32>
      %broadcast_in_dim3A_1253 = vector.broadcast %squeeze3A_1252 : i32 to vector<16xi32>
      %gather3A_1254 = tpu.vector_load_idx %arg15[%iota3A, %broadcast_in_dim3A_1253] : memref<32x128xf32, #tpu.memory_space<vmem>>[vector<16xi32>, vector<16xi32>], vector<16xf32>,
      %gather3A_1255 = tpu.vector_load_idx %arg15[%add3A_5, %broadcast_in_dim3A_1253] : memref<32x128xf32, #tpu.memory_space<vmem>>[vector<16xi32>, vector<16xi32>], vector<16xf32>,
      %swap3A_1256 = arith.index_cast %add3A_1175 : i32 to index
      %swap3A_1257 = arith.constant 32 : index
      %swap3A_1258 = tpu.vector_load %arg26[%swap3A_1256, %swap3A_1257] {strides = array<i32>} : memref<512x128xf32, #tpu.memory_space<vmem>>, vector<16xf32>,
      tpu.vector_store %arg26[%swap3A_1256, %swap3A_1257], %gather3A_1254 {strides = array<i32>} : memref<512x128xf32, #tpu.memory_space<vmem>>, vector<16xf32>,
      %swap3A_1259 = arith.index_cast %add3A_1175 : i32 to index
      %swap3A_1260 = arith.constant 48 : index
      %swap3A_1261 = tpu.vector_load %arg26[%swap3A_1259, %swap3A_1260] {strides = array<i32>} : memref<512x128xf32, #tpu.memory_space<vmem>>, vector<16xf32>,
      tpu.vector_store %arg26[%swap3A_1259, %swap3A_1260], %gather3A_1255 {strides = array<i32>} : memref<512x128xf32, #tpu.memory_space<vmem>>, vector<16xf32>,
      %slice3A_1262 = vector.extract_strided_slice %get3A_570 {offsets = [5], sizes = [1], strides = [1]} : vector<16xi32> to vector<1xi32>
      %squeeze3A_1263 = vector.extract %slice3A_1262[0] : i32 from vector<1xi32>
      %broadcast_in_dim3A_1264 = vector.broadcast %squeeze3A_1263 : i32 to vector<16xi32>
      %gather3A_1265 = tpu.vector_load_idx %arg16[%iota3A, %broadcast_in_dim3A_1264] : memref<32x128xf32, #tpu.memory_space<vmem>>[vector<16xi32>, vector<16xi32>], vector<16xf32>,
      %gather3A_1266 = tpu.vector_load_idx %arg16[%add3A_5, %broadcast_in_dim3A_1264] : memref<32x128xf32, #tpu.memory_space<vmem>>[vector<16xi32>, vector<16xi32>], vector<16xf32>,
      %swap3A_1267 = arith.index_cast %add3A_1175 : i32 to index
      %swap3A_1268 = arith.constant 64 : index
      %swap3A_1269 = tpu.vector_load %arg26[%swap3A_1267, %swap3A_1268] {strides = array<i32>} : memref<512x128xf32, #tpu.memory_space<vmem>>, vector<16xf32>,
      tpu.vector_store %arg26[%swap3A_1267, %swap3A_1268], %gather3A_1265 {strides = array<i32>} : memref<512x128xf32, #tpu.memory_space<vmem>>, vector<16xf32>,
      %swap3A_1270 = arith.index_cast %add3A_1175 : i32 to index
      %swap3A_1271 = arith.constant 80 : index
      %swap3A_1272 = tpu.vector_load %arg26[%swap3A_1270, %swap3A_1271] {strides = array<i32>} : memref<512x128xf32, #tpu.memory_space<vmem>>, vector<16xf32>,
      tpu.vector_store %arg26[%swap3A_1270, %swap3A_1271], %gather3A_1266 {strides = array<i32>} : memref<512x128xf32, #tpu.memory_space<vmem>>, vector<16xf32>,
      %slice3A_1273 = vector.extract_strided_slice %get3A_574 {offsets = [5], sizes = [1], strides = [1]} : vector<16xi32> to vector<1xi32>
      %squeeze3A_1274 = vector.extract %slice3A_1273[0] : i32 from vector<1xi32>
      %broadcast_in_dim3A_1275 = vector.broadcast %squeeze3A_1274 : i32 to vector<16xi32>
      %gather3A_1276 = tpu.vector_load_idx %arg17[%iota3A, %broadcast_in_dim3A_1275] : memref<32x128xf32, #tpu.memory_space<vmem>>[vector<16xi32>, vector<16xi32>], vector<16xf32>,
      %gather3A_1277 = tpu.vector_load_idx %arg17[%add3A_5, %broadcast_in_dim3A_1275] : memref<32x128xf32, #tpu.memory_space<vmem>>[vector<16xi32>, vector<16xi32>], vector<16xf32>,
      %swap3A_1278 = arith.index_cast %add3A_1175 : i32 to index
      %swap3A_1279 = arith.constant 96 : index
      %swap3A_1280 = tpu.vector_load %arg26[%swap3A_1278, %swap3A_1279] {strides = array<i32>} : memref<512x128xf32, #tpu.memory_space<vmem>>, vector<16xf32>,
      tpu.vector_store %arg26[%swap3A_1278, %swap3A_1279], %gather3A_1276 {strides = array<i32>} : memref<512x128xf32, #tpu.memory_space<vmem>>, vector<16xf32>,
      %swap3A_1281 = arith.index_cast %add3A_1175 : i32 to index
      %swap3A_1282 = arith.constant 112 : index
      %swap3A_1283 = tpu.vector_load %arg26[%swap3A_1281, %swap3A_1282] {strides = array<i32>} : memref<512x128xf32, #tpu.memory_space<vmem>>, vector<16xf32>,
      tpu.vector_store %arg26[%swap3A_1281, %swap3A_1282], %gather3A_1277 {strides = array<i32>} : memref<512x128xf32, #tpu.memory_space<vmem>>, vector<16xf32>,
      %slice3A_1284 = vector.extract_strided_slice %get3A_556 {offsets = [13], sizes = [1], strides = [1]} : vector<16xi32> to vector<1xi32>
      %squeeze3A_1285 = vector.extract %slice3A_1284[0] : i32 from vector<1xi32>
      %add3A_1286 = arith.constant 8 : i32
      %add3A_1287 = arith.addi %add3A_1175, %add3A_1286 : i32
      %lt3A_1288 = arith.constant 512 : i32
      %lt3A_1289 = arith.cmpi slt, %add3A_1287, %lt3A_1288 : i32
      %convert_element_type3A_1290 = arith.extui %lt3A_1289 : i1 to i32
      %cond3A_1291 = arith.constant 0 : i32
      %cond3A_1292 = arith.cmpi ne, %convert_element_type3A_1290, %cond3A_1291 : i32
      scf.if %cond3A_1292 {
        %jit3A_2503 = arith.constant 128 : i32
        %div3A_2504 = arith.divsi %squeeze3A_1285, %jit3A_2503 : i32
        %sign3A_2505 = arith.constant 0 : i32
        %sign3A_2506 = arith.cmpi sgt, %squeeze3A_1285, %sign3A_2505 : i32
        %sign3A_2507 = arith.extui %sign3A_2506 : i1 to i32
        %sign3A_2508 = arith.constant 0 : i32
        %sign3A_2509 = arith.cmpi slt, %squeeze3A_1285, %sign3A_2508 : i32
        %sign3A_2510 = arith.extui %sign3A_2509 : i1 to i32
        %sign3A_2511 = arith.subi %sign3A_2507, %sign3A_2510 : i32
        %sign3A_2512 = arith.constant 0 : i32
        %sign3A_2513 = arith.cmpi sgt, %jit3A_2503, %sign3A_2512 : i32
        %sign3A_2514 = arith.extui %sign3A_2513 : i1 to i32
        %sign3A_2515 = arith.constant 0 : i32
        %sign3A_2516 = arith.cmpi slt, %jit3A_2503, %sign3A_2515 : i32
        %sign3A_2517 = arith.extui %sign3A_2516 : i1 to i32
        %sign3A_2518 = arith.subi %sign3A_2514, %sign3A_2517 : i32
        %ne3A_2519 = arith.cmpi ne, %sign3A_2511, %sign3A_2518 : i32
        %rem3A_2520 = arith.remsi %squeeze3A_1285, %jit3A_2503 : i32
        %ne3A_2521 = arith.constant 0 : i32
        %ne3A_2522 = arith.cmpi ne, %rem3A_2520, %ne3A_2521 : i32
        %and3A_2523 = arith.andi %ne3A_2519, %ne3A_2522 : i1
        %sub3A_2524 = arith.constant 1 : i32
        %sub3A_2525 = arith.subi %div3A_2504, %sub3A_2524 : i32
        %select_n3A_2526 = arith.select %and3A_2523, %sub3A_2525, %div3A_2504 : i32
        %mul3A_2527 = arith.constant 128 : i32
        %mul3A_2528 = arith.muli %select_n3A_2526, %mul3A_2527 : i32
        %multiple_of3A_2529 = tpu.assume_multiple %mul3A_2528, 128 : i32
        %dma_start3A_2530 = arith.constant 0 : i32
        %dma_start3A_2531 = arith.constant 0 : i32
        %dma_start3A_2532 = tpu.memref_slice %arg23[%dma_start3A_2530, %dma_start3A_2531] : memref<32x128xf32, #tpu.memory_space<vmem>> -> memref<8x128xf32, #tpu.memory_space<vmem>>
        %dma_start3A_2533 = arith.constant 0 : i32
        %dma_start3A_2534 = tpu.memref_slice %arg6[%dma_start3A_2533, %multiple_of3A_2529] : memref<32x1000001xf32, #tpu.memory_space<hbm>> -> memref<8x128xf32, #tpu.memory_space<hbm>>
        %dma_start3A_2535 = arith.constant 0 : i32
        %dma_start3A_2536 = arith.constant 0 : i32
        %dma_start3A_2537 = tpu.memref_slice %arg23[%dma_start3A_2535, %dma_start3A_2536] : memref<32x128xf32, #tpu.memory_space<vmem>> -> memref<8x128xf32, #tpu.memory_space<vmem>>
        %dma_start3A_2538 = arith.constant 0 : i32
        %dma_start3A_2539 = tpu.memref_slice %arg6[%dma_start3A_2538, %multiple_of3A_2529] : memref<32x1000001xf32, #tpu.memory_space<hbm>> -> memref<8x128xf32, #tpu.memory_space<hbm>>
        tpu.enqueue_dma source(%dma_start3A_2539 : memref<8x128xf32, #tpu.memory_space<hbm>>) target(%dma_start3A_2537 : memref<8x128xf32, #tpu.memory_space<vmem>>) target_semaphore(%arg32 : memref<!tpu.dma_semaphore, #tpu.memory_space<semaphore_mem>>)
        %dma_start3A_2540 = arith.constant 8 : i32
        %dma_start3A_2541 = arith.constant 0 : i32
        %dma_start3A_2542 = tpu.memref_slice %arg23[%dma_start3A_2540, %dma_start3A_2541] : memref<32x128xf32, #tpu.memory_space<vmem>> -> memref<8x128xf32, #tpu.memory_space<vmem>>
        %dma_start3A_2543 = arith.constant 8 : i32
        %dma_start3A_2544 = tpu.memref_slice %arg6[%dma_start3A_2543, %multiple_of3A_2529] : memref<32x1000001xf32, #tpu.memory_space<hbm>> -> memref<8x128xf32, #tpu.memory_space<hbm>>
        %dma_start3A_2545 = arith.constant 8 : i32
        %dma_start3A_2546 = arith.constant 0 : i32
        %dma_start3A_2547 = tpu.memref_slice %arg23[%dma_start3A_2545, %dma_start3A_2546] : memref<32x128xf32, #tpu.memory_space<vmem>> -> memref<8x128xf32, #tpu.memory_space<vmem>>
        %dma_start3A_2548 = arith.constant 8 : i32
        %dma_start3A_2549 = tpu.memref_slice %arg6[%dma_start3A_2548, %multiple_of3A_2529] : memref<32x1000001xf32, #tpu.memory_space<hbm>> -> memref<8x128xf32, #tpu.memory_space<hbm>>
        tpu.enqueue_dma source(%dma_start3A_2549 : memref<8x128xf32, #tpu.memory_space<hbm>>) target(%dma_start3A_2547 : memref<8x128xf32, #tpu.memory_space<vmem>>) target_semaphore(%arg32 : memref<!tpu.dma_semaphore, #tpu.memory_space<semaphore_mem>>)
        %dma_start3A_2550 = arith.constant 16 : i32
        %dma_start3A_2551 = arith.constant 0 : i32
        %dma_start3A_2552 = tpu.memref_slice %arg23[%dma_start3A_2550, %dma_start3A_2551] : memref<32x128xf32, #tpu.memory_space<vmem>> -> memref<8x128xf32, #tpu.memory_space<vmem>>
        %dma_start3A_2553 = arith.constant 16 : i32
        %dma_start3A_2554 = tpu.memref_slice %arg6[%dma_start3A_2553, %multiple_of3A_2529] : memref<32x1000001xf32, #tpu.memory_space<hbm>> -> memref<8x128xf32, #tpu.memory_space<hbm>>
        %dma_start3A_2555 = arith.constant 16 : i32
        %dma_start3A_2556 = arith.constant 0 : i32
        %dma_start3A_2557 = tpu.memref_slice %arg23[%dma_start3A_2555, %dma_start3A_2556] : memref<32x128xf32, #tpu.memory_space<vmem>> -> memref<8x128xf32, #tpu.memory_space<vmem>>
        %dma_start3A_2558 = arith.constant 16 : i32
        %dma_start3A_2559 = tpu.memref_slice %arg6[%dma_start3A_2558, %multiple_of3A_2529] : memref<32x1000001xf32, #tpu.memory_space<hbm>> -> memref<8x128xf32, #tpu.memory_space<hbm>>
        tpu.enqueue_dma source(%dma_start3A_2559 : memref<8x128xf32, #tpu.memory_space<hbm>>) target(%dma_start3A_2557 : memref<8x128xf32, #tpu.memory_space<vmem>>) target_semaphore(%arg32 : memref<!tpu.dma_semaphore, #tpu.memory_space<semaphore_mem>>)
        %dma_start3A_2560 = arith.constant 24 : i32
        %dma_start3A_2561 = arith.constant 0 : i32
        %dma_start3A_2562 = tpu.memref_slice %arg23[%dma_start3A_2560, %dma_start3A_2561] : memref<32x128xf32, #tpu.memory_space<vmem>> -> memref<8x128xf32, #tpu.memory_space<vmem>>
        %dma_start3A_2563 = arith.constant 24 : i32
        %dma_start3A_2564 = tpu.memref_slice %arg6[%dma_start3A_2563, %multiple_of3A_2529] : memref<32x1000001xf32, #tpu.memory_space<hbm>> -> memref<8x128xf32, #tpu.memory_space<hbm>>
        %dma_start3A_2565 = arith.constant 24 : i32
        %dma_start3A_2566 = arith.constant 0 : i32
        %dma_start3A_2567 = tpu.memref_slice %arg23[%dma_start3A_2565, %dma_start3A_2566] : memref<32x128xf32, #tpu.memory_space<vmem>> -> memref<8x128xf32, #tpu.memory_space<vmem>>
        %dma_start3A_2568 = arith.constant 24 : i32
        %dma_start3A_2569 = tpu.memref_slice %arg6[%dma_start3A_2568, %multiple_of3A_2529] : memref<32x1000001xf32, #tpu.memory_space<hbm>> -> memref<8x128xf32, #tpu.memory_space<hbm>>
        tpu.enqueue_dma source(%dma_start3A_2569 : memref<8x128xf32, #tpu.memory_space<hbm>>) target(%dma_start3A_2567 : memref<8x128xf32, #tpu.memory_space<vmem>>) target_semaphore(%arg32 : memref<!tpu.dma_semaphore, #tpu.memory_space<semaphore_mem>>)
      } else {
      }
      %mul3A_1293 = arith.constant 16 : i32
      %mul3A_1294 = arith.muli %scan3A_552, %mul3A_1293 : i32
      %add3A_1295 = arith.constant 6 : i32
      %add3A_1296 = arith.addi %mul3A_1294, %add3A_1295 : i32
      %dma_wait3A_1297 = arith.constant 0 : i32
      %dma_wait3A_1298 = arith.constant 0 : i32
      %dma_wait3A_1299 = tpu.memref_slice %arg24[%dma_wait3A_1297, %dma_wait3A_1298] : memref<32x128xf32, #tpu.memory_space<vmem>> -> memref<8x128xf32, #tpu.memory_space<vmem>>
      %dma_wait3A_1300 = arith.constant 0 : i32
      %dma_wait3A_1301 = arith.constant 0 : i32
      %dma_wait3A_1302 = tpu.memref_slice %arg6[%dma_wait3A_1300, %dma_wait3A_1301] : memref<32x1000001xf32, #tpu.memory_space<hbm>> -> memref<8x128xf32, #tpu.memory_space<hbm>>
      %dma_wait3A_1303 = arith.constant 0 : i32
      %dma_wait3A_1304 = arith.constant 0 : i32
      %dma_wait3A_1305 = tpu.memref_slice %arg24[%dma_wait3A_1303, %dma_wait3A_1304] : memref<32x128xf32, #tpu.memory_space<vmem>> -> memref<8x128xf32, #tpu.memory_space<vmem>>
      %dma_wait3A_1306 = arith.constant 0 : i32
      %dma_wait3A_1307 = arith.constant 0 : i32
      %dma_wait3A_1308 = tpu.memref_slice %arg6[%dma_wait3A_1306, %dma_wait3A_1307] : memref<32x1000001xf32, #tpu.memory_space<hbm>> -> memref<8x128xf32, #tpu.memory_space<hbm>>
      tpu.wait_dma2 semaphore(%arg33 : memref<!tpu.dma_semaphore, #tpu.memory_space<semaphore_mem>>) src(%dma_wait3A_1308 : memref<8x128xf32, #tpu.memory_space<hbm>>) dst(%dma_wait3A_1305 : memref<8x128xf32, #tpu.memory_space<vmem>>)
      %dma_wait3A_1309 = arith.constant 8 : i32
      %dma_wait3A_1310 = arith.constant 0 : i32
      %dma_wait3A_1311 = tpu.memref_slice %arg24[%dma_wait3A_1309, %dma_wait3A_1310] : memref<32x128xf32, #tpu.memory_space<vmem>> -> memref<8x128xf32, #tpu.memory_space<vmem>>
      %dma_wait3A_1312 = arith.constant 8 : i32
      %dma_wait3A_1313 = arith.constant 0 : i32
      %dma_wait3A_1314 = tpu.memref_slice %arg6[%dma_wait3A_1312, %dma_wait3A_1313] : memref<32x1000001xf32, #tpu.memory_space<hbm>> -> memref<8x128xf32, #tpu.memory_space<hbm>>
      %dma_wait3A_1315 = arith.constant 8 : i32
      %dma_wait3A_1316 = arith.constant 0 : i32
      %dma_wait3A_1317 = tpu.memref_slice %arg24[%dma_wait3A_1315, %dma_wait3A_1316] : memref<32x128xf32, #tpu.memory_space<vmem>> -> memref<8x128xf32, #tpu.memory_space<vmem>>
      %dma_wait3A_1318 = arith.constant 8 : i32
      %dma_wait3A_1319 = arith.constant 0 : i32
      %dma_wait3A_1320 = tpu.memref_slice %arg6[%dma_wait3A_1318, %dma_wait3A_1319] : memref<32x1000001xf32, #tpu.memory_space<hbm>> -> memref<8x128xf32, #tpu.memory_space<hbm>>
      tpu.wait_dma2 semaphore(%arg33 : memref<!tpu.dma_semaphore, #tpu.memory_space<semaphore_mem>>) src(%dma_wait3A_1320 : memref<8x128xf32, #tpu.memory_space<hbm>>) dst(%dma_wait3A_1317 : memref<8x128xf32, #tpu.memory_space<vmem>>)
      %dma_wait3A_1321 = arith.constant 16 : i32
      %dma_wait3A_1322 = arith.constant 0 : i32
      %dma_wait3A_1323 = tpu.memref_slice %arg24[%dma_wait3A_1321, %dma_wait3A_1322] : memref<32x128xf32, #tpu.memory_space<vmem>> -> memref<8x128xf32, #tpu.memory_space<vmem>>
      %dma_wait3A_1324 = arith.constant 16 : i32
      %dma_wait3A_1325 = arith.constant 0 : i32
      %dma_wait3A_1326 = tpu.memref_slice %arg6[%dma_wait3A_1324, %dma_wait3A_1325] : memref<32x1000001xf32, #tpu.memory_space<hbm>> -> memref<8x128xf32, #tpu.memory_space<hbm>>
      %dma_wait3A_1327 = arith.constant 16 : i32
      %dma_wait3A_1328 = arith.constant 0 : i32
      %dma_wait3A_1329 = tpu.memref_slice %arg24[%dma_wait3A_1327, %dma_wait3A_1328] : memref<32x128xf32, #tpu.memory_space<vmem>> -> memref<8x128xf32, #tpu.memory_space<vmem>>
      %dma_wait3A_1330 = arith.constant 16 : i32
      %dma_wait3A_1331 = arith.constant 0 : i32
      %dma_wait3A_1332 = tpu.memref_slice %arg6[%dma_wait3A_1330, %dma_wait3A_1331] : memref<32x1000001xf32, #tpu.memory_space<hbm>> -> memref<8x128xf32, #tpu.memory_space<hbm>>
      tpu.wait_dma2 semaphore(%arg33 : memref<!tpu.dma_semaphore, #tpu.memory_space<semaphore_mem>>) src(%dma_wait3A_1332 : memref<8x128xf32, #tpu.memory_space<hbm>>) dst(%dma_wait3A_1329 : memref<8x128xf32, #tpu.memory_space<vmem>>)
      %dma_wait3A_1333 = arith.constant 24 : i32
      %dma_wait3A_1334 = arith.constant 0 : i32
      %dma_wait3A_1335 = tpu.memref_slice %arg24[%dma_wait3A_1333, %dma_wait3A_1334] : memref<32x128xf32, #tpu.memory_space<vmem>> -> memref<8x128xf32, #tpu.memory_space<vmem>>
      %dma_wait3A_1336 = arith.constant 24 : i32
      %dma_wait3A_1337 = arith.constant 0 : i32
      %dma_wait3A_1338 = tpu.memref_slice %arg6[%dma_wait3A_1336, %dma_wait3A_1337] : memref<32x1000001xf32, #tpu.memory_space<hbm>> -> memref<8x128xf32, #tpu.memory_space<hbm>>
      %dma_wait3A_1339 = arith.constant 24 : i32
      %dma_wait3A_1340 = arith.constant 0 : i32
      %dma_wait3A_1341 = tpu.memref_slice %arg24[%dma_wait3A_1339, %dma_wait3A_1340] : memref<32x128xf32, #tpu.memory_space<vmem>> -> memref<8x128xf32, #tpu.memory_space<vmem>>
      %dma_wait3A_1342 = arith.constant 24 : i32
      %dma_wait3A_1343 = arith.constant 0 : i32
      %dma_wait3A_1344 = tpu.memref_slice %arg6[%dma_wait3A_1342, %dma_wait3A_1343] : memref<32x1000001xf32, #tpu.memory_space<hbm>> -> memref<8x128xf32, #tpu.memory_space<hbm>>
      tpu.wait_dma2 semaphore(%arg33 : memref<!tpu.dma_semaphore, #tpu.memory_space<semaphore_mem>>) src(%dma_wait3A_1344 : memref<8x128xf32, #tpu.memory_space<hbm>>) dst(%dma_wait3A_1341 : memref<8x128xf32, #tpu.memory_space<vmem>>)
      %slice3A_1345 = vector.extract_strided_slice %get3A_556 {offsets = [6], sizes = [1], strides = [1]} : vector<16xi32> to vector<1xi32>
      %squeeze3A_1346 = vector.extract %slice3A_1345[0] : i32 from vector<1xi32>
      %jit3A_1347 = arith.constant 128 : i32
      %eq3A_1348 = arith.constant 0 : i32
      %eq3A_1349 = arith.cmpi eq, %jit3A_1347, %eq3A_1348 : i32
      %jit3A_1350 = arith.constant 1 : i32
      %select_n3A_1351 = arith.select %eq3A_1349, %jit3A_1350, %jit3A_1347 : i32
      %rem3A_1352 = arith.remsi %squeeze3A_1346, %select_n3A_1351 : i32
      %ne3A_1353 = arith.constant 0 : i32
      %ne3A_1354 = arith.cmpi ne, %rem3A_1352, %ne3A_1353 : i32
      %lt3A_1355 = arith.constant 0 : i32
      %lt3A_1356 = arith.cmpi slt, %rem3A_1352, %lt3A_1355 : i32
      %lt3A_1357 = arith.constant 0 : i32
      %lt3A_1358 = arith.cmpi slt, %select_n3A_1351, %lt3A_1357 : i32
      %ne3A_1359 = arith.xori %lt3A_1356, %lt3A_1358 : i1
      %and3A_1360 = arith.andi %ne3A_1359, %ne3A_1354 : i1
      %add3A_1361 = arith.addi %rem3A_1352, %select_n3A_1351 : i32
      %select_n3A_1362 = arith.select %and3A_1360, %add3A_1361, %rem3A_1352 : i32
      %broadcast_in_dim3A_1363 = vector.broadcast %select_n3A_1362 : i32 to vector<16xi32>
      %gather3A_1364 = tpu.vector_load_idx %arg24[%iota3A, %broadcast_in_dim3A_1363] : memref<32x128xf32, #tpu.memory_space<vmem>>[vector<16xi32>, vector<16xi32>], vector<16xf32>,
      %gather3A_1365 = tpu.vector_load_idx %arg24[%add3A_5, %broadcast_in_dim3A_1363] : memref<32x128xf32, #tpu.memory_space<vmem>>[vector<16xi32>, vector<16xi32>], vector<16xf32>,
      %swap3A_1366 = arith.index_cast %add3A_1296 : i32 to index
      %swap3A_1367 = arith.constant 0 : index
      %swap3A_1368 = tpu.vector_load %arg26[%swap3A_1366, %swap3A_1367] {strides = array<i32>} : memref<512x128xf32, #tpu.memory_space<vmem>>, vector<16xf32>,
      tpu.vector_store %arg26[%swap3A_1366, %swap3A_1367], %gather3A_1364 {strides = array<i32>} : memref<512x128xf32, #tpu.memory_space<vmem>>, vector<16xf32>,
      %swap3A_1369 = arith.index_cast %add3A_1296 : i32 to index
      %swap3A_1370 = arith.constant 16 : index
      %swap3A_1371 = tpu.vector_load %arg26[%swap3A_1369, %swap3A_1370] {strides = array<i32>} : memref<512x128xf32, #tpu.memory_space<vmem>>, vector<16xf32>,
      tpu.vector_store %arg26[%swap3A_1369, %swap3A_1370], %gather3A_1365 {strides = array<i32>} : memref<512x128xf32, #tpu.memory_space<vmem>>, vector<16xf32>,
      %slice3A_1372 = vector.extract_strided_slice %get3A_566 {offsets = [6], sizes = [1], strides = [1]} : vector<16xi32> to vector<1xi32>
      %squeeze3A_1373 = vector.extract %slice3A_1372[0] : i32 from vector<1xi32>
      %broadcast_in_dim3A_1374 = vector.broadcast %squeeze3A_1373 : i32 to vector<16xi32>
      %gather3A_1375 = tpu.vector_load_idx %arg15[%iota3A, %broadcast_in_dim3A_1374] : memref<32x128xf32, #tpu.memory_space<vmem>>[vector<16xi32>, vector<16xi32>], vector<16xf32>,
      %gather3A_1376 = tpu.vector_load_idx %arg15[%add3A_5, %broadcast_in_dim3A_1374] : memref<32x128xf32, #tpu.memory_space<vmem>>[vector<16xi32>, vector<16xi32>], vector<16xf32>,
      %swap3A_1377 = arith.index_cast %add3A_1296 : i32 to index
      %swap3A_1378 = arith.constant 32 : index
      %swap3A_1379 = tpu.vector_load %arg26[%swap3A_1377, %swap3A_1378] {strides = array<i32>} : memref<512x128xf32, #tpu.memory_space<vmem>>, vector<16xf32>,
      tpu.vector_store %arg26[%swap3A_1377, %swap3A_1378], %gather3A_1375 {strides = array<i32>} : memref<512x128xf32, #tpu.memory_space<vmem>>, vector<16xf32>,
      %swap3A_1380 = arith.index_cast %add3A_1296 : i32 to index
      %swap3A_1381 = arith.constant 48 : index
      %swap3A_1382 = tpu.vector_load %arg26[%swap3A_1380, %swap3A_1381] {strides = array<i32>} : memref<512x128xf32, #tpu.memory_space<vmem>>, vector<16xf32>,
      tpu.vector_store %arg26[%swap3A_1380, %swap3A_1381], %gather3A_1376 {strides = array<i32>} : memref<512x128xf32, #tpu.memory_space<vmem>>, vector<16xf32>,
      %slice3A_1383 = vector.extract_strided_slice %get3A_570 {offsets = [6], sizes = [1], strides = [1]} : vector<16xi32> to vector<1xi32>
      %squeeze3A_1384 = vector.extract %slice3A_1383[0] : i32 from vector<1xi32>
      %broadcast_in_dim3A_1385 = vector.broadcast %squeeze3A_1384 : i32 to vector<16xi32>
      %gather3A_1386 = tpu.vector_load_idx %arg16[%iota3A, %broadcast_in_dim3A_1385] : memref<32x128xf32, #tpu.memory_space<vmem>>[vector<16xi32>, vector<16xi32>], vector<16xf32>,
      %gather3A_1387 = tpu.vector_load_idx %arg16[%add3A_5, %broadcast_in_dim3A_1385] : memref<32x128xf32, #tpu.memory_space<vmem>>[vector<16xi32>, vector<16xi32>], vector<16xf32>,
      %swap3A_1388 = arith.index_cast %add3A_1296 : i32 to index
      %swap3A_1389 = arith.constant 64 : index
      %swap3A_1390 = tpu.vector_load %arg26[%swap3A_1388, %swap3A_1389] {strides = array<i32>} : memref<512x128xf32, #tpu.memory_space<vmem>>, vector<16xf32>,
      tpu.vector_store %arg26[%swap3A_1388, %swap3A_1389], %gather3A_1386 {strides = array<i32>} : memref<512x128xf32, #tpu.memory_space<vmem>>, vector<16xf32>,
      %swap3A_1391 = arith.index_cast %add3A_1296 : i32 to index
      %swap3A_1392 = arith.constant 80 : index
      %swap3A_1393 = tpu.vector_load %arg26[%swap3A_1391, %swap3A_1392] {strides = array<i32>} : memref<512x128xf32, #tpu.memory_space<vmem>>, vector<16xf32>,
      tpu.vector_store %arg26[%swap3A_1391, %swap3A_1392], %gather3A_1387 {strides = array<i32>} : memref<512x128xf32, #tpu.memory_space<vmem>>, vector<16xf32>,
      %slice3A_1394 = vector.extract_strided_slice %get3A_574 {offsets = [6], sizes = [1], strides = [1]} : vector<16xi32> to vector<1xi32>
      %squeeze3A_1395 = vector.extract %slice3A_1394[0] : i32 from vector<1xi32>
      %broadcast_in_dim3A_1396 = vector.broadcast %squeeze3A_1395 : i32 to vector<16xi32>
      %gather3A_1397 = tpu.vector_load_idx %arg17[%iota3A, %broadcast_in_dim3A_1396] : memref<32x128xf32, #tpu.memory_space<vmem>>[vector<16xi32>, vector<16xi32>], vector<16xf32>,
      %gather3A_1398 = tpu.vector_load_idx %arg17[%add3A_5, %broadcast_in_dim3A_1396] : memref<32x128xf32, #tpu.memory_space<vmem>>[vector<16xi32>, vector<16xi32>], vector<16xf32>,
      %swap3A_1399 = arith.index_cast %add3A_1296 : i32 to index
      %swap3A_1400 = arith.constant 96 : index
      %swap3A_1401 = tpu.vector_load %arg26[%swap3A_1399, %swap3A_1400] {strides = array<i32>} : memref<512x128xf32, #tpu.memory_space<vmem>>, vector<16xf32>,
      tpu.vector_store %arg26[%swap3A_1399, %swap3A_1400], %gather3A_1397 {strides = array<i32>} : memref<512x128xf32, #tpu.memory_space<vmem>>, vector<16xf32>,
      %swap3A_1402 = arith.index_cast %add3A_1296 : i32 to index
      %swap3A_1403 = arith.constant 112 : index
      %swap3A_1404 = tpu.vector_load %arg26[%swap3A_1402, %swap3A_1403] {strides = array<i32>} : memref<512x128xf32, #tpu.memory_space<vmem>>, vector<16xf32>,
      tpu.vector_store %arg26[%swap3A_1402, %swap3A_1403], %gather3A_1398 {strides = array<i32>} : memref<512x128xf32, #tpu.memory_space<vmem>>, vector<16xf32>,
      %slice3A_1405 = vector.extract_strided_slice %get3A_556 {offsets = [14], sizes = [1], strides = [1]} : vector<16xi32> to vector<1xi32>
      %squeeze3A_1406 = vector.extract %slice3A_1405[0] : i32 from vector<1xi32>
      %add3A_1407 = arith.constant 8 : i32
      %add3A_1408 = arith.addi %add3A_1296, %add3A_1407 : i32
      %lt3A_1409 = arith.constant 512 : i32
      %lt3A_1410 = arith.cmpi slt, %add3A_1408, %lt3A_1409 : i32
      %convert_element_type3A_1411 = arith.extui %lt3A_1410 : i1 to i32
      %cond3A_1412 = arith.constant 0 : i32
      %cond3A_1413 = arith.cmpi ne, %convert_element_type3A_1411, %cond3A_1412 : i32
      scf.if %cond3A_1413 {
        %jit3A_2503 = arith.constant 128 : i32
        %div3A_2504 = arith.divsi %squeeze3A_1406, %jit3A_2503 : i32
        %sign3A_2505 = arith.constant 0 : i32
        %sign3A_2506 = arith.cmpi sgt, %squeeze3A_1406, %sign3A_2505 : i32
        %sign3A_2507 = arith.extui %sign3A_2506 : i1 to i32
        %sign3A_2508 = arith.constant 0 : i32
        %sign3A_2509 = arith.cmpi slt, %squeeze3A_1406, %sign3A_2508 : i32
        %sign3A_2510 = arith.extui %sign3A_2509 : i1 to i32
        %sign3A_2511 = arith.subi %sign3A_2507, %sign3A_2510 : i32
        %sign3A_2512 = arith.constant 0 : i32
        %sign3A_2513 = arith.cmpi sgt, %jit3A_2503, %sign3A_2512 : i32
        %sign3A_2514 = arith.extui %sign3A_2513 : i1 to i32
        %sign3A_2515 = arith.constant 0 : i32
        %sign3A_2516 = arith.cmpi slt, %jit3A_2503, %sign3A_2515 : i32
        %sign3A_2517 = arith.extui %sign3A_2516 : i1 to i32
        %sign3A_2518 = arith.subi %sign3A_2514, %sign3A_2517 : i32
        %ne3A_2519 = arith.cmpi ne, %sign3A_2511, %sign3A_2518 : i32
        %rem3A_2520 = arith.remsi %squeeze3A_1406, %jit3A_2503 : i32
        %ne3A_2521 = arith.constant 0 : i32
        %ne3A_2522 = arith.cmpi ne, %rem3A_2520, %ne3A_2521 : i32
        %and3A_2523 = arith.andi %ne3A_2519, %ne3A_2522 : i1
        %sub3A_2524 = arith.constant 1 : i32
        %sub3A_2525 = arith.subi %div3A_2504, %sub3A_2524 : i32
        %select_n3A_2526 = arith.select %and3A_2523, %sub3A_2525, %div3A_2504 : i32
        %mul3A_2527 = arith.constant 128 : i32
        %mul3A_2528 = arith.muli %select_n3A_2526, %mul3A_2527 : i32
        %multiple_of3A_2529 = tpu.assume_multiple %mul3A_2528, 128 : i32
        %dma_start3A_2530 = arith.constant 0 : i32
        %dma_start3A_2531 = arith.constant 0 : i32
        %dma_start3A_2532 = tpu.memref_slice %arg24[%dma_start3A_2530, %dma_start3A_2531] : memref<32x128xf32, #tpu.memory_space<vmem>> -> memref<8x128xf32, #tpu.memory_space<vmem>>
        %dma_start3A_2533 = arith.constant 0 : i32
        %dma_start3A_2534 = tpu.memref_slice %arg6[%dma_start3A_2533, %multiple_of3A_2529] : memref<32x1000001xf32, #tpu.memory_space<hbm>> -> memref<8x128xf32, #tpu.memory_space<hbm>>
        %dma_start3A_2535 = arith.constant 0 : i32
        %dma_start3A_2536 = arith.constant 0 : i32
        %dma_start3A_2537 = tpu.memref_slice %arg24[%dma_start3A_2535, %dma_start3A_2536] : memref<32x128xf32, #tpu.memory_space<vmem>> -> memref<8x128xf32, #tpu.memory_space<vmem>>
        %dma_start3A_2538 = arith.constant 0 : i32
        %dma_start3A_2539 = tpu.memref_slice %arg6[%dma_start3A_2538, %multiple_of3A_2529] : memref<32x1000001xf32, #tpu.memory_space<hbm>> -> memref<8x128xf32, #tpu.memory_space<hbm>>
        tpu.enqueue_dma source(%dma_start3A_2539 : memref<8x128xf32, #tpu.memory_space<hbm>>) target(%dma_start3A_2537 : memref<8x128xf32, #tpu.memory_space<vmem>>) target_semaphore(%arg33 : memref<!tpu.dma_semaphore, #tpu.memory_space<semaphore_mem>>)
        %dma_start3A_2540 = arith.constant 8 : i32
        %dma_start3A_2541 = arith.constant 0 : i32
        %dma_start3A_2542 = tpu.memref_slice %arg24[%dma_start3A_2540, %dma_start3A_2541] : memref<32x128xf32, #tpu.memory_space<vmem>> -> memref<8x128xf32, #tpu.memory_space<vmem>>
        %dma_start3A_2543 = arith.constant 8 : i32
        %dma_start3A_2544 = tpu.memref_slice %arg6[%dma_start3A_2543, %multiple_of3A_2529] : memref<32x1000001xf32, #tpu.memory_space<hbm>> -> memref<8x128xf32, #tpu.memory_space<hbm>>
        %dma_start3A_2545 = arith.constant 8 : i32
        %dma_start3A_2546 = arith.constant 0 : i32
        %dma_start3A_2547 = tpu.memref_slice %arg24[%dma_start3A_2545, %dma_start3A_2546] : memref<32x128xf32, #tpu.memory_space<vmem>> -> memref<8x128xf32, #tpu.memory_space<vmem>>
        %dma_start3A_2548 = arith.constant 8 : i32
        %dma_start3A_2549 = tpu.memref_slice %arg6[%dma_start3A_2548, %multiple_of3A_2529] : memref<32x1000001xf32, #tpu.memory_space<hbm>> -> memref<8x128xf32, #tpu.memory_space<hbm>>
        tpu.enqueue_dma source(%dma_start3A_2549 : memref<8x128xf32, #tpu.memory_space<hbm>>) target(%dma_start3A_2547 : memref<8x128xf32, #tpu.memory_space<vmem>>) target_semaphore(%arg33 : memref<!tpu.dma_semaphore, #tpu.memory_space<semaphore_mem>>)
        %dma_start3A_2550 = arith.constant 16 : i32
        %dma_start3A_2551 = arith.constant 0 : i32
        %dma_start3A_2552 = tpu.memref_slice %arg24[%dma_start3A_2550, %dma_start3A_2551] : memref<32x128xf32, #tpu.memory_space<vmem>> -> memref<8x128xf32, #tpu.memory_space<vmem>>
        %dma_start3A_2553 = arith.constant 16 : i32
        %dma_start3A_2554 = tpu.memref_slice %arg6[%dma_start3A_2553, %multiple_of3A_2529] : memref<32x1000001xf32, #tpu.memory_space<hbm>> -> memref<8x128xf32, #tpu.memory_space<hbm>>
        %dma_start3A_2555 = arith.constant 16 : i32
        %dma_start3A_2556 = arith.constant 0 : i32
        %dma_start3A_2557 = tpu.memref_slice %arg24[%dma_start3A_2555, %dma_start3A_2556] : memref<32x128xf32, #tpu.memory_space<vmem>> -> memref<8x128xf32, #tpu.memory_space<vmem>>
        %dma_start3A_2558 = arith.constant 16 : i32
        %dma_start3A_2559 = tpu.memref_slice %arg6[%dma_start3A_2558, %multiple_of3A_2529] : memref<32x1000001xf32, #tpu.memory_space<hbm>> -> memref<8x128xf32, #tpu.memory_space<hbm>>
        tpu.enqueue_dma source(%dma_start3A_2559 : memref<8x128xf32, #tpu.memory_space<hbm>>) target(%dma_start3A_2557 : memref<8x128xf32, #tpu.memory_space<vmem>>) target_semaphore(%arg33 : memref<!tpu.dma_semaphore, #tpu.memory_space<semaphore_mem>>)
        %dma_start3A_2560 = arith.constant 24 : i32
        %dma_start3A_2561 = arith.constant 0 : i32
        %dma_start3A_2562 = tpu.memref_slice %arg24[%dma_start3A_2560, %dma_start3A_2561] : memref<32x128xf32, #tpu.memory_space<vmem>> -> memref<8x128xf32, #tpu.memory_space<vmem>>
        %dma_start3A_2563 = arith.constant 24 : i32
        %dma_start3A_2564 = tpu.memref_slice %arg6[%dma_start3A_2563, %multiple_of3A_2529] : memref<32x1000001xf32, #tpu.memory_space<hbm>> -> memref<8x128xf32, #tpu.memory_space<hbm>>
        %dma_start3A_2565 = arith.constant 24 : i32
        %dma_start3A_2566 = arith.constant 0 : i32
        %dma_start3A_2567 = tpu.memref_slice %arg24[%dma_start3A_2565, %dma_start3A_2566] : memref<32x128xf32, #tpu.memory_space<vmem>> -> memref<8x128xf32, #tpu.memory_space<vmem>>
        %dma_start3A_2568 = arith.constant 24 : i32
        %dma_start3A_2569 = tpu.memref_slice %arg6[%dma_start3A_2568, %multiple_of3A_2529] : memref<32x1000001xf32, #tpu.memory_space<hbm>> -> memref<8x128xf32, #tpu.memory_space<hbm>>
        tpu.enqueue_dma source(%dma_start3A_2569 : memref<8x128xf32, #tpu.memory_space<hbm>>) target(%dma_start3A_2567 : memref<8x128xf32, #tpu.memory_space<vmem>>) target_semaphore(%arg33 : memref<!tpu.dma_semaphore, #tpu.memory_space<semaphore_mem>>)
      } else {
      }
      %mul3A_1414 = arith.constant 16 : i32
      %mul3A_1415 = arith.muli %scan3A_552, %mul3A_1414 : i32
      %add3A_1416 = arith.constant 7 : i32
      %add3A_1417 = arith.addi %mul3A_1415, %add3A_1416 : i32
      %dma_wait3A_1418 = arith.constant 0 : i32
      %dma_wait3A_1419 = arith.constant 0 : i32
      %dma_wait3A_1420 = tpu.memref_slice %arg25[%dma_wait3A_1418, %dma_wait3A_1419] : memref<32x128xf32, #tpu.memory_space<vmem>> -> memref<8x128xf32, #tpu.memory_space<vmem>>
      %dma_wait3A_1421 = arith.constant 0 : i32
      %dma_wait3A_1422 = arith.constant 0 : i32
      %dma_wait3A_1423 = tpu.memref_slice %arg6[%dma_wait3A_1421, %dma_wait3A_1422] : memref<32x1000001xf32, #tpu.memory_space<hbm>> -> memref<8x128xf32, #tpu.memory_space<hbm>>
      %dma_wait3A_1424 = arith.constant 0 : i32
      %dma_wait3A_1425 = arith.constant 0 : i32
      %dma_wait3A_1426 = tpu.memref_slice %arg25[%dma_wait3A_1424, %dma_wait3A_1425] : memref<32x128xf32, #tpu.memory_space<vmem>> -> memref<8x128xf32, #tpu.memory_space<vmem>>
      %dma_wait3A_1427 = arith.constant 0 : i32
      %dma_wait3A_1428 = arith.constant 0 : i32
      %dma_wait3A_1429 = tpu.memref_slice %arg6[%dma_wait3A_1427, %dma_wait3A_1428] : memref<32x1000001xf32, #tpu.memory_space<hbm>> -> memref<8x128xf32, #tpu.memory_space<hbm>>
      tpu.wait_dma2 semaphore(%arg34 : memref<!tpu.dma_semaphore, #tpu.memory_space<semaphore_mem>>) src(%dma_wait3A_1429 : memref<8x128xf32, #tpu.memory_space<hbm>>) dst(%dma_wait3A_1426 : memref<8x128xf32, #tpu.memory_space<vmem>>)
      %dma_wait3A_1430 = arith.constant 8 : i32
      %dma_wait3A_1431 = arith.constant 0 : i32
      %dma_wait3A_1432 = tpu.memref_slice %arg25[%dma_wait3A_1430, %dma_wait3A_1431] : memref<32x128xf32, #tpu.memory_space<vmem>> -> memref<8x128xf32, #tpu.memory_space<vmem>>
      %dma_wait3A_1433 = arith.constant 8 : i32
      %dma_wait3A_1434 = arith.constant 0 : i32
      %dma_wait3A_1435 = tpu.memref_slice %arg6[%dma_wait3A_1433, %dma_wait3A_1434] : memref<32x1000001xf32, #tpu.memory_space<hbm>> -> memref<8x128xf32, #tpu.memory_space<hbm>>
      %dma_wait3A_1436 = arith.constant 8 : i32
      %dma_wait3A_1437 = arith.constant 0 : i32
      %dma_wait3A_1438 = tpu.memref_slice %arg25[%dma_wait3A_1436, %dma_wait3A_1437] : memref<32x128xf32, #tpu.memory_space<vmem>> -> memref<8x128xf32, #tpu.memory_space<vmem>>
      %dma_wait3A_1439 = arith.constant 8 : i32
      %dma_wait3A_1440 = arith.constant 0 : i32
      %dma_wait3A_1441 = tpu.memref_slice %arg6[%dma_wait3A_1439, %dma_wait3A_1440] : memref<32x1000001xf32, #tpu.memory_space<hbm>> -> memref<8x128xf32, #tpu.memory_space<hbm>>
      tpu.wait_dma2 semaphore(%arg34 : memref<!tpu.dma_semaphore, #tpu.memory_space<semaphore_mem>>) src(%dma_wait3A_1441 : memref<8x128xf32, #tpu.memory_space<hbm>>) dst(%dma_wait3A_1438 : memref<8x128xf32, #tpu.memory_space<vmem>>)
      %dma_wait3A_1442 = arith.constant 16 : i32
      %dma_wait3A_1443 = arith.constant 0 : i32
      %dma_wait3A_1444 = tpu.memref_slice %arg25[%dma_wait3A_1442, %dma_wait3A_1443] : memref<32x128xf32, #tpu.memory_space<vmem>> -> memref<8x128xf32, #tpu.memory_space<vmem>>
      %dma_wait3A_1445 = arith.constant 16 : i32
      %dma_wait3A_1446 = arith.constant 0 : i32
      %dma_wait3A_1447 = tpu.memref_slice %arg6[%dma_wait3A_1445, %dma_wait3A_1446] : memref<32x1000001xf32, #tpu.memory_space<hbm>> -> memref<8x128xf32, #tpu.memory_space<hbm>>
      %dma_wait3A_1448 = arith.constant 16 : i32
      %dma_wait3A_1449 = arith.constant 0 : i32
      %dma_wait3A_1450 = tpu.memref_slice %arg25[%dma_wait3A_1448, %dma_wait3A_1449] : memref<32x128xf32, #tpu.memory_space<vmem>> -> memref<8x128xf32, #tpu.memory_space<vmem>>
      %dma_wait3A_1451 = arith.constant 16 : i32
      %dma_wait3A_1452 = arith.constant 0 : i32
      %dma_wait3A_1453 = tpu.memref_slice %arg6[%dma_wait3A_1451, %dma_wait3A_1452] : memref<32x1000001xf32, #tpu.memory_space<hbm>> -> memref<8x128xf32, #tpu.memory_space<hbm>>
      tpu.wait_dma2 semaphore(%arg34 : memref<!tpu.dma_semaphore, #tpu.memory_space<semaphore_mem>>) src(%dma_wait3A_1453 : memref<8x128xf32, #tpu.memory_space<hbm>>) dst(%dma_wait3A_1450 : memref<8x128xf32, #tpu.memory_space<vmem>>)
      %dma_wait3A_1454 = arith.constant 24 : i32
      %dma_wait3A_1455 = arith.constant 0 : i32
      %dma_wait3A_1456 = tpu.memref_slice %arg25[%dma_wait3A_1454, %dma_wait3A_1455] : memref<32x128xf32, #tpu.memory_space<vmem>> -> memref<8x128xf32, #tpu.memory_space<vmem>>
      %dma_wait3A_1457 = arith.constant 24 : i32
      %dma_wait3A_1458 = arith.constant 0 : i32
      %dma_wait3A_1459 = tpu.memref_slice %arg6[%dma_wait3A_1457, %dma_wait3A_1458] : memref<32x1000001xf32, #tpu.memory_space<hbm>> -> memref<8x128xf32, #tpu.memory_space<hbm>>
      %dma_wait3A_1460 = arith.constant 24 : i32
      %dma_wait3A_1461 = arith.constant 0 : i32
      %dma_wait3A_1462 = tpu.memref_slice %arg25[%dma_wait3A_1460, %dma_wait3A_1461] : memref<32x128xf32, #tpu.memory_space<vmem>> -> memref<8x128xf32, #tpu.memory_space<vmem>>
      %dma_wait3A_1463 = arith.constant 24 : i32
      %dma_wait3A_1464 = arith.constant 0 : i32
      %dma_wait3A_1465 = tpu.memref_slice %arg6[%dma_wait3A_1463, %dma_wait3A_1464] : memref<32x1000001xf32, #tpu.memory_space<hbm>> -> memref<8x128xf32, #tpu.memory_space<hbm>>
      tpu.wait_dma2 semaphore(%arg34 : memref<!tpu.dma_semaphore, #tpu.memory_space<semaphore_mem>>) src(%dma_wait3A_1465 : memref<8x128xf32, #tpu.memory_space<hbm>>) dst(%dma_wait3A_1462 : memref<8x128xf32, #tpu.memory_space<vmem>>)
      %slice3A_1466 = vector.extract_strided_slice %get3A_556 {offsets = [7], sizes = [1], strides = [1]} : vector<16xi32> to vector<1xi32>
      %squeeze3A_1467 = vector.extract %slice3A_1466[0] : i32 from vector<1xi32>
      %jit3A_1468 = arith.constant 128 : i32
      %eq3A_1469 = arith.constant 0 : i32
      %eq3A_1470 = arith.cmpi eq, %jit3A_1468, %eq3A_1469 : i32
      %jit3A_1471 = arith.constant 1 : i32
      %select_n3A_1472 = arith.select %eq3A_1470, %jit3A_1471, %jit3A_1468 : i32
      %rem3A_1473 = arith.remsi %squeeze3A_1467, %select_n3A_1472 : i32
      %ne3A_1474 = arith.constant 0 : i32
      %ne3A_1475 = arith.cmpi ne, %rem3A_1473, %ne3A_1474 : i32
      %lt3A_1476 = arith.constant 0 : i32
      %lt3A_1477 = arith.cmpi slt, %rem3A_1473, %lt3A_1476 : i32
      %lt3A_1478 = arith.constant 0 : i32
      %lt3A_1479 = arith.cmpi slt, %select_n3A_1472, %lt3A_1478 : i32
      %ne3A_1480 = arith.xori %lt3A_1477, %lt3A_1479 : i1
      %and3A_1481 = arith.andi %ne3A_1480, %ne3A_1475 : i1
      %add3A_1482 = arith.addi %rem3A_1473, %select_n3A_1472 : i32
      %select_n3A_1483 = arith.select %and3A_1481, %add3A_1482, %rem3A_1473 : i32
      %broadcast_in_dim3A_1484 = vector.broadcast %select_n3A_1483 : i32 to vector<16xi32>
      %gather3A_1485 = tpu.vector_load_idx %arg25[%iota3A, %broadcast_in_dim3A_1484] : memref<32x128xf32, #tpu.memory_space<vmem>>[vector<16xi32>, vector<16xi32>], vector<16xf32>,
      %gather3A_1486 = tpu.vector_load_idx %arg25[%add3A_5, %broadcast_in_dim3A_1484] : memref<32x128xf32, #tpu.memory_space<vmem>>[vector<16xi32>, vector<16xi32>], vector<16xf32>,
      %swap3A_1487 = arith.index_cast %add3A_1417 : i32 to index
      %swap3A_1488 = arith.constant 0 : index
      %swap3A_1489 = tpu.vector_load %arg26[%swap3A_1487, %swap3A_1488] {strides = array<i32>} : memref<512x128xf32, #tpu.memory_space<vmem>>, vector<16xf32>,
      tpu.vector_store %arg26[%swap3A_1487, %swap3A_1488], %gather3A_1485 {strides = array<i32>} : memref<512x128xf32, #tpu.memory_space<vmem>>, vector<16xf32>,
      %swap3A_1490 = arith.index_cast %add3A_1417 : i32 to index
      %swap3A_1491 = arith.constant 16 : index
      %swap3A_1492 = tpu.vector_load %arg26[%swap3A_1490, %swap3A_1491] {strides = array<i32>} : memref<512x128xf32, #tpu.memory_space<vmem>>, vector<16xf32>,
      tpu.vector_store %arg26[%swap3A_1490, %swap3A_1491], %gather3A_1486 {strides = array<i32>} : memref<512x128xf32, #tpu.memory_space<vmem>>, vector<16xf32>,
      %slice3A_1493 = vector.extract_strided_slice %get3A_566 {offsets = [7], sizes = [1], strides = [1]} : vector<16xi32> to vector<1xi32>
      %squeeze3A_1494 = vector.extract %slice3A_1493[0] : i32 from vector<1xi32>
      %broadcast_in_dim3A_1495 = vector.broadcast %squeeze3A_1494 : i32 to vector<16xi32>
      %gather3A_1496 = tpu.vector_load_idx %arg15[%iota3A, %broadcast_in_dim3A_1495] : memref<32x128xf32, #tpu.memory_space<vmem>>[vector<16xi32>, vector<16xi32>], vector<16xf32>,
      %gather3A_1497 = tpu.vector_load_idx %arg15[%add3A_5, %broadcast_in_dim3A_1495] : memref<32x128xf32, #tpu.memory_space<vmem>>[vector<16xi32>, vector<16xi32>], vector<16xf32>,
      %swap3A_1498 = arith.index_cast %add3A_1417 : i32 to index
      %swap3A_1499 = arith.constant 32 : index
      %swap3A_1500 = tpu.vector_load %arg26[%swap3A_1498, %swap3A_1499] {strides = array<i32>} : memref<512x128xf32, #tpu.memory_space<vmem>>, vector<16xf32>,
      tpu.vector_store %arg26[%swap3A_1498, %swap3A_1499], %gather3A_1496 {strides = array<i32>} : memref<512x128xf32, #tpu.memory_space<vmem>>, vector<16xf32>,
      %swap3A_1501 = arith.index_cast %add3A_1417 : i32 to index
      %swap3A_1502 = arith.constant 48 : index
      %swap3A_1503 = tpu.vector_load %arg26[%swap3A_1501, %swap3A_1502] {strides = array<i32>} : memref<512x128xf32, #tpu.memory_space<vmem>>, vector<16xf32>,
      tpu.vector_store %arg26[%swap3A_1501, %swap3A_1502], %gather3A_1497 {strides = array<i32>} : memref<512x128xf32, #tpu.memory_space<vmem>>, vector<16xf32>,
      %slice3A_1504 = vector.extract_strided_slice %get3A_570 {offsets = [7], sizes = [1], strides = [1]} : vector<16xi32> to vector<1xi32>
      %squeeze3A_1505 = vector.extract %slice3A_1504[0] : i32 from vector<1xi32>
      %broadcast_in_dim3A_1506 = vector.broadcast %squeeze3A_1505 : i32 to vector<16xi32>
      %gather3A_1507 = tpu.vector_load_idx %arg16[%iota3A, %broadcast_in_dim3A_1506] : memref<32x128xf32, #tpu.memory_space<vmem>>[vector<16xi32>, vector<16xi32>], vector<16xf32>,
      %gather3A_1508 = tpu.vector_load_idx %arg16[%add3A_5, %broadcast_in_dim3A_1506] : memref<32x128xf32, #tpu.memory_space<vmem>>[vector<16xi32>, vector<16xi32>], vector<16xf32>,
      %swap3A_1509 = arith.index_cast %add3A_1417 : i32 to index
      %swap3A_1510 = arith.constant 64 : index
      %swap3A_1511 = tpu.vector_load %arg26[%swap3A_1509, %swap3A_1510] {strides = array<i32>} : memref<512x128xf32, #tpu.memory_space<vmem>>, vector<16xf32>,
      tpu.vector_store %arg26[%swap3A_1509, %swap3A_1510], %gather3A_1507 {strides = array<i32>} : memref<512x128xf32, #tpu.memory_space<vmem>>, vector<16xf32>,
      %swap3A_1512 = arith.index_cast %add3A_1417 : i32 to index
      %swap3A_1513 = arith.constant 80 : index
      %swap3A_1514 = tpu.vector_load %arg26[%swap3A_1512, %swap3A_1513] {strides = array<i32>} : memref<512x128xf32, #tpu.memory_space<vmem>>, vector<16xf32>,
      tpu.vector_store %arg26[%swap3A_1512, %swap3A_1513], %gather3A_1508 {strides = array<i32>} : memref<512x128xf32, #tpu.memory_space<vmem>>, vector<16xf32>,
      %slice3A_1515 = vector.extract_strided_slice %get3A_574 {offsets = [7], sizes = [1], strides = [1]} : vector<16xi32> to vector<1xi32>
      %squeeze3A_1516 = vector.extract %slice3A_1515[0] : i32 from vector<1xi32>
      %broadcast_in_dim3A_1517 = vector.broadcast %squeeze3A_1516 : i32 to vector<16xi32>
      %gather3A_1518 = tpu.vector_load_idx %arg17[%iota3A, %broadcast_in_dim3A_1517] : memref<32x128xf32, #tpu.memory_space<vmem>>[vector<16xi32>, vector<16xi32>], vector<16xf32>,
      %gather3A_1519 = tpu.vector_load_idx %arg17[%add3A_5, %broadcast_in_dim3A_1517] : memref<32x128xf32, #tpu.memory_space<vmem>>[vector<16xi32>, vector<16xi32>], vector<16xf32>,
      %swap3A_1520 = arith.index_cast %add3A_1417 : i32 to index
      %swap3A_1521 = arith.constant 96 : index
      %swap3A_1522 = tpu.vector_load %arg26[%swap3A_1520, %swap3A_1521] {strides = array<i32>} : memref<512x128xf32, #tpu.memory_space<vmem>>, vector<16xf32>,
      tpu.vector_store %arg26[%swap3A_1520, %swap3A_1521], %gather3A_1518 {strides = array<i32>} : memref<512x128xf32, #tpu.memory_space<vmem>>, vector<16xf32>,
      %swap3A_1523 = arith.index_cast %add3A_1417 : i32 to index
      %swap3A_1524 = arith.constant 112 : index
      %swap3A_1525 = tpu.vector_load %arg26[%swap3A_1523, %swap3A_1524] {strides = array<i32>} : memref<512x128xf32, #tpu.memory_space<vmem>>, vector<16xf32>,
      tpu.vector_store %arg26[%swap3A_1523, %swap3A_1524], %gather3A_1519 {strides = array<i32>} : memref<512x128xf32, #tpu.memory_space<vmem>>, vector<16xf32>,
      %slice3A_1526 = vector.extract_strided_slice %get3A_556 {offsets = [15], sizes = [1], strides = [1]} : vector<16xi32> to vector<1xi32>
      %squeeze3A_1527 = vector.extract %slice3A_1526[0] : i32 from vector<1xi32>
      %add3A_1528 = arith.constant 8 : i32
      %add3A_1529 = arith.addi %add3A_1417, %add3A_1528 : i32
      %lt3A_1530 = arith.constant 512 : i32
      %lt3A_1531 = arith.cmpi slt, %add3A_1529, %lt3A_1530 : i32
      %convert_element_type3A_1532 = arith.extui %lt3A_1531 : i1 to i32
      %cond3A_1533 = arith.constant 0 : i32
      %cond3A_1534 = arith.cmpi ne, %convert_element_type3A_1532, %cond3A_1533 : i32
      scf.if %cond3A_1534 {
        %jit3A_2503 = arith.constant 128 : i32
        %div3A_2504 = arith.divsi %squeeze3A_1527, %jit3A_2503 : i32
        %sign3A_2505 = arith.constant 0 : i32
        %sign3A_2506 = arith.cmpi sgt, %squeeze3A_1527, %sign3A_2505 : i32
        %sign3A_2507 = arith.extui %sign3A_2506 : i1 to i32
        %sign3A_2508 = arith.constant 0 : i32
        %sign3A_2509 = arith.cmpi slt, %squeeze3A_1527, %sign3A_2508 : i32
        %sign3A_2510 = arith.extui %sign3A_2509 : i1 to i32
        %sign3A_2511 = arith.subi %sign3A_2507, %sign3A_2510 : i32
        %sign3A_2512 = arith.constant 0 : i32
        %sign3A_2513 = arith.cmpi sgt, %jit3A_2503, %sign3A_2512 : i32
        %sign3A_2514 = arith.extui %sign3A_2513 : i1 to i32
        %sign3A_2515 = arith.constant 0 : i32
        %sign3A_2516 = arith.cmpi slt, %jit3A_2503, %sign3A_2515 : i32
        %sign3A_2517 = arith.extui %sign3A_2516 : i1 to i32
        %sign3A_2518 = arith.subi %sign3A_2514, %sign3A_2517 : i32
        %ne3A_2519 = arith.cmpi ne, %sign3A_2511, %sign3A_2518 : i32
        %rem3A_2520 = arith.remsi %squeeze3A_1527, %jit3A_2503 : i32
        %ne3A_2521 = arith.constant 0 : i32
        %ne3A_2522 = arith.cmpi ne, %rem3A_2520, %ne3A_2521 : i32
        %and3A_2523 = arith.andi %ne3A_2519, %ne3A_2522 : i1
        %sub3A_2524 = arith.constant 1 : i32
        %sub3A_2525 = arith.subi %div3A_2504, %sub3A_2524 : i32
        %select_n3A_2526 = arith.select %and3A_2523, %sub3A_2525, %div3A_2504 : i32
        %mul3A_2527 = arith.constant 128 : i32
        %mul3A_2528 = arith.muli %select_n3A_2526, %mul3A_2527 : i32
        %multiple_of3A_2529 = tpu.assume_multiple %mul3A_2528, 128 : i32
        %dma_start3A_2530 = arith.constant 0 : i32
        %dma_start3A_2531 = arith.constant 0 : i32
        %dma_start3A_2532 = tpu.memref_slice %arg25[%dma_start3A_2530, %dma_start3A_2531] : memref<32x128xf32, #tpu.memory_space<vmem>> -> memref<8x128xf32, #tpu.memory_space<vmem>>
        %dma_start3A_2533 = arith.constant 0 : i32
        %dma_start3A_2534 = tpu.memref_slice %arg6[%dma_start3A_2533, %multiple_of3A_2529] : memref<32x1000001xf32, #tpu.memory_space<hbm>> -> memref<8x128xf32, #tpu.memory_space<hbm>>
        %dma_start3A_2535 = arith.constant 0 : i32
        %dma_start3A_2536 = arith.constant 0 : i32
        %dma_start3A_2537 = tpu.memref_slice %arg25[%dma_start3A_2535, %dma_start3A_2536] : memref<32x128xf32, #tpu.memory_space<vmem>> -> memref<8x128xf32, #tpu.memory_space<vmem>>
        %dma_start3A_2538 = arith.constant 0 : i32
        %dma_start3A_2539 = tpu.memref_slice %arg6[%dma_start3A_2538, %multiple_of3A_2529] : memref<32x1000001xf32, #tpu.memory_space<hbm>> -> memref<8x128xf32, #tpu.memory_space<hbm>>
        tpu.enqueue_dma source(%dma_start3A_2539 : memref<8x128xf32, #tpu.memory_space<hbm>>) target(%dma_start3A_2537 : memref<8x128xf32, #tpu.memory_space<vmem>>) target_semaphore(%arg34 : memref<!tpu.dma_semaphore, #tpu.memory_space<semaphore_mem>>)
        %dma_start3A_2540 = arith.constant 8 : i32
        %dma_start3A_2541 = arith.constant 0 : i32
        %dma_start3A_2542 = tpu.memref_slice %arg25[%dma_start3A_2540, %dma_start3A_2541] : memref<32x128xf32, #tpu.memory_space<vmem>> -> memref<8x128xf32, #tpu.memory_space<vmem>>
        %dma_start3A_2543 = arith.constant 8 : i32
        %dma_start3A_2544 = tpu.memref_slice %arg6[%dma_start3A_2543, %multiple_of3A_2529] : memref<32x1000001xf32, #tpu.memory_space<hbm>> -> memref<8x128xf32, #tpu.memory_space<hbm>>
        %dma_start3A_2545 = arith.constant 8 : i32
        %dma_start3A_2546 = arith.constant 0 : i32
        %dma_start3A_2547 = tpu.memref_slice %arg25[%dma_start3A_2545, %dma_start3A_2546] : memref<32x128xf32, #tpu.memory_space<vmem>> -> memref<8x128xf32, #tpu.memory_space<vmem>>
        %dma_start3A_2548 = arith.constant 8 : i32
        %dma_start3A_2549 = tpu.memref_slice %arg6[%dma_start3A_2548, %multiple_of3A_2529] : memref<32x1000001xf32, #tpu.memory_space<hbm>> -> memref<8x128xf32, #tpu.memory_space<hbm>>
        tpu.enqueue_dma source(%dma_start3A_2549 : memref<8x128xf32, #tpu.memory_space<hbm>>) target(%dma_start3A_2547 : memref<8x128xf32, #tpu.memory_space<vmem>>) target_semaphore(%arg34 : memref<!tpu.dma_semaphore, #tpu.memory_space<semaphore_mem>>)
        %dma_start3A_2550 = arith.constant 16 : i32
        %dma_start3A_2551 = arith.constant 0 : i32
        %dma_start3A_2552 = tpu.memref_slice %arg25[%dma_start3A_2550, %dma_start3A_2551] : memref<32x128xf32, #tpu.memory_space<vmem>> -> memref<8x128xf32, #tpu.memory_space<vmem>>
        %dma_start3A_2553 = arith.constant 16 : i32
        %dma_start3A_2554 = tpu.memref_slice %arg6[%dma_start3A_2553, %multiple_of3A_2529] : memref<32x1000001xf32, #tpu.memory_space<hbm>> -> memref<8x128xf32, #tpu.memory_space<hbm>>
        %dma_start3A_2555 = arith.constant 16 : i32
        %dma_start3A_2556 = arith.constant 0 : i32
        %dma_start3A_2557 = tpu.memref_slice %arg25[%dma_start3A_2555, %dma_start3A_2556] : memref<32x128xf32, #tpu.memory_space<vmem>> -> memref<8x128xf32, #tpu.memory_space<vmem>>
        %dma_start3A_2558 = arith.constant 16 : i32
        %dma_start3A_2559 = tpu.memref_slice %arg6[%dma_start3A_2558, %multiple_of3A_2529] : memref<32x1000001xf32, #tpu.memory_space<hbm>> -> memref<8x128xf32, #tpu.memory_space<hbm>>
        tpu.enqueue_dma source(%dma_start3A_2559 : memref<8x128xf32, #tpu.memory_space<hbm>>) target(%dma_start3A_2557 : memref<8x128xf32, #tpu.memory_space<vmem>>) target_semaphore(%arg34 : memref<!tpu.dma_semaphore, #tpu.memory_space<semaphore_mem>>)
        %dma_start3A_2560 = arith.constant 24 : i32
        %dma_start3A_2561 = arith.constant 0 : i32
        %dma_start3A_2562 = tpu.memref_slice %arg25[%dma_start3A_2560, %dma_start3A_2561] : memref<32x128xf32, #tpu.memory_space<vmem>> -> memref<8x128xf32, #tpu.memory_space<vmem>>
        %dma_start3A_2563 = arith.constant 24 : i32
        %dma_start3A_2564 = tpu.memref_slice %arg6[%dma_start3A_2563, %multiple_of3A_2529] : memref<32x1000001xf32, #tpu.memory_space<hbm>> -> memref<8x128xf32, #tpu.memory_space<hbm>>
        %dma_start3A_2565 = arith.constant 24 : i32
        %dma_start3A_2566 = arith.constant 0 : i32
        %dma_start3A_2567 = tpu.memref_slice %arg25[%dma_start3A_2565, %dma_start3A_2566] : memref<32x128xf32, #tpu.memory_space<vmem>> -> memref<8x128xf32, #tpu.memory_space<vmem>>
        %dma_start3A_2568 = arith.constant 24 : i32
        %dma_start3A_2569 = tpu.memref_slice %arg6[%dma_start3A_2568, %multiple_of3A_2529] : memref<32x1000001xf32, #tpu.memory_space<hbm>> -> memref<8x128xf32, #tpu.memory_space<hbm>>
        tpu.enqueue_dma source(%dma_start3A_2569 : memref<8x128xf32, #tpu.memory_space<hbm>>) target(%dma_start3A_2567 : memref<8x128xf32, #tpu.memory_space<vmem>>) target_semaphore(%arg34 : memref<!tpu.dma_semaphore, #tpu.memory_space<semaphore_mem>>)
      } else {
      }
      %mul3A_1535 = arith.constant 16 : i32
      %mul3A_1536 = arith.muli %scan3A_552, %mul3A_1535 : i32
      %add3A_1537 = arith.constant 8 : i32
      %add3A_1538 = arith.addi %mul3A_1536, %add3A_1537 : i32
      %dma_wait3A_1539 = arith.constant 0 : i32
      %dma_wait3A_1540 = arith.constant 0 : i32
      %dma_wait3A_1541 = tpu.memref_slice %arg18[%dma_wait3A_1539, %dma_wait3A_1540] : memref<32x128xf32, #tpu.memory_space<vmem>> -> memref<8x128xf32, #tpu.memory_space<vmem>>
      %dma_wait3A_1542 = arith.constant 0 : i32
      %dma_wait3A_1543 = arith.constant 0 : i32
      %dma_wait3A_1544 = tpu.memref_slice %arg6[%dma_wait3A_1542, %dma_wait3A_1543] : memref<32x1000001xf32, #tpu.memory_space<hbm>> -> memref<8x128xf32, #tpu.memory_space<hbm>>
      %dma_wait3A_1545 = arith.constant 0 : i32
      %dma_wait3A_1546 = arith.constant 0 : i32
      %dma_wait3A_1547 = tpu.memref_slice %arg18[%dma_wait3A_1545, %dma_wait3A_1546] : memref<32x128xf32, #tpu.memory_space<vmem>> -> memref<8x128xf32, #tpu.memory_space<vmem>>
      %dma_wait3A_1548 = arith.constant 0 : i32
      %dma_wait3A_1549 = arith.constant 0 : i32
      %dma_wait3A_1550 = tpu.memref_slice %arg6[%dma_wait3A_1548, %dma_wait3A_1549] : memref<32x1000001xf32, #tpu.memory_space<hbm>> -> memref<8x128xf32, #tpu.memory_space<hbm>>
      tpu.wait_dma2 semaphore(%arg27 : memref<!tpu.dma_semaphore, #tpu.memory_space<semaphore_mem>>) src(%dma_wait3A_1550 : memref<8x128xf32, #tpu.memory_space<hbm>>) dst(%dma_wait3A_1547 : memref<8x128xf32, #tpu.memory_space<vmem>>)
      %dma_wait3A_1551 = arith.constant 8 : i32
      %dma_wait3A_1552 = arith.constant 0 : i32
      %dma_wait3A_1553 = tpu.memref_slice %arg18[%dma_wait3A_1551, %dma_wait3A_1552] : memref<32x128xf32, #tpu.memory_space<vmem>> -> memref<8x128xf32, #tpu.memory_space<vmem>>
      %dma_wait3A_1554 = arith.constant 8 : i32
      %dma_wait3A_1555 = arith.constant 0 : i32
      %dma_wait3A_1556 = tpu.memref_slice %arg6[%dma_wait3A_1554, %dma_wait3A_1555] : memref<32x1000001xf32, #tpu.memory_space<hbm>> -> memref<8x128xf32, #tpu.memory_space<hbm>>
      %dma_wait3A_1557 = arith.constant 8 : i32
      %dma_wait3A_1558 = arith.constant 0 : i32
      %dma_wait3A_1559 = tpu.memref_slice %arg18[%dma_wait3A_1557, %dma_wait3A_1558] : memref<32x128xf32, #tpu.memory_space<vmem>> -> memref<8x128xf32, #tpu.memory_space<vmem>>
      %dma_wait3A_1560 = arith.constant 8 : i32
      %dma_wait3A_1561 = arith.constant 0 : i32
      %dma_wait3A_1562 = tpu.memref_slice %arg6[%dma_wait3A_1560, %dma_wait3A_1561] : memref<32x1000001xf32, #tpu.memory_space<hbm>> -> memref<8x128xf32, #tpu.memory_space<hbm>>
      tpu.wait_dma2 semaphore(%arg27 : memref<!tpu.dma_semaphore, #tpu.memory_space<semaphore_mem>>) src(%dma_wait3A_1562 : memref<8x128xf32, #tpu.memory_space<hbm>>) dst(%dma_wait3A_1559 : memref<8x128xf32, #tpu.memory_space<vmem>>)
      %dma_wait3A_1563 = arith.constant 16 : i32
      %dma_wait3A_1564 = arith.constant 0 : i32
      %dma_wait3A_1565 = tpu.memref_slice %arg18[%dma_wait3A_1563, %dma_wait3A_1564] : memref<32x128xf32, #tpu.memory_space<vmem>> -> memref<8x128xf32, #tpu.memory_space<vmem>>
      %dma_wait3A_1566 = arith.constant 16 : i32
      %dma_wait3A_1567 = arith.constant 0 : i32
      %dma_wait3A_1568 = tpu.memref_slice %arg6[%dma_wait3A_1566, %dma_wait3A_1567] : memref<32x1000001xf32, #tpu.memory_space<hbm>> -> memref<8x128xf32, #tpu.memory_space<hbm>>
      %dma_wait3A_1569 = arith.constant 16 : i32
      %dma_wait3A_1570 = arith.constant 0 : i32
      %dma_wait3A_1571 = tpu.memref_slice %arg18[%dma_wait3A_1569, %dma_wait3A_1570] : memref<32x128xf32, #tpu.memory_space<vmem>> -> memref<8x128xf32, #tpu.memory_space<vmem>>
      %dma_wait3A_1572 = arith.constant 16 : i32
      %dma_wait3A_1573 = arith.constant 0 : i32
      %dma_wait3A_1574 = tpu.memref_slice %arg6[%dma_wait3A_1572, %dma_wait3A_1573] : memref<32x1000001xf32, #tpu.memory_space<hbm>> -> memref<8x128xf32, #tpu.memory_space<hbm>>
      tpu.wait_dma2 semaphore(%arg27 : memref<!tpu.dma_semaphore, #tpu.memory_space<semaphore_mem>>) src(%dma_wait3A_1574 : memref<8x128xf32, #tpu.memory_space<hbm>>) dst(%dma_wait3A_1571 : memref<8x128xf32, #tpu.memory_space<vmem>>)
      %dma_wait3A_1575 = arith.constant 24 : i32
      %dma_wait3A_1576 = arith.constant 0 : i32
      %dma_wait3A_1577 = tpu.memref_slice %arg18[%dma_wait3A_1575, %dma_wait3A_1576] : memref<32x128xf32, #tpu.memory_space<vmem>> -> memref<8x128xf32, #tpu.memory_space<vmem>>
      %dma_wait3A_1578 = arith.constant 24 : i32
      %dma_wait3A_1579 = arith.constant 0 : i32
      %dma_wait3A_1580 = tpu.memref_slice %arg6[%dma_wait3A_1578, %dma_wait3A_1579] : memref<32x1000001xf32, #tpu.memory_space<hbm>> -> memref<8x128xf32, #tpu.memory_space<hbm>>
      %dma_wait3A_1581 = arith.constant 24 : i32
      %dma_wait3A_1582 = arith.constant 0 : i32
      %dma_wait3A_1583 = tpu.memref_slice %arg18[%dma_wait3A_1581, %dma_wait3A_1582] : memref<32x128xf32, #tpu.memory_space<vmem>> -> memref<8x128xf32, #tpu.memory_space<vmem>>
      %dma_wait3A_1584 = arith.constant 24 : i32
      %dma_wait3A_1585 = arith.constant 0 : i32
      %dma_wait3A_1586 = tpu.memref_slice %arg6[%dma_wait3A_1584, %dma_wait3A_1585] : memref<32x1000001xf32, #tpu.memory_space<hbm>> -> memref<8x128xf32, #tpu.memory_space<hbm>>
      tpu.wait_dma2 semaphore(%arg27 : memref<!tpu.dma_semaphore, #tpu.memory_space<semaphore_mem>>) src(%dma_wait3A_1586 : memref<8x128xf32, #tpu.memory_space<hbm>>) dst(%dma_wait3A_1583 : memref<8x128xf32, #tpu.memory_space<vmem>>)
      %slice3A_1587 = vector.extract_strided_slice %get3A_556 {offsets = [8], sizes = [1], strides = [1]} : vector<16xi32> to vector<1xi32>
      %squeeze3A_1588 = vector.extract %slice3A_1587[0] : i32 from vector<1xi32>
      %jit3A_1589 = arith.constant 128 : i32
      %eq3A_1590 = arith.constant 0 : i32
      %eq3A_1591 = arith.cmpi eq, %jit3A_1589, %eq3A_1590 : i32
      %jit3A_1592 = arith.constant 1 : i32
      %select_n3A_1593 = arith.select %eq3A_1591, %jit3A_1592, %jit3A_1589 : i32
      %rem3A_1594 = arith.remsi %squeeze3A_1588, %select_n3A_1593 : i32
      %ne3A_1595 = arith.constant 0 : i32
      %ne3A_1596 = arith.cmpi ne, %rem3A_1594, %ne3A_1595 : i32
      %lt3A_1597 = arith.constant 0 : i32
      %lt3A_1598 = arith.cmpi slt, %rem3A_1594, %lt3A_1597 : i32
      %lt3A_1599 = arith.constant 0 : i32
      %lt3A_1600 = arith.cmpi slt, %select_n3A_1593, %lt3A_1599 : i32
      %ne3A_1601 = arith.xori %lt3A_1598, %lt3A_1600 : i1
      %and3A_1602 = arith.andi %ne3A_1601, %ne3A_1596 : i1
      %add3A_1603 = arith.addi %rem3A_1594, %select_n3A_1593 : i32
      %select_n3A_1604 = arith.select %and3A_1602, %add3A_1603, %rem3A_1594 : i32
      %broadcast_in_dim3A_1605 = vector.broadcast %select_n3A_1604 : i32 to vector<16xi32>
      %gather3A_1606 = tpu.vector_load_idx %arg18[%iota3A, %broadcast_in_dim3A_1605] : memref<32x128xf32, #tpu.memory_space<vmem>>[vector<16xi32>, vector<16xi32>], vector<16xf32>,
      %gather3A_1607 = tpu.vector_load_idx %arg18[%add3A_5, %broadcast_in_dim3A_1605] : memref<32x128xf32, #tpu.memory_space<vmem>>[vector<16xi32>, vector<16xi32>], vector<16xf32>,
      %swap3A_1608 = arith.index_cast %add3A_1538 : i32 to index
      %swap3A_1609 = arith.constant 0 : index
      %swap3A_1610 = tpu.vector_load %arg26[%swap3A_1608, %swap3A_1609] {strides = array<i32>} : memref<512x128xf32, #tpu.memory_space<vmem>>, vector<16xf32>,
      tpu.vector_store %arg26[%swap3A_1608, %swap3A_1609], %gather3A_1606 {strides = array<i32>} : memref<512x128xf32, #tpu.memory_space<vmem>>, vector<16xf32>,
      %swap3A_1611 = arith.index_cast %add3A_1538 : i32 to index
      %swap3A_1612 = arith.constant 16 : index
      %swap3A_1613 = tpu.vector_load %arg26[%swap3A_1611, %swap3A_1612] {strides = array<i32>} : memref<512x128xf32, #tpu.memory_space<vmem>>, vector<16xf32>,
      tpu.vector_store %arg26[%swap3A_1611, %swap3A_1612], %gather3A_1607 {strides = array<i32>} : memref<512x128xf32, #tpu.memory_space<vmem>>, vector<16xf32>,
      %slice3A_1614 = vector.extract_strided_slice %get3A_566 {offsets = [8], sizes = [1], strides = [1]} : vector<16xi32> to vector<1xi32>
      %squeeze3A_1615 = vector.extract %slice3A_1614[0] : i32 from vector<1xi32>
      %broadcast_in_dim3A_1616 = vector.broadcast %squeeze3A_1615 : i32 to vector<16xi32>
      %gather3A_1617 = tpu.vector_load_idx %arg15[%iota3A, %broadcast_in_dim3A_1616] : memref<32x128xf32, #tpu.memory_space<vmem>>[vector<16xi32>, vector<16xi32>], vector<16xf32>,
      %gather3A_1618 = tpu.vector_load_idx %arg15[%add3A_5, %broadcast_in_dim3A_1616] : memref<32x128xf32, #tpu.memory_space<vmem>>[vector<16xi32>, vector<16xi32>], vector<16xf32>,
      %swap3A_1619 = arith.index_cast %add3A_1538 : i32 to index
      %swap3A_1620 = arith.constant 32 : index
      %swap3A_1621 = tpu.vector_load %arg26[%swap3A_1619, %swap3A_1620] {strides = array<i32>} : memref<512x128xf32, #tpu.memory_space<vmem>>, vector<16xf32>,
      tpu.vector_store %arg26[%swap3A_1619, %swap3A_1620], %gather3A_1617 {strides = array<i32>} : memref<512x128xf32, #tpu.memory_space<vmem>>, vector<16xf32>,
      %swap3A_1622 = arith.index_cast %add3A_1538 : i32 to index
      %swap3A_1623 = arith.constant 48 : index
      %swap3A_1624 = tpu.vector_load %arg26[%swap3A_1622, %swap3A_1623] {strides = array<i32>} : memref<512x128xf32, #tpu.memory_space<vmem>>, vector<16xf32>,
      tpu.vector_store %arg26[%swap3A_1622, %swap3A_1623], %gather3A_1618 {strides = array<i32>} : memref<512x128xf32, #tpu.memory_space<vmem>>, vector<16xf32>,
      %slice3A_1625 = vector.extract_strided_slice %get3A_570 {offsets = [8], sizes = [1], strides = [1]} : vector<16xi32> to vector<1xi32>
      %squeeze3A_1626 = vector.extract %slice3A_1625[0] : i32 from vector<1xi32>
      %broadcast_in_dim3A_1627 = vector.broadcast %squeeze3A_1626 : i32 to vector<16xi32>
      %gather3A_1628 = tpu.vector_load_idx %arg16[%iota3A, %broadcast_in_dim3A_1627] : memref<32x128xf32, #tpu.memory_space<vmem>>[vector<16xi32>, vector<16xi32>], vector<16xf32>,
      %gather3A_1629 = tpu.vector_load_idx %arg16[%add3A_5, %broadcast_in_dim3A_1627] : memref<32x128xf32, #tpu.memory_space<vmem>>[vector<16xi32>, vector<16xi32>], vector<16xf32>,
      %swap3A_1630 = arith.index_cast %add3A_1538 : i32 to index
      %swap3A_1631 = arith.constant 64 : index
      %swap3A_1632 = tpu.vector_load %arg26[%swap3A_1630, %swap3A_1631] {strides = array<i32>} : memref<512x128xf32, #tpu.memory_space<vmem>>, vector<16xf32>,
      tpu.vector_store %arg26[%swap3A_1630, %swap3A_1631], %gather3A_1628 {strides = array<i32>} : memref<512x128xf32, #tpu.memory_space<vmem>>, vector<16xf32>,
      %swap3A_1633 = arith.index_cast %add3A_1538 : i32 to index
      %swap3A_1634 = arith.constant 80 : index
      %swap3A_1635 = tpu.vector_load %arg26[%swap3A_1633, %swap3A_1634] {strides = array<i32>} : memref<512x128xf32, #tpu.memory_space<vmem>>, vector<16xf32>,
      tpu.vector_store %arg26[%swap3A_1633, %swap3A_1634], %gather3A_1629 {strides = array<i32>} : memref<512x128xf32, #tpu.memory_space<vmem>>, vector<16xf32>,
      %slice3A_1636 = vector.extract_strided_slice %get3A_574 {offsets = [8], sizes = [1], strides = [1]} : vector<16xi32> to vector<1xi32>
      %squeeze3A_1637 = vector.extract %slice3A_1636[0] : i32 from vector<1xi32>
      %broadcast_in_dim3A_1638 = vector.broadcast %squeeze3A_1637 : i32 to vector<16xi32>
      %gather3A_1639 = tpu.vector_load_idx %arg17[%iota3A, %broadcast_in_dim3A_1638] : memref<32x128xf32, #tpu.memory_space<vmem>>[vector<16xi32>, vector<16xi32>], vector<16xf32>,
      %gather3A_1640 = tpu.vector_load_idx %arg17[%add3A_5, %broadcast_in_dim3A_1638] : memref<32x128xf32, #tpu.memory_space<vmem>>[vector<16xi32>, vector<16xi32>], vector<16xf32>,
      %swap3A_1641 = arith.index_cast %add3A_1538 : i32 to index
      %swap3A_1642 = arith.constant 96 : index
      %swap3A_1643 = tpu.vector_load %arg26[%swap3A_1641, %swap3A_1642] {strides = array<i32>} : memref<512x128xf32, #tpu.memory_space<vmem>>, vector<16xf32>,
      tpu.vector_store %arg26[%swap3A_1641, %swap3A_1642], %gather3A_1639 {strides = array<i32>} : memref<512x128xf32, #tpu.memory_space<vmem>>, vector<16xf32>,
      %swap3A_1644 = arith.index_cast %add3A_1538 : i32 to index
      %swap3A_1645 = arith.constant 112 : index
      %swap3A_1646 = tpu.vector_load %arg26[%swap3A_1644, %swap3A_1645] {strides = array<i32>} : memref<512x128xf32, #tpu.memory_space<vmem>>, vector<16xf32>,
      tpu.vector_store %arg26[%swap3A_1644, %swap3A_1645], %gather3A_1640 {strides = array<i32>} : memref<512x128xf32, #tpu.memory_space<vmem>>, vector<16xf32>,
      %slice3A_1647 = vector.extract_strided_slice %get3A_562 {offsets = [0], sizes = [1], strides = [1]} : vector<16xi32> to vector<1xi32>
      %squeeze3A_1648 = vector.extract %slice3A_1647[0] : i32 from vector<1xi32>
      %add3A_1649 = arith.constant 8 : i32
      %add3A_1650 = arith.addi %add3A_1538, %add3A_1649 : i32
      %lt3A_1651 = arith.constant 512 : i32
      %lt3A_1652 = arith.cmpi slt, %add3A_1650, %lt3A_1651 : i32
      %convert_element_type3A_1653 = arith.extui %lt3A_1652 : i1 to i32
      %cond3A_1654 = arith.constant 0 : i32
      %cond3A_1655 = arith.cmpi ne, %convert_element_type3A_1653, %cond3A_1654 : i32
      scf.if %cond3A_1655 {
        %jit3A_2503 = arith.constant 128 : i32
        %div3A_2504 = arith.divsi %squeeze3A_1648, %jit3A_2503 : i32
        %sign3A_2505 = arith.constant 0 : i32
        %sign3A_2506 = arith.cmpi sgt, %squeeze3A_1648, %sign3A_2505 : i32
        %sign3A_2507 = arith.extui %sign3A_2506 : i1 to i32
        %sign3A_2508 = arith.constant 0 : i32
        %sign3A_2509 = arith.cmpi slt, %squeeze3A_1648, %sign3A_2508 : i32
        %sign3A_2510 = arith.extui %sign3A_2509 : i1 to i32
        %sign3A_2511 = arith.subi %sign3A_2507, %sign3A_2510 : i32
        %sign3A_2512 = arith.constant 0 : i32
        %sign3A_2513 = arith.cmpi sgt, %jit3A_2503, %sign3A_2512 : i32
        %sign3A_2514 = arith.extui %sign3A_2513 : i1 to i32
        %sign3A_2515 = arith.constant 0 : i32
        %sign3A_2516 = arith.cmpi slt, %jit3A_2503, %sign3A_2515 : i32
        %sign3A_2517 = arith.extui %sign3A_2516 : i1 to i32
        %sign3A_2518 = arith.subi %sign3A_2514, %sign3A_2517 : i32
        %ne3A_2519 = arith.cmpi ne, %sign3A_2511, %sign3A_2518 : i32
        %rem3A_2520 = arith.remsi %squeeze3A_1648, %jit3A_2503 : i32
        %ne3A_2521 = arith.constant 0 : i32
        %ne3A_2522 = arith.cmpi ne, %rem3A_2520, %ne3A_2521 : i32
        %and3A_2523 = arith.andi %ne3A_2519, %ne3A_2522 : i1
        %sub3A_2524 = arith.constant 1 : i32
        %sub3A_2525 = arith.subi %div3A_2504, %sub3A_2524 : i32
        %select_n3A_2526 = arith.select %and3A_2523, %sub3A_2525, %div3A_2504 : i32
        %mul3A_2527 = arith.constant 128 : i32
        %mul3A_2528 = arith.muli %select_n3A_2526, %mul3A_2527 : i32
        %multiple_of3A_2529 = tpu.assume_multiple %mul3A_2528, 128 : i32
        %dma_start3A_2530 = arith.constant 0 : i32
        %dma_start3A_2531 = arith.constant 0 : i32
        %dma_start3A_2532 = tpu.memref_slice %arg18[%dma_start3A_2530, %dma_start3A_2531] : memref<32x128xf32, #tpu.memory_space<vmem>> -> memref<8x128xf32, #tpu.memory_space<vmem>>
        %dma_start3A_2533 = arith.constant 0 : i32
        %dma_start3A_2534 = tpu.memref_slice %arg6[%dma_start3A_2533, %multiple_of3A_2529] : memref<32x1000001xf32, #tpu.memory_space<hbm>> -> memref<8x128xf32, #tpu.memory_space<hbm>>
        %dma_start3A_2535 = arith.constant 0 : i32
        %dma_start3A_2536 = arith.constant 0 : i32
        %dma_start3A_2537 = tpu.memref_slice %arg18[%dma_start3A_2535, %dma_start3A_2536] : memref<32x128xf32, #tpu.memory_space<vmem>> -> memref<8x128xf32, #tpu.memory_space<vmem>>
        %dma_start3A_2538 = arith.constant 0 : i32
        %dma_start3A_2539 = tpu.memref_slice %arg6[%dma_start3A_2538, %multiple_of3A_2529] : memref<32x1000001xf32, #tpu.memory_space<hbm>> -> memref<8x128xf32, #tpu.memory_space<hbm>>
        tpu.enqueue_dma source(%dma_start3A_2539 : memref<8x128xf32, #tpu.memory_space<hbm>>) target(%dma_start3A_2537 : memref<8x128xf32, #tpu.memory_space<vmem>>) target_semaphore(%arg27 : memref<!tpu.dma_semaphore, #tpu.memory_space<semaphore_mem>>)
        %dma_start3A_2540 = arith.constant 8 : i32
        %dma_start3A_2541 = arith.constant 0 : i32
        %dma_start3A_2542 = tpu.memref_slice %arg18[%dma_start3A_2540, %dma_start3A_2541] : memref<32x128xf32, #tpu.memory_space<vmem>> -> memref<8x128xf32, #tpu.memory_space<vmem>>
        %dma_start3A_2543 = arith.constant 8 : i32
        %dma_start3A_2544 = tpu.memref_slice %arg6[%dma_start3A_2543, %multiple_of3A_2529] : memref<32x1000001xf32, #tpu.memory_space<hbm>> -> memref<8x128xf32, #tpu.memory_space<hbm>>
        %dma_start3A_2545 = arith.constant 8 : i32
        %dma_start3A_2546 = arith.constant 0 : i32
        %dma_start3A_2547 = tpu.memref_slice %arg18[%dma_start3A_2545, %dma_start3A_2546] : memref<32x128xf32, #tpu.memory_space<vmem>> -> memref<8x128xf32, #tpu.memory_space<vmem>>
        %dma_start3A_2548 = arith.constant 8 : i32
        %dma_start3A_2549 = tpu.memref_slice %arg6[%dma_start3A_2548, %multiple_of3A_2529] : memref<32x1000001xf32, #tpu.memory_space<hbm>> -> memref<8x128xf32, #tpu.memory_space<hbm>>
        tpu.enqueue_dma source(%dma_start3A_2549 : memref<8x128xf32, #tpu.memory_space<hbm>>) target(%dma_start3A_2547 : memref<8x128xf32, #tpu.memory_space<vmem>>) target_semaphore(%arg27 : memref<!tpu.dma_semaphore, #tpu.memory_space<semaphore_mem>>)
        %dma_start3A_2550 = arith.constant 16 : i32
        %dma_start3A_2551 = arith.constant 0 : i32
        %dma_start3A_2552 = tpu.memref_slice %arg18[%dma_start3A_2550, %dma_start3A_2551] : memref<32x128xf32, #tpu.memory_space<vmem>> -> memref<8x128xf32, #tpu.memory_space<vmem>>
        %dma_start3A_2553 = arith.constant 16 : i32
        %dma_start3A_2554 = tpu.memref_slice %arg6[%dma_start3A_2553, %multiple_of3A_2529] : memref<32x1000001xf32, #tpu.memory_space<hbm>> -> memref<8x128xf32, #tpu.memory_space<hbm>>
        %dma_start3A_2555 = arith.constant 16 : i32
        %dma_start3A_2556 = arith.constant 0 : i32
        %dma_start3A_2557 = tpu.memref_slice %arg18[%dma_start3A_2555, %dma_start3A_2556] : memref<32x128xf32, #tpu.memory_space<vmem>> -> memref<8x128xf32, #tpu.memory_space<vmem>>
        %dma_start3A_2558 = arith.constant 16 : i32
        %dma_start3A_2559 = tpu.memref_slice %arg6[%dma_start3A_2558, %multiple_of3A_2529] : memref<32x1000001xf32, #tpu.memory_space<hbm>> -> memref<8x128xf32, #tpu.memory_space<hbm>>
        tpu.enqueue_dma source(%dma_start3A_2559 : memref<8x128xf32, #tpu.memory_space<hbm>>) target(%dma_start3A_2557 : memref<8x128xf32, #tpu.memory_space<vmem>>) target_semaphore(%arg27 : memref<!tpu.dma_semaphore, #tpu.memory_space<semaphore_mem>>)
        %dma_start3A_2560 = arith.constant 24 : i32
        %dma_start3A_2561 = arith.constant 0 : i32
        %dma_start3A_2562 = tpu.memref_slice %arg18[%dma_start3A_2560, %dma_start3A_2561] : memref<32x128xf32, #tpu.memory_space<vmem>> -> memref<8x128xf32, #tpu.memory_space<vmem>>
        %dma_start3A_2563 = arith.constant 24 : i32
        %dma_start3A_2564 = tpu.memref_slice %arg6[%dma_start3A_2563, %multiple_of3A_2529] : memref<32x1000001xf32, #tpu.memory_space<hbm>> -> memref<8x128xf32, #tpu.memory_space<hbm>>
        %dma_start3A_2565 = arith.constant 24 : i32
        %dma_start3A_2566 = arith.constant 0 : i32
        %dma_start3A_2567 = tpu.memref_slice %arg18[%dma_start3A_2565, %dma_start3A_2566] : memref<32x128xf32, #tpu.memory_space<vmem>> -> memref<8x128xf32, #tpu.memory_space<vmem>>
        %dma_start3A_2568 = arith.constant 24 : i32
        %dma_start3A_2569 = tpu.memref_slice %arg6[%dma_start3A_2568, %multiple_of3A_2529] : memref<32x1000001xf32, #tpu.memory_space<hbm>> -> memref<8x128xf32, #tpu.memory_space<hbm>>
        tpu.enqueue_dma source(%dma_start3A_2569 : memref<8x128xf32, #tpu.memory_space<hbm>>) target(%dma_start3A_2567 : memref<8x128xf32, #tpu.memory_space<vmem>>) target_semaphore(%arg27 : memref<!tpu.dma_semaphore, #tpu.memory_space<semaphore_mem>>)
      } else {
      }
      %mul3A_1656 = arith.constant 16 : i32
      %mul3A_1657 = arith.muli %scan3A_552, %mul3A_1656 : i32
      %add3A_1658 = arith.constant 9 : i32
      %add3A_1659 = arith.addi %mul3A_1657, %add3A_1658 : i32
      %dma_wait3A_1660 = arith.constant 0 : i32
      %dma_wait3A_1661 = arith.constant 0 : i32
      %dma_wait3A_1662 = tpu.memref_slice %arg19[%dma_wait3A_1660, %dma_wait3A_1661] : memref<32x128xf32, #tpu.memory_space<vmem>> -> memref<8x128xf32, #tpu.memory_space<vmem>>
      %dma_wait3A_1663 = arith.constant 0 : i32
      %dma_wait3A_1664 = arith.constant 0 : i32
      %dma_wait3A_1665 = tpu.memref_slice %arg6[%dma_wait3A_1663, %dma_wait3A_1664] : memref<32x1000001xf32, #tpu.memory_space<hbm>> -> memref<8x128xf32, #tpu.memory_space<hbm>>
      %dma_wait3A_1666 = arith.constant 0 : i32
      %dma_wait3A_1667 = arith.constant 0 : i32
      %dma_wait3A_1668 = tpu.memref_slice %arg19[%dma_wait3A_1666, %dma_wait3A_1667] : memref<32x128xf32, #tpu.memory_space<vmem>> -> memref<8x128xf32, #tpu.memory_space<vmem>>
      %dma_wait3A_1669 = arith.constant 0 : i32
      %dma_wait3A_1670 = arith.constant 0 : i32
      %dma_wait3A_1671 = tpu.memref_slice %arg6[%dma_wait3A_1669, %dma_wait3A_1670] : memref<32x1000001xf32, #tpu.memory_space<hbm>> -> memref<8x128xf32, #tpu.memory_space<hbm>>
      tpu.wait_dma2 semaphore(%arg28 : memref<!tpu.dma_semaphore, #tpu.memory_space<semaphore_mem>>) src(%dma_wait3A_1671 : memref<8x128xf32, #tpu.memory_space<hbm>>) dst(%dma_wait3A_1668 : memref<8x128xf32, #tpu.memory_space<vmem>>)
      %dma_wait3A_1672 = arith.constant 8 : i32
      %dma_wait3A_1673 = arith.constant 0 : i32
      %dma_wait3A_1674 = tpu.memref_slice %arg19[%dma_wait3A_1672, %dma_wait3A_1673] : memref<32x128xf32, #tpu.memory_space<vmem>> -> memref<8x128xf32, #tpu.memory_space<vmem>>
      %dma_wait3A_1675 = arith.constant 8 : i32
      %dma_wait3A_1676 = arith.constant 0 : i32
      %dma_wait3A_1677 = tpu.memref_slice %arg6[%dma_wait3A_1675, %dma_wait3A_1676] : memref<32x1000001xf32, #tpu.memory_space<hbm>> -> memref<8x128xf32, #tpu.memory_space<hbm>>
      %dma_wait3A_1678 = arith.constant 8 : i32
      %dma_wait3A_1679 = arith.constant 0 : i32
      %dma_wait3A_1680 = tpu.memref_slice %arg19[%dma_wait3A_1678, %dma_wait3A_1679] : memref<32x128xf32, #tpu.memory_space<vmem>> -> memref<8x128xf32, #tpu.memory_space<vmem>>
      %dma_wait3A_1681 = arith.constant 8 : i32
      %dma_wait3A_1682 = arith.constant 0 : i32
      %dma_wait3A_1683 = tpu.memref_slice %arg6[%dma_wait3A_1681, %dma_wait3A_1682] : memref<32x1000001xf32, #tpu.memory_space<hbm>> -> memref<8x128xf32, #tpu.memory_space<hbm>>
      tpu.wait_dma2 semaphore(%arg28 : memref<!tpu.dma_semaphore, #tpu.memory_space<semaphore_mem>>) src(%dma_wait3A_1683 : memref<8x128xf32, #tpu.memory_space<hbm>>) dst(%dma_wait3A_1680 : memref<8x128xf32, #tpu.memory_space<vmem>>)
      %dma_wait3A_1684 = arith.constant 16 : i32
      %dma_wait3A_1685 = arith.constant 0 : i32
      %dma_wait3A_1686 = tpu.memref_slice %arg19[%dma_wait3A_1684, %dma_wait3A_1685] : memref<32x128xf32, #tpu.memory_space<vmem>> -> memref<8x128xf32, #tpu.memory_space<vmem>>
      %dma_wait3A_1687 = arith.constant 16 : i32
      %dma_wait3A_1688 = arith.constant 0 : i32
      %dma_wait3A_1689 = tpu.memref_slice %arg6[%dma_wait3A_1687, %dma_wait3A_1688] : memref<32x1000001xf32, #tpu.memory_space<hbm>> -> memref<8x128xf32, #tpu.memory_space<hbm>>
      %dma_wait3A_1690 = arith.constant 16 : i32
      %dma_wait3A_1691 = arith.constant 0 : i32
      %dma_wait3A_1692 = tpu.memref_slice %arg19[%dma_wait3A_1690, %dma_wait3A_1691] : memref<32x128xf32, #tpu.memory_space<vmem>> -> memref<8x128xf32, #tpu.memory_space<vmem>>
      %dma_wait3A_1693 = arith.constant 16 : i32
      %dma_wait3A_1694 = arith.constant 0 : i32
      %dma_wait3A_1695 = tpu.memref_slice %arg6[%dma_wait3A_1693, %dma_wait3A_1694] : memref<32x1000001xf32, #tpu.memory_space<hbm>> -> memref<8x128xf32, #tpu.memory_space<hbm>>
      tpu.wait_dma2 semaphore(%arg28 : memref<!tpu.dma_semaphore, #tpu.memory_space<semaphore_mem>>) src(%dma_wait3A_1695 : memref<8x128xf32, #tpu.memory_space<hbm>>) dst(%dma_wait3A_1692 : memref<8x128xf32, #tpu.memory_space<vmem>>)
      %dma_wait3A_1696 = arith.constant 24 : i32
      %dma_wait3A_1697 = arith.constant 0 : i32
      %dma_wait3A_1698 = tpu.memref_slice %arg19[%dma_wait3A_1696, %dma_wait3A_1697] : memref<32x128xf32, #tpu.memory_space<vmem>> -> memref<8x128xf32, #tpu.memory_space<vmem>>
      %dma_wait3A_1699 = arith.constant 24 : i32
      %dma_wait3A_1700 = arith.constant 0 : i32
      %dma_wait3A_1701 = tpu.memref_slice %arg6[%dma_wait3A_1699, %dma_wait3A_1700] : memref<32x1000001xf32, #tpu.memory_space<hbm>> -> memref<8x128xf32, #tpu.memory_space<hbm>>
      %dma_wait3A_1702 = arith.constant 24 : i32
      %dma_wait3A_1703 = arith.constant 0 : i32
      %dma_wait3A_1704 = tpu.memref_slice %arg19[%dma_wait3A_1702, %dma_wait3A_1703] : memref<32x128xf32, #tpu.memory_space<vmem>> -> memref<8x128xf32, #tpu.memory_space<vmem>>
      %dma_wait3A_1705 = arith.constant 24 : i32
      %dma_wait3A_1706 = arith.constant 0 : i32
      %dma_wait3A_1707 = tpu.memref_slice %arg6[%dma_wait3A_1705, %dma_wait3A_1706] : memref<32x1000001xf32, #tpu.memory_space<hbm>> -> memref<8x128xf32, #tpu.memory_space<hbm>>
      tpu.wait_dma2 semaphore(%arg28 : memref<!tpu.dma_semaphore, #tpu.memory_space<semaphore_mem>>) src(%dma_wait3A_1707 : memref<8x128xf32, #tpu.memory_space<hbm>>) dst(%dma_wait3A_1704 : memref<8x128xf32, #tpu.memory_space<vmem>>)
      %slice3A_1708 = vector.extract_strided_slice %get3A_556 {offsets = [9], sizes = [1], strides = [1]} : vector<16xi32> to vector<1xi32>
      %squeeze3A_1709 = vector.extract %slice3A_1708[0] : i32 from vector<1xi32>
      %jit3A_1710 = arith.constant 128 : i32
      %eq3A_1711 = arith.constant 0 : i32
      %eq3A_1712 = arith.cmpi eq, %jit3A_1710, %eq3A_1711 : i32
      %jit3A_1713 = arith.constant 1 : i32
      %select_n3A_1714 = arith.select %eq3A_1712, %jit3A_1713, %jit3A_1710 : i32
      %rem3A_1715 = arith.remsi %squeeze3A_1709, %select_n3A_1714 : i32
      %ne3A_1716 = arith.constant 0 : i32
      %ne3A_1717 = arith.cmpi ne, %rem3A_1715, %ne3A_1716 : i32
      %lt3A_1718 = arith.constant 0 : i32
      %lt3A_1719 = arith.cmpi slt, %rem3A_1715, %lt3A_1718 : i32
      %lt3A_1720 = arith.constant 0 : i32
      %lt3A_1721 = arith.cmpi slt, %select_n3A_1714, %lt3A_1720 : i32
      %ne3A_1722 = arith.xori %lt3A_1719, %lt3A_1721 : i1
      %and3A_1723 = arith.andi %ne3A_1722, %ne3A_1717 : i1
      %add3A_1724 = arith.addi %rem3A_1715, %select_n3A_1714 : i32
      %select_n3A_1725 = arith.select %and3A_1723, %add3A_1724, %rem3A_1715 : i32
      %broadcast_in_dim3A_1726 = vector.broadcast %select_n3A_1725 : i32 to vector<16xi32>
      %gather3A_1727 = tpu.vector_load_idx %arg19[%iota3A, %broadcast_in_dim3A_1726] : memref<32x128xf32, #tpu.memory_space<vmem>>[vector<16xi32>, vector<16xi32>], vector<16xf32>,
      %gather3A_1728 = tpu.vector_load_idx %arg19[%add3A_5, %broadcast_in_dim3A_1726] : memref<32x128xf32, #tpu.memory_space<vmem>>[vector<16xi32>, vector<16xi32>], vector<16xf32>,
      %swap3A_1729 = arith.index_cast %add3A_1659 : i32 to index
      %swap3A_1730 = arith.constant 0 : index
      %swap3A_1731 = tpu.vector_load %arg26[%swap3A_1729, %swap3A_1730] {strides = array<i32>} : memref<512x128xf32, #tpu.memory_space<vmem>>, vector<16xf32>,
      tpu.vector_store %arg26[%swap3A_1729, %swap3A_1730], %gather3A_1727 {strides = array<i32>} : memref<512x128xf32, #tpu.memory_space<vmem>>, vector<16xf32>,
      %swap3A_1732 = arith.index_cast %add3A_1659 : i32 to index
      %swap3A_1733 = arith.constant 16 : index
      %swap3A_1734 = tpu.vector_load %arg26[%swap3A_1732, %swap3A_1733] {strides = array<i32>} : memref<512x128xf32, #tpu.memory_space<vmem>>, vector<16xf32>,
      tpu.vector_store %arg26[%swap3A_1732, %swap3A_1733], %gather3A_1728 {strides = array<i32>} : memref<512x128xf32, #tpu.memory_space<vmem>>, vector<16xf32>,
      %slice3A_1735 = vector.extract_strided_slice %get3A_566 {offsets = [9], sizes = [1], strides = [1]} : vector<16xi32> to vector<1xi32>
      %squeeze3A_1736 = vector.extract %slice3A_1735[0] : i32 from vector<1xi32>
      %broadcast_in_dim3A_1737 = vector.broadcast %squeeze3A_1736 : i32 to vector<16xi32>
      %gather3A_1738 = tpu.vector_load_idx %arg15[%iota3A, %broadcast_in_dim3A_1737] : memref<32x128xf32, #tpu.memory_space<vmem>>[vector<16xi32>, vector<16xi32>], vector<16xf32>,
      %gather3A_1739 = tpu.vector_load_idx %arg15[%add3A_5, %broadcast_in_dim3A_1737] : memref<32x128xf32, #tpu.memory_space<vmem>>[vector<16xi32>, vector<16xi32>], vector<16xf32>,
      %swap3A_1740 = arith.index_cast %add3A_1659 : i32 to index
      %swap3A_1741 = arith.constant 32 : index
      %swap3A_1742 = tpu.vector_load %arg26[%swap3A_1740, %swap3A_1741] {strides = array<i32>} : memref<512x128xf32, #tpu.memory_space<vmem>>, vector<16xf32>,
      tpu.vector_store %arg26[%swap3A_1740, %swap3A_1741], %gather3A_1738 {strides = array<i32>} : memref<512x128xf32, #tpu.memory_space<vmem>>, vector<16xf32>,
      %swap3A_1743 = arith.index_cast %add3A_1659 : i32 to index
      %swap3A_1744 = arith.constant 48 : index
      %swap3A_1745 = tpu.vector_load %arg26[%swap3A_1743, %swap3A_1744] {strides = array<i32>} : memref<512x128xf32, #tpu.memory_space<vmem>>, vector<16xf32>,
      tpu.vector_store %arg26[%swap3A_1743, %swap3A_1744], %gather3A_1739 {strides = array<i32>} : memref<512x128xf32, #tpu.memory_space<vmem>>, vector<16xf32>,
      %slice3A_1746 = vector.extract_strided_slice %get3A_570 {offsets = [9], sizes = [1], strides = [1]} : vector<16xi32> to vector<1xi32>
      %squeeze3A_1747 = vector.extract %slice3A_1746[0] : i32 from vector<1xi32>
      %broadcast_in_dim3A_1748 = vector.broadcast %squeeze3A_1747 : i32 to vector<16xi32>
      %gather3A_1749 = tpu.vector_load_idx %arg16[%iota3A, %broadcast_in_dim3A_1748] : memref<32x128xf32, #tpu.memory_space<vmem>>[vector<16xi32>, vector<16xi32>], vector<16xf32>,
      %gather3A_1750 = tpu.vector_load_idx %arg16[%add3A_5, %broadcast_in_dim3A_1748] : memref<32x128xf32, #tpu.memory_space<vmem>>[vector<16xi32>, vector<16xi32>], vector<16xf32>,
      %swap3A_1751 = arith.index_cast %add3A_1659 : i32 to index
      %swap3A_1752 = arith.constant 64 : index
      %swap3A_1753 = tpu.vector_load %arg26[%swap3A_1751, %swap3A_1752] {strides = array<i32>} : memref<512x128xf32, #tpu.memory_space<vmem>>, vector<16xf32>,
      tpu.vector_store %arg26[%swap3A_1751, %swap3A_1752], %gather3A_1749 {strides = array<i32>} : memref<512x128xf32, #tpu.memory_space<vmem>>, vector<16xf32>,
      %swap3A_1754 = arith.index_cast %add3A_1659 : i32 to index
      %swap3A_1755 = arith.constant 80 : index
      %swap3A_1756 = tpu.vector_load %arg26[%swap3A_1754, %swap3A_1755] {strides = array<i32>} : memref<512x128xf32, #tpu.memory_space<vmem>>, vector<16xf32>,
      tpu.vector_store %arg26[%swap3A_1754, %swap3A_1755], %gather3A_1750 {strides = array<i32>} : memref<512x128xf32, #tpu.memory_space<vmem>>, vector<16xf32>,
      %slice3A_1757 = vector.extract_strided_slice %get3A_574 {offsets = [9], sizes = [1], strides = [1]} : vector<16xi32> to vector<1xi32>
      %squeeze3A_1758 = vector.extract %slice3A_1757[0] : i32 from vector<1xi32>
      %broadcast_in_dim3A_1759 = vector.broadcast %squeeze3A_1758 : i32 to vector<16xi32>
      %gather3A_1760 = tpu.vector_load_idx %arg17[%iota3A, %broadcast_in_dim3A_1759] : memref<32x128xf32, #tpu.memory_space<vmem>>[vector<16xi32>, vector<16xi32>], vector<16xf32>,
      %gather3A_1761 = tpu.vector_load_idx %arg17[%add3A_5, %broadcast_in_dim3A_1759] : memref<32x128xf32, #tpu.memory_space<vmem>>[vector<16xi32>, vector<16xi32>], vector<16xf32>,
      %swap3A_1762 = arith.index_cast %add3A_1659 : i32 to index
      %swap3A_1763 = arith.constant 96 : index
      %swap3A_1764 = tpu.vector_load %arg26[%swap3A_1762, %swap3A_1763] {strides = array<i32>} : memref<512x128xf32, #tpu.memory_space<vmem>>, vector<16xf32>,
      tpu.vector_store %arg26[%swap3A_1762, %swap3A_1763], %gather3A_1760 {strides = array<i32>} : memref<512x128xf32, #tpu.memory_space<vmem>>, vector<16xf32>,
      %swap3A_1765 = arith.index_cast %add3A_1659 : i32 to index
      %swap3A_1766 = arith.constant 112 : index
      %swap3A_1767 = tpu.vector_load %arg26[%swap3A_1765, %swap3A_1766] {strides = array<i32>} : memref<512x128xf32, #tpu.memory_space<vmem>>, vector<16xf32>,
      tpu.vector_store %arg26[%swap3A_1765, %swap3A_1766], %gather3A_1761 {strides = array<i32>} : memref<512x128xf32, #tpu.memory_space<vmem>>, vector<16xf32>,
      %slice3A_1768 = vector.extract_strided_slice %get3A_562 {offsets = [1], sizes = [1], strides = [1]} : vector<16xi32> to vector<1xi32>
      %squeeze3A_1769 = vector.extract %slice3A_1768[0] : i32 from vector<1xi32>
      %add3A_1770 = arith.constant 8 : i32
      %add3A_1771 = arith.addi %add3A_1659, %add3A_1770 : i32
      %lt3A_1772 = arith.constant 512 : i32
      %lt3A_1773 = arith.cmpi slt, %add3A_1771, %lt3A_1772 : i32
      %convert_element_type3A_1774 = arith.extui %lt3A_1773 : i1 to i32
      %cond3A_1775 = arith.constant 0 : i32
      %cond3A_1776 = arith.cmpi ne, %convert_element_type3A_1774, %cond3A_1775 : i32
      scf.if %cond3A_1776 {
        %jit3A_2503 = arith.constant 128 : i32
        %div3A_2504 = arith.divsi %squeeze3A_1769, %jit3A_2503 : i32
        %sign3A_2505 = arith.constant 0 : i32
        %sign3A_2506 = arith.cmpi sgt, %squeeze3A_1769, %sign3A_2505 : i32
        %sign3A_2507 = arith.extui %sign3A_2506 : i1 to i32
        %sign3A_2508 = arith.constant 0 : i32
        %sign3A_2509 = arith.cmpi slt, %squeeze3A_1769, %sign3A_2508 : i32
        %sign3A_2510 = arith.extui %sign3A_2509 : i1 to i32
        %sign3A_2511 = arith.subi %sign3A_2507, %sign3A_2510 : i32
        %sign3A_2512 = arith.constant 0 : i32
        %sign3A_2513 = arith.cmpi sgt, %jit3A_2503, %sign3A_2512 : i32
        %sign3A_2514 = arith.extui %sign3A_2513 : i1 to i32
        %sign3A_2515 = arith.constant 0 : i32
        %sign3A_2516 = arith.cmpi slt, %jit3A_2503, %sign3A_2515 : i32
        %sign3A_2517 = arith.extui %sign3A_2516 : i1 to i32
        %sign3A_2518 = arith.subi %sign3A_2514, %sign3A_2517 : i32
        %ne3A_2519 = arith.cmpi ne, %sign3A_2511, %sign3A_2518 : i32
        %rem3A_2520 = arith.remsi %squeeze3A_1769, %jit3A_2503 : i32
        %ne3A_2521 = arith.constant 0 : i32
        %ne3A_2522 = arith.cmpi ne, %rem3A_2520, %ne3A_2521 : i32
        %and3A_2523 = arith.andi %ne3A_2519, %ne3A_2522 : i1
        %sub3A_2524 = arith.constant 1 : i32
        %sub3A_2525 = arith.subi %div3A_2504, %sub3A_2524 : i32
        %select_n3A_2526 = arith.select %and3A_2523, %sub3A_2525, %div3A_2504 : i32
        %mul3A_2527 = arith.constant 128 : i32
        %mul3A_2528 = arith.muli %select_n3A_2526, %mul3A_2527 : i32
        %multiple_of3A_2529 = tpu.assume_multiple %mul3A_2528, 128 : i32
        %dma_start3A_2530 = arith.constant 0 : i32
        %dma_start3A_2531 = arith.constant 0 : i32
        %dma_start3A_2532 = tpu.memref_slice %arg19[%dma_start3A_2530, %dma_start3A_2531] : memref<32x128xf32, #tpu.memory_space<vmem>> -> memref<8x128xf32, #tpu.memory_space<vmem>>
        %dma_start3A_2533 = arith.constant 0 : i32
        %dma_start3A_2534 = tpu.memref_slice %arg6[%dma_start3A_2533, %multiple_of3A_2529] : memref<32x1000001xf32, #tpu.memory_space<hbm>> -> memref<8x128xf32, #tpu.memory_space<hbm>>
        %dma_start3A_2535 = arith.constant 0 : i32
        %dma_start3A_2536 = arith.constant 0 : i32
        %dma_start3A_2537 = tpu.memref_slice %arg19[%dma_start3A_2535, %dma_start3A_2536] : memref<32x128xf32, #tpu.memory_space<vmem>> -> memref<8x128xf32, #tpu.memory_space<vmem>>
        %dma_start3A_2538 = arith.constant 0 : i32
        %dma_start3A_2539 = tpu.memref_slice %arg6[%dma_start3A_2538, %multiple_of3A_2529] : memref<32x1000001xf32, #tpu.memory_space<hbm>> -> memref<8x128xf32, #tpu.memory_space<hbm>>
        tpu.enqueue_dma source(%dma_start3A_2539 : memref<8x128xf32, #tpu.memory_space<hbm>>) target(%dma_start3A_2537 : memref<8x128xf32, #tpu.memory_space<vmem>>) target_semaphore(%arg28 : memref<!tpu.dma_semaphore, #tpu.memory_space<semaphore_mem>>)
        %dma_start3A_2540 = arith.constant 8 : i32
        %dma_start3A_2541 = arith.constant 0 : i32
        %dma_start3A_2542 = tpu.memref_slice %arg19[%dma_start3A_2540, %dma_start3A_2541] : memref<32x128xf32, #tpu.memory_space<vmem>> -> memref<8x128xf32, #tpu.memory_space<vmem>>
        %dma_start3A_2543 = arith.constant 8 : i32
        %dma_start3A_2544 = tpu.memref_slice %arg6[%dma_start3A_2543, %multiple_of3A_2529] : memref<32x1000001xf32, #tpu.memory_space<hbm>> -> memref<8x128xf32, #tpu.memory_space<hbm>>
        %dma_start3A_2545 = arith.constant 8 : i32
        %dma_start3A_2546 = arith.constant 0 : i32
        %dma_start3A_2547 = tpu.memref_slice %arg19[%dma_start3A_2545, %dma_start3A_2546] : memref<32x128xf32, #tpu.memory_space<vmem>> -> memref<8x128xf32, #tpu.memory_space<vmem>>
        %dma_start3A_2548 = arith.constant 8 : i32
        %dma_start3A_2549 = tpu.memref_slice %arg6[%dma_start3A_2548, %multiple_of3A_2529] : memref<32x1000001xf32, #tpu.memory_space<hbm>> -> memref<8x128xf32, #tpu.memory_space<hbm>>
        tpu.enqueue_dma source(%dma_start3A_2549 : memref<8x128xf32, #tpu.memory_space<hbm>>) target(%dma_start3A_2547 : memref<8x128xf32, #tpu.memory_space<vmem>>) target_semaphore(%arg28 : memref<!tpu.dma_semaphore, #tpu.memory_space<semaphore_mem>>)
        %dma_start3A_2550 = arith.constant 16 : i32
        %dma_start3A_2551 = arith.constant 0 : i32
        %dma_start3A_2552 = tpu.memref_slice %arg19[%dma_start3A_2550, %dma_start3A_2551] : memref<32x128xf32, #tpu.memory_space<vmem>> -> memref<8x128xf32, #tpu.memory_space<vmem>>
        %dma_start3A_2553 = arith.constant 16 : i32
        %dma_start3A_2554 = tpu.memref_slice %arg6[%dma_start3A_2553, %multiple_of3A_2529] : memref<32x1000001xf32, #tpu.memory_space<hbm>> -> memref<8x128xf32, #tpu.memory_space<hbm>>
        %dma_start3A_2555 = arith.constant 16 : i32
        %dma_start3A_2556 = arith.constant 0 : i32
        %dma_start3A_2557 = tpu.memref_slice %arg19[%dma_start3A_2555, %dma_start3A_2556] : memref<32x128xf32, #tpu.memory_space<vmem>> -> memref<8x128xf32, #tpu.memory_space<vmem>>
        %dma_start3A_2558 = arith.constant 16 : i32
        %dma_start3A_2559 = tpu.memref_slice %arg6[%dma_start3A_2558, %multiple_of3A_2529] : memref<32x1000001xf32, #tpu.memory_space<hbm>> -> memref<8x128xf32, #tpu.memory_space<hbm>>
        tpu.enqueue_dma source(%dma_start3A_2559 : memref<8x128xf32, #tpu.memory_space<hbm>>) target(%dma_start3A_2557 : memref<8x128xf32, #tpu.memory_space<vmem>>) target_semaphore(%arg28 : memref<!tpu.dma_semaphore, #tpu.memory_space<semaphore_mem>>)
        %dma_start3A_2560 = arith.constant 24 : i32
        %dma_start3A_2561 = arith.constant 0 : i32
        %dma_start3A_2562 = tpu.memref_slice %arg19[%dma_start3A_2560, %dma_start3A_2561] : memref<32x128xf32, #tpu.memory_space<vmem>> -> memref<8x128xf32, #tpu.memory_space<vmem>>
        %dma_start3A_2563 = arith.constant 24 : i32
        %dma_start3A_2564 = tpu.memref_slice %arg6[%dma_start3A_2563, %multiple_of3A_2529] : memref<32x1000001xf32, #tpu.memory_space<hbm>> -> memref<8x128xf32, #tpu.memory_space<hbm>>
        %dma_start3A_2565 = arith.constant 24 : i32
        %dma_start3A_2566 = arith.constant 0 : i32
        %dma_start3A_2567 = tpu.memref_slice %arg19[%dma_start3A_2565, %dma_start3A_2566] : memref<32x128xf32, #tpu.memory_space<vmem>> -> memref<8x128xf32, #tpu.memory_space<vmem>>
        %dma_start3A_2568 = arith.constant 24 : i32
        %dma_start3A_2569 = tpu.memref_slice %arg6[%dma_start3A_2568, %multiple_of3A_2529] : memref<32x1000001xf32, #tpu.memory_space<hbm>> -> memref<8x128xf32, #tpu.memory_space<hbm>>
        tpu.enqueue_dma source(%dma_start3A_2569 : memref<8x128xf32, #tpu.memory_space<hbm>>) target(%dma_start3A_2567 : memref<8x128xf32, #tpu.memory_space<vmem>>) target_semaphore(%arg28 : memref<!tpu.dma_semaphore, #tpu.memory_space<semaphore_mem>>)
      } else {
      }
      %mul3A_1777 = arith.constant 16 : i32
      %mul3A_1778 = arith.muli %scan3A_552, %mul3A_1777 : i32
      %add3A_1779 = arith.constant 10 : i32
      %add3A_1780 = arith.addi %mul3A_1778, %add3A_1779 : i32
      %dma_wait3A_1781 = arith.constant 0 : i32
      %dma_wait3A_1782 = arith.constant 0 : i32
      %dma_wait3A_1783 = tpu.memref_slice %arg20[%dma_wait3A_1781, %dma_wait3A_1782] : memref<32x128xf32, #tpu.memory_space<vmem>> -> memref<8x128xf32, #tpu.memory_space<vmem>>
      %dma_wait3A_1784 = arith.constant 0 : i32
      %dma_wait3A_1785 = arith.constant 0 : i32
      %dma_wait3A_1786 = tpu.memref_slice %arg6[%dma_wait3A_1784, %dma_wait3A_1785] : memref<32x1000001xf32, #tpu.memory_space<hbm>> -> memref<8x128xf32, #tpu.memory_space<hbm>>
      %dma_wait3A_1787 = arith.constant 0 : i32
      %dma_wait3A_1788 = arith.constant 0 : i32
      %dma_wait3A_1789 = tpu.memref_slice %arg20[%dma_wait3A_1787, %dma_wait3A_1788] : memref<32x128xf32, #tpu.memory_space<vmem>> -> memref<8x128xf32, #tpu.memory_space<vmem>>
      %dma_wait3A_1790 = arith.constant 0 : i32
      %dma_wait3A_1791 = arith.constant 0 : i32
      %dma_wait3A_1792 = tpu.memref_slice %arg6[%dma_wait3A_1790, %dma_wait3A_1791] : memref<32x1000001xf32, #tpu.memory_space<hbm>> -> memref<8x128xf32, #tpu.memory_space<hbm>>
      tpu.wait_dma2 semaphore(%arg29 : memref<!tpu.dma_semaphore, #tpu.memory_space<semaphore_mem>>) src(%dma_wait3A_1792 : memref<8x128xf32, #tpu.memory_space<hbm>>) dst(%dma_wait3A_1789 : memref<8x128xf32, #tpu.memory_space<vmem>>)
      %dma_wait3A_1793 = arith.constant 8 : i32
      %dma_wait3A_1794 = arith.constant 0 : i32
      %dma_wait3A_1795 = tpu.memref_slice %arg20[%dma_wait3A_1793, %dma_wait3A_1794] : memref<32x128xf32, #tpu.memory_space<vmem>> -> memref<8x128xf32, #tpu.memory_space<vmem>>
      %dma_wait3A_1796 = arith.constant 8 : i32
      %dma_wait3A_1797 = arith.constant 0 : i32
      %dma_wait3A_1798 = tpu.memref_slice %arg6[%dma_wait3A_1796, %dma_wait3A_1797] : memref<32x1000001xf32, #tpu.memory_space<hbm>> -> memref<8x128xf32, #tpu.memory_space<hbm>>
      %dma_wait3A_1799 = arith.constant 8 : i32
      %dma_wait3A_1800 = arith.constant 0 : i32
      %dma_wait3A_1801 = tpu.memref_slice %arg20[%dma_wait3A_1799, %dma_wait3A_1800] : memref<32x128xf32, #tpu.memory_space<vmem>> -> memref<8x128xf32, #tpu.memory_space<vmem>>
      %dma_wait3A_1802 = arith.constant 8 : i32
      %dma_wait3A_1803 = arith.constant 0 : i32
      %dma_wait3A_1804 = tpu.memref_slice %arg6[%dma_wait3A_1802, %dma_wait3A_1803] : memref<32x1000001xf32, #tpu.memory_space<hbm>> -> memref<8x128xf32, #tpu.memory_space<hbm>>
      tpu.wait_dma2 semaphore(%arg29 : memref<!tpu.dma_semaphore, #tpu.memory_space<semaphore_mem>>) src(%dma_wait3A_1804 : memref<8x128xf32, #tpu.memory_space<hbm>>) dst(%dma_wait3A_1801 : memref<8x128xf32, #tpu.memory_space<vmem>>)
      %dma_wait3A_1805 = arith.constant 16 : i32
      %dma_wait3A_1806 = arith.constant 0 : i32
      %dma_wait3A_1807 = tpu.memref_slice %arg20[%dma_wait3A_1805, %dma_wait3A_1806] : memref<32x128xf32, #tpu.memory_space<vmem>> -> memref<8x128xf32, #tpu.memory_space<vmem>>
      %dma_wait3A_1808 = arith.constant 16 : i32
      %dma_wait3A_1809 = arith.constant 0 : i32
      %dma_wait3A_1810 = tpu.memref_slice %arg6[%dma_wait3A_1808, %dma_wait3A_1809] : memref<32x1000001xf32, #tpu.memory_space<hbm>> -> memref<8x128xf32, #tpu.memory_space<hbm>>
      %dma_wait3A_1811 = arith.constant 16 : i32
      %dma_wait3A_1812 = arith.constant 0 : i32
      %dma_wait3A_1813 = tpu.memref_slice %arg20[%dma_wait3A_1811, %dma_wait3A_1812] : memref<32x128xf32, #tpu.memory_space<vmem>> -> memref<8x128xf32, #tpu.memory_space<vmem>>
      %dma_wait3A_1814 = arith.constant 16 : i32
      %dma_wait3A_1815 = arith.constant 0 : i32
      %dma_wait3A_1816 = tpu.memref_slice %arg6[%dma_wait3A_1814, %dma_wait3A_1815] : memref<32x1000001xf32, #tpu.memory_space<hbm>> -> memref<8x128xf32, #tpu.memory_space<hbm>>
      tpu.wait_dma2 semaphore(%arg29 : memref<!tpu.dma_semaphore, #tpu.memory_space<semaphore_mem>>) src(%dma_wait3A_1816 : memref<8x128xf32, #tpu.memory_space<hbm>>) dst(%dma_wait3A_1813 : memref<8x128xf32, #tpu.memory_space<vmem>>)
      %dma_wait3A_1817 = arith.constant 24 : i32
      %dma_wait3A_1818 = arith.constant 0 : i32
      %dma_wait3A_1819 = tpu.memref_slice %arg20[%dma_wait3A_1817, %dma_wait3A_1818] : memref<32x128xf32, #tpu.memory_space<vmem>> -> memref<8x128xf32, #tpu.memory_space<vmem>>
      %dma_wait3A_1820 = arith.constant 24 : i32
      %dma_wait3A_1821 = arith.constant 0 : i32
      %dma_wait3A_1822 = tpu.memref_slice %arg6[%dma_wait3A_1820, %dma_wait3A_1821] : memref<32x1000001xf32, #tpu.memory_space<hbm>> -> memref<8x128xf32, #tpu.memory_space<hbm>>
      %dma_wait3A_1823 = arith.constant 24 : i32
      %dma_wait3A_1824 = arith.constant 0 : i32
      %dma_wait3A_1825 = tpu.memref_slice %arg20[%dma_wait3A_1823, %dma_wait3A_1824] : memref<32x128xf32, #tpu.memory_space<vmem>> -> memref<8x128xf32, #tpu.memory_space<vmem>>
      %dma_wait3A_1826 = arith.constant 24 : i32
      %dma_wait3A_1827 = arith.constant 0 : i32
      %dma_wait3A_1828 = tpu.memref_slice %arg6[%dma_wait3A_1826, %dma_wait3A_1827] : memref<32x1000001xf32, #tpu.memory_space<hbm>> -> memref<8x128xf32, #tpu.memory_space<hbm>>
      tpu.wait_dma2 semaphore(%arg29 : memref<!tpu.dma_semaphore, #tpu.memory_space<semaphore_mem>>) src(%dma_wait3A_1828 : memref<8x128xf32, #tpu.memory_space<hbm>>) dst(%dma_wait3A_1825 : memref<8x128xf32, #tpu.memory_space<vmem>>)
      %slice3A_1829 = vector.extract_strided_slice %get3A_556 {offsets = [10], sizes = [1], strides = [1]} : vector<16xi32> to vector<1xi32>
      %squeeze3A_1830 = vector.extract %slice3A_1829[0] : i32 from vector<1xi32>
      %jit3A_1831 = arith.constant 128 : i32
      %eq3A_1832 = arith.constant 0 : i32
      %eq3A_1833 = arith.cmpi eq, %jit3A_1831, %eq3A_1832 : i32
      %jit3A_1834 = arith.constant 1 : i32
      %select_n3A_1835 = arith.select %eq3A_1833, %jit3A_1834, %jit3A_1831 : i32
      %rem3A_1836 = arith.remsi %squeeze3A_1830, %select_n3A_1835 : i32
      %ne3A_1837 = arith.constant 0 : i32
      %ne3A_1838 = arith.cmpi ne, %rem3A_1836, %ne3A_1837 : i32
      %lt3A_1839 = arith.constant 0 : i32
      %lt3A_1840 = arith.cmpi slt, %rem3A_1836, %lt3A_1839 : i32
      %lt3A_1841 = arith.constant 0 : i32
      %lt3A_1842 = arith.cmpi slt, %select_n3A_1835, %lt3A_1841 : i32
      %ne3A_1843 = arith.xori %lt3A_1840, %lt3A_1842 : i1
      %and3A_1844 = arith.andi %ne3A_1843, %ne3A_1838 : i1
      %add3A_1845 = arith.addi %rem3A_1836, %select_n3A_1835 : i32
      %select_n3A_1846 = arith.select %and3A_1844, %add3A_1845, %rem3A_1836 : i32
      %broadcast_in_dim3A_1847 = vector.broadcast %select_n3A_1846 : i32 to vector<16xi32>
      %gather3A_1848 = tpu.vector_load_idx %arg20[%iota3A, %broadcast_in_dim3A_1847] : memref<32x128xf32, #tpu.memory_space<vmem>>[vector<16xi32>, vector<16xi32>], vector<16xf32>,
      %gather3A_1849 = tpu.vector_load_idx %arg20[%add3A_5, %broadcast_in_dim3A_1847] : memref<32x128xf32, #tpu.memory_space<vmem>>[vector<16xi32>, vector<16xi32>], vector<16xf32>,
      %swap3A_1850 = arith.index_cast %add3A_1780 : i32 to index
      %swap3A_1851 = arith.constant 0 : index
      %swap3A_1852 = tpu.vector_load %arg26[%swap3A_1850, %swap3A_1851] {strides = array<i32>} : memref<512x128xf32, #tpu.memory_space<vmem>>, vector<16xf32>,
      tpu.vector_store %arg26[%swap3A_1850, %swap3A_1851], %gather3A_1848 {strides = array<i32>} : memref<512x128xf32, #tpu.memory_space<vmem>>, vector<16xf32>,
      %swap3A_1853 = arith.index_cast %add3A_1780 : i32 to index
      %swap3A_1854 = arith.constant 16 : index
      %swap3A_1855 = tpu.vector_load %arg26[%swap3A_1853, %swap3A_1854] {strides = array<i32>} : memref<512x128xf32, #tpu.memory_space<vmem>>, vector<16xf32>,
      tpu.vector_store %arg26[%swap3A_1853, %swap3A_1854], %gather3A_1849 {strides = array<i32>} : memref<512x128xf32, #tpu.memory_space<vmem>>, vector<16xf32>,
      %slice3A_1856 = vector.extract_strided_slice %get3A_566 {offsets = [10], sizes = [1], strides = [1]} : vector<16xi32> to vector<1xi32>
      %squeeze3A_1857 = vector.extract %slice3A_1856[0] : i32 from vector<1xi32>
      %broadcast_in_dim3A_1858 = vector.broadcast %squeeze3A_1857 : i32 to vector<16xi32>
      %gather3A_1859 = tpu.vector_load_idx %arg15[%iota3A, %broadcast_in_dim3A_1858] : memref<32x128xf32, #tpu.memory_space<vmem>>[vector<16xi32>, vector<16xi32>], vector<16xf32>,
      %gather3A_1860 = tpu.vector_load_idx %arg15[%add3A_5, %broadcast_in_dim3A_1858] : memref<32x128xf32, #tpu.memory_space<vmem>>[vector<16xi32>, vector<16xi32>], vector<16xf32>,
      %swap3A_1861 = arith.index_cast %add3A_1780 : i32 to index
      %swap3A_1862 = arith.constant 32 : index
      %swap3A_1863 = tpu.vector_load %arg26[%swap3A_1861, %swap3A_1862] {strides = array<i32>} : memref<512x128xf32, #tpu.memory_space<vmem>>, vector<16xf32>,
      tpu.vector_store %arg26[%swap3A_1861, %swap3A_1862], %gather3A_1859 {strides = array<i32>} : memref<512x128xf32, #tpu.memory_space<vmem>>, vector<16xf32>,
      %swap3A_1864 = arith.index_cast %add3A_1780 : i32 to index
      %swap3A_1865 = arith.constant 48 : index
      %swap3A_1866 = tpu.vector_load %arg26[%swap3A_1864, %swap3A_1865] {strides = array<i32>} : memref<512x128xf32, #tpu.memory_space<vmem>>, vector<16xf32>,
      tpu.vector_store %arg26[%swap3A_1864, %swap3A_1865], %gather3A_1860 {strides = array<i32>} : memref<512x128xf32, #tpu.memory_space<vmem>>, vector<16xf32>,
      %slice3A_1867 = vector.extract_strided_slice %get3A_570 {offsets = [10], sizes = [1], strides = [1]} : vector<16xi32> to vector<1xi32>
      %squeeze3A_1868 = vector.extract %slice3A_1867[0] : i32 from vector<1xi32>
      %broadcast_in_dim3A_1869 = vector.broadcast %squeeze3A_1868 : i32 to vector<16xi32>
      %gather3A_1870 = tpu.vector_load_idx %arg16[%iota3A, %broadcast_in_dim3A_1869] : memref<32x128xf32, #tpu.memory_space<vmem>>[vector<16xi32>, vector<16xi32>], vector<16xf32>,
      %gather3A_1871 = tpu.vector_load_idx %arg16[%add3A_5, %broadcast_in_dim3A_1869] : memref<32x128xf32, #tpu.memory_space<vmem>>[vector<16xi32>, vector<16xi32>], vector<16xf32>,
      %swap3A_1872 = arith.index_cast %add3A_1780 : i32 to index
      %swap3A_1873 = arith.constant 64 : index
      %swap3A_1874 = tpu.vector_load %arg26[%swap3A_1872, %swap3A_1873] {strides = array<i32>} : memref<512x128xf32, #tpu.memory_space<vmem>>, vector<16xf32>,
      tpu.vector_store %arg26[%swap3A_1872, %swap3A_1873], %gather3A_1870 {strides = array<i32>} : memref<512x128xf32, #tpu.memory_space<vmem>>, vector<16xf32>,
      %swap3A_1875 = arith.index_cast %add3A_1780 : i32 to index
      %swap3A_1876 = arith.constant 80 : index
      %swap3A_1877 = tpu.vector_load %arg26[%swap3A_1875, %swap3A_1876] {strides = array<i32>} : memref<512x128xf32, #tpu.memory_space<vmem>>, vector<16xf32>,
      tpu.vector_store %arg26[%swap3A_1875, %swap3A_1876], %gather3A_1871 {strides = array<i32>} : memref<512x128xf32, #tpu.memory_space<vmem>>, vector<16xf32>,
      %slice3A_1878 = vector.extract_strided_slice %get3A_574 {offsets = [10], sizes = [1], strides = [1]} : vector<16xi32> to vector<1xi32>
      %squeeze3A_1879 = vector.extract %slice3A_1878[0] : i32 from vector<1xi32>
      %broadcast_in_dim3A_1880 = vector.broadcast %squeeze3A_1879 : i32 to vector<16xi32>
      %gather3A_1881 = tpu.vector_load_idx %arg17[%iota3A, %broadcast_in_dim3A_1880] : memref<32x128xf32, #tpu.memory_space<vmem>>[vector<16xi32>, vector<16xi32>], vector<16xf32>,
      %gather3A_1882 = tpu.vector_load_idx %arg17[%add3A_5, %broadcast_in_dim3A_1880] : memref<32x128xf32, #tpu.memory_space<vmem>>[vector<16xi32>, vector<16xi32>], vector<16xf32>,
      %swap3A_1883 = arith.index_cast %add3A_1780 : i32 to index
      %swap3A_1884 = arith.constant 96 : index
      %swap3A_1885 = tpu.vector_load %arg26[%swap3A_1883, %swap3A_1884] {strides = array<i32>} : memref<512x128xf32, #tpu.memory_space<vmem>>, vector<16xf32>,
      tpu.vector_store %arg26[%swap3A_1883, %swap3A_1884], %gather3A_1881 {strides = array<i32>} : memref<512x128xf32, #tpu.memory_space<vmem>>, vector<16xf32>,
      %swap3A_1886 = arith.index_cast %add3A_1780 : i32 to index
      %swap3A_1887 = arith.constant 112 : index
      %swap3A_1888 = tpu.vector_load %arg26[%swap3A_1886, %swap3A_1887] {strides = array<i32>} : memref<512x128xf32, #tpu.memory_space<vmem>>, vector<16xf32>,
      tpu.vector_store %arg26[%swap3A_1886, %swap3A_1887], %gather3A_1882 {strides = array<i32>} : memref<512x128xf32, #tpu.memory_space<vmem>>, vector<16xf32>,
      %slice3A_1889 = vector.extract_strided_slice %get3A_562 {offsets = [2], sizes = [1], strides = [1]} : vector<16xi32> to vector<1xi32>
      %squeeze3A_1890 = vector.extract %slice3A_1889[0] : i32 from vector<1xi32>
      %add3A_1891 = arith.constant 8 : i32
      %add3A_1892 = arith.addi %add3A_1780, %add3A_1891 : i32
      %lt3A_1893 = arith.constant 512 : i32
      %lt3A_1894 = arith.cmpi slt, %add3A_1892, %lt3A_1893 : i32
      %convert_element_type3A_1895 = arith.extui %lt3A_1894 : i1 to i32
      %cond3A_1896 = arith.constant 0 : i32
      %cond3A_1897 = arith.cmpi ne, %convert_element_type3A_1895, %cond3A_1896 : i32
      scf.if %cond3A_1897 {
        %jit3A_2503 = arith.constant 128 : i32
        %div3A_2504 = arith.divsi %squeeze3A_1890, %jit3A_2503 : i32
        %sign3A_2505 = arith.constant 0 : i32
        %sign3A_2506 = arith.cmpi sgt, %squeeze3A_1890, %sign3A_2505 : i32
        %sign3A_2507 = arith.extui %sign3A_2506 : i1 to i32
        %sign3A_2508 = arith.constant 0 : i32
        %sign3A_2509 = arith.cmpi slt, %squeeze3A_1890, %sign3A_2508 : i32
        %sign3A_2510 = arith.extui %sign3A_2509 : i1 to i32
        %sign3A_2511 = arith.subi %sign3A_2507, %sign3A_2510 : i32
        %sign3A_2512 = arith.constant 0 : i32
        %sign3A_2513 = arith.cmpi sgt, %jit3A_2503, %sign3A_2512 : i32
        %sign3A_2514 = arith.extui %sign3A_2513 : i1 to i32
        %sign3A_2515 = arith.constant 0 : i32
        %sign3A_2516 = arith.cmpi slt, %jit3A_2503, %sign3A_2515 : i32
        %sign3A_2517 = arith.extui %sign3A_2516 : i1 to i32
        %sign3A_2518 = arith.subi %sign3A_2514, %sign3A_2517 : i32
        %ne3A_2519 = arith.cmpi ne, %sign3A_2511, %sign3A_2518 : i32
        %rem3A_2520 = arith.remsi %squeeze3A_1890, %jit3A_2503 : i32
        %ne3A_2521 = arith.constant 0 : i32
        %ne3A_2522 = arith.cmpi ne, %rem3A_2520, %ne3A_2521 : i32
        %and3A_2523 = arith.andi %ne3A_2519, %ne3A_2522 : i1
        %sub3A_2524 = arith.constant 1 : i32
        %sub3A_2525 = arith.subi %div3A_2504, %sub3A_2524 : i32
        %select_n3A_2526 = arith.select %and3A_2523, %sub3A_2525, %div3A_2504 : i32
        %mul3A_2527 = arith.constant 128 : i32
        %mul3A_2528 = arith.muli %select_n3A_2526, %mul3A_2527 : i32
        %multiple_of3A_2529 = tpu.assume_multiple %mul3A_2528, 128 : i32
        %dma_start3A_2530 = arith.constant 0 : i32
        %dma_start3A_2531 = arith.constant 0 : i32
        %dma_start3A_2532 = tpu.memref_slice %arg20[%dma_start3A_2530, %dma_start3A_2531] : memref<32x128xf32, #tpu.memory_space<vmem>> -> memref<8x128xf32, #tpu.memory_space<vmem>>
        %dma_start3A_2533 = arith.constant 0 : i32
        %dma_start3A_2534 = tpu.memref_slice %arg6[%dma_start3A_2533, %multiple_of3A_2529] : memref<32x1000001xf32, #tpu.memory_space<hbm>> -> memref<8x128xf32, #tpu.memory_space<hbm>>
        %dma_start3A_2535 = arith.constant 0 : i32
        %dma_start3A_2536 = arith.constant 0 : i32
        %dma_start3A_2537 = tpu.memref_slice %arg20[%dma_start3A_2535, %dma_start3A_2536] : memref<32x128xf32, #tpu.memory_space<vmem>> -> memref<8x128xf32, #tpu.memory_space<vmem>>
        %dma_start3A_2538 = arith.constant 0 : i32
        %dma_start3A_2539 = tpu.memref_slice %arg6[%dma_start3A_2538, %multiple_of3A_2529] : memref<32x1000001xf32, #tpu.memory_space<hbm>> -> memref<8x128xf32, #tpu.memory_space<hbm>>
        tpu.enqueue_dma source(%dma_start3A_2539 : memref<8x128xf32, #tpu.memory_space<hbm>>) target(%dma_start3A_2537 : memref<8x128xf32, #tpu.memory_space<vmem>>) target_semaphore(%arg29 : memref<!tpu.dma_semaphore, #tpu.memory_space<semaphore_mem>>)
        %dma_start3A_2540 = arith.constant 8 : i32
        %dma_start3A_2541 = arith.constant 0 : i32
        %dma_start3A_2542 = tpu.memref_slice %arg20[%dma_start3A_2540, %dma_start3A_2541] : memref<32x128xf32, #tpu.memory_space<vmem>> -> memref<8x128xf32, #tpu.memory_space<vmem>>
        %dma_start3A_2543 = arith.constant 8 : i32
        %dma_start3A_2544 = tpu.memref_slice %arg6[%dma_start3A_2543, %multiple_of3A_2529] : memref<32x1000001xf32, #tpu.memory_space<hbm>> -> memref<8x128xf32, #tpu.memory_space<hbm>>
        %dma_start3A_2545 = arith.constant 8 : i32
        %dma_start3A_2546 = arith.constant 0 : i32
        %dma_start3A_2547 = tpu.memref_slice %arg20[%dma_start3A_2545, %dma_start3A_2546] : memref<32x128xf32, #tpu.memory_space<vmem>> -> memref<8x128xf32, #tpu.memory_space<vmem>>
        %dma_start3A_2548 = arith.constant 8 : i32
        %dma_start3A_2549 = tpu.memref_slice %arg6[%dma_start3A_2548, %multiple_of3A_2529] : memref<32x1000001xf32, #tpu.memory_space<hbm>> -> memref<8x128xf32, #tpu.memory_space<hbm>>
        tpu.enqueue_dma source(%dma_start3A_2549 : memref<8x128xf32, #tpu.memory_space<hbm>>) target(%dma_start3A_2547 : memref<8x128xf32, #tpu.memory_space<vmem>>) target_semaphore(%arg29 : memref<!tpu.dma_semaphore, #tpu.memory_space<semaphore_mem>>)
        %dma_start3A_2550 = arith.constant 16 : i32
        %dma_start3A_2551 = arith.constant 0 : i32
        %dma_start3A_2552 = tpu.memref_slice %arg20[%dma_start3A_2550, %dma_start3A_2551] : memref<32x128xf32, #tpu.memory_space<vmem>> -> memref<8x128xf32, #tpu.memory_space<vmem>>
        %dma_start3A_2553 = arith.constant 16 : i32
        %dma_start3A_2554 = tpu.memref_slice %arg6[%dma_start3A_2553, %multiple_of3A_2529] : memref<32x1000001xf32, #tpu.memory_space<hbm>> -> memref<8x128xf32, #tpu.memory_space<hbm>>
        %dma_start3A_2555 = arith.constant 16 : i32
        %dma_start3A_2556 = arith.constant 0 : i32
        %dma_start3A_2557 = tpu.memref_slice %arg20[%dma_start3A_2555, %dma_start3A_2556] : memref<32x128xf32, #tpu.memory_space<vmem>> -> memref<8x128xf32, #tpu.memory_space<vmem>>
        %dma_start3A_2558 = arith.constant 16 : i32
        %dma_start3A_2559 = tpu.memref_slice %arg6[%dma_start3A_2558, %multiple_of3A_2529] : memref<32x1000001xf32, #tpu.memory_space<hbm>> -> memref<8x128xf32, #tpu.memory_space<hbm>>
        tpu.enqueue_dma source(%dma_start3A_2559 : memref<8x128xf32, #tpu.memory_space<hbm>>) target(%dma_start3A_2557 : memref<8x128xf32, #tpu.memory_space<vmem>>) target_semaphore(%arg29 : memref<!tpu.dma_semaphore, #tpu.memory_space<semaphore_mem>>)
        %dma_start3A_2560 = arith.constant 24 : i32
        %dma_start3A_2561 = arith.constant 0 : i32
        %dma_start3A_2562 = tpu.memref_slice %arg20[%dma_start3A_2560, %dma_start3A_2561] : memref<32x128xf32, #tpu.memory_space<vmem>> -> memref<8x128xf32, #tpu.memory_space<vmem>>
        %dma_start3A_2563 = arith.constant 24 : i32
        %dma_start3A_2564 = tpu.memref_slice %arg6[%dma_start3A_2563, %multiple_of3A_2529] : memref<32x1000001xf32, #tpu.memory_space<hbm>> -> memref<8x128xf32, #tpu.memory_space<hbm>>
        %dma_start3A_2565 = arith.constant 24 : i32
        %dma_start3A_2566 = arith.constant 0 : i32
        %dma_start3A_2567 = tpu.memref_slice %arg20[%dma_start3A_2565, %dma_start3A_2566] : memref<32x128xf32, #tpu.memory_space<vmem>> -> memref<8x128xf32, #tpu.memory_space<vmem>>
        %dma_start3A_2568 = arith.constant 24 : i32
        %dma_start3A_2569 = tpu.memref_slice %arg6[%dma_start3A_2568, %multiple_of3A_2529] : memref<32x1000001xf32, #tpu.memory_space<hbm>> -> memref<8x128xf32, #tpu.memory_space<hbm>>
        tpu.enqueue_dma source(%dma_start3A_2569 : memref<8x128xf32, #tpu.memory_space<hbm>>) target(%dma_start3A_2567 : memref<8x128xf32, #tpu.memory_space<vmem>>) target_semaphore(%arg29 : memref<!tpu.dma_semaphore, #tpu.memory_space<semaphore_mem>>)
      } else {
      }
      %mul3A_1898 = arith.constant 16 : i32
      %mul3A_1899 = arith.muli %scan3A_552, %mul3A_1898 : i32
      %add3A_1900 = arith.constant 11 : i32
      %add3A_1901 = arith.addi %mul3A_1899, %add3A_1900 : i32
      %dma_wait3A_1902 = arith.constant 0 : i32
      %dma_wait3A_1903 = arith.constant 0 : i32
      %dma_wait3A_1904 = tpu.memref_slice %arg21[%dma_wait3A_1902, %dma_wait3A_1903] : memref<32x128xf32, #tpu.memory_space<vmem>> -> memref<8x128xf32, #tpu.memory_space<vmem>>
      %dma_wait3A_1905 = arith.constant 0 : i32
      %dma_wait3A_1906 = arith.constant 0 : i32
      %dma_wait3A_1907 = tpu.memref_slice %arg6[%dma_wait3A_1905, %dma_wait3A_1906] : memref<32x1000001xf32, #tpu.memory_space<hbm>> -> memref<8x128xf32, #tpu.memory_space<hbm>>
      %dma_wait3A_1908 = arith.constant 0 : i32
      %dma_wait3A_1909 = arith.constant 0 : i32
      %dma_wait3A_1910 = tpu.memref_slice %arg21[%dma_wait3A_1908, %dma_wait3A_1909] : memref<32x128xf32, #tpu.memory_space<vmem>> -> memref<8x128xf32, #tpu.memory_space<vmem>>
      %dma_wait3A_1911 = arith.constant 0 : i32
      %dma_wait3A_1912 = arith.constant 0 : i32
      %dma_wait3A_1913 = tpu.memref_slice %arg6[%dma_wait3A_1911, %dma_wait3A_1912] : memref<32x1000001xf32, #tpu.memory_space<hbm>> -> memref<8x128xf32, #tpu.memory_space<hbm>>
      tpu.wait_dma2 semaphore(%arg30 : memref<!tpu.dma_semaphore, #tpu.memory_space<semaphore_mem>>) src(%dma_wait3A_1913 : memref<8x128xf32, #tpu.memory_space<hbm>>) dst(%dma_wait3A_1910 : memref<8x128xf32, #tpu.memory_space<vmem>>)
      %dma_wait3A_1914 = arith.constant 8 : i32
      %dma_wait3A_1915 = arith.constant 0 : i32
      %dma_wait3A_1916 = tpu.memref_slice %arg21[%dma_wait3A_1914, %dma_wait3A_1915] : memref<32x128xf32, #tpu.memory_space<vmem>> -> memref<8x128xf32, #tpu.memory_space<vmem>>
      %dma_wait3A_1917 = arith.constant 8 : i32
      %dma_wait3A_1918 = arith.constant 0 : i32
      %dma_wait3A_1919 = tpu.memref_slice %arg6[%dma_wait3A_1917, %dma_wait3A_1918] : memref<32x1000001xf32, #tpu.memory_space<hbm>> -> memref<8x128xf32, #tpu.memory_space<hbm>>
      %dma_wait3A_1920 = arith.constant 8 : i32
      %dma_wait3A_1921 = arith.constant 0 : i32
      %dma_wait3A_1922 = tpu.memref_slice %arg21[%dma_wait3A_1920, %dma_wait3A_1921] : memref<32x128xf32, #tpu.memory_space<vmem>> -> memref<8x128xf32, #tpu.memory_space<vmem>>
      %dma_wait3A_1923 = arith.constant 8 : i32
      %dma_wait3A_1924 = arith.constant 0 : i32
      %dma_wait3A_1925 = tpu.memref_slice %arg6[%dma_wait3A_1923, %dma_wait3A_1924] : memref<32x1000001xf32, #tpu.memory_space<hbm>> -> memref<8x128xf32, #tpu.memory_space<hbm>>
      tpu.wait_dma2 semaphore(%arg30 : memref<!tpu.dma_semaphore, #tpu.memory_space<semaphore_mem>>) src(%dma_wait3A_1925 : memref<8x128xf32, #tpu.memory_space<hbm>>) dst(%dma_wait3A_1922 : memref<8x128xf32, #tpu.memory_space<vmem>>)
      %dma_wait3A_1926 = arith.constant 16 : i32
      %dma_wait3A_1927 = arith.constant 0 : i32
      %dma_wait3A_1928 = tpu.memref_slice %arg21[%dma_wait3A_1926, %dma_wait3A_1927] : memref<32x128xf32, #tpu.memory_space<vmem>> -> memref<8x128xf32, #tpu.memory_space<vmem>>
      %dma_wait3A_1929 = arith.constant 16 : i32
      %dma_wait3A_1930 = arith.constant 0 : i32
      %dma_wait3A_1931 = tpu.memref_slice %arg6[%dma_wait3A_1929, %dma_wait3A_1930] : memref<32x1000001xf32, #tpu.memory_space<hbm>> -> memref<8x128xf32, #tpu.memory_space<hbm>>
      %dma_wait3A_1932 = arith.constant 16 : i32
      %dma_wait3A_1933 = arith.constant 0 : i32
      %dma_wait3A_1934 = tpu.memref_slice %arg21[%dma_wait3A_1932, %dma_wait3A_1933] : memref<32x128xf32, #tpu.memory_space<vmem>> -> memref<8x128xf32, #tpu.memory_space<vmem>>
      %dma_wait3A_1935 = arith.constant 16 : i32
      %dma_wait3A_1936 = arith.constant 0 : i32
      %dma_wait3A_1937 = tpu.memref_slice %arg6[%dma_wait3A_1935, %dma_wait3A_1936] : memref<32x1000001xf32, #tpu.memory_space<hbm>> -> memref<8x128xf32, #tpu.memory_space<hbm>>
      tpu.wait_dma2 semaphore(%arg30 : memref<!tpu.dma_semaphore, #tpu.memory_space<semaphore_mem>>) src(%dma_wait3A_1937 : memref<8x128xf32, #tpu.memory_space<hbm>>) dst(%dma_wait3A_1934 : memref<8x128xf32, #tpu.memory_space<vmem>>)
      %dma_wait3A_1938 = arith.constant 24 : i32
      %dma_wait3A_1939 = arith.constant 0 : i32
      %dma_wait3A_1940 = tpu.memref_slice %arg21[%dma_wait3A_1938, %dma_wait3A_1939] : memref<32x128xf32, #tpu.memory_space<vmem>> -> memref<8x128xf32, #tpu.memory_space<vmem>>
      %dma_wait3A_1941 = arith.constant 24 : i32
      %dma_wait3A_1942 = arith.constant 0 : i32
      %dma_wait3A_1943 = tpu.memref_slice %arg6[%dma_wait3A_1941, %dma_wait3A_1942] : memref<32x1000001xf32, #tpu.memory_space<hbm>> -> memref<8x128xf32, #tpu.memory_space<hbm>>
      %dma_wait3A_1944 = arith.constant 24 : i32
      %dma_wait3A_1945 = arith.constant 0 : i32
      %dma_wait3A_1946 = tpu.memref_slice %arg21[%dma_wait3A_1944, %dma_wait3A_1945] : memref<32x128xf32, #tpu.memory_space<vmem>> -> memref<8x128xf32, #tpu.memory_space<vmem>>
      %dma_wait3A_1947 = arith.constant 24 : i32
      %dma_wait3A_1948 = arith.constant 0 : i32
      %dma_wait3A_1949 = tpu.memref_slice %arg6[%dma_wait3A_1947, %dma_wait3A_1948] : memref<32x1000001xf32, #tpu.memory_space<hbm>> -> memref<8x128xf32, #tpu.memory_space<hbm>>
      tpu.wait_dma2 semaphore(%arg30 : memref<!tpu.dma_semaphore, #tpu.memory_space<semaphore_mem>>) src(%dma_wait3A_1949 : memref<8x128xf32, #tpu.memory_space<hbm>>) dst(%dma_wait3A_1946 : memref<8x128xf32, #tpu.memory_space<vmem>>)
      %slice3A_1950 = vector.extract_strided_slice %get3A_556 {offsets = [11], sizes = [1], strides = [1]} : vector<16xi32> to vector<1xi32>
      %squeeze3A_1951 = vector.extract %slice3A_1950[0] : i32 from vector<1xi32>
      %jit3A_1952 = arith.constant 128 : i32
      %eq3A_1953 = arith.constant 0 : i32
      %eq3A_1954 = arith.cmpi eq, %jit3A_1952, %eq3A_1953 : i32
      %jit3A_1955 = arith.constant 1 : i32
      %select_n3A_1956 = arith.select %eq3A_1954, %jit3A_1955, %jit3A_1952 : i32
      %rem3A_1957 = arith.remsi %squeeze3A_1951, %select_n3A_1956 : i32
      %ne3A_1958 = arith.constant 0 : i32
      %ne3A_1959 = arith.cmpi ne, %rem3A_1957, %ne3A_1958 : i32
      %lt3A_1960 = arith.constant 0 : i32
      %lt3A_1961 = arith.cmpi slt, %rem3A_1957, %lt3A_1960 : i32
      %lt3A_1962 = arith.constant 0 : i32
      %lt3A_1963 = arith.cmpi slt, %select_n3A_1956, %lt3A_1962 : i32
      %ne3A_1964 = arith.xori %lt3A_1961, %lt3A_1963 : i1
      %and3A_1965 = arith.andi %ne3A_1964, %ne3A_1959 : i1
      %add3A_1966 = arith.addi %rem3A_1957, %select_n3A_1956 : i32
      %select_n3A_1967 = arith.select %and3A_1965, %add3A_1966, %rem3A_1957 : i32
      %broadcast_in_dim3A_1968 = vector.broadcast %select_n3A_1967 : i32 to vector<16xi32>
      %gather3A_1969 = tpu.vector_load_idx %arg21[%iota3A, %broadcast_in_dim3A_1968] : memref<32x128xf32, #tpu.memory_space<vmem>>[vector<16xi32>, vector<16xi32>], vector<16xf32>,
      %gather3A_1970 = tpu.vector_load_idx %arg21[%add3A_5, %broadcast_in_dim3A_1968] : memref<32x128xf32, #tpu.memory_space<vmem>>[vector<16xi32>, vector<16xi32>], vector<16xf32>,
      %swap3A_1971 = arith.index_cast %add3A_1901 : i32 to index
      %swap3A_1972 = arith.constant 0 : index
      %swap3A_1973 = tpu.vector_load %arg26[%swap3A_1971, %swap3A_1972] {strides = array<i32>} : memref<512x128xf32, #tpu.memory_space<vmem>>, vector<16xf32>,
      tpu.vector_store %arg26[%swap3A_1971, %swap3A_1972], %gather3A_1969 {strides = array<i32>} : memref<512x128xf32, #tpu.memory_space<vmem>>, vector<16xf32>,
      %swap3A_1974 = arith.index_cast %add3A_1901 : i32 to index
      %swap3A_1975 = arith.constant 16 : index
      %swap3A_1976 = tpu.vector_load %arg26[%swap3A_1974, %swap3A_1975] {strides = array<i32>} : memref<512x128xf32, #tpu.memory_space<vmem>>, vector<16xf32>,
      tpu.vector_store %arg26[%swap3A_1974, %swap3A_1975], %gather3A_1970 {strides = array<i32>} : memref<512x128xf32, #tpu.memory_space<vmem>>, vector<16xf32>,
      %slice3A_1977 = vector.extract_strided_slice %get3A_566 {offsets = [11], sizes = [1], strides = [1]} : vector<16xi32> to vector<1xi32>
      %squeeze3A_1978 = vector.extract %slice3A_1977[0] : i32 from vector<1xi32>
      %broadcast_in_dim3A_1979 = vector.broadcast %squeeze3A_1978 : i32 to vector<16xi32>
      %gather3A_1980 = tpu.vector_load_idx %arg15[%iota3A, %broadcast_in_dim3A_1979] : memref<32x128xf32, #tpu.memory_space<vmem>>[vector<16xi32>, vector<16xi32>], vector<16xf32>,
      %gather3A_1981 = tpu.vector_load_idx %arg15[%add3A_5, %broadcast_in_dim3A_1979] : memref<32x128xf32, #tpu.memory_space<vmem>>[vector<16xi32>, vector<16xi32>], vector<16xf32>,
      %swap3A_1982 = arith.index_cast %add3A_1901 : i32 to index
      %swap3A_1983 = arith.constant 32 : index
      %swap3A_1984 = tpu.vector_load %arg26[%swap3A_1982, %swap3A_1983] {strides = array<i32>} : memref<512x128xf32, #tpu.memory_space<vmem>>, vector<16xf32>,
      tpu.vector_store %arg26[%swap3A_1982, %swap3A_1983], %gather3A_1980 {strides = array<i32>} : memref<512x128xf32, #tpu.memory_space<vmem>>, vector<16xf32>,
      %swap3A_1985 = arith.index_cast %add3A_1901 : i32 to index
      %swap3A_1986 = arith.constant 48 : index
      %swap3A_1987 = tpu.vector_load %arg26[%swap3A_1985, %swap3A_1986] {strides = array<i32>} : memref<512x128xf32, #tpu.memory_space<vmem>>, vector<16xf32>,
      tpu.vector_store %arg26[%swap3A_1985, %swap3A_1986], %gather3A_1981 {strides = array<i32>} : memref<512x128xf32, #tpu.memory_space<vmem>>, vector<16xf32>,
      %slice3A_1988 = vector.extract_strided_slice %get3A_570 {offsets = [11], sizes = [1], strides = [1]} : vector<16xi32> to vector<1xi32>
      %squeeze3A_1989 = vector.extract %slice3A_1988[0] : i32 from vector<1xi32>
      %broadcast_in_dim3A_1990 = vector.broadcast %squeeze3A_1989 : i32 to vector<16xi32>
      %gather3A_1991 = tpu.vector_load_idx %arg16[%iota3A, %broadcast_in_dim3A_1990] : memref<32x128xf32, #tpu.memory_space<vmem>>[vector<16xi32>, vector<16xi32>], vector<16xf32>,
      %gather3A_1992 = tpu.vector_load_idx %arg16[%add3A_5, %broadcast_in_dim3A_1990] : memref<32x128xf32, #tpu.memory_space<vmem>>[vector<16xi32>, vector<16xi32>], vector<16xf32>,
      %swap3A_1993 = arith.index_cast %add3A_1901 : i32 to index
      %swap3A_1994 = arith.constant 64 : index
      %swap3A_1995 = tpu.vector_load %arg26[%swap3A_1993, %swap3A_1994] {strides = array<i32>} : memref<512x128xf32, #tpu.memory_space<vmem>>, vector<16xf32>,
      tpu.vector_store %arg26[%swap3A_1993, %swap3A_1994], %gather3A_1991 {strides = array<i32>} : memref<512x128xf32, #tpu.memory_space<vmem>>, vector<16xf32>,
      %swap3A_1996 = arith.index_cast %add3A_1901 : i32 to index
      %swap3A_1997 = arith.constant 80 : index
      %swap3A_1998 = tpu.vector_load %arg26[%swap3A_1996, %swap3A_1997] {strides = array<i32>} : memref<512x128xf32, #tpu.memory_space<vmem>>, vector<16xf32>,
      tpu.vector_store %arg26[%swap3A_1996, %swap3A_1997], %gather3A_1992 {strides = array<i32>} : memref<512x128xf32, #tpu.memory_space<vmem>>, vector<16xf32>,
      %slice3A_1999 = vector.extract_strided_slice %get3A_574 {offsets = [11], sizes = [1], strides = [1]} : vector<16xi32> to vector<1xi32>
      %squeeze3A_2000 = vector.extract %slice3A_1999[0] : i32 from vector<1xi32>
      %broadcast_in_dim3A_2001 = vector.broadcast %squeeze3A_2000 : i32 to vector<16xi32>
      %gather3A_2002 = tpu.vector_load_idx %arg17[%iota3A, %broadcast_in_dim3A_2001] : memref<32x128xf32, #tpu.memory_space<vmem>>[vector<16xi32>, vector<16xi32>], vector<16xf32>,
      %gather3A_2003 = tpu.vector_load_idx %arg17[%add3A_5, %broadcast_in_dim3A_2001] : memref<32x128xf32, #tpu.memory_space<vmem>>[vector<16xi32>, vector<16xi32>], vector<16xf32>,
      %swap3A_2004 = arith.index_cast %add3A_1901 : i32 to index
      %swap3A_2005 = arith.constant 96 : index
      %swap3A_2006 = tpu.vector_load %arg26[%swap3A_2004, %swap3A_2005] {strides = array<i32>} : memref<512x128xf32, #tpu.memory_space<vmem>>, vector<16xf32>,
      tpu.vector_store %arg26[%swap3A_2004, %swap3A_2005], %gather3A_2002 {strides = array<i32>} : memref<512x128xf32, #tpu.memory_space<vmem>>, vector<16xf32>,
      %swap3A_2007 = arith.index_cast %add3A_1901 : i32 to index
      %swap3A_2008 = arith.constant 112 : index
      %swap3A_2009 = tpu.vector_load %arg26[%swap3A_2007, %swap3A_2008] {strides = array<i32>} : memref<512x128xf32, #tpu.memory_space<vmem>>, vector<16xf32>,
      tpu.vector_store %arg26[%swap3A_2007, %swap3A_2008], %gather3A_2003 {strides = array<i32>} : memref<512x128xf32, #tpu.memory_space<vmem>>, vector<16xf32>,
      %slice3A_2010 = vector.extract_strided_slice %get3A_562 {offsets = [3], sizes = [1], strides = [1]} : vector<16xi32> to vector<1xi32>
      %squeeze3A_2011 = vector.extract %slice3A_2010[0] : i32 from vector<1xi32>
      %add3A_2012 = arith.constant 8 : i32
      %add3A_2013 = arith.addi %add3A_1901, %add3A_2012 : i32
      %lt3A_2014 = arith.constant 512 : i32
      %lt3A_2015 = arith.cmpi slt, %add3A_2013, %lt3A_2014 : i32
      %convert_element_type3A_2016 = arith.extui %lt3A_2015 : i1 to i32
      %cond3A_2017 = arith.constant 0 : i32
      %cond3A_2018 = arith.cmpi ne, %convert_element_type3A_2016, %cond3A_2017 : i32
      scf.if %cond3A_2018 {
        %jit3A_2503 = arith.constant 128 : i32
        %div3A_2504 = arith.divsi %squeeze3A_2011, %jit3A_2503 : i32
        %sign3A_2505 = arith.constant 0 : i32
        %sign3A_2506 = arith.cmpi sgt, %squeeze3A_2011, %sign3A_2505 : i32
        %sign3A_2507 = arith.extui %sign3A_2506 : i1 to i32
        %sign3A_2508 = arith.constant 0 : i32
        %sign3A_2509 = arith.cmpi slt, %squeeze3A_2011, %sign3A_2508 : i32
        %sign3A_2510 = arith.extui %sign3A_2509 : i1 to i32
        %sign3A_2511 = arith.subi %sign3A_2507, %sign3A_2510 : i32
        %sign3A_2512 = arith.constant 0 : i32
        %sign3A_2513 = arith.cmpi sgt, %jit3A_2503, %sign3A_2512 : i32
        %sign3A_2514 = arith.extui %sign3A_2513 : i1 to i32
        %sign3A_2515 = arith.constant 0 : i32
        %sign3A_2516 = arith.cmpi slt, %jit3A_2503, %sign3A_2515 : i32
        %sign3A_2517 = arith.extui %sign3A_2516 : i1 to i32
        %sign3A_2518 = arith.subi %sign3A_2514, %sign3A_2517 : i32
        %ne3A_2519 = arith.cmpi ne, %sign3A_2511, %sign3A_2518 : i32
        %rem3A_2520 = arith.remsi %squeeze3A_2011, %jit3A_2503 : i32
        %ne3A_2521 = arith.constant 0 : i32
        %ne3A_2522 = arith.cmpi ne, %rem3A_2520, %ne3A_2521 : i32
        %and3A_2523 = arith.andi %ne3A_2519, %ne3A_2522 : i1
        %sub3A_2524 = arith.constant 1 : i32
        %sub3A_2525 = arith.subi %div3A_2504, %sub3A_2524 : i32
        %select_n3A_2526 = arith.select %and3A_2523, %sub3A_2525, %div3A_2504 : i32
        %mul3A_2527 = arith.constant 128 : i32
        %mul3A_2528 = arith.muli %select_n3A_2526, %mul3A_2527 : i32
        %multiple_of3A_2529 = tpu.assume_multiple %mul3A_2528, 128 : i32
        %dma_start3A_2530 = arith.constant 0 : i32
        %dma_start3A_2531 = arith.constant 0 : i32
        %dma_start3A_2532 = tpu.memref_slice %arg21[%dma_start3A_2530, %dma_start3A_2531] : memref<32x128xf32, #tpu.memory_space<vmem>> -> memref<8x128xf32, #tpu.memory_space<vmem>>
        %dma_start3A_2533 = arith.constant 0 : i32
        %dma_start3A_2534 = tpu.memref_slice %arg6[%dma_start3A_2533, %multiple_of3A_2529] : memref<32x1000001xf32, #tpu.memory_space<hbm>> -> memref<8x128xf32, #tpu.memory_space<hbm>>
        %dma_start3A_2535 = arith.constant 0 : i32
        %dma_start3A_2536 = arith.constant 0 : i32
        %dma_start3A_2537 = tpu.memref_slice %arg21[%dma_start3A_2535, %dma_start3A_2536] : memref<32x128xf32, #tpu.memory_space<vmem>> -> memref<8x128xf32, #tpu.memory_space<vmem>>
        %dma_start3A_2538 = arith.constant 0 : i32
        %dma_start3A_2539 = tpu.memref_slice %arg6[%dma_start3A_2538, %multiple_of3A_2529] : memref<32x1000001xf32, #tpu.memory_space<hbm>> -> memref<8x128xf32, #tpu.memory_space<hbm>>
        tpu.enqueue_dma source(%dma_start3A_2539 : memref<8x128xf32, #tpu.memory_space<hbm>>) target(%dma_start3A_2537 : memref<8x128xf32, #tpu.memory_space<vmem>>) target_semaphore(%arg30 : memref<!tpu.dma_semaphore, #tpu.memory_space<semaphore_mem>>)
        %dma_start3A_2540 = arith.constant 8 : i32
        %dma_start3A_2541 = arith.constant 0 : i32
        %dma_start3A_2542 = tpu.memref_slice %arg21[%dma_start3A_2540, %dma_start3A_2541] : memref<32x128xf32, #tpu.memory_space<vmem>> -> memref<8x128xf32, #tpu.memory_space<vmem>>
        %dma_start3A_2543 = arith.constant 8 : i32
        %dma_start3A_2544 = tpu.memref_slice %arg6[%dma_start3A_2543, %multiple_of3A_2529] : memref<32x1000001xf32, #tpu.memory_space<hbm>> -> memref<8x128xf32, #tpu.memory_space<hbm>>
        %dma_start3A_2545 = arith.constant 8 : i32
        %dma_start3A_2546 = arith.constant 0 : i32
        %dma_start3A_2547 = tpu.memref_slice %arg21[%dma_start3A_2545, %dma_start3A_2546] : memref<32x128xf32, #tpu.memory_space<vmem>> -> memref<8x128xf32, #tpu.memory_space<vmem>>
        %dma_start3A_2548 = arith.constant 8 : i32
        %dma_start3A_2549 = tpu.memref_slice %arg6[%dma_start3A_2548, %multiple_of3A_2529] : memref<32x1000001xf32, #tpu.memory_space<hbm>> -> memref<8x128xf32, #tpu.memory_space<hbm>>
        tpu.enqueue_dma source(%dma_start3A_2549 : memref<8x128xf32, #tpu.memory_space<hbm>>) target(%dma_start3A_2547 : memref<8x128xf32, #tpu.memory_space<vmem>>) target_semaphore(%arg30 : memref<!tpu.dma_semaphore, #tpu.memory_space<semaphore_mem>>)
        %dma_start3A_2550 = arith.constant 16 : i32
        %dma_start3A_2551 = arith.constant 0 : i32
        %dma_start3A_2552 = tpu.memref_slice %arg21[%dma_start3A_2550, %dma_start3A_2551] : memref<32x128xf32, #tpu.memory_space<vmem>> -> memref<8x128xf32, #tpu.memory_space<vmem>>
        %dma_start3A_2553 = arith.constant 16 : i32
        %dma_start3A_2554 = tpu.memref_slice %arg6[%dma_start3A_2553, %multiple_of3A_2529] : memref<32x1000001xf32, #tpu.memory_space<hbm>> -> memref<8x128xf32, #tpu.memory_space<hbm>>
        %dma_start3A_2555 = arith.constant 16 : i32
        %dma_start3A_2556 = arith.constant 0 : i32
        %dma_start3A_2557 = tpu.memref_slice %arg21[%dma_start3A_2555, %dma_start3A_2556] : memref<32x128xf32, #tpu.memory_space<vmem>> -> memref<8x128xf32, #tpu.memory_space<vmem>>
        %dma_start3A_2558 = arith.constant 16 : i32
        %dma_start3A_2559 = tpu.memref_slice %arg6[%dma_start3A_2558, %multiple_of3A_2529] : memref<32x1000001xf32, #tpu.memory_space<hbm>> -> memref<8x128xf32, #tpu.memory_space<hbm>>
        tpu.enqueue_dma source(%dma_start3A_2559 : memref<8x128xf32, #tpu.memory_space<hbm>>) target(%dma_start3A_2557 : memref<8x128xf32, #tpu.memory_space<vmem>>) target_semaphore(%arg30 : memref<!tpu.dma_semaphore, #tpu.memory_space<semaphore_mem>>)
        %dma_start3A_2560 = arith.constant 24 : i32
        %dma_start3A_2561 = arith.constant 0 : i32
        %dma_start3A_2562 = tpu.memref_slice %arg21[%dma_start3A_2560, %dma_start3A_2561] : memref<32x128xf32, #tpu.memory_space<vmem>> -> memref<8x128xf32, #tpu.memory_space<vmem>>
        %dma_start3A_2563 = arith.constant 24 : i32
        %dma_start3A_2564 = tpu.memref_slice %arg6[%dma_start3A_2563, %multiple_of3A_2529] : memref<32x1000001xf32, #tpu.memory_space<hbm>> -> memref<8x128xf32, #tpu.memory_space<hbm>>
        %dma_start3A_2565 = arith.constant 24 : i32
        %dma_start3A_2566 = arith.constant 0 : i32
        %dma_start3A_2567 = tpu.memref_slice %arg21[%dma_start3A_2565, %dma_start3A_2566] : memref<32x128xf32, #tpu.memory_space<vmem>> -> memref<8x128xf32, #tpu.memory_space<vmem>>
        %dma_start3A_2568 = arith.constant 24 : i32
        %dma_start3A_2569 = tpu.memref_slice %arg6[%dma_start3A_2568, %multiple_of3A_2529] : memref<32x1000001xf32, #tpu.memory_space<hbm>> -> memref<8x128xf32, #tpu.memory_space<hbm>>
        tpu.enqueue_dma source(%dma_start3A_2569 : memref<8x128xf32, #tpu.memory_space<hbm>>) target(%dma_start3A_2567 : memref<8x128xf32, #tpu.memory_space<vmem>>) target_semaphore(%arg30 : memref<!tpu.dma_semaphore, #tpu.memory_space<semaphore_mem>>)
      } else {
      }
      %mul3A_2019 = arith.constant 16 : i32
      %mul3A_2020 = arith.muli %scan3A_552, %mul3A_2019 : i32
      %add3A_2021 = arith.constant 12 : i32
      %add3A_2022 = arith.addi %mul3A_2020, %add3A_2021 : i32
      %dma_wait3A_2023 = arith.constant 0 : i32
      %dma_wait3A_2024 = arith.constant 0 : i32
      %dma_wait3A_2025 = tpu.memref_slice %arg22[%dma_wait3A_2023, %dma_wait3A_2024] : memref<32x128xf32, #tpu.memory_space<vmem>> -> memref<8x128xf32, #tpu.memory_space<vmem>>
      %dma_wait3A_2026 = arith.constant 0 : i32
      %dma_wait3A_2027 = arith.constant 0 : i32
      %dma_wait3A_2028 = tpu.memref_slice %arg6[%dma_wait3A_2026, %dma_wait3A_2027] : memref<32x1000001xf32, #tpu.memory_space<hbm>> -> memref<8x128xf32, #tpu.memory_space<hbm>>
      %dma_wait3A_2029 = arith.constant 0 : i32
      %dma_wait3A_2030 = arith.constant 0 : i32
      %dma_wait3A_2031 = tpu.memref_slice %arg22[%dma_wait3A_2029, %dma_wait3A_2030] : memref<32x128xf32, #tpu.memory_space<vmem>> -> memref<8x128xf32, #tpu.memory_space<vmem>>
      %dma_wait3A_2032 = arith.constant 0 : i32
      %dma_wait3A_2033 = arith.constant 0 : i32
      %dma_wait3A_2034 = tpu.memref_slice %arg6[%dma_wait3A_2032, %dma_wait3A_2033] : memref<32x1000001xf32, #tpu.memory_space<hbm>> -> memref<8x128xf32, #tpu.memory_space<hbm>>
      tpu.wait_dma2 semaphore(%arg31 : memref<!tpu.dma_semaphore, #tpu.memory_space<semaphore_mem>>) src(%dma_wait3A_2034 : memref<8x128xf32, #tpu.memory_space<hbm>>) dst(%dma_wait3A_2031 : memref<8x128xf32, #tpu.memory_space<vmem>>)
      %dma_wait3A_2035 = arith.constant 8 : i32
      %dma_wait3A_2036 = arith.constant 0 : i32
      %dma_wait3A_2037 = tpu.memref_slice %arg22[%dma_wait3A_2035, %dma_wait3A_2036] : memref<32x128xf32, #tpu.memory_space<vmem>> -> memref<8x128xf32, #tpu.memory_space<vmem>>
      %dma_wait3A_2038 = arith.constant 8 : i32
      %dma_wait3A_2039 = arith.constant 0 : i32
      %dma_wait3A_2040 = tpu.memref_slice %arg6[%dma_wait3A_2038, %dma_wait3A_2039] : memref<32x1000001xf32, #tpu.memory_space<hbm>> -> memref<8x128xf32, #tpu.memory_space<hbm>>
      %dma_wait3A_2041 = arith.constant 8 : i32
      %dma_wait3A_2042 = arith.constant 0 : i32
      %dma_wait3A_2043 = tpu.memref_slice %arg22[%dma_wait3A_2041, %dma_wait3A_2042] : memref<32x128xf32, #tpu.memory_space<vmem>> -> memref<8x128xf32, #tpu.memory_space<vmem>>
      %dma_wait3A_2044 = arith.constant 8 : i32
      %dma_wait3A_2045 = arith.constant 0 : i32
      %dma_wait3A_2046 = tpu.memref_slice %arg6[%dma_wait3A_2044, %dma_wait3A_2045] : memref<32x1000001xf32, #tpu.memory_space<hbm>> -> memref<8x128xf32, #tpu.memory_space<hbm>>
      tpu.wait_dma2 semaphore(%arg31 : memref<!tpu.dma_semaphore, #tpu.memory_space<semaphore_mem>>) src(%dma_wait3A_2046 : memref<8x128xf32, #tpu.memory_space<hbm>>) dst(%dma_wait3A_2043 : memref<8x128xf32, #tpu.memory_space<vmem>>)
      %dma_wait3A_2047 = arith.constant 16 : i32
      %dma_wait3A_2048 = arith.constant 0 : i32
      %dma_wait3A_2049 = tpu.memref_slice %arg22[%dma_wait3A_2047, %dma_wait3A_2048] : memref<32x128xf32, #tpu.memory_space<vmem>> -> memref<8x128xf32, #tpu.memory_space<vmem>>
      %dma_wait3A_2050 = arith.constant 16 : i32
      %dma_wait3A_2051 = arith.constant 0 : i32
      %dma_wait3A_2052 = tpu.memref_slice %arg6[%dma_wait3A_2050, %dma_wait3A_2051] : memref<32x1000001xf32, #tpu.memory_space<hbm>> -> memref<8x128xf32, #tpu.memory_space<hbm>>
      %dma_wait3A_2053 = arith.constant 16 : i32
      %dma_wait3A_2054 = arith.constant 0 : i32
      %dma_wait3A_2055 = tpu.memref_slice %arg22[%dma_wait3A_2053, %dma_wait3A_2054] : memref<32x128xf32, #tpu.memory_space<vmem>> -> memref<8x128xf32, #tpu.memory_space<vmem>>
      %dma_wait3A_2056 = arith.constant 16 : i32
      %dma_wait3A_2057 = arith.constant 0 : i32
      %dma_wait3A_2058 = tpu.memref_slice %arg6[%dma_wait3A_2056, %dma_wait3A_2057] : memref<32x1000001xf32, #tpu.memory_space<hbm>> -> memref<8x128xf32, #tpu.memory_space<hbm>>
      tpu.wait_dma2 semaphore(%arg31 : memref<!tpu.dma_semaphore, #tpu.memory_space<semaphore_mem>>) src(%dma_wait3A_2058 : memref<8x128xf32, #tpu.memory_space<hbm>>) dst(%dma_wait3A_2055 : memref<8x128xf32, #tpu.memory_space<vmem>>)
      %dma_wait3A_2059 = arith.constant 24 : i32
      %dma_wait3A_2060 = arith.constant 0 : i32
      %dma_wait3A_2061 = tpu.memref_slice %arg22[%dma_wait3A_2059, %dma_wait3A_2060] : memref<32x128xf32, #tpu.memory_space<vmem>> -> memref<8x128xf32, #tpu.memory_space<vmem>>
      %dma_wait3A_2062 = arith.constant 24 : i32
      %dma_wait3A_2063 = arith.constant 0 : i32
      %dma_wait3A_2064 = tpu.memref_slice %arg6[%dma_wait3A_2062, %dma_wait3A_2063] : memref<32x1000001xf32, #tpu.memory_space<hbm>> -> memref<8x128xf32, #tpu.memory_space<hbm>>
      %dma_wait3A_2065 = arith.constant 24 : i32
      %dma_wait3A_2066 = arith.constant 0 : i32
      %dma_wait3A_2067 = tpu.memref_slice %arg22[%dma_wait3A_2065, %dma_wait3A_2066] : memref<32x128xf32, #tpu.memory_space<vmem>> -> memref<8x128xf32, #tpu.memory_space<vmem>>
      %dma_wait3A_2068 = arith.constant 24 : i32
      %dma_wait3A_2069 = arith.constant 0 : i32
      %dma_wait3A_2070 = tpu.memref_slice %arg6[%dma_wait3A_2068, %dma_wait3A_2069] : memref<32x1000001xf32, #tpu.memory_space<hbm>> -> memref<8x128xf32, #tpu.memory_space<hbm>>
      tpu.wait_dma2 semaphore(%arg31 : memref<!tpu.dma_semaphore, #tpu.memory_space<semaphore_mem>>) src(%dma_wait3A_2070 : memref<8x128xf32, #tpu.memory_space<hbm>>) dst(%dma_wait3A_2067 : memref<8x128xf32, #tpu.memory_space<vmem>>)
      %slice3A_2071 = vector.extract_strided_slice %get3A_556 {offsets = [12], sizes = [1], strides = [1]} : vector<16xi32> to vector<1xi32>
      %squeeze3A_2072 = vector.extract %slice3A_2071[0] : i32 from vector<1xi32>
      %jit3A_2073 = arith.constant 128 : i32
      %eq3A_2074 = arith.constant 0 : i32
      %eq3A_2075 = arith.cmpi eq, %jit3A_2073, %eq3A_2074 : i32
      %jit3A_2076 = arith.constant 1 : i32
      %select_n3A_2077 = arith.select %eq3A_2075, %jit3A_2076, %jit3A_2073 : i32
      %rem3A_2078 = arith.remsi %squeeze3A_2072, %select_n3A_2077 : i32
      %ne3A_2079 = arith.constant 0 : i32
      %ne3A_2080 = arith.cmpi ne, %rem3A_2078, %ne3A_2079 : i32
      %lt3A_2081 = arith.constant 0 : i32
      %lt3A_2082 = arith.cmpi slt, %rem3A_2078, %lt3A_2081 : i32
      %lt3A_2083 = arith.constant 0 : i32
      %lt3A_2084 = arith.cmpi slt, %select_n3A_2077, %lt3A_2083 : i32
      %ne3A_2085 = arith.xori %lt3A_2082, %lt3A_2084 : i1
      %and3A_2086 = arith.andi %ne3A_2085, %ne3A_2080 : i1
      %add3A_2087 = arith.addi %rem3A_2078, %select_n3A_2077 : i32
      %select_n3A_2088 = arith.select %and3A_2086, %add3A_2087, %rem3A_2078 : i32
      %broadcast_in_dim3A_2089 = vector.broadcast %select_n3A_2088 : i32 to vector<16xi32>
      %gather3A_2090 = tpu.vector_load_idx %arg22[%iota3A, %broadcast_in_dim3A_2089] : memref<32x128xf32, #tpu.memory_space<vmem>>[vector<16xi32>, vector<16xi32>], vector<16xf32>,
      %gather3A_2091 = tpu.vector_load_idx %arg22[%add3A_5, %broadcast_in_dim3A_2089] : memref<32x128xf32, #tpu.memory_space<vmem>>[vector<16xi32>, vector<16xi32>], vector<16xf32>,
      %swap3A_2092 = arith.index_cast %add3A_2022 : i32 to index
      %swap3A_2093 = arith.constant 0 : index
      %swap3A_2094 = tpu.vector_load %arg26[%swap3A_2092, %swap3A_2093] {strides = array<i32>} : memref<512x128xf32, #tpu.memory_space<vmem>>, vector<16xf32>,
      tpu.vector_store %arg26[%swap3A_2092, %swap3A_2093], %gather3A_2090 {strides = array<i32>} : memref<512x128xf32, #tpu.memory_space<vmem>>, vector<16xf32>,
      %swap3A_2095 = arith.index_cast %add3A_2022 : i32 to index
      %swap3A_2096 = arith.constant 16 : index
      %swap3A_2097 = tpu.vector_load %arg26[%swap3A_2095, %swap3A_2096] {strides = array<i32>} : memref<512x128xf32, #tpu.memory_space<vmem>>, vector<16xf32>,
      tpu.vector_store %arg26[%swap3A_2095, %swap3A_2096], %gather3A_2091 {strides = array<i32>} : memref<512x128xf32, #tpu.memory_space<vmem>>, vector<16xf32>,
      %slice3A_2098 = vector.extract_strided_slice %get3A_566 {offsets = [12], sizes = [1], strides = [1]} : vector<16xi32> to vector<1xi32>
      %squeeze3A_2099 = vector.extract %slice3A_2098[0] : i32 from vector<1xi32>
      %broadcast_in_dim3A_2100 = vector.broadcast %squeeze3A_2099 : i32 to vector<16xi32>
      %gather3A_2101 = tpu.vector_load_idx %arg15[%iota3A, %broadcast_in_dim3A_2100] : memref<32x128xf32, #tpu.memory_space<vmem>>[vector<16xi32>, vector<16xi32>], vector<16xf32>,
      %gather3A_2102 = tpu.vector_load_idx %arg15[%add3A_5, %broadcast_in_dim3A_2100] : memref<32x128xf32, #tpu.memory_space<vmem>>[vector<16xi32>, vector<16xi32>], vector<16xf32>,
      %swap3A_2103 = arith.index_cast %add3A_2022 : i32 to index
      %swap3A_2104 = arith.constant 32 : index
      %swap3A_2105 = tpu.vector_load %arg26[%swap3A_2103, %swap3A_2104] {strides = array<i32>} : memref<512x128xf32, #tpu.memory_space<vmem>>, vector<16xf32>,
      tpu.vector_store %arg26[%swap3A_2103, %swap3A_2104], %gather3A_2101 {strides = array<i32>} : memref<512x128xf32, #tpu.memory_space<vmem>>, vector<16xf32>,
      %swap3A_2106 = arith.index_cast %add3A_2022 : i32 to index
      %swap3A_2107 = arith.constant 48 : index
      %swap3A_2108 = tpu.vector_load %arg26[%swap3A_2106, %swap3A_2107] {strides = array<i32>} : memref<512x128xf32, #tpu.memory_space<vmem>>, vector<16xf32>,
      tpu.vector_store %arg26[%swap3A_2106, %swap3A_2107], %gather3A_2102 {strides = array<i32>} : memref<512x128xf32, #tpu.memory_space<vmem>>, vector<16xf32>,
      %slice3A_2109 = vector.extract_strided_slice %get3A_570 {offsets = [12], sizes = [1], strides = [1]} : vector<16xi32> to vector<1xi32>
      %squeeze3A_2110 = vector.extract %slice3A_2109[0] : i32 from vector<1xi32>
      %broadcast_in_dim3A_2111 = vector.broadcast %squeeze3A_2110 : i32 to vector<16xi32>
      %gather3A_2112 = tpu.vector_load_idx %arg16[%iota3A, %broadcast_in_dim3A_2111] : memref<32x128xf32, #tpu.memory_space<vmem>>[vector<16xi32>, vector<16xi32>], vector<16xf32>,
      %gather3A_2113 = tpu.vector_load_idx %arg16[%add3A_5, %broadcast_in_dim3A_2111] : memref<32x128xf32, #tpu.memory_space<vmem>>[vector<16xi32>, vector<16xi32>], vector<16xf32>,
      %swap3A_2114 = arith.index_cast %add3A_2022 : i32 to index
      %swap3A_2115 = arith.constant 64 : index
      %swap3A_2116 = tpu.vector_load %arg26[%swap3A_2114, %swap3A_2115] {strides = array<i32>} : memref<512x128xf32, #tpu.memory_space<vmem>>, vector<16xf32>,
      tpu.vector_store %arg26[%swap3A_2114, %swap3A_2115], %gather3A_2112 {strides = array<i32>} : memref<512x128xf32, #tpu.memory_space<vmem>>, vector<16xf32>,
      %swap3A_2117 = arith.index_cast %add3A_2022 : i32 to index
      %swap3A_2118 = arith.constant 80 : index
      %swap3A_2119 = tpu.vector_load %arg26[%swap3A_2117, %swap3A_2118] {strides = array<i32>} : memref<512x128xf32, #tpu.memory_space<vmem>>, vector<16xf32>,
      tpu.vector_store %arg26[%swap3A_2117, %swap3A_2118], %gather3A_2113 {strides = array<i32>} : memref<512x128xf32, #tpu.memory_space<vmem>>, vector<16xf32>,
      %slice3A_2120 = vector.extract_strided_slice %get3A_574 {offsets = [12], sizes = [1], strides = [1]} : vector<16xi32> to vector<1xi32>
      %squeeze3A_2121 = vector.extract %slice3A_2120[0] : i32 from vector<1xi32>
      %broadcast_in_dim3A_2122 = vector.broadcast %squeeze3A_2121 : i32 to vector<16xi32>
      %gather3A_2123 = tpu.vector_load_idx %arg17[%iota3A, %broadcast_in_dim3A_2122] : memref<32x128xf32, #tpu.memory_space<vmem>>[vector<16xi32>, vector<16xi32>], vector<16xf32>,
      %gather3A_2124 = tpu.vector_load_idx %arg17[%add3A_5, %broadcast_in_dim3A_2122] : memref<32x128xf32, #tpu.memory_space<vmem>>[vector<16xi32>, vector<16xi32>], vector<16xf32>,
      %swap3A_2125 = arith.index_cast %add3A_2022 : i32 to index
      %swap3A_2126 = arith.constant 96 : index
      %swap3A_2127 = tpu.vector_load %arg26[%swap3A_2125, %swap3A_2126] {strides = array<i32>} : memref<512x128xf32, #tpu.memory_space<vmem>>, vector<16xf32>,
      tpu.vector_store %arg26[%swap3A_2125, %swap3A_2126], %gather3A_2123 {strides = array<i32>} : memref<512x128xf32, #tpu.memory_space<vmem>>, vector<16xf32>,
      %swap3A_2128 = arith.index_cast %add3A_2022 : i32 to index
      %swap3A_2129 = arith.constant 112 : index
      %swap3A_2130 = tpu.vector_load %arg26[%swap3A_2128, %swap3A_2129] {strides = array<i32>} : memref<512x128xf32, #tpu.memory_space<vmem>>, vector<16xf32>,
      tpu.vector_store %arg26[%swap3A_2128, %swap3A_2129], %gather3A_2124 {strides = array<i32>} : memref<512x128xf32, #tpu.memory_space<vmem>>, vector<16xf32>,
      %slice3A_2131 = vector.extract_strided_slice %get3A_562 {offsets = [4], sizes = [1], strides = [1]} : vector<16xi32> to vector<1xi32>
      %squeeze3A_2132 = vector.extract %slice3A_2131[0] : i32 from vector<1xi32>
      %add3A_2133 = arith.constant 8 : i32
      %add3A_2134 = arith.addi %add3A_2022, %add3A_2133 : i32
      %lt3A_2135 = arith.constant 512 : i32
      %lt3A_2136 = arith.cmpi slt, %add3A_2134, %lt3A_2135 : i32
      %convert_element_type3A_2137 = arith.extui %lt3A_2136 : i1 to i32
      %cond3A_2138 = arith.constant 0 : i32
      %cond3A_2139 = arith.cmpi ne, %convert_element_type3A_2137, %cond3A_2138 : i32
      scf.if %cond3A_2139 {
        %jit3A_2503 = arith.constant 128 : i32
        %div3A_2504 = arith.divsi %squeeze3A_2132, %jit3A_2503 : i32
        %sign3A_2505 = arith.constant 0 : i32
        %sign3A_2506 = arith.cmpi sgt, %squeeze3A_2132, %sign3A_2505 : i32
        %sign3A_2507 = arith.extui %sign3A_2506 : i1 to i32
        %sign3A_2508 = arith.constant 0 : i32
        %sign3A_2509 = arith.cmpi slt, %squeeze3A_2132, %sign3A_2508 : i32
        %sign3A_2510 = arith.extui %sign3A_2509 : i1 to i32
        %sign3A_2511 = arith.subi %sign3A_2507, %sign3A_2510 : i32
        %sign3A_2512 = arith.constant 0 : i32
        %sign3A_2513 = arith.cmpi sgt, %jit3A_2503, %sign3A_2512 : i32
        %sign3A_2514 = arith.extui %sign3A_2513 : i1 to i32
        %sign3A_2515 = arith.constant 0 : i32
        %sign3A_2516 = arith.cmpi slt, %jit3A_2503, %sign3A_2515 : i32
        %sign3A_2517 = arith.extui %sign3A_2516 : i1 to i32
        %sign3A_2518 = arith.subi %sign3A_2514, %sign3A_2517 : i32
        %ne3A_2519 = arith.cmpi ne, %sign3A_2511, %sign3A_2518 : i32
        %rem3A_2520 = arith.remsi %squeeze3A_2132, %jit3A_2503 : i32
        %ne3A_2521 = arith.constant 0 : i32
        %ne3A_2522 = arith.cmpi ne, %rem3A_2520, %ne3A_2521 : i32
        %and3A_2523 = arith.andi %ne3A_2519, %ne3A_2522 : i1
        %sub3A_2524 = arith.constant 1 : i32
        %sub3A_2525 = arith.subi %div3A_2504, %sub3A_2524 : i32
        %select_n3A_2526 = arith.select %and3A_2523, %sub3A_2525, %div3A_2504 : i32
        %mul3A_2527 = arith.constant 128 : i32
        %mul3A_2528 = arith.muli %select_n3A_2526, %mul3A_2527 : i32
        %multiple_of3A_2529 = tpu.assume_multiple %mul3A_2528, 128 : i32
        %dma_start3A_2530 = arith.constant 0 : i32
        %dma_start3A_2531 = arith.constant 0 : i32
        %dma_start3A_2532 = tpu.memref_slice %arg22[%dma_start3A_2530, %dma_start3A_2531] : memref<32x128xf32, #tpu.memory_space<vmem>> -> memref<8x128xf32, #tpu.memory_space<vmem>>
        %dma_start3A_2533 = arith.constant 0 : i32
        %dma_start3A_2534 = tpu.memref_slice %arg6[%dma_start3A_2533, %multiple_of3A_2529] : memref<32x1000001xf32, #tpu.memory_space<hbm>> -> memref<8x128xf32, #tpu.memory_space<hbm>>
        %dma_start3A_2535 = arith.constant 0 : i32
        %dma_start3A_2536 = arith.constant 0 : i32
        %dma_start3A_2537 = tpu.memref_slice %arg22[%dma_start3A_2535, %dma_start3A_2536] : memref<32x128xf32, #tpu.memory_space<vmem>> -> memref<8x128xf32, #tpu.memory_space<vmem>>
        %dma_start3A_2538 = arith.constant 0 : i32
        %dma_start3A_2539 = tpu.memref_slice %arg6[%dma_start3A_2538, %multiple_of3A_2529] : memref<32x1000001xf32, #tpu.memory_space<hbm>> -> memref<8x128xf32, #tpu.memory_space<hbm>>
        tpu.enqueue_dma source(%dma_start3A_2539 : memref<8x128xf32, #tpu.memory_space<hbm>>) target(%dma_start3A_2537 : memref<8x128xf32, #tpu.memory_space<vmem>>) target_semaphore(%arg31 : memref<!tpu.dma_semaphore, #tpu.memory_space<semaphore_mem>>)
        %dma_start3A_2540 = arith.constant 8 : i32
        %dma_start3A_2541 = arith.constant 0 : i32
        %dma_start3A_2542 = tpu.memref_slice %arg22[%dma_start3A_2540, %dma_start3A_2541] : memref<32x128xf32, #tpu.memory_space<vmem>> -> memref<8x128xf32, #tpu.memory_space<vmem>>
        %dma_start3A_2543 = arith.constant 8 : i32
        %dma_start3A_2544 = tpu.memref_slice %arg6[%dma_start3A_2543, %multiple_of3A_2529] : memref<32x1000001xf32, #tpu.memory_space<hbm>> -> memref<8x128xf32, #tpu.memory_space<hbm>>
        %dma_start3A_2545 = arith.constant 8 : i32
        %dma_start3A_2546 = arith.constant 0 : i32
        %dma_start3A_2547 = tpu.memref_slice %arg22[%dma_start3A_2545, %dma_start3A_2546] : memref<32x128xf32, #tpu.memory_space<vmem>> -> memref<8x128xf32, #tpu.memory_space<vmem>>
        %dma_start3A_2548 = arith.constant 8 : i32
        %dma_start3A_2549 = tpu.memref_slice %arg6[%dma_start3A_2548, %multiple_of3A_2529] : memref<32x1000001xf32, #tpu.memory_space<hbm>> -> memref<8x128xf32, #tpu.memory_space<hbm>>
        tpu.enqueue_dma source(%dma_start3A_2549 : memref<8x128xf32, #tpu.memory_space<hbm>>) target(%dma_start3A_2547 : memref<8x128xf32, #tpu.memory_space<vmem>>) target_semaphore(%arg31 : memref<!tpu.dma_semaphore, #tpu.memory_space<semaphore_mem>>)
        %dma_start3A_2550 = arith.constant 16 : i32
        %dma_start3A_2551 = arith.constant 0 : i32
        %dma_start3A_2552 = tpu.memref_slice %arg22[%dma_start3A_2550, %dma_start3A_2551] : memref<32x128xf32, #tpu.memory_space<vmem>> -> memref<8x128xf32, #tpu.memory_space<vmem>>
        %dma_start3A_2553 = arith.constant 16 : i32
        %dma_start3A_2554 = tpu.memref_slice %arg6[%dma_start3A_2553, %multiple_of3A_2529] : memref<32x1000001xf32, #tpu.memory_space<hbm>> -> memref<8x128xf32, #tpu.memory_space<hbm>>
        %dma_start3A_2555 = arith.constant 16 : i32
        %dma_start3A_2556 = arith.constant 0 : i32
        %dma_start3A_2557 = tpu.memref_slice %arg22[%dma_start3A_2555, %dma_start3A_2556] : memref<32x128xf32, #tpu.memory_space<vmem>> -> memref<8x128xf32, #tpu.memory_space<vmem>>
        %dma_start3A_2558 = arith.constant 16 : i32
        %dma_start3A_2559 = tpu.memref_slice %arg6[%dma_start3A_2558, %multiple_of3A_2529] : memref<32x1000001xf32, #tpu.memory_space<hbm>> -> memref<8x128xf32, #tpu.memory_space<hbm>>
        tpu.enqueue_dma source(%dma_start3A_2559 : memref<8x128xf32, #tpu.memory_space<hbm>>) target(%dma_start3A_2557 : memref<8x128xf32, #tpu.memory_space<vmem>>) target_semaphore(%arg31 : memref<!tpu.dma_semaphore, #tpu.memory_space<semaphore_mem>>)
        %dma_start3A_2560 = arith.constant 24 : i32
        %dma_start3A_2561 = arith.constant 0 : i32
        %dma_start3A_2562 = tpu.memref_slice %arg22[%dma_start3A_2560, %dma_start3A_2561] : memref<32x128xf32, #tpu.memory_space<vmem>> -> memref<8x128xf32, #tpu.memory_space<vmem>>
        %dma_start3A_2563 = arith.constant 24 : i32
        %dma_start3A_2564 = tpu.memref_slice %arg6[%dma_start3A_2563, %multiple_of3A_2529] : memref<32x1000001xf32, #tpu.memory_space<hbm>> -> memref<8x128xf32, #tpu.memory_space<hbm>>
        %dma_start3A_2565 = arith.constant 24 : i32
        %dma_start3A_2566 = arith.constant 0 : i32
        %dma_start3A_2567 = tpu.memref_slice %arg22[%dma_start3A_2565, %dma_start3A_2566] : memref<32x128xf32, #tpu.memory_space<vmem>> -> memref<8x128xf32, #tpu.memory_space<vmem>>
        %dma_start3A_2568 = arith.constant 24 : i32
        %dma_start3A_2569 = tpu.memref_slice %arg6[%dma_start3A_2568, %multiple_of3A_2529] : memref<32x1000001xf32, #tpu.memory_space<hbm>> -> memref<8x128xf32, #tpu.memory_space<hbm>>
        tpu.enqueue_dma source(%dma_start3A_2569 : memref<8x128xf32, #tpu.memory_space<hbm>>) target(%dma_start3A_2567 : memref<8x128xf32, #tpu.memory_space<vmem>>) target_semaphore(%arg31 : memref<!tpu.dma_semaphore, #tpu.memory_space<semaphore_mem>>)
      } else {
      }
      %mul3A_2140 = arith.constant 16 : i32
      %mul3A_2141 = arith.muli %scan3A_552, %mul3A_2140 : i32
      %add3A_2142 = arith.constant 13 : i32
      %add3A_2143 = arith.addi %mul3A_2141, %add3A_2142 : i32
      %dma_wait3A_2144 = arith.constant 0 : i32
      %dma_wait3A_2145 = arith.constant 0 : i32
      %dma_wait3A_2146 = tpu.memref_slice %arg23[%dma_wait3A_2144, %dma_wait3A_2145] : memref<32x128xf32, #tpu.memory_space<vmem>> -> memref<8x128xf32, #tpu.memory_space<vmem>>
      %dma_wait3A_2147 = arith.constant 0 : i32
      %dma_wait3A_2148 = arith.constant 0 : i32
      %dma_wait3A_2149 = tpu.memref_slice %arg6[%dma_wait3A_2147, %dma_wait3A_2148] : memref<32x1000001xf32, #tpu.memory_space<hbm>> -> memref<8x128xf32, #tpu.memory_space<hbm>>
      %dma_wait3A_2150 = arith.constant 0 : i32
      %dma_wait3A_2151 = arith.constant 0 : i32
      %dma_wait3A_2152 = tpu.memref_slice %arg23[%dma_wait3A_2150, %dma_wait3A_2151] : memref<32x128xf32, #tpu.memory_space<vmem>> -> memref<8x128xf32, #tpu.memory_space<vmem>>
      %dma_wait3A_2153 = arith.constant 0 : i32
      %dma_wait3A_2154 = arith.constant 0 : i32
      %dma_wait3A_2155 = tpu.memref_slice %arg6[%dma_wait3A_2153, %dma_wait3A_2154] : memref<32x1000001xf32, #tpu.memory_space<hbm>> -> memref<8x128xf32, #tpu.memory_space<hbm>>
      tpu.wait_dma2 semaphore(%arg32 : memref<!tpu.dma_semaphore, #tpu.memory_space<semaphore_mem>>) src(%dma_wait3A_2155 : memref<8x128xf32, #tpu.memory_space<hbm>>) dst(%dma_wait3A_2152 : memref<8x128xf32, #tpu.memory_space<vmem>>)
      %dma_wait3A_2156 = arith.constant 8 : i32
      %dma_wait3A_2157 = arith.constant 0 : i32
      %dma_wait3A_2158 = tpu.memref_slice %arg23[%dma_wait3A_2156, %dma_wait3A_2157] : memref<32x128xf32, #tpu.memory_space<vmem>> -> memref<8x128xf32, #tpu.memory_space<vmem>>
      %dma_wait3A_2159 = arith.constant 8 : i32
      %dma_wait3A_2160 = arith.constant 0 : i32
      %dma_wait3A_2161 = tpu.memref_slice %arg6[%dma_wait3A_2159, %dma_wait3A_2160] : memref<32x1000001xf32, #tpu.memory_space<hbm>> -> memref<8x128xf32, #tpu.memory_space<hbm>>
      %dma_wait3A_2162 = arith.constant 8 : i32
      %dma_wait3A_2163 = arith.constant 0 : i32
      %dma_wait3A_2164 = tpu.memref_slice %arg23[%dma_wait3A_2162, %dma_wait3A_2163] : memref<32x128xf32, #tpu.memory_space<vmem>> -> memref<8x128xf32, #tpu.memory_space<vmem>>
      %dma_wait3A_2165 = arith.constant 8 : i32
      %dma_wait3A_2166 = arith.constant 0 : i32
      %dma_wait3A_2167 = tpu.memref_slice %arg6[%dma_wait3A_2165, %dma_wait3A_2166] : memref<32x1000001xf32, #tpu.memory_space<hbm>> -> memref<8x128xf32, #tpu.memory_space<hbm>>
      tpu.wait_dma2 semaphore(%arg32 : memref<!tpu.dma_semaphore, #tpu.memory_space<semaphore_mem>>) src(%dma_wait3A_2167 : memref<8x128xf32, #tpu.memory_space<hbm>>) dst(%dma_wait3A_2164 : memref<8x128xf32, #tpu.memory_space<vmem>>)
      %dma_wait3A_2168 = arith.constant 16 : i32
      %dma_wait3A_2169 = arith.constant 0 : i32
      %dma_wait3A_2170 = tpu.memref_slice %arg23[%dma_wait3A_2168, %dma_wait3A_2169] : memref<32x128xf32, #tpu.memory_space<vmem>> -> memref<8x128xf32, #tpu.memory_space<vmem>>
      %dma_wait3A_2171 = arith.constant 16 : i32
      %dma_wait3A_2172 = arith.constant 0 : i32
      %dma_wait3A_2173 = tpu.memref_slice %arg6[%dma_wait3A_2171, %dma_wait3A_2172] : memref<32x1000001xf32, #tpu.memory_space<hbm>> -> memref<8x128xf32, #tpu.memory_space<hbm>>
      %dma_wait3A_2174 = arith.constant 16 : i32
      %dma_wait3A_2175 = arith.constant 0 : i32
      %dma_wait3A_2176 = tpu.memref_slice %arg23[%dma_wait3A_2174, %dma_wait3A_2175] : memref<32x128xf32, #tpu.memory_space<vmem>> -> memref<8x128xf32, #tpu.memory_space<vmem>>
      %dma_wait3A_2177 = arith.constant 16 : i32
      %dma_wait3A_2178 = arith.constant 0 : i32
      %dma_wait3A_2179 = tpu.memref_slice %arg6[%dma_wait3A_2177, %dma_wait3A_2178] : memref<32x1000001xf32, #tpu.memory_space<hbm>> -> memref<8x128xf32, #tpu.memory_space<hbm>>
      tpu.wait_dma2 semaphore(%arg32 : memref<!tpu.dma_semaphore, #tpu.memory_space<semaphore_mem>>) src(%dma_wait3A_2179 : memref<8x128xf32, #tpu.memory_space<hbm>>) dst(%dma_wait3A_2176 : memref<8x128xf32, #tpu.memory_space<vmem>>)
      %dma_wait3A_2180 = arith.constant 24 : i32
      %dma_wait3A_2181 = arith.constant 0 : i32
      %dma_wait3A_2182 = tpu.memref_slice %arg23[%dma_wait3A_2180, %dma_wait3A_2181] : memref<32x128xf32, #tpu.memory_space<vmem>> -> memref<8x128xf32, #tpu.memory_space<vmem>>
      %dma_wait3A_2183 = arith.constant 24 : i32
      %dma_wait3A_2184 = arith.constant 0 : i32
      %dma_wait3A_2185 = tpu.memref_slice %arg6[%dma_wait3A_2183, %dma_wait3A_2184] : memref<32x1000001xf32, #tpu.memory_space<hbm>> -> memref<8x128xf32, #tpu.memory_space<hbm>>
      %dma_wait3A_2186 = arith.constant 24 : i32
      %dma_wait3A_2187 = arith.constant 0 : i32
      %dma_wait3A_2188 = tpu.memref_slice %arg23[%dma_wait3A_2186, %dma_wait3A_2187] : memref<32x128xf32, #tpu.memory_space<vmem>> -> memref<8x128xf32, #tpu.memory_space<vmem>>
      %dma_wait3A_2189 = arith.constant 24 : i32
      %dma_wait3A_2190 = arith.constant 0 : i32
      %dma_wait3A_2191 = tpu.memref_slice %arg6[%dma_wait3A_2189, %dma_wait3A_2190] : memref<32x1000001xf32, #tpu.memory_space<hbm>> -> memref<8x128xf32, #tpu.memory_space<hbm>>
      tpu.wait_dma2 semaphore(%arg32 : memref<!tpu.dma_semaphore, #tpu.memory_space<semaphore_mem>>) src(%dma_wait3A_2191 : memref<8x128xf32, #tpu.memory_space<hbm>>) dst(%dma_wait3A_2188 : memref<8x128xf32, #tpu.memory_space<vmem>>)
      %slice3A_2192 = vector.extract_strided_slice %get3A_556 {offsets = [13], sizes = [1], strides = [1]} : vector<16xi32> to vector<1xi32>
      %squeeze3A_2193 = vector.extract %slice3A_2192[0] : i32 from vector<1xi32>
      %jit3A_2194 = arith.constant 128 : i32
      %eq3A_2195 = arith.constant 0 : i32
      %eq3A_2196 = arith.cmpi eq, %jit3A_2194, %eq3A_2195 : i32
      %jit3A_2197 = arith.constant 1 : i32
      %select_n3A_2198 = arith.select %eq3A_2196, %jit3A_2197, %jit3A_2194 : i32
      %rem3A_2199 = arith.remsi %squeeze3A_2193, %select_n3A_2198 : i32
      %ne3A_2200 = arith.constant 0 : i32
      %ne3A_2201 = arith.cmpi ne, %rem3A_2199, %ne3A_2200 : i32
      %lt3A_2202 = arith.constant 0 : i32
      %lt3A_2203 = arith.cmpi slt, %rem3A_2199, %lt3A_2202 : i32
      %lt3A_2204 = arith.constant 0 : i32
      %lt3A_2205 = arith.cmpi slt, %select_n3A_2198, %lt3A_2204 : i32
      %ne3A_2206 = arith.xori %lt3A_2203, %lt3A_2205 : i1
      %and3A_2207 = arith.andi %ne3A_2206, %ne3A_2201 : i1
      %add3A_2208 = arith.addi %rem3A_2199, %select_n3A_2198 : i32
      %select_n3A_2209 = arith.select %and3A_2207, %add3A_2208, %rem3A_2199 : i32
      %broadcast_in_dim3A_2210 = vector.broadcast %select_n3A_2209 : i32 to vector<16xi32>
      %gather3A_2211 = tpu.vector_load_idx %arg23[%iota3A, %broadcast_in_dim3A_2210] : memref<32x128xf32, #tpu.memory_space<vmem>>[vector<16xi32>, vector<16xi32>], vector<16xf32>,
      %gather3A_2212 = tpu.vector_load_idx %arg23[%add3A_5, %broadcast_in_dim3A_2210] : memref<32x128xf32, #tpu.memory_space<vmem>>[vector<16xi32>, vector<16xi32>], vector<16xf32>,
      %swap3A_2213 = arith.index_cast %add3A_2143 : i32 to index
      %swap3A_2214 = arith.constant 0 : index
      %swap3A_2215 = tpu.vector_load %arg26[%swap3A_2213, %swap3A_2214] {strides = array<i32>} : memref<512x128xf32, #tpu.memory_space<vmem>>, vector<16xf32>,
      tpu.vector_store %arg26[%swap3A_2213, %swap3A_2214], %gather3A_2211 {strides = array<i32>} : memref<512x128xf32, #tpu.memory_space<vmem>>, vector<16xf32>,
      %swap3A_2216 = arith.index_cast %add3A_2143 : i32 to index
      %swap3A_2217 = arith.constant 16 : index
      %swap3A_2218 = tpu.vector_load %arg26[%swap3A_2216, %swap3A_2217] {strides = array<i32>} : memref<512x128xf32, #tpu.memory_space<vmem>>, vector<16xf32>,
      tpu.vector_store %arg26[%swap3A_2216, %swap3A_2217], %gather3A_2212 {strides = array<i32>} : memref<512x128xf32, #tpu.memory_space<vmem>>, vector<16xf32>,
      %slice3A_2219 = vector.extract_strided_slice %get3A_566 {offsets = [13], sizes = [1], strides = [1]} : vector<16xi32> to vector<1xi32>
      %squeeze3A_2220 = vector.extract %slice3A_2219[0] : i32 from vector<1xi32>
      %broadcast_in_dim3A_2221 = vector.broadcast %squeeze3A_2220 : i32 to vector<16xi32>
      %gather3A_2222 = tpu.vector_load_idx %arg15[%iota3A, %broadcast_in_dim3A_2221] : memref<32x128xf32, #tpu.memory_space<vmem>>[vector<16xi32>, vector<16xi32>], vector<16xf32>,
      %gather3A_2223 = tpu.vector_load_idx %arg15[%add3A_5, %broadcast_in_dim3A_2221] : memref<32x128xf32, #tpu.memory_space<vmem>>[vector<16xi32>, vector<16xi32>], vector<16xf32>,
      %swap3A_2224 = arith.index_cast %add3A_2143 : i32 to index
      %swap3A_2225 = arith.constant 32 : index
      %swap3A_2226 = tpu.vector_load %arg26[%swap3A_2224, %swap3A_2225] {strides = array<i32>} : memref<512x128xf32, #tpu.memory_space<vmem>>, vector<16xf32>,
      tpu.vector_store %arg26[%swap3A_2224, %swap3A_2225], %gather3A_2222 {strides = array<i32>} : memref<512x128xf32, #tpu.memory_space<vmem>>, vector<16xf32>,
      %swap3A_2227 = arith.index_cast %add3A_2143 : i32 to index
      %swap3A_2228 = arith.constant 48 : index
      %swap3A_2229 = tpu.vector_load %arg26[%swap3A_2227, %swap3A_2228] {strides = array<i32>} : memref<512x128xf32, #tpu.memory_space<vmem>>, vector<16xf32>,
      tpu.vector_store %arg26[%swap3A_2227, %swap3A_2228], %gather3A_2223 {strides = array<i32>} : memref<512x128xf32, #tpu.memory_space<vmem>>, vector<16xf32>,
      %slice3A_2230 = vector.extract_strided_slice %get3A_570 {offsets = [13], sizes = [1], strides = [1]} : vector<16xi32> to vector<1xi32>
      %squeeze3A_2231 = vector.extract %slice3A_2230[0] : i32 from vector<1xi32>
      %broadcast_in_dim3A_2232 = vector.broadcast %squeeze3A_2231 : i32 to vector<16xi32>
      %gather3A_2233 = tpu.vector_load_idx %arg16[%iota3A, %broadcast_in_dim3A_2232] : memref<32x128xf32, #tpu.memory_space<vmem>>[vector<16xi32>, vector<16xi32>], vector<16xf32>,
      %gather3A_2234 = tpu.vector_load_idx %arg16[%add3A_5, %broadcast_in_dim3A_2232] : memref<32x128xf32, #tpu.memory_space<vmem>>[vector<16xi32>, vector<16xi32>], vector<16xf32>,
      %swap3A_2235 = arith.index_cast %add3A_2143 : i32 to index
      %swap3A_2236 = arith.constant 64 : index
      %swap3A_2237 = tpu.vector_load %arg26[%swap3A_2235, %swap3A_2236] {strides = array<i32>} : memref<512x128xf32, #tpu.memory_space<vmem>>, vector<16xf32>,
      tpu.vector_store %arg26[%swap3A_2235, %swap3A_2236], %gather3A_2233 {strides = array<i32>} : memref<512x128xf32, #tpu.memory_space<vmem>>, vector<16xf32>,
      %swap3A_2238 = arith.index_cast %add3A_2143 : i32 to index
      %swap3A_2239 = arith.constant 80 : index
      %swap3A_2240 = tpu.vector_load %arg26[%swap3A_2238, %swap3A_2239] {strides = array<i32>} : memref<512x128xf32, #tpu.memory_space<vmem>>, vector<16xf32>,
      tpu.vector_store %arg26[%swap3A_2238, %swap3A_2239], %gather3A_2234 {strides = array<i32>} : memref<512x128xf32, #tpu.memory_space<vmem>>, vector<16xf32>,
      %slice3A_2241 = vector.extract_strided_slice %get3A_574 {offsets = [13], sizes = [1], strides = [1]} : vector<16xi32> to vector<1xi32>
      %squeeze3A_2242 = vector.extract %slice3A_2241[0] : i32 from vector<1xi32>
      %broadcast_in_dim3A_2243 = vector.broadcast %squeeze3A_2242 : i32 to vector<16xi32>
      %gather3A_2244 = tpu.vector_load_idx %arg17[%iota3A, %broadcast_in_dim3A_2243] : memref<32x128xf32, #tpu.memory_space<vmem>>[vector<16xi32>, vector<16xi32>], vector<16xf32>,
      %gather3A_2245 = tpu.vector_load_idx %arg17[%add3A_5, %broadcast_in_dim3A_2243] : memref<32x128xf32, #tpu.memory_space<vmem>>[vector<16xi32>, vector<16xi32>], vector<16xf32>,
      %swap3A_2246 = arith.index_cast %add3A_2143 : i32 to index
      %swap3A_2247 = arith.constant 96 : index
      %swap3A_2248 = tpu.vector_load %arg26[%swap3A_2246, %swap3A_2247] {strides = array<i32>} : memref<512x128xf32, #tpu.memory_space<vmem>>, vector<16xf32>,
      tpu.vector_store %arg26[%swap3A_2246, %swap3A_2247], %gather3A_2244 {strides = array<i32>} : memref<512x128xf32, #tpu.memory_space<vmem>>, vector<16xf32>,
      %swap3A_2249 = arith.index_cast %add3A_2143 : i32 to index
      %swap3A_2250 = arith.constant 112 : index
      %swap3A_2251 = tpu.vector_load %arg26[%swap3A_2249, %swap3A_2250] {strides = array<i32>} : memref<512x128xf32, #tpu.memory_space<vmem>>, vector<16xf32>,
      tpu.vector_store %arg26[%swap3A_2249, %swap3A_2250], %gather3A_2245 {strides = array<i32>} : memref<512x128xf32, #tpu.memory_space<vmem>>, vector<16xf32>,
      %slice3A_2252 = vector.extract_strided_slice %get3A_562 {offsets = [5], sizes = [1], strides = [1]} : vector<16xi32> to vector<1xi32>
      %squeeze3A_2253 = vector.extract %slice3A_2252[0] : i32 from vector<1xi32>
      %add3A_2254 = arith.constant 8 : i32
      %add3A_2255 = arith.addi %add3A_2143, %add3A_2254 : i32
      %lt3A_2256 = arith.constant 512 : i32
      %lt3A_2257 = arith.cmpi slt, %add3A_2255, %lt3A_2256 : i32
      %convert_element_type3A_2258 = arith.extui %lt3A_2257 : i1 to i32
      %cond3A_2259 = arith.constant 0 : i32
      %cond3A_2260 = arith.cmpi ne, %convert_element_type3A_2258, %cond3A_2259 : i32
      scf.if %cond3A_2260 {
        %jit3A_2503 = arith.constant 128 : i32
        %div3A_2504 = arith.divsi %squeeze3A_2253, %jit3A_2503 : i32
        %sign3A_2505 = arith.constant 0 : i32
        %sign3A_2506 = arith.cmpi sgt, %squeeze3A_2253, %sign3A_2505 : i32
        %sign3A_2507 = arith.extui %sign3A_2506 : i1 to i32
        %sign3A_2508 = arith.constant 0 : i32
        %sign3A_2509 = arith.cmpi slt, %squeeze3A_2253, %sign3A_2508 : i32
        %sign3A_2510 = arith.extui %sign3A_2509 : i1 to i32
        %sign3A_2511 = arith.subi %sign3A_2507, %sign3A_2510 : i32
        %sign3A_2512 = arith.constant 0 : i32
        %sign3A_2513 = arith.cmpi sgt, %jit3A_2503, %sign3A_2512 : i32
        %sign3A_2514 = arith.extui %sign3A_2513 : i1 to i32
        %sign3A_2515 = arith.constant 0 : i32
        %sign3A_2516 = arith.cmpi slt, %jit3A_2503, %sign3A_2515 : i32
        %sign3A_2517 = arith.extui %sign3A_2516 : i1 to i32
        %sign3A_2518 = arith.subi %sign3A_2514, %sign3A_2517 : i32
        %ne3A_2519 = arith.cmpi ne, %sign3A_2511, %sign3A_2518 : i32
        %rem3A_2520 = arith.remsi %squeeze3A_2253, %jit3A_2503 : i32
        %ne3A_2521 = arith.constant 0 : i32
        %ne3A_2522 = arith.cmpi ne, %rem3A_2520, %ne3A_2521 : i32
        %and3A_2523 = arith.andi %ne3A_2519, %ne3A_2522 : i1
        %sub3A_2524 = arith.constant 1 : i32
        %sub3A_2525 = arith.subi %div3A_2504, %sub3A_2524 : i32
        %select_n3A_2526 = arith.select %and3A_2523, %sub3A_2525, %div3A_2504 : i32
        %mul3A_2527 = arith.constant 128 : i32
        %mul3A_2528 = arith.muli %select_n3A_2526, %mul3A_2527 : i32
        %multiple_of3A_2529 = tpu.assume_multiple %mul3A_2528, 128 : i32
        %dma_start3A_2530 = arith.constant 0 : i32
        %dma_start3A_2531 = arith.constant 0 : i32
        %dma_start3A_2532 = tpu.memref_slice %arg23[%dma_start3A_2530, %dma_start3A_2531] : memref<32x128xf32, #tpu.memory_space<vmem>> -> memref<8x128xf32, #tpu.memory_space<vmem>>
        %dma_start3A_2533 = arith.constant 0 : i32
        %dma_start3A_2534 = tpu.memref_slice %arg6[%dma_start3A_2533, %multiple_of3A_2529] : memref<32x1000001xf32, #tpu.memory_space<hbm>> -> memref<8x128xf32, #tpu.memory_space<hbm>>
        %dma_start3A_2535 = arith.constant 0 : i32
        %dma_start3A_2536 = arith.constant 0 : i32
        %dma_start3A_2537 = tpu.memref_slice %arg23[%dma_start3A_2535, %dma_start3A_2536] : memref<32x128xf32, #tpu.memory_space<vmem>> -> memref<8x128xf32, #tpu.memory_space<vmem>>
        %dma_start3A_2538 = arith.constant 0 : i32
        %dma_start3A_2539 = tpu.memref_slice %arg6[%dma_start3A_2538, %multiple_of3A_2529] : memref<32x1000001xf32, #tpu.memory_space<hbm>> -> memref<8x128xf32, #tpu.memory_space<hbm>>
        tpu.enqueue_dma source(%dma_start3A_2539 : memref<8x128xf32, #tpu.memory_space<hbm>>) target(%dma_start3A_2537 : memref<8x128xf32, #tpu.memory_space<vmem>>) target_semaphore(%arg32 : memref<!tpu.dma_semaphore, #tpu.memory_space<semaphore_mem>>)
        %dma_start3A_2540 = arith.constant 8 : i32
        %dma_start3A_2541 = arith.constant 0 : i32
        %dma_start3A_2542 = tpu.memref_slice %arg23[%dma_start3A_2540, %dma_start3A_2541] : memref<32x128xf32, #tpu.memory_space<vmem>> -> memref<8x128xf32, #tpu.memory_space<vmem>>
        %dma_start3A_2543 = arith.constant 8 : i32
        %dma_start3A_2544 = tpu.memref_slice %arg6[%dma_start3A_2543, %multiple_of3A_2529] : memref<32x1000001xf32, #tpu.memory_space<hbm>> -> memref<8x128xf32, #tpu.memory_space<hbm>>
        %dma_start3A_2545 = arith.constant 8 : i32
        %dma_start3A_2546 = arith.constant 0 : i32
        %dma_start3A_2547 = tpu.memref_slice %arg23[%dma_start3A_2545, %dma_start3A_2546] : memref<32x128xf32, #tpu.memory_space<vmem>> -> memref<8x128xf32, #tpu.memory_space<vmem>>
        %dma_start3A_2548 = arith.constant 8 : i32
        %dma_start3A_2549 = tpu.memref_slice %arg6[%dma_start3A_2548, %multiple_of3A_2529] : memref<32x1000001xf32, #tpu.memory_space<hbm>> -> memref<8x128xf32, #tpu.memory_space<hbm>>
        tpu.enqueue_dma source(%dma_start3A_2549 : memref<8x128xf32, #tpu.memory_space<hbm>>) target(%dma_start3A_2547 : memref<8x128xf32, #tpu.memory_space<vmem>>) target_semaphore(%arg32 : memref<!tpu.dma_semaphore, #tpu.memory_space<semaphore_mem>>)
        %dma_start3A_2550 = arith.constant 16 : i32
        %dma_start3A_2551 = arith.constant 0 : i32
        %dma_start3A_2552 = tpu.memref_slice %arg23[%dma_start3A_2550, %dma_start3A_2551] : memref<32x128xf32, #tpu.memory_space<vmem>> -> memref<8x128xf32, #tpu.memory_space<vmem>>
        %dma_start3A_2553 = arith.constant 16 : i32
        %dma_start3A_2554 = tpu.memref_slice %arg6[%dma_start3A_2553, %multiple_of3A_2529] : memref<32x1000001xf32, #tpu.memory_space<hbm>> -> memref<8x128xf32, #tpu.memory_space<hbm>>
        %dma_start3A_2555 = arith.constant 16 : i32
        %dma_start3A_2556 = arith.constant 0 : i32
        %dma_start3A_2557 = tpu.memref_slice %arg23[%dma_start3A_2555, %dma_start3A_2556] : memref<32x128xf32, #tpu.memory_space<vmem>> -> memref<8x128xf32, #tpu.memory_space<vmem>>
        %dma_start3A_2558 = arith.constant 16 : i32
        %dma_start3A_2559 = tpu.memref_slice %arg6[%dma_start3A_2558, %multiple_of3A_2529] : memref<32x1000001xf32, #tpu.memory_space<hbm>> -> memref<8x128xf32, #tpu.memory_space<hbm>>
        tpu.enqueue_dma source(%dma_start3A_2559 : memref<8x128xf32, #tpu.memory_space<hbm>>) target(%dma_start3A_2557 : memref<8x128xf32, #tpu.memory_space<vmem>>) target_semaphore(%arg32 : memref<!tpu.dma_semaphore, #tpu.memory_space<semaphore_mem>>)
        %dma_start3A_2560 = arith.constant 24 : i32
        %dma_start3A_2561 = arith.constant 0 : i32
        %dma_start3A_2562 = tpu.memref_slice %arg23[%dma_start3A_2560, %dma_start3A_2561] : memref<32x128xf32, #tpu.memory_space<vmem>> -> memref<8x128xf32, #tpu.memory_space<vmem>>
        %dma_start3A_2563 = arith.constant 24 : i32
        %dma_start3A_2564 = tpu.memref_slice %arg6[%dma_start3A_2563, %multiple_of3A_2529] : memref<32x1000001xf32, #tpu.memory_space<hbm>> -> memref<8x128xf32, #tpu.memory_space<hbm>>
        %dma_start3A_2565 = arith.constant 24 : i32
        %dma_start3A_2566 = arith.constant 0 : i32
        %dma_start3A_2567 = tpu.memref_slice %arg23[%dma_start3A_2565, %dma_start3A_2566] : memref<32x128xf32, #tpu.memory_space<vmem>> -> memref<8x128xf32, #tpu.memory_space<vmem>>
        %dma_start3A_2568 = arith.constant 24 : i32
        %dma_start3A_2569 = tpu.memref_slice %arg6[%dma_start3A_2568, %multiple_of3A_2529] : memref<32x1000001xf32, #tpu.memory_space<hbm>> -> memref<8x128xf32, #tpu.memory_space<hbm>>
        tpu.enqueue_dma source(%dma_start3A_2569 : memref<8x128xf32, #tpu.memory_space<hbm>>) target(%dma_start3A_2567 : memref<8x128xf32, #tpu.memory_space<vmem>>) target_semaphore(%arg32 : memref<!tpu.dma_semaphore, #tpu.memory_space<semaphore_mem>>)
      } else {
      }
      %mul3A_2261 = arith.constant 16 : i32
      %mul3A_2262 = arith.muli %scan3A_552, %mul3A_2261 : i32
      %add3A_2263 = arith.constant 14 : i32
      %add3A_2264 = arith.addi %mul3A_2262, %add3A_2263 : i32
      %dma_wait3A_2265 = arith.constant 0 : i32
      %dma_wait3A_2266 = arith.constant 0 : i32
      %dma_wait3A_2267 = tpu.memref_slice %arg24[%dma_wait3A_2265, %dma_wait3A_2266] : memref<32x128xf32, #tpu.memory_space<vmem>> -> memref<8x128xf32, #tpu.memory_space<vmem>>
      %dma_wait3A_2268 = arith.constant 0 : i32
      %dma_wait3A_2269 = arith.constant 0 : i32
      %dma_wait3A_2270 = tpu.memref_slice %arg6[%dma_wait3A_2268, %dma_wait3A_2269] : memref<32x1000001xf32, #tpu.memory_space<hbm>> -> memref<8x128xf32, #tpu.memory_space<hbm>>
      %dma_wait3A_2271 = arith.constant 0 : i32
      %dma_wait3A_2272 = arith.constant 0 : i32
      %dma_wait3A_2273 = tpu.memref_slice %arg24[%dma_wait3A_2271, %dma_wait3A_2272] : memref<32x128xf32, #tpu.memory_space<vmem>> -> memref<8x128xf32, #tpu.memory_space<vmem>>
      %dma_wait3A_2274 = arith.constant 0 : i32
      %dma_wait3A_2275 = arith.constant 0 : i32
      %dma_wait3A_2276 = tpu.memref_slice %arg6[%dma_wait3A_2274, %dma_wait3A_2275] : memref<32x1000001xf32, #tpu.memory_space<hbm>> -> memref<8x128xf32, #tpu.memory_space<hbm>>
      tpu.wait_dma2 semaphore(%arg33 : memref<!tpu.dma_semaphore, #tpu.memory_space<semaphore_mem>>) src(%dma_wait3A_2276 : memref<8x128xf32, #tpu.memory_space<hbm>>) dst(%dma_wait3A_2273 : memref<8x128xf32, #tpu.memory_space<vmem>>)
      %dma_wait3A_2277 = arith.constant 8 : i32
      %dma_wait3A_2278 = arith.constant 0 : i32
      %dma_wait3A_2279 = tpu.memref_slice %arg24[%dma_wait3A_2277, %dma_wait3A_2278] : memref<32x128xf32, #tpu.memory_space<vmem>> -> memref<8x128xf32, #tpu.memory_space<vmem>>
      %dma_wait3A_2280 = arith.constant 8 : i32
      %dma_wait3A_2281 = arith.constant 0 : i32
      %dma_wait3A_2282 = tpu.memref_slice %arg6[%dma_wait3A_2280, %dma_wait3A_2281] : memref<32x1000001xf32, #tpu.memory_space<hbm>> -> memref<8x128xf32, #tpu.memory_space<hbm>>
      %dma_wait3A_2283 = arith.constant 8 : i32
      %dma_wait3A_2284 = arith.constant 0 : i32
      %dma_wait3A_2285 = tpu.memref_slice %arg24[%dma_wait3A_2283, %dma_wait3A_2284] : memref<32x128xf32, #tpu.memory_space<vmem>> -> memref<8x128xf32, #tpu.memory_space<vmem>>
      %dma_wait3A_2286 = arith.constant 8 : i32
      %dma_wait3A_2287 = arith.constant 0 : i32
      %dma_wait3A_2288 = tpu.memref_slice %arg6[%dma_wait3A_2286, %dma_wait3A_2287] : memref<32x1000001xf32, #tpu.memory_space<hbm>> -> memref<8x128xf32, #tpu.memory_space<hbm>>
      tpu.wait_dma2 semaphore(%arg33 : memref<!tpu.dma_semaphore, #tpu.memory_space<semaphore_mem>>) src(%dma_wait3A_2288 : memref<8x128xf32, #tpu.memory_space<hbm>>) dst(%dma_wait3A_2285 : memref<8x128xf32, #tpu.memory_space<vmem>>)
      %dma_wait3A_2289 = arith.constant 16 : i32
      %dma_wait3A_2290 = arith.constant 0 : i32
      %dma_wait3A_2291 = tpu.memref_slice %arg24[%dma_wait3A_2289, %dma_wait3A_2290] : memref<32x128xf32, #tpu.memory_space<vmem>> -> memref<8x128xf32, #tpu.memory_space<vmem>>
      %dma_wait3A_2292 = arith.constant 16 : i32
      %dma_wait3A_2293 = arith.constant 0 : i32
      %dma_wait3A_2294 = tpu.memref_slice %arg6[%dma_wait3A_2292, %dma_wait3A_2293] : memref<32x1000001xf32, #tpu.memory_space<hbm>> -> memref<8x128xf32, #tpu.memory_space<hbm>>
      %dma_wait3A_2295 = arith.constant 16 : i32
      %dma_wait3A_2296 = arith.constant 0 : i32
      %dma_wait3A_2297 = tpu.memref_slice %arg24[%dma_wait3A_2295, %dma_wait3A_2296] : memref<32x128xf32, #tpu.memory_space<vmem>> -> memref<8x128xf32, #tpu.memory_space<vmem>>
      %dma_wait3A_2298 = arith.constant 16 : i32
      %dma_wait3A_2299 = arith.constant 0 : i32
      %dma_wait3A_2300 = tpu.memref_slice %arg6[%dma_wait3A_2298, %dma_wait3A_2299] : memref<32x1000001xf32, #tpu.memory_space<hbm>> -> memref<8x128xf32, #tpu.memory_space<hbm>>
      tpu.wait_dma2 semaphore(%arg33 : memref<!tpu.dma_semaphore, #tpu.memory_space<semaphore_mem>>) src(%dma_wait3A_2300 : memref<8x128xf32, #tpu.memory_space<hbm>>) dst(%dma_wait3A_2297 : memref<8x128xf32, #tpu.memory_space<vmem>>)
      %dma_wait3A_2301 = arith.constant 24 : i32
      %dma_wait3A_2302 = arith.constant 0 : i32
      %dma_wait3A_2303 = tpu.memref_slice %arg24[%dma_wait3A_2301, %dma_wait3A_2302] : memref<32x128xf32, #tpu.memory_space<vmem>> -> memref<8x128xf32, #tpu.memory_space<vmem>>
      %dma_wait3A_2304 = arith.constant 24 : i32
      %dma_wait3A_2305 = arith.constant 0 : i32
      %dma_wait3A_2306 = tpu.memref_slice %arg6[%dma_wait3A_2304, %dma_wait3A_2305] : memref<32x1000001xf32, #tpu.memory_space<hbm>> -> memref<8x128xf32, #tpu.memory_space<hbm>>
      %dma_wait3A_2307 = arith.constant 24 : i32
      %dma_wait3A_2308 = arith.constant 0 : i32
      %dma_wait3A_2309 = tpu.memref_slice %arg24[%dma_wait3A_2307, %dma_wait3A_2308] : memref<32x128xf32, #tpu.memory_space<vmem>> -> memref<8x128xf32, #tpu.memory_space<vmem>>
      %dma_wait3A_2310 = arith.constant 24 : i32
      %dma_wait3A_2311 = arith.constant 0 : i32
      %dma_wait3A_2312 = tpu.memref_slice %arg6[%dma_wait3A_2310, %dma_wait3A_2311] : memref<32x1000001xf32, #tpu.memory_space<hbm>> -> memref<8x128xf32, #tpu.memory_space<hbm>>
      tpu.wait_dma2 semaphore(%arg33 : memref<!tpu.dma_semaphore, #tpu.memory_space<semaphore_mem>>) src(%dma_wait3A_2312 : memref<8x128xf32, #tpu.memory_space<hbm>>) dst(%dma_wait3A_2309 : memref<8x128xf32, #tpu.memory_space<vmem>>)
      %slice3A_2313 = vector.extract_strided_slice %get3A_556 {offsets = [14], sizes = [1], strides = [1]} : vector<16xi32> to vector<1xi32>
      %squeeze3A_2314 = vector.extract %slice3A_2313[0] : i32 from vector<1xi32>
      %jit3A_2315 = arith.constant 128 : i32
      %eq3A_2316 = arith.constant 0 : i32
      %eq3A_2317 = arith.cmpi eq, %jit3A_2315, %eq3A_2316 : i32
      %jit3A_2318 = arith.constant 1 : i32
      %select_n3A_2319 = arith.select %eq3A_2317, %jit3A_2318, %jit3A_2315 : i32
      %rem3A_2320 = arith.remsi %squeeze3A_2314, %select_n3A_2319 : i32
      %ne3A_2321 = arith.constant 0 : i32
      %ne3A_2322 = arith.cmpi ne, %rem3A_2320, %ne3A_2321 : i32
      %lt3A_2323 = arith.constant 0 : i32
      %lt3A_2324 = arith.cmpi slt, %rem3A_2320, %lt3A_2323 : i32
      %lt3A_2325 = arith.constant 0 : i32
      %lt3A_2326 = arith.cmpi slt, %select_n3A_2319, %lt3A_2325 : i32
      %ne3A_2327 = arith.xori %lt3A_2324, %lt3A_2326 : i1
      %and3A_2328 = arith.andi %ne3A_2327, %ne3A_2322 : i1
      %add3A_2329 = arith.addi %rem3A_2320, %select_n3A_2319 : i32
      %select_n3A_2330 = arith.select %and3A_2328, %add3A_2329, %rem3A_2320 : i32
      %broadcast_in_dim3A_2331 = vector.broadcast %select_n3A_2330 : i32 to vector<16xi32>
      %gather3A_2332 = tpu.vector_load_idx %arg24[%iota3A, %broadcast_in_dim3A_2331] : memref<32x128xf32, #tpu.memory_space<vmem>>[vector<16xi32>, vector<16xi32>], vector<16xf32>,
      %gather3A_2333 = tpu.vector_load_idx %arg24[%add3A_5, %broadcast_in_dim3A_2331] : memref<32x128xf32, #tpu.memory_space<vmem>>[vector<16xi32>, vector<16xi32>], vector<16xf32>,
      %swap3A_2334 = arith.index_cast %add3A_2264 : i32 to index
      %swap3A_2335 = arith.constant 0 : index
      %swap3A_2336 = tpu.vector_load %arg26[%swap3A_2334, %swap3A_2335] {strides = array<i32>} : memref<512x128xf32, #tpu.memory_space<vmem>>, vector<16xf32>,
      tpu.vector_store %arg26[%swap3A_2334, %swap3A_2335], %gather3A_2332 {strides = array<i32>} : memref<512x128xf32, #tpu.memory_space<vmem>>, vector<16xf32>,
      %swap3A_2337 = arith.index_cast %add3A_2264 : i32 to index
      %swap3A_2338 = arith.constant 16 : index
      %swap3A_2339 = tpu.vector_load %arg26[%swap3A_2337, %swap3A_2338] {strides = array<i32>} : memref<512x128xf32, #tpu.memory_space<vmem>>, vector<16xf32>,
      tpu.vector_store %arg26[%swap3A_2337, %swap3A_2338], %gather3A_2333 {strides = array<i32>} : memref<512x128xf32, #tpu.memory_space<vmem>>, vector<16xf32>,
      %slice3A_2340 = vector.extract_strided_slice %get3A_566 {offsets = [14], sizes = [1], strides = [1]} : vector<16xi32> to vector<1xi32>
      %squeeze3A_2341 = vector.extract %slice3A_2340[0] : i32 from vector<1xi32>
      %broadcast_in_dim3A_2342 = vector.broadcast %squeeze3A_2341 : i32 to vector<16xi32>
      %gather3A_2343 = tpu.vector_load_idx %arg15[%iota3A, %broadcast_in_dim3A_2342] : memref<32x128xf32, #tpu.memory_space<vmem>>[vector<16xi32>, vector<16xi32>], vector<16xf32>,
      %gather3A_2344 = tpu.vector_load_idx %arg15[%add3A_5, %broadcast_in_dim3A_2342] : memref<32x128xf32, #tpu.memory_space<vmem>>[vector<16xi32>, vector<16xi32>], vector<16xf32>,
      %swap3A_2345 = arith.index_cast %add3A_2264 : i32 to index
      %swap3A_2346 = arith.constant 32 : index
      %swap3A_2347 = tpu.vector_load %arg26[%swap3A_2345, %swap3A_2346] {strides = array<i32>} : memref<512x128xf32, #tpu.memory_space<vmem>>, vector<16xf32>,
      tpu.vector_store %arg26[%swap3A_2345, %swap3A_2346], %gather3A_2343 {strides = array<i32>} : memref<512x128xf32, #tpu.memory_space<vmem>>, vector<16xf32>,
      %swap3A_2348 = arith.index_cast %add3A_2264 : i32 to index
      %swap3A_2349 = arith.constant 48 : index
      %swap3A_2350 = tpu.vector_load %arg26[%swap3A_2348, %swap3A_2349] {strides = array<i32>} : memref<512x128xf32, #tpu.memory_space<vmem>>, vector<16xf32>,
      tpu.vector_store %arg26[%swap3A_2348, %swap3A_2349], %gather3A_2344 {strides = array<i32>} : memref<512x128xf32, #tpu.memory_space<vmem>>, vector<16xf32>,
      %slice3A_2351 = vector.extract_strided_slice %get3A_570 {offsets = [14], sizes = [1], strides = [1]} : vector<16xi32> to vector<1xi32>
      %squeeze3A_2352 = vector.extract %slice3A_2351[0] : i32 from vector<1xi32>
      %broadcast_in_dim3A_2353 = vector.broadcast %squeeze3A_2352 : i32 to vector<16xi32>
      %gather3A_2354 = tpu.vector_load_idx %arg16[%iota3A, %broadcast_in_dim3A_2353] : memref<32x128xf32, #tpu.memory_space<vmem>>[vector<16xi32>, vector<16xi32>], vector<16xf32>,
      %gather3A_2355 = tpu.vector_load_idx %arg16[%add3A_5, %broadcast_in_dim3A_2353] : memref<32x128xf32, #tpu.memory_space<vmem>>[vector<16xi32>, vector<16xi32>], vector<16xf32>,
      %swap3A_2356 = arith.index_cast %add3A_2264 : i32 to index
      %swap3A_2357 = arith.constant 64 : index
      %swap3A_2358 = tpu.vector_load %arg26[%swap3A_2356, %swap3A_2357] {strides = array<i32>} : memref<512x128xf32, #tpu.memory_space<vmem>>, vector<16xf32>,
      tpu.vector_store %arg26[%swap3A_2356, %swap3A_2357], %gather3A_2354 {strides = array<i32>} : memref<512x128xf32, #tpu.memory_space<vmem>>, vector<16xf32>,
      %swap3A_2359 = arith.index_cast %add3A_2264 : i32 to index
      %swap3A_2360 = arith.constant 80 : index
      %swap3A_2361 = tpu.vector_load %arg26[%swap3A_2359, %swap3A_2360] {strides = array<i32>} : memref<512x128xf32, #tpu.memory_space<vmem>>, vector<16xf32>,
      tpu.vector_store %arg26[%swap3A_2359, %swap3A_2360], %gather3A_2355 {strides = array<i32>} : memref<512x128xf32, #tpu.memory_space<vmem>>, vector<16xf32>,
      %slice3A_2362 = vector.extract_strided_slice %get3A_574 {offsets = [14], sizes = [1], strides = [1]} : vector<16xi32> to vector<1xi32>
      %squeeze3A_2363 = vector.extract %slice3A_2362[0] : i32 from vector<1xi32>
      %broadcast_in_dim3A_2364 = vector.broadcast %squeeze3A_2363 : i32 to vector<16xi32>
      %gather3A_2365 = tpu.vector_load_idx %arg17[%iota3A, %broadcast_in_dim3A_2364] : memref<32x128xf32, #tpu.memory_space<vmem>>[vector<16xi32>, vector<16xi32>], vector<16xf32>,
      %gather3A_2366 = tpu.vector_load_idx %arg17[%add3A_5, %broadcast_in_dim3A_2364] : memref<32x128xf32, #tpu.memory_space<vmem>>[vector<16xi32>, vector<16xi32>], vector<16xf32>,
      %swap3A_2367 = arith.index_cast %add3A_2264 : i32 to index
      %swap3A_2368 = arith.constant 96 : index
      %swap3A_2369 = tpu.vector_load %arg26[%swap3A_2367, %swap3A_2368] {strides = array<i32>} : memref<512x128xf32, #tpu.memory_space<vmem>>, vector<16xf32>,
      tpu.vector_store %arg26[%swap3A_2367, %swap3A_2368], %gather3A_2365 {strides = array<i32>} : memref<512x128xf32, #tpu.memory_space<vmem>>, vector<16xf32>,
      %swap3A_2370 = arith.index_cast %add3A_2264 : i32 to index
      %swap3A_2371 = arith.constant 112 : index
      %swap3A_2372 = tpu.vector_load %arg26[%swap3A_2370, %swap3A_2371] {strides = array<i32>} : memref<512x128xf32, #tpu.memory_space<vmem>>, vector<16xf32>,
      tpu.vector_store %arg26[%swap3A_2370, %swap3A_2371], %gather3A_2366 {strides = array<i32>} : memref<512x128xf32, #tpu.memory_space<vmem>>, vector<16xf32>,
      %slice3A_2373 = vector.extract_strided_slice %get3A_562 {offsets = [6], sizes = [1], strides = [1]} : vector<16xi32> to vector<1xi32>
      %squeeze3A_2374 = vector.extract %slice3A_2373[0] : i32 from vector<1xi32>
      %add3A_2375 = arith.constant 8 : i32
      %add3A_2376 = arith.addi %add3A_2264, %add3A_2375 : i32
      %lt3A_2377 = arith.constant 512 : i32
      %lt3A_2378 = arith.cmpi slt, %add3A_2376, %lt3A_2377 : i32
      %convert_element_type3A_2379 = arith.extui %lt3A_2378 : i1 to i32
      %cond3A_2380 = arith.constant 0 : i32
      %cond3A_2381 = arith.cmpi ne, %convert_element_type3A_2379, %cond3A_2380 : i32
      scf.if %cond3A_2381 {
        %jit3A_2503 = arith.constant 128 : i32
        %div3A_2504 = arith.divsi %squeeze3A_2374, %jit3A_2503 : i32
        %sign3A_2505 = arith.constant 0 : i32
        %sign3A_2506 = arith.cmpi sgt, %squeeze3A_2374, %sign3A_2505 : i32
        %sign3A_2507 = arith.extui %sign3A_2506 : i1 to i32
        %sign3A_2508 = arith.constant 0 : i32
        %sign3A_2509 = arith.cmpi slt, %squeeze3A_2374, %sign3A_2508 : i32
        %sign3A_2510 = arith.extui %sign3A_2509 : i1 to i32
        %sign3A_2511 = arith.subi %sign3A_2507, %sign3A_2510 : i32
        %sign3A_2512 = arith.constant 0 : i32
        %sign3A_2513 = arith.cmpi sgt, %jit3A_2503, %sign3A_2512 : i32
        %sign3A_2514 = arith.extui %sign3A_2513 : i1 to i32
        %sign3A_2515 = arith.constant 0 : i32
        %sign3A_2516 = arith.cmpi slt, %jit3A_2503, %sign3A_2515 : i32
        %sign3A_2517 = arith.extui %sign3A_2516 : i1 to i32
        %sign3A_2518 = arith.subi %sign3A_2514, %sign3A_2517 : i32
        %ne3A_2519 = arith.cmpi ne, %sign3A_2511, %sign3A_2518 : i32
        %rem3A_2520 = arith.remsi %squeeze3A_2374, %jit3A_2503 : i32
        %ne3A_2521 = arith.constant 0 : i32
        %ne3A_2522 = arith.cmpi ne, %rem3A_2520, %ne3A_2521 : i32
        %and3A_2523 = arith.andi %ne3A_2519, %ne3A_2522 : i1
        %sub3A_2524 = arith.constant 1 : i32
        %sub3A_2525 = arith.subi %div3A_2504, %sub3A_2524 : i32
        %select_n3A_2526 = arith.select %and3A_2523, %sub3A_2525, %div3A_2504 : i32
        %mul3A_2527 = arith.constant 128 : i32
        %mul3A_2528 = arith.muli %select_n3A_2526, %mul3A_2527 : i32
        %multiple_of3A_2529 = tpu.assume_multiple %mul3A_2528, 128 : i32
        %dma_start3A_2530 = arith.constant 0 : i32
        %dma_start3A_2531 = arith.constant 0 : i32
        %dma_start3A_2532 = tpu.memref_slice %arg24[%dma_start3A_2530, %dma_start3A_2531] : memref<32x128xf32, #tpu.memory_space<vmem>> -> memref<8x128xf32, #tpu.memory_space<vmem>>
        %dma_start3A_2533 = arith.constant 0 : i32
        %dma_start3A_2534 = tpu.memref_slice %arg6[%dma_start3A_2533, %multiple_of3A_2529] : memref<32x1000001xf32, #tpu.memory_space<hbm>> -> memref<8x128xf32, #tpu.memory_space<hbm>>
        %dma_start3A_2535 = arith.constant 0 : i32
        %dma_start3A_2536 = arith.constant 0 : i32
        %dma_start3A_2537 = tpu.memref_slice %arg24[%dma_start3A_2535, %dma_start3A_2536] : memref<32x128xf32, #tpu.memory_space<vmem>> -> memref<8x128xf32, #tpu.memory_space<vmem>>
        %dma_start3A_2538 = arith.constant 0 : i32
        %dma_start3A_2539 = tpu.memref_slice %arg6[%dma_start3A_2538, %multiple_of3A_2529] : memref<32x1000001xf32, #tpu.memory_space<hbm>> -> memref<8x128xf32, #tpu.memory_space<hbm>>
        tpu.enqueue_dma source(%dma_start3A_2539 : memref<8x128xf32, #tpu.memory_space<hbm>>) target(%dma_start3A_2537 : memref<8x128xf32, #tpu.memory_space<vmem>>) target_semaphore(%arg33 : memref<!tpu.dma_semaphore, #tpu.memory_space<semaphore_mem>>)
        %dma_start3A_2540 = arith.constant 8 : i32
        %dma_start3A_2541 = arith.constant 0 : i32
        %dma_start3A_2542 = tpu.memref_slice %arg24[%dma_start3A_2540, %dma_start3A_2541] : memref<32x128xf32, #tpu.memory_space<vmem>> -> memref<8x128xf32, #tpu.memory_space<vmem>>
        %dma_start3A_2543 = arith.constant 8 : i32
        %dma_start3A_2544 = tpu.memref_slice %arg6[%dma_start3A_2543, %multiple_of3A_2529] : memref<32x1000001xf32, #tpu.memory_space<hbm>> -> memref<8x128xf32, #tpu.memory_space<hbm>>
        %dma_start3A_2545 = arith.constant 8 : i32
        %dma_start3A_2546 = arith.constant 0 : i32
        %dma_start3A_2547 = tpu.memref_slice %arg24[%dma_start3A_2545, %dma_start3A_2546] : memref<32x128xf32, #tpu.memory_space<vmem>> -> memref<8x128xf32, #tpu.memory_space<vmem>>
        %dma_start3A_2548 = arith.constant 8 : i32
        %dma_start3A_2549 = tpu.memref_slice %arg6[%dma_start3A_2548, %multiple_of3A_2529] : memref<32x1000001xf32, #tpu.memory_space<hbm>> -> memref<8x128xf32, #tpu.memory_space<hbm>>
        tpu.enqueue_dma source(%dma_start3A_2549 : memref<8x128xf32, #tpu.memory_space<hbm>>) target(%dma_start3A_2547 : memref<8x128xf32, #tpu.memory_space<vmem>>) target_semaphore(%arg33 : memref<!tpu.dma_semaphore, #tpu.memory_space<semaphore_mem>>)
        %dma_start3A_2550 = arith.constant 16 : i32
        %dma_start3A_2551 = arith.constant 0 : i32
        %dma_start3A_2552 = tpu.memref_slice %arg24[%dma_start3A_2550, %dma_start3A_2551] : memref<32x128xf32, #tpu.memory_space<vmem>> -> memref<8x128xf32, #tpu.memory_space<vmem>>
        %dma_start3A_2553 = arith.constant 16 : i32
        %dma_start3A_2554 = tpu.memref_slice %arg6[%dma_start3A_2553, %multiple_of3A_2529] : memref<32x1000001xf32, #tpu.memory_space<hbm>> -> memref<8x128xf32, #tpu.memory_space<hbm>>
        %dma_start3A_2555 = arith.constant 16 : i32
        %dma_start3A_2556 = arith.constant 0 : i32
        %dma_start3A_2557 = tpu.memref_slice %arg24[%dma_start3A_2555, %dma_start3A_2556] : memref<32x128xf32, #tpu.memory_space<vmem>> -> memref<8x128xf32, #tpu.memory_space<vmem>>
        %dma_start3A_2558 = arith.constant 16 : i32
        %dma_start3A_2559 = tpu.memref_slice %arg6[%dma_start3A_2558, %multiple_of3A_2529] : memref<32x1000001xf32, #tpu.memory_space<hbm>> -> memref<8x128xf32, #tpu.memory_space<hbm>>
        tpu.enqueue_dma source(%dma_start3A_2559 : memref<8x128xf32, #tpu.memory_space<hbm>>) target(%dma_start3A_2557 : memref<8x128xf32, #tpu.memory_space<vmem>>) target_semaphore(%arg33 : memref<!tpu.dma_semaphore, #tpu.memory_space<semaphore_mem>>)
        %dma_start3A_2560 = arith.constant 24 : i32
        %dma_start3A_2561 = arith.constant 0 : i32
        %dma_start3A_2562 = tpu.memref_slice %arg24[%dma_start3A_2560, %dma_start3A_2561] : memref<32x128xf32, #tpu.memory_space<vmem>> -> memref<8x128xf32, #tpu.memory_space<vmem>>
        %dma_start3A_2563 = arith.constant 24 : i32
        %dma_start3A_2564 = tpu.memref_slice %arg6[%dma_start3A_2563, %multiple_of3A_2529] : memref<32x1000001xf32, #tpu.memory_space<hbm>> -> memref<8x128xf32, #tpu.memory_space<hbm>>
        %dma_start3A_2565 = arith.constant 24 : i32
        %dma_start3A_2566 = arith.constant 0 : i32
        %dma_start3A_2567 = tpu.memref_slice %arg24[%dma_start3A_2565, %dma_start3A_2566] : memref<32x128xf32, #tpu.memory_space<vmem>> -> memref<8x128xf32, #tpu.memory_space<vmem>>
        %dma_start3A_2568 = arith.constant 24 : i32
        %dma_start3A_2569 = tpu.memref_slice %arg6[%dma_start3A_2568, %multiple_of3A_2529] : memref<32x1000001xf32, #tpu.memory_space<hbm>> -> memref<8x128xf32, #tpu.memory_space<hbm>>
        tpu.enqueue_dma source(%dma_start3A_2569 : memref<8x128xf32, #tpu.memory_space<hbm>>) target(%dma_start3A_2567 : memref<8x128xf32, #tpu.memory_space<vmem>>) target_semaphore(%arg33 : memref<!tpu.dma_semaphore, #tpu.memory_space<semaphore_mem>>)
      } else {
      }
      %mul3A_2382 = arith.constant 16 : i32
      %mul3A_2383 = arith.muli %scan3A_552, %mul3A_2382 : i32
      %add3A_2384 = arith.constant 15 : i32
      %add3A_2385 = arith.addi %mul3A_2383, %add3A_2384 : i32
      %dma_wait3A_2386 = arith.constant 0 : i32
      %dma_wait3A_2387 = arith.constant 0 : i32
      %dma_wait3A_2388 = tpu.memref_slice %arg25[%dma_wait3A_2386, %dma_wait3A_2387] : memref<32x128xf32, #tpu.memory_space<vmem>> -> memref<8x128xf32, #tpu.memory_space<vmem>>
      %dma_wait3A_2389 = arith.constant 0 : i32
      %dma_wait3A_2390 = arith.constant 0 : i32
      %dma_wait3A_2391 = tpu.memref_slice %arg6[%dma_wait3A_2389, %dma_wait3A_2390] : memref<32x1000001xf32, #tpu.memory_space<hbm>> -> memref<8x128xf32, #tpu.memory_space<hbm>>
      %dma_wait3A_2392 = arith.constant 0 : i32
      %dma_wait3A_2393 = arith.constant 0 : i32
      %dma_wait3A_2394 = tpu.memref_slice %arg25[%dma_wait3A_2392, %dma_wait3A_2393] : memref<32x128xf32, #tpu.memory_space<vmem>> -> memref<8x128xf32, #tpu.memory_space<vmem>>
      %dma_wait3A_2395 = arith.constant 0 : i32
      %dma_wait3A_2396 = arith.constant 0 : i32
      %dma_wait3A_2397 = tpu.memref_slice %arg6[%dma_wait3A_2395, %dma_wait3A_2396] : memref<32x1000001xf32, #tpu.memory_space<hbm>> -> memref<8x128xf32, #tpu.memory_space<hbm>>
      tpu.wait_dma2 semaphore(%arg34 : memref<!tpu.dma_semaphore, #tpu.memory_space<semaphore_mem>>) src(%dma_wait3A_2397 : memref<8x128xf32, #tpu.memory_space<hbm>>) dst(%dma_wait3A_2394 : memref<8x128xf32, #tpu.memory_space<vmem>>)
      %dma_wait3A_2398 = arith.constant 8 : i32
      %dma_wait3A_2399 = arith.constant 0 : i32
      %dma_wait3A_2400 = tpu.memref_slice %arg25[%dma_wait3A_2398, %dma_wait3A_2399] : memref<32x128xf32, #tpu.memory_space<vmem>> -> memref<8x128xf32, #tpu.memory_space<vmem>>
      %dma_wait3A_2401 = arith.constant 8 : i32
      %dma_wait3A_2402 = arith.constant 0 : i32
      %dma_wait3A_2403 = tpu.memref_slice %arg6[%dma_wait3A_2401, %dma_wait3A_2402] : memref<32x1000001xf32, #tpu.memory_space<hbm>> -> memref<8x128xf32, #tpu.memory_space<hbm>>
      %dma_wait3A_2404 = arith.constant 8 : i32
      %dma_wait3A_2405 = arith.constant 0 : i32
      %dma_wait3A_2406 = tpu.memref_slice %arg25[%dma_wait3A_2404, %dma_wait3A_2405] : memref<32x128xf32, #tpu.memory_space<vmem>> -> memref<8x128xf32, #tpu.memory_space<vmem>>
      %dma_wait3A_2407 = arith.constant 8 : i32
      %dma_wait3A_2408 = arith.constant 0 : i32
      %dma_wait3A_2409 = tpu.memref_slice %arg6[%dma_wait3A_2407, %dma_wait3A_2408] : memref<32x1000001xf32, #tpu.memory_space<hbm>> -> memref<8x128xf32, #tpu.memory_space<hbm>>
      tpu.wait_dma2 semaphore(%arg34 : memref<!tpu.dma_semaphore, #tpu.memory_space<semaphore_mem>>) src(%dma_wait3A_2409 : memref<8x128xf32, #tpu.memory_space<hbm>>) dst(%dma_wait3A_2406 : memref<8x128xf32, #tpu.memory_space<vmem>>)
      %dma_wait3A_2410 = arith.constant 16 : i32
      %dma_wait3A_2411 = arith.constant 0 : i32
      %dma_wait3A_2412 = tpu.memref_slice %arg25[%dma_wait3A_2410, %dma_wait3A_2411] : memref<32x128xf32, #tpu.memory_space<vmem>> -> memref<8x128xf32, #tpu.memory_space<vmem>>
      %dma_wait3A_2413 = arith.constant 16 : i32
      %dma_wait3A_2414 = arith.constant 0 : i32
      %dma_wait3A_2415 = tpu.memref_slice %arg6[%dma_wait3A_2413, %dma_wait3A_2414] : memref<32x1000001xf32, #tpu.memory_space<hbm>> -> memref<8x128xf32, #tpu.memory_space<hbm>>
      %dma_wait3A_2416 = arith.constant 16 : i32
      %dma_wait3A_2417 = arith.constant 0 : i32
      %dma_wait3A_2418 = tpu.memref_slice %arg25[%dma_wait3A_2416, %dma_wait3A_2417] : memref<32x128xf32, #tpu.memory_space<vmem>> -> memref<8x128xf32, #tpu.memory_space<vmem>>
      %dma_wait3A_2419 = arith.constant 16 : i32
      %dma_wait3A_2420 = arith.constant 0 : i32
      %dma_wait3A_2421 = tpu.memref_slice %arg6[%dma_wait3A_2419, %dma_wait3A_2420] : memref<32x1000001xf32, #tpu.memory_space<hbm>> -> memref<8x128xf32, #tpu.memory_space<hbm>>
      tpu.wait_dma2 semaphore(%arg34 : memref<!tpu.dma_semaphore, #tpu.memory_space<semaphore_mem>>) src(%dma_wait3A_2421 : memref<8x128xf32, #tpu.memory_space<hbm>>) dst(%dma_wait3A_2418 : memref<8x128xf32, #tpu.memory_space<vmem>>)
      %dma_wait3A_2422 = arith.constant 24 : i32
      %dma_wait3A_2423 = arith.constant 0 : i32
      %dma_wait3A_2424 = tpu.memref_slice %arg25[%dma_wait3A_2422, %dma_wait3A_2423] : memref<32x128xf32, #tpu.memory_space<vmem>> -> memref<8x128xf32, #tpu.memory_space<vmem>>
      %dma_wait3A_2425 = arith.constant 24 : i32
      %dma_wait3A_2426 = arith.constant 0 : i32
      %dma_wait3A_2427 = tpu.memref_slice %arg6[%dma_wait3A_2425, %dma_wait3A_2426] : memref<32x1000001xf32, #tpu.memory_space<hbm>> -> memref<8x128xf32, #tpu.memory_space<hbm>>
      %dma_wait3A_2428 = arith.constant 24 : i32
      %dma_wait3A_2429 = arith.constant 0 : i32
      %dma_wait3A_2430 = tpu.memref_slice %arg25[%dma_wait3A_2428, %dma_wait3A_2429] : memref<32x128xf32, #tpu.memory_space<vmem>> -> memref<8x128xf32, #tpu.memory_space<vmem>>
      %dma_wait3A_2431 = arith.constant 24 : i32
      %dma_wait3A_2432 = arith.constant 0 : i32
      %dma_wait3A_2433 = tpu.memref_slice %arg6[%dma_wait3A_2431, %dma_wait3A_2432] : memref<32x1000001xf32, #tpu.memory_space<hbm>> -> memref<8x128xf32, #tpu.memory_space<hbm>>
      tpu.wait_dma2 semaphore(%arg34 : memref<!tpu.dma_semaphore, #tpu.memory_space<semaphore_mem>>) src(%dma_wait3A_2433 : memref<8x128xf32, #tpu.memory_space<hbm>>) dst(%dma_wait3A_2430 : memref<8x128xf32, #tpu.memory_space<vmem>>)
      %slice3A_2434 = vector.extract_strided_slice %get3A_556 {offsets = [15], sizes = [1], strides = [1]} : vector<16xi32> to vector<1xi32>
      %squeeze3A_2435 = vector.extract %slice3A_2434[0] : i32 from vector<1xi32>
      %jit3A_2436 = arith.constant 128 : i32
      %eq3A_2437 = arith.constant 0 : i32
      %eq3A_2438 = arith.cmpi eq, %jit3A_2436, %eq3A_2437 : i32
      %jit3A_2439 = arith.constant 1 : i32
      %select_n3A_2440 = arith.select %eq3A_2438, %jit3A_2439, %jit3A_2436 : i32
      %rem3A_2441 = arith.remsi %squeeze3A_2435, %select_n3A_2440 : i32
      %ne3A_2442 = arith.constant 0 : i32
      %ne3A_2443 = arith.cmpi ne, %rem3A_2441, %ne3A_2442 : i32
      %lt3A_2444 = arith.constant 0 : i32
      %lt3A_2445 = arith.cmpi slt, %rem3A_2441, %lt3A_2444 : i32
      %lt3A_2446 = arith.constant 0 : i32
      %lt3A_2447 = arith.cmpi slt, %select_n3A_2440, %lt3A_2446 : i32
      %ne3A_2448 = arith.xori %lt3A_2445, %lt3A_2447 : i1
      %and3A_2449 = arith.andi %ne3A_2448, %ne3A_2443 : i1
      %add3A_2450 = arith.addi %rem3A_2441, %select_n3A_2440 : i32
      %select_n3A_2451 = arith.select %and3A_2449, %add3A_2450, %rem3A_2441 : i32
      %broadcast_in_dim3A_2452 = vector.broadcast %select_n3A_2451 : i32 to vector<16xi32>
      %gather3A_2453 = tpu.vector_load_idx %arg25[%iota3A, %broadcast_in_dim3A_2452] : memref<32x128xf32, #tpu.memory_space<vmem>>[vector<16xi32>, vector<16xi32>], vector<16xf32>,
      %gather3A_2454 = tpu.vector_load_idx %arg25[%add3A_5, %broadcast_in_dim3A_2452] : memref<32x128xf32, #tpu.memory_space<vmem>>[vector<16xi32>, vector<16xi32>], vector<16xf32>,
      %swap3A_2455 = arith.index_cast %add3A_2385 : i32 to index
      %swap3A_2456 = arith.constant 0 : index
      %swap3A_2457 = tpu.vector_load %arg26[%swap3A_2455, %swap3A_2456] {strides = array<i32>} : memref<512x128xf32, #tpu.memory_space<vmem>>, vector<16xf32>,
      tpu.vector_store %arg26[%swap3A_2455, %swap3A_2456], %gather3A_2453 {strides = array<i32>} : memref<512x128xf32, #tpu.memory_space<vmem>>, vector<16xf32>,
      %swap3A_2458 = arith.index_cast %add3A_2385 : i32 to index
      %swap3A_2459 = arith.constant 16 : index
      %swap3A_2460 = tpu.vector_load %arg26[%swap3A_2458, %swap3A_2459] {strides = array<i32>} : memref<512x128xf32, #tpu.memory_space<vmem>>, vector<16xf32>,
      tpu.vector_store %arg26[%swap3A_2458, %swap3A_2459], %gather3A_2454 {strides = array<i32>} : memref<512x128xf32, #tpu.memory_space<vmem>>, vector<16xf32>,
      %slice3A_2461 = vector.extract_strided_slice %get3A_566 {offsets = [15], sizes = [1], strides = [1]} : vector<16xi32> to vector<1xi32>
      %squeeze3A_2462 = vector.extract %slice3A_2461[0] : i32 from vector<1xi32>
      %broadcast_in_dim3A_2463 = vector.broadcast %squeeze3A_2462 : i32 to vector<16xi32>
      %gather3A_2464 = tpu.vector_load_idx %arg15[%iota3A, %broadcast_in_dim3A_2463] : memref<32x128xf32, #tpu.memory_space<vmem>>[vector<16xi32>, vector<16xi32>], vector<16xf32>,
      %gather3A_2465 = tpu.vector_load_idx %arg15[%add3A_5, %broadcast_in_dim3A_2463] : memref<32x128xf32, #tpu.memory_space<vmem>>[vector<16xi32>, vector<16xi32>], vector<16xf32>,
      %swap3A_2466 = arith.index_cast %add3A_2385 : i32 to index
      %swap3A_2467 = arith.constant 32 : index
      %swap3A_2468 = tpu.vector_load %arg26[%swap3A_2466, %swap3A_2467] {strides = array<i32>} : memref<512x128xf32, #tpu.memory_space<vmem>>, vector<16xf32>,
      tpu.vector_store %arg26[%swap3A_2466, %swap3A_2467], %gather3A_2464 {strides = array<i32>} : memref<512x128xf32, #tpu.memory_space<vmem>>, vector<16xf32>,
      %swap3A_2469 = arith.index_cast %add3A_2385 : i32 to index
      %swap3A_2470 = arith.constant 48 : index
      %swap3A_2471 = tpu.vector_load %arg26[%swap3A_2469, %swap3A_2470] {strides = array<i32>} : memref<512x128xf32, #tpu.memory_space<vmem>>, vector<16xf32>,
      tpu.vector_store %arg26[%swap3A_2469, %swap3A_2470], %gather3A_2465 {strides = array<i32>} : memref<512x128xf32, #tpu.memory_space<vmem>>, vector<16xf32>,
      %slice3A_2472 = vector.extract_strided_slice %get3A_570 {offsets = [15], sizes = [1], strides = [1]} : vector<16xi32> to vector<1xi32>
      %squeeze3A_2473 = vector.extract %slice3A_2472[0] : i32 from vector<1xi32>
      %broadcast_in_dim3A_2474 = vector.broadcast %squeeze3A_2473 : i32 to vector<16xi32>
      %gather3A_2475 = tpu.vector_load_idx %arg16[%iota3A, %broadcast_in_dim3A_2474] : memref<32x128xf32, #tpu.memory_space<vmem>>[vector<16xi32>, vector<16xi32>], vector<16xf32>,
      %gather3A_2476 = tpu.vector_load_idx %arg16[%add3A_5, %broadcast_in_dim3A_2474] : memref<32x128xf32, #tpu.memory_space<vmem>>[vector<16xi32>, vector<16xi32>], vector<16xf32>,
      %swap3A_2477 = arith.index_cast %add3A_2385 : i32 to index
      %swap3A_2478 = arith.constant 64 : index
      %swap3A_2479 = tpu.vector_load %arg26[%swap3A_2477, %swap3A_2478] {strides = array<i32>} : memref<512x128xf32, #tpu.memory_space<vmem>>, vector<16xf32>,
      tpu.vector_store %arg26[%swap3A_2477, %swap3A_2478], %gather3A_2475 {strides = array<i32>} : memref<512x128xf32, #tpu.memory_space<vmem>>, vector<16xf32>,
      %swap3A_2480 = arith.index_cast %add3A_2385 : i32 to index
      %swap3A_2481 = arith.constant 80 : index
      %swap3A_2482 = tpu.vector_load %arg26[%swap3A_2480, %swap3A_2481] {strides = array<i32>} : memref<512x128xf32, #tpu.memory_space<vmem>>, vector<16xf32>,
      tpu.vector_store %arg26[%swap3A_2480, %swap3A_2481], %gather3A_2476 {strides = array<i32>} : memref<512x128xf32, #tpu.memory_space<vmem>>, vector<16xf32>,
      %slice3A_2483 = vector.extract_strided_slice %get3A_574 {offsets = [15], sizes = [1], strides = [1]} : vector<16xi32> to vector<1xi32>
      %squeeze3A_2484 = vector.extract %slice3A_2483[0] : i32 from vector<1xi32>
      %broadcast_in_dim3A_2485 = vector.broadcast %squeeze3A_2484 : i32 to vector<16xi32>
      %gather3A_2486 = tpu.vector_load_idx %arg17[%iota3A, %broadcast_in_dim3A_2485] : memref<32x128xf32, #tpu.memory_space<vmem>>[vector<16xi32>, vector<16xi32>], vector<16xf32>,
      %gather3A_2487 = tpu.vector_load_idx %arg17[%add3A_5, %broadcast_in_dim3A_2485] : memref<32x128xf32, #tpu.memory_space<vmem>>[vector<16xi32>, vector<16xi32>], vector<16xf32>,
      %swap3A_2488 = arith.index_cast %add3A_2385 : i32 to index
      %swap3A_2489 = arith.constant 96 : index
      %swap3A_2490 = tpu.vector_load %arg26[%swap3A_2488, %swap3A_2489] {strides = array<i32>} : memref<512x128xf32, #tpu.memory_space<vmem>>, vector<16xf32>,
      tpu.vector_store %arg26[%swap3A_2488, %swap3A_2489], %gather3A_2486 {strides = array<i32>} : memref<512x128xf32, #tpu.memory_space<vmem>>, vector<16xf32>,
      %swap3A_2491 = arith.index_cast %add3A_2385 : i32 to index
      %swap3A_2492 = arith.constant 112 : index
      %swap3A_2493 = tpu.vector_load %arg26[%swap3A_2491, %swap3A_2492] {strides = array<i32>} : memref<512x128xf32, #tpu.memory_space<vmem>>, vector<16xf32>,
      tpu.vector_store %arg26[%swap3A_2491, %swap3A_2492], %gather3A_2487 {strides = array<i32>} : memref<512x128xf32, #tpu.memory_space<vmem>>, vector<16xf32>,
      %slice3A_2494 = vector.extract_strided_slice %get3A_562 {offsets = [7], sizes = [1], strides = [1]} : vector<16xi32> to vector<1xi32>
      %squeeze3A_2495 = vector.extract %slice3A_2494[0] : i32 from vector<1xi32>
      %add3A_2496 = arith.constant 8 : i32
      %add3A_2497 = arith.addi %add3A_2385, %add3A_2496 : i32
      %lt3A_2498 = arith.constant 512 : i32
      %lt3A_2499 = arith.cmpi slt, %add3A_2497, %lt3A_2498 : i32
      %convert_element_type3A_2500 = arith.extui %lt3A_2499 : i1 to i32
      %cond3A_2501 = arith.constant 0 : i32
      %cond3A_2502 = arith.cmpi ne, %convert_element_type3A_2500, %cond3A_2501 : i32
      scf.if %cond3A_2502 {
        %jit3A_2503 = arith.constant 128 : i32
        %div3A_2504 = arith.divsi %squeeze3A_2495, %jit3A_2503 : i32
        %sign3A_2505 = arith.constant 0 : i32
        %sign3A_2506 = arith.cmpi sgt, %squeeze3A_2495, %sign3A_2505 : i32
        %sign3A_2507 = arith.extui %sign3A_2506 : i1 to i32
        %sign3A_2508 = arith.constant 0 : i32
        %sign3A_2509 = arith.cmpi slt, %squeeze3A_2495, %sign3A_2508 : i32
        %sign3A_2510 = arith.extui %sign3A_2509 : i1 to i32
        %sign3A_2511 = arith.subi %sign3A_2507, %sign3A_2510 : i32
        %sign3A_2512 = arith.constant 0 : i32
        %sign3A_2513 = arith.cmpi sgt, %jit3A_2503, %sign3A_2512 : i32
        %sign3A_2514 = arith.extui %sign3A_2513 : i1 to i32
        %sign3A_2515 = arith.constant 0 : i32
        %sign3A_2516 = arith.cmpi slt, %jit3A_2503, %sign3A_2515 : i32
        %sign3A_2517 = arith.extui %sign3A_2516 : i1 to i32
        %sign3A_2518 = arith.subi %sign3A_2514, %sign3A_2517 : i32
        %ne3A_2519 = arith.cmpi ne, %sign3A_2511, %sign3A_2518 : i32
        %rem3A_2520 = arith.remsi %squeeze3A_2495, %jit3A_2503 : i32
        %ne3A_2521 = arith.constant 0 : i32
        %ne3A_2522 = arith.cmpi ne, %rem3A_2520, %ne3A_2521 : i32
        %and3A_2523 = arith.andi %ne3A_2519, %ne3A_2522 : i1
        %sub3A_2524 = arith.constant 1 : i32
        %sub3A_2525 = arith.subi %div3A_2504, %sub3A_2524 : i32
        %select_n3A_2526 = arith.select %and3A_2523, %sub3A_2525, %div3A_2504 : i32
        %mul3A_2527 = arith.constant 128 : i32
        %mul3A_2528 = arith.muli %select_n3A_2526, %mul3A_2527 : i32
        %multiple_of3A_2529 = tpu.assume_multiple %mul3A_2528, 128 : i32
        %dma_start3A_2530 = arith.constant 0 : i32
        %dma_start3A_2531 = arith.constant 0 : i32
        %dma_start3A_2532 = tpu.memref_slice %arg25[%dma_start3A_2530, %dma_start3A_2531] : memref<32x128xf32, #tpu.memory_space<vmem>> -> memref<8x128xf32, #tpu.memory_space<vmem>>
        %dma_start3A_2533 = arith.constant 0 : i32
        %dma_start3A_2534 = tpu.memref_slice %arg6[%dma_start3A_2533, %multiple_of3A_2529] : memref<32x1000001xf32, #tpu.memory_space<hbm>> -> memref<8x128xf32, #tpu.memory_space<hbm>>
        %dma_start3A_2535 = arith.constant 0 : i32
        %dma_start3A_2536 = arith.constant 0 : i32
        %dma_start3A_2537 = tpu.memref_slice %arg25[%dma_start3A_2535, %dma_start3A_2536] : memref<32x128xf32, #tpu.memory_space<vmem>> -> memref<8x128xf32, #tpu.memory_space<vmem>>
        %dma_start3A_2538 = arith.constant 0 : i32
        %dma_start3A_2539 = tpu.memref_slice %arg6[%dma_start3A_2538, %multiple_of3A_2529] : memref<32x1000001xf32, #tpu.memory_space<hbm>> -> memref<8x128xf32, #tpu.memory_space<hbm>>
        tpu.enqueue_dma source(%dma_start3A_2539 : memref<8x128xf32, #tpu.memory_space<hbm>>) target(%dma_start3A_2537 : memref<8x128xf32, #tpu.memory_space<vmem>>) target_semaphore(%arg34 : memref<!tpu.dma_semaphore, #tpu.memory_space<semaphore_mem>>)
        %dma_start3A_2540 = arith.constant 8 : i32
        %dma_start3A_2541 = arith.constant 0 : i32
        %dma_start3A_2542 = tpu.memref_slice %arg25[%dma_start3A_2540, %dma_start3A_2541] : memref<32x128xf32, #tpu.memory_space<vmem>> -> memref<8x128xf32, #tpu.memory_space<vmem>>
        %dma_start3A_2543 = arith.constant 8 : i32
        %dma_start3A_2544 = tpu.memref_slice %arg6[%dma_start3A_2543, %multiple_of3A_2529] : memref<32x1000001xf32, #tpu.memory_space<hbm>> -> memref<8x128xf32, #tpu.memory_space<hbm>>
        %dma_start3A_2545 = arith.constant 8 : i32
        %dma_start3A_2546 = arith.constant 0 : i32
        %dma_start3A_2547 = tpu.memref_slice %arg25[%dma_start3A_2545, %dma_start3A_2546] : memref<32x128xf32, #tpu.memory_space<vmem>> -> memref<8x128xf32, #tpu.memory_space<vmem>>
        %dma_start3A_2548 = arith.constant 8 : i32
        %dma_start3A_2549 = tpu.memref_slice %arg6[%dma_start3A_2548, %multiple_of3A_2529] : memref<32x1000001xf32, #tpu.memory_space<hbm>> -> memref<8x128xf32, #tpu.memory_space<hbm>>
        tpu.enqueue_dma source(%dma_start3A_2549 : memref<8x128xf32, #tpu.memory_space<hbm>>) target(%dma_start3A_2547 : memref<8x128xf32, #tpu.memory_space<vmem>>) target_semaphore(%arg34 : memref<!tpu.dma_semaphore, #tpu.memory_space<semaphore_mem>>)
        %dma_start3A_2550 = arith.constant 16 : i32
        %dma_start3A_2551 = arith.constant 0 : i32
        %dma_start3A_2552 = tpu.memref_slice %arg25[%dma_start3A_2550, %dma_start3A_2551] : memref<32x128xf32, #tpu.memory_space<vmem>> -> memref<8x128xf32, #tpu.memory_space<vmem>>
        %dma_start3A_2553 = arith.constant 16 : i32
        %dma_start3A_2554 = tpu.memref_slice %arg6[%dma_start3A_2553, %multiple_of3A_2529] : memref<32x1000001xf32, #tpu.memory_space<hbm>> -> memref<8x128xf32, #tpu.memory_space<hbm>>
        %dma_start3A_2555 = arith.constant 16 : i32
        %dma_start3A_2556 = arith.constant 0 : i32
        %dma_start3A_2557 = tpu.memref_slice %arg25[%dma_start3A_2555, %dma_start3A_2556] : memref<32x128xf32, #tpu.memory_space<vmem>> -> memref<8x128xf32, #tpu.memory_space<vmem>>
        %dma_start3A_2558 = arith.constant 16 : i32
        %dma_start3A_2559 = tpu.memref_slice %arg6[%dma_start3A_2558, %multiple_of3A_2529] : memref<32x1000001xf32, #tpu.memory_space<hbm>> -> memref<8x128xf32, #tpu.memory_space<hbm>>
        tpu.enqueue_dma source(%dma_start3A_2559 : memref<8x128xf32, #tpu.memory_space<hbm>>) target(%dma_start3A_2557 : memref<8x128xf32, #tpu.memory_space<vmem>>) target_semaphore(%arg34 : memref<!tpu.dma_semaphore, #tpu.memory_space<semaphore_mem>>)
        %dma_start3A_2560 = arith.constant 24 : i32
        %dma_start3A_2561 = arith.constant 0 : i32
        %dma_start3A_2562 = tpu.memref_slice %arg25[%dma_start3A_2560, %dma_start3A_2561] : memref<32x128xf32, #tpu.memory_space<vmem>> -> memref<8x128xf32, #tpu.memory_space<vmem>>
        %dma_start3A_2563 = arith.constant 24 : i32
        %dma_start3A_2564 = tpu.memref_slice %arg6[%dma_start3A_2563, %multiple_of3A_2529] : memref<32x1000001xf32, #tpu.memory_space<hbm>> -> memref<8x128xf32, #tpu.memory_space<hbm>>
        %dma_start3A_2565 = arith.constant 24 : i32
        %dma_start3A_2566 = arith.constant 0 : i32
        %dma_start3A_2567 = tpu.memref_slice %arg25[%dma_start3A_2565, %dma_start3A_2566] : memref<32x128xf32, #tpu.memory_space<vmem>> -> memref<8x128xf32, #tpu.memory_space<vmem>>
        %dma_start3A_2568 = arith.constant 24 : i32
        %dma_start3A_2569 = tpu.memref_slice %arg6[%dma_start3A_2568, %multiple_of3A_2529] : memref<32x1000001xf32, #tpu.memory_space<hbm>> -> memref<8x128xf32, #tpu.memory_space<hbm>>
        tpu.enqueue_dma source(%dma_start3A_2569 : memref<8x128xf32, #tpu.memory_space<hbm>>) target(%dma_start3A_2567 : memref<8x128xf32, #tpu.memory_space<vmem>>) target_semaphore(%arg34 : memref<!tpu.dma_semaphore, #tpu.memory_space<semaphore_mem>>)
      } else {
      }
    }
    %scan3A_551 = arith.constant 32 : i32
    "tpu.region"() ({
      %run_scoped3A = tpu.sem_alloc : memref<!tpu.dma_semaphore, #tpu.memory_space<semaphore_mem>>
      %dma_start3A_552 = arith.constant 0 : i32
      %dma_start3A_553 = tpu.memref_slice %arg10[%mul3A_2, %dma_start3A_552] : memref<16384x128xf32, #tpu.memory_space<hbm>> -> memref<512x128xf32, #tpu.memory_space<hbm>>
      %dma_start3A_554 = arith.constant 0 : i32
      %dma_start3A_555 = tpu.memref_slice %arg10[%mul3A_2, %dma_start3A_554] : memref<16384x128xf32, #tpu.memory_space<hbm>> -> memref<512x128xf32, #tpu.memory_space<hbm>>
      tpu.enqueue_dma source(%arg26 : memref<512x128xf32, #tpu.memory_space<vmem>>) target(%dma_start3A_555 : memref<512x128xf32, #tpu.memory_space<hbm>>) target_semaphore(%run_scoped3A : memref<!tpu.dma_semaphore, #tpu.memory_space<semaphore_mem>>)
      %dma_wait3A = arith.constant 0 : i32
      %dma_wait3A_556 = tpu.memref_slice %arg10[%mul3A_2, %dma_wait3A] : memref<16384x128xf32, #tpu.memory_space<hbm>> -> memref<512x128xf32, #tpu.memory_space<hbm>>
      %dma_wait3A_557 = arith.constant 0 : i32
      %dma_wait3A_558 = tpu.memref_slice %arg10[%mul3A_2, %dma_wait3A_557] : memref<16384x128xf32, #tpu.memory_space<hbm>> -> memref<512x128xf32, #tpu.memory_space<hbm>>
      tpu.wait_dma2 semaphore(%run_scoped3A : memref<!tpu.dma_semaphore, #tpu.memory_space<semaphore_mem>>) src(%arg26 : memref<512x128xf32, #tpu.memory_space<vmem>>) dst(%dma_wait3A_558 : memref<512x128xf32, #tpu.memory_space<hbm>>)
      tpu.yield
    }) : () -> ()
    return
  }
}

</mosaic_0001>

<sc_bundles>
// kernel: kernel.3.cloned.1.call-start
scs
__scs_entry_jumppad:
0x0: {  	(pc) =	sbr.rel $0x88, $3  }
0x1: {  	(tag) =	ssettag $0x0;
	lr =	simm.s32 $0x1  }
0x2: {  	[smem:$0x3F99] =	sst lr;
	_ =	strace $0xD0000000  }
0x3: {  	_ = 	snop  }
0x4: {  	_ = 	snop  }
0x5: {  	_ = 	snop  }
0x6: {  	_ = 	snop  }
0x7: {  	_ = 	snop  }
__scs_overlays_trampoline_lowered:
0x8: {  	[smem:$0x3FA8] =	sst s0  }
0x9: {  	[smem:$0x3FA9] =	sst s1  }
0xa: {  	[smem:$0x3FAA] =	sst s2  }
0xb: {  	[smem:$0x3FAB] =	sst s3  }
0xc: {  	[smem:$0x3FAC] =	sst s4  }
0xd: {  	[smem:$0x3FAD] =	sst s5  }
0xe: {  	[smem:$0x3FAE] =	sst s6  }
0xf: {  	[smem:$0x3FAF] =	sst s7  }
0x10: {  	[smem:$0x3FB0] =	sst s8  }
0x11: {  	[smem:$0x3FB1] =	sst s9;
	s0 =	simm.s32 @!p0 $0x0  }
0x12: {  	s1 =	sld [smem:$0x3F97];
	s0 =	simm.s32 @p0 $0x1  }
0x13: {  	[smem:$0x3FB2] =	sst s0;
	s0 =	simm.s32 @!p1 $0x0  }
0x14: {  	s2 =	sld [smem:$0x3F96];
	s0 =	simm.s32 @p1 $0x1  }
0x15: {  	[smem:$0x3FB3] =	sst s0;
	s0 =	simm.s32 @!p2 $0x0  }
0x16: {  	s3 =	sld [smem:$0x3FDB];
	s0 =	simm.s32 @p2 $0x1  }
0x17: {  	s4 =	simm.s32 $0x1BF5;
	[smem:$0x3FB5] =	sst s0  }
0x18: {  	s0 =	sld [smem:$0x3F98];
	_ =	swait.ge [sflag:s4], $0x0  }
0x19: {  	s7 =	sld [smem:$0x3F99]  }
0x1a: {  	s8 =	sadd.s32 $0xFFFFE003, lr  }
0x1b: {  	s9 =	sadd.s32 $0xFFFFFEF7, lr;
	s5 =	simm.s32 $0xFFFFFFFF;
	p2 =	slt.u32 s8, $0xFFFFF086  }
0x1c: {  	p1 =	slt.u32 s9, $0xF7A;
	s5 =	simm.s32 @!p2 $0x0  }
0x1d: {  	s5 =	simm.s32 @p1 $0x1;
	p0 =	seq.s32 s7, s2  }
0x1e: {  	s7 =	smul.u32 @!p0 $0xF7A, s2;
	p2 =	seq.s32 @!p0 s5, $0x0  }
0x1f: {  	s9 =	smul.u32 $0xF7A, s1;
	s8 =	simm.s32 @!p0 $0x1BF5;
	p2 =	por !p2, p0  }
0x20: {  	[sflag:s8] =	ssyncset.s32 @!p0 $0xFFFFF086;
	s6 =	sadd.s32 @!p0 s3, s7;
	s7 =	simm.s32 @!p0 $0x108  }
0x21: {  	s3 =	sadd.s32 s3, s9;
	s6 =	sadd.s32 @!p0 $0x88, s6;
	s7 =	simm.s32 @p2 $0x1082  }
0x22: {  	[simem:s7], [sflag:s8] =	dma.local @!p0 [hbm:s6], $0xF7A  }
0x23: {  	s9 =	sor.u32 $0xD0000000, s2;
	s6 =	simm.s32 $0x108;
	_ =	swait.ge @!p0 [sflag:s8], $0x0  }
0x24: {  	s3 =	sadd.s32 $0x88, s3;
	s6 =	simm.s32 @!p1 $0x1082;
	[sflag:s4] =	ssyncset.s32 $0xFFFFF086  }
0x25: {  	[simem:s6], [sflag:s4] =	dma.local [hbm:s3], $0xF7A  }
0x26: {  	[smem:$0x3F99] =	sst s1;
	(tag) =	ssettag s2;
	_ =	strace s9  }
0x27: {  	s1 =	sld [smem:$0x3FA9]  }
0x28: {  	s2 =	sld [smem:$0x3FAA]  }
0x29: {  	s4 =	sld [smem:$0x3FAC]  }
0x2a: {  	p0 =	seq.s32 s5, $0x0;
	s5 =	sld [smem:$0x3FAD]  }
0x2b: {  	s6 =	sld [smem:$0x3FAE]  }
0x2c: {  	s7 =	sld [smem:$0x3FAF]  }
0x2d: {  	s3 =	simm.s32 $0x108;
	s8 =	sld [smem:$0x3FB0]  }
0x2e: {  	s3 =	simm.s32 @!p0 $0x1082;
	s9 =	sld [smem:$0x3FB1]  }
0x2f: {  	lr =	sadd.s32 s0, s3;
	s0 =	sld [smem:$0x3FA8]  }
0x30: {  	s3 =	sld [smem:$0x3FAB]  }
0x31: {  	[smem:$0x3FB4] =	sst s10  }
0x32: {  	s10 =	sld [smem:$0x3FB2];
	_ =	sdelay $0x3  }
0x33: {  	p0 =	seq.s32 s10, $0x1;
	s10 =	sld [smem:$0x3FB4];
	_ =	sdelay $0x3  }
0x34: {  	[smem:$0x3FB4] =	sst s10  }
0x35: {  	s10 =	sld [smem:$0x3FB3];
	_ =	sdelay $0x3  }
0x36: {  	p1 =	seq.s32 s10, $0x1;
	s10 =	sld [smem:$0x3FB4];
	_ =	sdelay $0x3  }
0x37: {  	[smem:$0x3FB4] =	sst s10  }
0x38: {  	s10 =	sld [smem:$0x3FB5]  }
0x39: {  	_ = 	snop;
	(pc) =	sbr.ind lr, $3  }
0x3a: {  	_ = 	snop  }
0x3b: {  	_ = 	snop  }
0x3c: {  	p2 =	seq.s32 s10, $0x1;
	s10 =	sld [smem:$0x3FB4]  }
0x3d: {  	_ =	shalt  }
0x3e: {  	_ =	shalt  }
0x3f: {  	_ =	shalt  }
0x40: {  	_ =	shalt  }
0x41: {  	_ =	shalt  }
0x42: {  	_ =	shalt  }
0x43: {  	_ =	shalt  }
0x44: {  	_ =	shalt  }
0x45: {  	_ =	shalt  }
0x46: {  	_ =	shalt  }
0x47: {  	_ =	shalt  }
0x48: {  	_ =	shalt  }
0x49: {  	_ =	shalt  }
0x4a: {  	_ =	shalt  }
0x4b: {  	_ =	shalt  }
0x4c: {  	_ =	shalt  }
0x4d: {  	_ =	shalt  }
0x4e: {  	_ =	shalt  }
0x4f: {  	_ =	shalt  }
0x50: {  	_ =	shalt  }
0x51: {  	_ =	shalt  }
0x52: {  	_ =	shalt  }
0x53: {  	_ =	shalt  }
0x54: {  	_ =	shalt  }
0x55: {  	_ =	shalt  }
0x56: {  	_ =	shalt  }
0x57: {  	_ =	shalt  }
0x58: {  	_ =	shalt  }
0x59: {  	_ =	shalt  }
0x5a: {  	_ =	shalt  }
0x5b: {  	_ =	shalt  }
0x5c: {  	_ =	shalt  }
0x5d: {  	_ =	shalt  }
0x5e: {  	_ =	shalt  }
0x5f: {  	_ =	shalt  }
0x60: {  	_ =	shalt  }
0x61: {  	_ =	shalt  }
0x62: {  	_ =	shalt  }
0x63: {  	_ =	shalt  }
0x64: {  	_ =	shalt  }
0x65: {  	_ =	shalt  }
0x66: {  	_ =	shalt  }
0x67: {  	_ =	shalt  }
0x68: {  	_ =	shalt  }
0x69: {  	_ =	shalt  }
0x6a: {  	_ =	shalt  }
0x6b: {  	_ =	shalt  }
0x6c: {  	_ =	shalt  }
0x6d: {  	_ =	shalt  }
0x6e: {  	_ =	shalt  }
0x6f: {  	_ =	shalt  }
0x70: {  	_ =	shalt  }
0x71: {  	_ =	shalt  }
0x72: {  	_ =	shalt  }
0x73: {  	_ =	shalt  }
0x74: {  	_ =	shalt  }
0x75: {  	_ =	shalt  }
0x76: {  	_ =	shalt  }
0x77: {  	_ =	shalt  }
0x78: {  	_ =	shalt  }
0x79: {  	_ =	shalt  }
0x7a: {  	_ =	shalt  }
0x7b: {  	_ =	shalt  }
0x7c: {  	_ =	shalt  }
0x7d: {  	_ =	shalt  }
0x7e: {  	_ =	shalt  }
0x7f: {  	_ =	shalt  }
0x80: {  	_ =	shalt  }
0x81: {  	_ =	shalt  }
0x82: {  	_ =	shalt  }
0x83: {  	_ =	shalt  }
0x84: {  	_ =	shalt  }
0x85: {  	_ =	shalt  }
0x86: {  	_ =	shalt  }
0x87: {  	_ =	shalt  }
.Lfunc_end0:
.L_simem_size_0:
called_computation_lowered:
.L_overlay_start_0:
0x88: {  	s2 =	sld [smem:$0x3FD9]  }
0x89: {  	s3 =	sld [smem:$0x3FFE];
	_ =	sdelay $0x1  }
0x8a: {  	s1 =	srdreg.scid  }
0x8b: {  	s0 =	sand.u32 $0x1, s1  }
0x8c: {  	s17 =	sshll.u32 s0, $0xA;
	s2 =	sadd.s32 s3, s2  }
0x8d: {  	s2 =	sadd.s32 s2, s17  }
0x8e: {  	[smem:$0x3FC0] =	sst s2  }
0x8f: {  	_ = 	snop  }
0x90: {  	s2 =	sld [smem:$0x3FC9]  }
0x91: {  	s18 =	sld [smem:$0x3FC8]  }
0x92: {  	s4 =	sld [smem:$0x3FC7]  }
0x93: {  	s5 =	sld [smem:$0x3FC6]  }
0x94: {  	s6 =	sld [smem:$0x3FC5]  }
0x95: {  	s7 =	sld [smem:$0x3FD0];
	(tm) =	ssettm $0x1  }
0x96: {  	s8 =	sld [smem:$0x3FFB];
	_ =	sdelay $0x3  }
0x97: {  	_ =	strace s8  }
0x98: {  	s8 =	sld [smem:$0x3FFC];
	_ =	sdelay $0x3  }
0x99: {  	_ =	strace s8  }
0x9a: {  	s8 =	sld [smem:$0x3FFD];
	_ =	sdelay $0x3  }
0x9b: {  	_ =	strace s8  }
0x9c: {  	_ =	strace $0x8FFFFFFF  }
0x9d: {  	s19 =	sld [smem:$0x3FDB];
	_ =	sdelay $0x1  }
0x9e: {  	s9 =	simm.s32 $_scs_section_size  }
0x9f: {  	s10 =	simm.s32 $_size__tile_overlayer_lowered;
	s11 =	simm.s32 $_tile_overlayer_lowered  }
0xa0: {  	s22 =	simm.s32 $0x1BFF;
	s21 =	sshll.u32 s11, $0x1;
	s8 =	sadd.s32 s9, s19  }
0xa1: {  	s12 =	simm.s32 $0x0;
	s20 =	sshll.u32 s10, $0x1;
	s10 =	sadd.s32 s21, s8  }
0xa2: {  	[timem:s12], [sflag:s22] =	dma.local [hbm:s10], s20  }
0xa3: {  	_ =	swait.ge [sflag:s22], s20  }
0xa4: {  	s9 =	ssub.s32 $0x0, s20;
	[sflag:s22] =	ssyncset.done $0x0  }
0xa5: {  	[sflag:s22] =	ssyncadd.s32 s9;
	_ =	sdelay $0x1  }
0xa6: {  	s23 =	simm.s32 $0x1B8B  }
0xa7: {  	_ =	swait.ge [sflag:s23], $0x1  }
0xa8: {  	[sflag:s23] =	ssyncset.done $0x0  }
0xa9: {  	s25 =	simm.s32 $0x1B8E;
	s24 =	sld [smem:$0x3FFE];
	[sflag:s23] =	ssyncadd.s32 $0xFFFFFFFF  }
0xaa: {  	s26 =	simm.s32 $execute0_lowered;
	[smem:$0x3FD2] =	sst s25  }
0xab: {  	s10 =	sshll.u32 s26, $0x1;
	_ =	strace $0x80000046;
	[dreg:$0x1] =	wrdreg $0xFFFFFFFF  }
0xac: {  	s28 =	simm.s32 $_size_execute0_lowered;
	s8 =	sadd.s32 s8, s10;
	[dreg:$0x0] =	wrdreg $0x0  }
0xad: {  	s10 =	sshll.u32 s28, $0x1;
	[dreg:$0x2] =	wrdreg s8  }
0xae: {  	[dreg:$0x3] =	wrdreg s10  }
0xaf: {  	[dreg:$0x4] =	wrdreg $0xC0  }
0xb0: {  	_ =	task [dreg:s12], $0x5FFFF  }
0xb1: {  	[dreg:$0x1] =	wrdreg $0xFFFFFFFF  }
0xb2: {  	[dreg:$0x0] =	wrdreg $0x60  }
0xb3: {  	[dreg:$0x2] =	wrdreg s2  }
0xb4: {  	[dreg:$0x3] =	wrdreg s18  }
0xb5: {  	[dreg:$0x4] =	wrdreg s4  }
0xb6: {  	[dreg:$0x5] =	wrdreg s5  }
0xb7: {  	[dreg:$0x6] =	wrdreg s6  }
0xb8: {  	[dreg:$0x7] =	wrdreg s24  }
0xb9: {  	[dreg:$0x8] =	wrdreg s7  }
0xba: {  	[dreg:$0x9] =	wrdreg $0x9  }
0xbb: {  	_ =	task.clear_ibuf [dreg:s12], $0xAFFFF;
	_ =	strace $0x90000046  }
0xbc: {  	s29 =	simm.s32 $0x9;
	_ =	strace $0x80000048  }
0xbd: {  	_ =	swait.ge [sflag:s29], $0x1  }
0xbe: {  	[sflag:s29] =	ssyncadd.s32 $0xFFFFFFFF  }
0xbf: {  	_ =	strace $0x90000048  }
0xc0: {  	_ =	sfence  }
0xc1: {  	s30 =	sld [smem:$0x0];
	_ =	sdelay $0x2  }
0xc2: {  	s31 =	sshll.u32 s1, $0xD;
	s1 =	sshrl.u32 s1, $0x2  }
0xc3: {  	s3 =	sand.u32 $0x4000, s31;
	s1 =	sadd.s32 s1, s30  }
0xc4: {  	s0 =	sor.u32 s3, s0;
	s1 =	sshll.u32 s1, $0x11  }
0xc5: {  	s0 =	sor.u32 s1, s0  }
0xc6: {  	s0 =	sadd.s32 $0x8F2B, s0  }
0xc7: {  	[sflag:s0] =	ssyncadd.remote.s32 $0x1  }
0xc8: {  	_ =	sfence.sel $0xFFFF  }
0xc9: {  	[dreg:$0x0] =	wrdreg $0xFFFFFFFF;
	(pc) =	sbr.abs _section_cstart, $3  }
0xca: {  	[dreg:$0x1] =	wrdreg $0xFFFFFFFF  }
0xcb: {  	_ =	task.clear_ibuf [dreg:s12], $0x2FFFF;
	_ =	strace $0x9FFFFFFF  }
0xcc: {  	(tm) =	ssettm $0x7FFFFFFF  }
0xcd: {  	_ =	shalt  }
tec
execute0_lowered:
.L_overlay_start_1:
0x0: {  	(tag) =	ssettag $0x1  }
0x1: {  	s0 =	rddreg [dreg:$0x0]  }
0x2: {  	s2 =	rddreg [dreg:$0x1]  }
0x3: {  	s4 =	rddreg [dreg:$0x2]  }
0x4: {  	s5 =	rddreg [dreg:$0x3]  }
0x5: {  	s1 =	rddreg [dreg:$0x4]  }
0x6: {  	s6 =	rddreg [dreg:$0x5]  }
0x7: {  	s7 =	rddreg [dreg:$0x6]  }
0x8: {  	s3 =	simm.s32 $0x0;
	s8 =	srdreg.scid;
	s9 =	stileid.u32  }
0x9: {  	s17 =	simm.s32 $0x880;
	s18 =	simm.s32 $0x1880;
	s19 =	simm.s32 $0x2880  }
0xa: {  	s20 =	simm.s32 $0x1;
	s30 =	simm.s32 $0x4880;
	s29 =	simm.s32 $0x5880  }
0xb: {  	s13 =	simm.s32 $0x7880;
	s14 =	simm.s32 $0xA880;
	s12 =	simm.s32 $0xAC80  }
0xc: {  	s21 =	simm.s32 $0xB080;
	s15 =	simm.s32 $0x4;
	s16 =	simm.s32 $0x5  }
0xd: {  	[smem:$0x7FF] =	sst s3;
	s8 =	sand.u32 $0x1, s8;
	s10 =	sadd.s32 $0x400, s6  }
0xe: {  	s11 =	sadd.s32 $0x600, s6;
	_ =	strace $0x80000047;
	[dreg:$0x8] =	wrdreg s10  }
0xf: {  	s9 =	sshll.u32 s9, $0xA;
	s6 =	sadd.s32 $0x800, s6;
	[dreg:$0x9] =	wrdreg s11  }
0x10: {  	s22 =	sshll.u32 s8, $0x9;
	s8 =	ssub.s32 $0x2, s8;
	[dreg:$0xa] =	wrdreg s6  }
0x11: {  	s9 =	sor.u32 s22, s9;
	s23 =	sshrl.u32 s8, $0x1;
	s22 =	simm.s32 $0xB480  }
0x12: {  	s10 =	sshrl.u32 s9, $0x3;
	s6 =	ssub.s32 s8, s23;
	s28 =	sshll.u32 s9, $0x4  }
0x13: {  	s9 =	simm.s32 $0x6880;
	s23 =	simm.s32 $0x9880;
	s0 =	sadd.s32 s0, s10  }
0x14: {  	s24 =	sadd.s32 s2, s10;
	s25 =	sadd.s32 s4, s10;
	s26 =	sadd.s32 s5, s10  }
0x15: {  	s31 =	smax.u32 s6, $0x1;
	s10 =	simm.s32 $0x9;
	[dreg:$0xb] =	wrdreg s0  }
.Ltmp0:
0x16: {  	s2 =	simm.s32 $0x3;
	[dreg:$0xc] =	wrdreg s24;
	(pc) =	sbr.rel .LBB2_1-.Ltmp0, $4  }
0x17: {  	v0 =	vlaneseq.u32;
	s4 =	simm.s32 $0x6;
	s6 =	simm.s32 $0x7;
	[dreg:$0xd] =	wrdreg s25  }
0x18: {  	v0 =	vmul.u32 $0x80, v0;
	s5 =	simm.s32 $0x0;
	[dreg:$0xe] =	wrdreg s26;
	s0 =	sadd.s32 s7, s28  }
0x19: {  	[dreg:$0x10] =	wrdreg s31;
	s24 =	simm.s32 $0x8880;
	s7 =	simm.s32 $0x8  }
0x1a: {  	v1 =	vor.u32 $0x800, v0;
	s26 =	simm.s32 $0x7880;
	[dreg:$0xf] =	wrdreg s0;
	s0 =	simm.s32 $0x2  }
.LBB2_4:
0x1b: {  	s8 =	rddreg [dreg:$0xf];
	s5 =	simm.s32 $0xB880;
	s10 =	simm.s32 $0x9  }
0x1c: {  	[hbm4b:s8+s3] =	stream.linear.scatter [tilespmem:s5], [sflag:$0x9], $0x10000, $0x38;
	[tilespmem:$0x1B880] =	vst v63  }
0x1d: {  	_ =	swait.ge [sflag:s10], $0x10000  }
0x1e: {  	s28 =	rddreg [dreg:$0x11]  }
0x1f: {  	s31 =	rddreg [dreg:$0x10];
	s5 =	sadd.s32 $0x1, s28  }
0x20: {  	p0 =	sne.s32 s5, s31  }
.Ltmp1:
0x21: {  	_ = 	snop;
	(pc) =	sbr.rel @!p0 .LBB2_5-.Ltmp1, $3  }
0x22: {  	_ =	sdelay $0x1  }
0x23: {  	s12 =	simm.s32 $0xAC80;
	[sflag:s10] =	ssyncset.done $0x0  }
0x24: {  	s21 =	simm.s32 $0xB080;
	s22 =	simm.s32 $0xB480;
	[sflag:s10] =	ssyncadd.s32 $0xFFFF0000  }
.LBB2_1:
0x25: {  	[dreg:$0x11] =	wrdreg s5  }
0x26: {  	s8 =	rddreg [dreg:$0xb]  }
0x27: {  	[tilespmem:s3], [sflag:$0x9] =	stream.linear.gather [hbm4b:s8+s3], $0x200, $0x38;
	[tilespmem:$0x1B880] =	vst v63  }
0x28: {  	_ =	swait.ge [sflag:s10], $0x200  }
0x29: {  	[sflag:s10] =	ssyncset.done $0x0  }
0x2a: {  	s11 =	simm.s32 $0x280;
	s5 =	rddreg [dreg:$0xc];
	[sflag:s10] =	ssyncadd.s32 $0xFFFFFE00  }
0x2b: {  	[tilespmem:s11], [sflag:$0x9] =	stream.linear.gather [hbm4b:s5+s3], $0x200, $0x38;
	[tilespmem:$0x1B880] =	vst v63  }
0x2c: {  	_ =	swait.ge [sflag:s10], $0x200  }
0x2d: {  	[sflag:s10] =	ssyncset.done $0x0  }
0x2e: {  	s28 =	simm.s32 $0x480;
	s25 =	rddreg [dreg:$0xd];
	[sflag:s10] =	ssyncadd.s32 $0xFFFFFE00  }
0x2f: {  	[tilespmem:s28], [sflag:$0x9] =	stream.linear.gather [hbm4b:s25+s3], $0x200, $0x38;
	[tilespmem:$0x1B880] =	vst v63  }
0x30: {  	_ =	swait.ge [sflag:s10], $0x200  }
0x31: {  	[sflag:s10] =	ssyncset.done $0x0  }
0x32: {  	s5 =	simm.s32 $0x680;
	s31 =	rddreg [dreg:$0xe];
	[sflag:s10] =	ssyncadd.s32 $0xFFFFFE00  }
0x33: {  	[tilespmem:s5], [sflag:$0x9] =	stream.linear.gather [hbm4b:s31+s3], $0x200, $0x38;
	[tilespmem:$0x1B880] =	vst v63  }
0x34: {  	_ =	swait.ge [sflag:s10], $0x200  }
0x35: {  	[sflag:s10] =	ssyncset.done $0x0  }
0x36: {  	s25 =	rddreg [dreg:$0x8];
	[sflag:s10] =	ssyncadd.s32 $0xFFFFFE00  }
0x37: {  	[tilespmem:s17], [sflag:$0x9] =	stream.linear.gather [hbm4b:s25+s3], $0x1000, $0x38;
	[tilespmem:$0x1B880] =	vst v63  }
0x38: {  	_ =	swait.ge [sflag:s10], $0x1000  }
0x39: {  	[sflag:s10] =	ssyncset.done $0x0  }
0x3a: {  	s28 =	rddreg [dreg:$0x9];
	[sflag:s10] =	ssyncadd.s32 $0xFFFFF000  }
0x3b: {  	[tilespmem:s18], [sflag:$0x9] =	stream.linear.gather [hbm4b:s28+s3], $0x1000, $0x38;
	[tilespmem:$0x1B880] =	vst v63  }
0x3c: {  	_ =	swait.ge [sflag:s10], $0x1000  }
0x3d: {  	[sflag:s10] =	ssyncset.done $0x0  }
0x3e: {  	s31 =	rddreg [dreg:$0xa];
	[sflag:s10] =	ssyncadd.s32 $0xFFFFF000  }
0x3f: {  	[tilespmem:s19], [sflag:$0x9] =	stream.linear.gather [hbm4b:s31+s3], $0x1000, $0x38;
	[tilespmem:$0x1B880] =	vst v63  }
0x40: {  	_ =	swait.ge [sflag:s10], $0x1000  }
0x41: {  	[sflag:s10] =	ssyncset.done $0x0  }
0x42: {  	[sflag:s10] =	ssyncadd.s32 $0xFFFFF000  }
0x43: {  	v2 =	vld [tilespmem:$0x0];
	_ =	sdelay $0x4  }
0x44: {  	(v2sf) =	vpush v2, $0x0;
	_ =	sdelay $0xe  }
0x45: {  	s5 =	spop (v2sf)  }
0x46: {  	s11 =	sand.u32 $0x7F, s5  }
0x47: {  	(v2sf) =	vpush v2, $0x1;
	s25 =	sshra.s32 s5, $0x1F;
	p1 =	slt.s32 s5, $0x1;
	p0 =	sne.s32 s11, $0x0  }
0x48: {  	s10 =	sshrl.u32 s25, $0x19;
	p0 =	por !p1, !p0  }
0x49: {  	s8 =	sadd.s32 s10, s5;
	s10 =	simm.s32 $0x1;
	p0 =	por !p0, !p0  }
0x4a: {  	s8 =	sshrl.u32 s8, $0x7;
	s10 =	simm.s32 @!p0 $0x0  }
0x4b: {  	s8 =	ssub.s32 s8, s10  }
0x4c: {  	s8 =	sshll.u32 s8, $0xA  }
0x4d: {  	s28 =	sshrl.u32 s8, $0x3  }
0x4e: {  	s31 =	simm.s32 $0x3880;
	s11 =	sadd.s32 $0x7A1400, s8;
	s10 =	sadd.s32 s1, s28  }
0x4f: {  	[tilespmem:s31], [sflag:$0x1] =	stream.linear.gather [hbm4b:s10+s3], $0x400, $0x38;
	[tilespmem:$0x1B880] =	vst v63  }
0x50: {  	s10 =	sshrl.u32 s11, $0x3  }
0x51: {  	s25 =	simm.s32 $0x3C80;
	s28 =	sadd.s32 $0xF42800, s8;
	s10 =	sadd.s32 s1, s10  }
0x52: {  	[tilespmem:s25], [sflag:$0x1] =	stream.linear.gather [hbm4b:s10+s3], $0x400, $0x38;
	[tilespmem:$0x1B880] =	vst v63  }
0x53: {  	s8 =	sadd.s32 $0x16E3C00, s8;
	s10 =	sshrl.u32 s28, $0x3  }
0x54: {  	s31 =	simm.s32 $0x4080;
	s8 =	sshrl.u32 s8, $0x3;
	s10 =	sadd.s32 s1, s10  }
0x55: {  	[tilespmem:s31], [sflag:$0x1] =	stream.linear.gather [hbm4b:s10+s3], $0x400, $0x38;
	[tilespmem:$0x1B880] =	vst v63  }
0x56: {  	s5 =	simm.s32 $0x4480;
	s8 =	sadd.s32 s1, s8;
	s11 =	spop (v2sf)  }
0x57: {  	[tilespmem:s5], [sflag:$0x1] =	stream.linear.gather [hbm4b:s8+s3], $0x400, $0x38;
	[tilespmem:$0x1B880] =	vst v63  }
0x58: {  	s25 =	sand.u32 $0x7F, s11  }
0x59: {  	(v2sf) =	vpush v2, $0x2;
	s28 =	sshra.s32 s11, $0x1F;
	p6 =	slt.s32 s11, $0x1;
	p5 =	sne.s32 s25, $0x0  }
0x5a: {  	s10 =	sshrl.u32 s28, $0x19;
	p0 =	por !p6, !p5  }
0x5b: {  	s8 =	sadd.s32 s10, s11;
	s10 =	simm.s32 $0x1;
	p0 =	por !p0, !p0  }
0x5c: {  	s8 =	sshrl.u32 s8, $0x7;
	s10 =	simm.s32 @!p0 $0x0  }
0x5d: {  	s8 =	ssub.s32 s8, s10  }
0x5e: {  	s8 =	sshll.u32 s8, $0xA  }
0x5f: {  	s31 =	sshrl.u32 s8, $0x3  }
0x60: {  	s5 =	sadd.s32 $0x7A1400, s8;
	s10 =	sadd.s32 s1, s31  }
0x61: {  	[tilespmem:s30], [sflag:$0x2] =	stream.linear.gather [hbm4b:s10+s3], $0x400, $0x38;
	[tilespmem:$0x1B880] =	vst v63  }
0x62: {  	s10 =	sshrl.u32 s5, $0x3  }
0x63: {  	s11 =	simm.s32 $0x4C80;
	s25 =	sadd.s32 $0xF42800, s8;
	s10 =	sadd.s32 s1, s10  }
0x64: {  	[tilespmem:s11], [sflag:$0x2] =	stream.linear.gather [hbm4b:s10+s3], $0x400, $0x38;
	[tilespmem:$0x1B880] =	vst v63  }
0x65: {  	s8 =	sadd.s32 $0x16E3C00, s8;
	s10 =	sshrl.u32 s25, $0x3  }
0x66: {  	s28 =	simm.s32 $0x5080;
	s8 =	sshrl.u32 s8, $0x3;
	s10 =	sadd.s32 s1, s10  }
0x67: {  	[tilespmem:s28], [sflag:$0x2] =	stream.linear.gather [hbm4b:s10+s3], $0x400, $0x38;
	[tilespmem:$0x1B880] =	vst v63  }
0x68: {  	s8 =	sadd.s32 s1, s8;
	s30 =	simm.s32 $0x5480;
	s31 =	spop (v2sf)  }
0x69: {  	[tilespmem:s30], [sflag:$0x2] =	stream.linear.gather [hbm4b:s8+s3], $0x400, $0x38;
	[tilespmem:$0x1B880] =	vst v63  }
0x6a: {  	s5 =	sand.u32 $0x7F, s31  }
0x6b: {  	(v2sf) =	vpush v2, $0x3;
	s11 =	sshra.s32 s31, $0x1F;
	p2 =	slt.s32 s31, $0x1;
	p1 =	sne.s32 s5, $0x0  }
0x6c: {  	s10 =	sshrl.u32 s11, $0x19;
	p0 =	por !p2, !p1  }
0x6d: {  	s8 =	sadd.s32 s10, s31;
	s10 =	simm.s32 $0x1;
	p0 =	por !p0, !p0  }
0x6e: {  	s8 =	sshrl.u32 s8, $0x7;
	s10 =	simm.s32 @!p0 $0x0  }
0x6f: {  	s8 =	ssub.s32 s8, s10  }
0x70: {  	s8 =	sshll.u32 s8, $0xA  }
0x71: {  	s25 =	sshrl.u32 s8, $0x3  }
0x72: {  	s28 =	sadd.s32 $0x7A1400, s8;
	s10 =	sadd.s32 s1, s25  }
0x73: {  	[tilespmem:s29], [sflag:$0x3] =	stream.linear.gather [hbm4b:s10+s3], $0x400, $0x38;
	[tilespmem:$0x1B880] =	vst v63  }
0x74: {  	s10 =	sshrl.u32 s28, $0x3  }
0x75: {  	s30 =	sadd.s32 $0xF42800, s8;
	s29 =	simm.s32 $0x5C80;
	s10 =	sadd.s32 s1, s10  }
0x76: {  	[tilespmem:s29], [sflag:$0x3] =	stream.linear.gather [hbm4b:s10+s3], $0x400, $0x38;
	[tilespmem:$0x1B880] =	vst v63  }
0x77: {  	s8 =	sadd.s32 $0x16E3C00, s8;
	s10 =	sshrl.u32 s30, $0x3  }
0x78: {  	s31 =	simm.s32 $0x6080;
	s8 =	sshrl.u32 s8, $0x3;
	s10 =	sadd.s32 s1, s10  }
0x79: {  	[tilespmem:s31], [sflag:$0x3] =	stream.linear.gather [hbm4b:s10+s3], $0x400, $0x38;
	[tilespmem:$0x1B880] =	vst v63  }
0x7a: {  	s8 =	sadd.s32 s1, s8;
	s10 =	simm.s32 $0x6480;
	s11 =	spop (v2sf)  }
0x7b: {  	[tilespmem:s10], [sflag:$0x3] =	stream.linear.gather [hbm4b:s8+s3], $0x400, $0x38;
	[tilespmem:$0x1B880] =	vst v63  }
0x7c: {  	s25 =	sand.u32 $0x7F, s11  }
0x7d: {  	(v2sf) =	vpush v2, $0x4;
	s28 =	sshra.s32 s11, $0x1F;
	p4 =	slt.s32 s11, $0x1;
	p3 =	sne.s32 s25, $0x0  }
0x7e: {  	s10 =	sshrl.u32 s28, $0x19;
	p0 =	por !p4, !p3  }
0x7f: {  	s8 =	sadd.s32 s10, s11;
	s10 =	simm.s32 $0x1;
	p0 =	por !p0, !p0  }
0x80: {  	s8 =	sshrl.u32 s8, $0x7;
	s10 =	simm.s32 @!p0 $0x0  }
0x81: {  	s8 =	ssub.s32 s8, s10  }
0x82: {  	s8 =	sshll.u32 s8, $0xA  }
0x83: {  	s29 =	sshrl.u32 s8, $0x3  }
0x84: {  	s30 =	sadd.s32 $0x7A1400, s8;
	s10 =	sadd.s32 s1, s29  }
0x85: {  	[tilespmem:s9], [sflag:$0x4] =	stream.linear.gather [hbm4b:s10+s3], $0x400, $0x38;
	[tilespmem:$0x1B880] =	vst v63  }
0x86: {  	s10 =	sshrl.u32 s30, $0x3  }
0x87: {  	s31 =	simm.s32 $0x6C80;
	s5 =	sadd.s32 $0xF42800, s8;
	s10 =	sadd.s32 s1, s10  }
0x88: {  	[tilespmem:s31], [sflag:$0x4] =	stream.linear.gather [hbm4b:s10+s3], $0x400, $0x38;
	[tilespmem:$0x1B880] =	vst v63  }
0x89: {  	s8 =	sadd.s32 $0x16E3C00, s8;
	s10 =	sshrl.u32 s5, $0x3  }
0x8a: {  	s8 =	sshrl.u32 s8, $0x3;
	s9 =	simm.s32 $0x7080;
	s10 =	sadd.s32 s1, s10  }
0x8b: {  	[tilespmem:s9], [sflag:$0x4] =	stream.linear.gather [hbm4b:s10+s3], $0x400, $0x38;
	[tilespmem:$0x1B880] =	vst v63  }
0x8c: {  	s8 =	sadd.s32 s1, s8;
	s10 =	simm.s32 $0x7480;
	s11 =	spop (v2sf)  }
0x8d: {  	[tilespmem:s10], [sflag:$0x4] =	stream.linear.gather [hbm4b:s8+s3], $0x400, $0x38;
	[tilespmem:$0x1B880] =	vst v63  }
0x8e: {  	s25 =	sand.u32 $0x7F, s11  }
0x8f: {  	(v2sf) =	vpush v2, $0x5;
	s28 =	sshra.s32 s11, $0x1F;
	p6 =	slt.s32 s11, $0x1;
	p5 =	sne.s32 s25, $0x0  }
0x90: {  	s10 =	sshrl.u32 s28, $0x19;
	p0 =	por !p6, !p5  }
0x91: {  	s8 =	sadd.s32 s10, s11;
	s10 =	simm.s32 $0x1;
	p0 =	por !p0, !p0  }
0x92: {  	s8 =	sshrl.u32 s8, $0x7;
	s10 =	simm.s32 @!p0 $0x0  }
0x93: {  	s8 =	ssub.s32 s8, s10  }
0x94: {  	s8 =	sshll.u32 s8, $0xA  }
0x95: {  	s29 =	sshrl.u32 s8, $0x3  }
0x96: {  	s30 =	sadd.s32 $0x7A1400, s8;
	s10 =	sadd.s32 s1, s29  }
0x97: {  	[tilespmem:s13], [sflag:$0x5] =	stream.linear.gather [hbm4b:s10+s3], $0x400, $0x38;
	[tilespmem:$0x1B880] =	vst v63  }
0x98: {  	s10 =	sshrl.u32 s30, $0x3  }
0x99: {  	s31 =	simm.s32 $0x7C80;
	s5 =	sadd.s32 $0xF42800, s8;
	s10 =	sadd.s32 s1, s10  }
0x9a: {  	[tilespmem:s31], [sflag:$0x5] =	stream.linear.gather [hbm4b:s10+s3], $0x400, $0x38;
	[tilespmem:$0x1B880] =	vst v63  }
0x9b: {  	s8 =	sadd.s32 $0x16E3C00, s8;
	s10 =	sshrl.u32 s5, $0x3  }
0x9c: {  	s9 =	simm.s32 $0x8080;
	s8 =	sshrl.u32 s8, $0x3;
	s10 =	sadd.s32 s1, s10  }
0x9d: {  	[tilespmem:s9], [sflag:$0x5] =	stream.linear.gather [hbm4b:s10+s3], $0x400, $0x38;
	[tilespmem:$0x1B880] =	vst v63  }
0x9e: {  	s11 =	simm.s32 $0x8480;
	s8 =	sadd.s32 s1, s8;
	s13 =	spop (v2sf)  }
0x9f: {  	[tilespmem:s11], [sflag:$0x5] =	stream.linear.gather [hbm4b:s8+s3], $0x400, $0x38;
	[tilespmem:$0x1B880] =	vst v63  }
0xa0: {  	s25 =	sand.u32 $0x7F, s13  }
0xa1: {  	(v2sf) =	vpush v2, $0x6;
	s28 =	sshra.s32 s13, $0x1F;
	p2 =	slt.s32 s13, $0x1;
	p1 =	sne.s32 s25, $0x0  }
0xa2: {  	s10 =	sshrl.u32 s28, $0x19;
	p0 =	por !p2, !p1  }
0xa3: {  	s8 =	sadd.s32 s10, s13;
	s10 =	simm.s32 $0x1;
	p0 =	por !p0, !p0  }
0xa4: {  	s8 =	sshrl.u32 s8, $0x7;
	s10 =	simm.s32 @!p0 $0x0  }
0xa5: {  	s8 =	ssub.s32 s8, s10  }
0xa6: {  	s8 =	sshll.u32 s8, $0xA  }
0xa7: {  	s29 =	sshrl.u32 s8, $0x3  }
0xa8: {  	s30 =	sadd.s32 $0x7A1400, s8;
	s10 =	sadd.s32 s1, s29  }
0xa9: {  	[tilespmem:s24], [sflag:$0x6] =	stream.linear.gather [hbm4b:s10+s3], $0x400, $0x38;
	[tilespmem:$0x1B880] =	vst v63  }
0xaa: {  	s10 =	sshrl.u32 s30, $0x3  }
0xab: {  	s31 =	simm.s32 $0x8C80;
	s9 =	sadd.s32 $0xF42800, s8;
	s10 =	sadd.s32 s1, s10  }
0xac: {  	[tilespmem:s31], [sflag:$0x6] =	stream.linear.gather [hbm4b:s10+s3], $0x400, $0x38;
	[tilespmem:$0x1B880] =	vst v63  }
0xad: {  	s8 =	sadd.s32 $0x16E3C00, s8;
	s10 =	sshrl.u32 s9, $0x3  }
0xae: {  	s11 =	simm.s32 $0x9080;
	s8 =	sshrl.u32 s8, $0x3;
	s10 =	sadd.s32 s1, s10  }
0xaf: {  	[tilespmem:s11], [sflag:$0x6] =	stream.linear.gather [hbm4b:s10+s3], $0x400, $0x38;
	[tilespmem:$0x1B880] =	vst v63  }
0xb0: {  	s13 =	simm.s32 $0x9480;
	s8 =	sadd.s32 s1, s8;
	s24 =	spop (v2sf)  }
0xb1: {  	[tilespmem:s13], [sflag:$0x6] =	stream.linear.gather [hbm4b:s8+s3], $0x400, $0x38;
	[tilespmem:$0x1B880] =	vst v63  }
0xb2: {  	s25 =	sand.u32 $0x7F, s24  }
0xb3: {  	(v2sf) =	vpush v2, $0x7;
	s28 =	sshra.s32 s24, $0x1F;
	p4 =	slt.s32 s24, $0x1;
	p3 =	sne.s32 s25, $0x0  }
0xb4: {  	s10 =	sshrl.u32 s28, $0x19;
	p0 =	por !p4, !p3  }
0xb5: {  	s8 =	sadd.s32 s10, s24;
	s10 =	simm.s32 $0x1;
	p0 =	por !p0, !p0  }
0xb6: {  	s8 =	sshrl.u32 s8, $0x7;
	s10 =	simm.s32 @!p0 $0x0  }
0xb7: {  	s8 =	ssub.s32 s8, s10  }
0xb8: {  	s8 =	sshll.u32 s8, $0xA  }
0xb9: {  	s29 =	sshrl.u32 s8, $0x3  }
0xba: {  	s30 =	sadd.s32 $0x7A1400, s8;
	s10 =	sadd.s32 s1, s29  }
0xbb: {  	[tilespmem:s23], [sflag:$0x7] =	stream.linear.gather [hbm4b:s10+s3], $0x400, $0x38;
	[tilespmem:$0x1B880] =	vst v63  }
0xbc: {  	s10 =	sshrl.u32 s30, $0x3  }
0xbd: {  	s31 =	simm.s32 $0x9C80;
	s9 =	sadd.s32 $0xF42800, s8;
	s10 =	sadd.s32 s1, s10  }
0xbe: {  	[tilespmem:s31], [sflag:$0x7] =	stream.linear.gather [hbm4b:s10+s3], $0x400, $0x38;
	[tilespmem:$0x1B880] =	vst v63  }
0xbf: {  	s8 =	sadd.s32 $0x16E3C00, s8;
	s10 =	sshrl.u32 s9, $0x3  }
0xc0: {  	s11 =	simm.s32 $0xA080;
	s8 =	sshrl.u32 s8, $0x3;
	s10 =	sadd.s32 s1, s10  }
0xc1: {  	[tilespmem:s11], [sflag:$0x7] =	stream.linear.gather [hbm4b:s10+s3], $0x400, $0x38;
	[tilespmem:$0x1B880] =	vst v63  }
0xc2: {  	s13 =	simm.s32 $0xA480;
	s8 =	sadd.s32 s1, s8;
	s23 =	spop (v2sf)  }
0xc3: {  	[tilespmem:s13], [sflag:$0x7] =	stream.linear.gather [hbm4b:s8+s3], $0x400, $0x38;
	[tilespmem:$0x1B880] =	vst v63  }
0xc4: {  	s24 =	sand.u32 $0x7F, s23  }
0xc5: {  	s25 =	sshra.s32 s23, $0x1F;
	p6 =	slt.s32 s23, $0x1;
	p5 =	sne.s32 s24, $0x0  }
0xc6: {  	s10 =	sshrl.u32 s25, $0x19;
	p0 =	por !p6, !p5  }
0xc7: {  	s8 =	sadd.s32 s10, s23;
	s10 =	simm.s32 $0x1;
	p0 =	por !p0, !p0  }
0xc8: {  	s8 =	sshrl.u32 s8, $0x7;
	s10 =	simm.s32 @!p0 $0x0  }
0xc9: {  	s8 =	ssub.s32 s8, s10  }
0xca: {  	s8 =	sshll.u32 s8, $0xA  }
0xcb: {  	s28 =	sshrl.u32 s8, $0x3  }
0xcc: {  	s29 =	sadd.s32 $0x7A1400, s8;
	s10 =	sadd.s32 s1, s28  }
0xcd: {  	[tilespmem:s14], [sflag:$0x8] =	stream.linear.gather [hbm4b:s10+s3], $0x400, $0x38;
	[tilespmem:$0x1B880] =	vst v63  }
0xce: {  	s10 =	sshrl.u32 s29, $0x3  }
0xcf: {  	s30 =	sadd.s32 $0xF42800, s8;
	s10 =	sadd.s32 s1, s10  }
0xd0: {  	[tilespmem:s12], [sflag:$0x8] =	stream.linear.gather [hbm4b:s10+s3], $0x400, $0x38;
	[tilespmem:$0x1B880] =	vst v63  }
0xd1: {  	s8 =	sadd.s32 $0x16E3C00, s8;
	s10 =	sshrl.u32 s30, $0x3  }
0xd2: {  	s8 =	sshrl.u32 s8, $0x3;
	s10 =	sadd.s32 s1, s10  }
0xd3: {  	[tilespmem:s21], [sflag:$0x8] =	stream.linear.gather [hbm4b:s10+s3], $0x400, $0x38;
	[tilespmem:$0x1B880] =	vst v63  }
0xd4: {  	s31 =	simm.s32 $0x0;
	s8 =	sadd.s32 s1, s8  }
0xd5: {  	[tilespmem:s22], [sflag:$0x8] =	stream.linear.gather [hbm4b:s8+s3], $0x400, $0x38;
	[tilespmem:$0x1B880] =	vst v63  }
0xd6: {  	[dreg:$0x12] =	wrdreg s31;
	s10 =	simm.s32 $0xA880;
	s8 =	simm.s32 $0xBC80  }
.LBB2_2:
0xd7: {  	s5 =	rddreg [dreg:$0x12]  }
0xd8: {  	s11 =	sshra.s32 s5, $0x2  }
0xd9: {  	v6 =	vld [tilespmem:s11+$0x0]  }
0xda: {  	v2 =	vld [tilespmem:s11+$0x10]  }
0xdb: {  	v5 =	vld [tilespmem:s11+$0x280]  }
0xdc: {  	[dreg:$0x12] =	wrdreg s5;
	v4 =	vld [tilespmem:s11+$0x480]  }
0xdd: {  	v3 =	vld [tilespmem:s11+$0x680];
	_ =	swait.ge [sflag:s20], $0x400  }
0xde: {  	[sflag:s20] =	ssyncset.done $0x0  }
0xdf: {  	[sflag:s20] =	ssyncadd.s32 $0xFFFFFC00  }
0xe0: {  	_ =	swait.ge [sflag:s20], $0x400  }
0xe1: {  	[sflag:s20] =	ssyncset.done $0x0  }
0xe2: {  	[sflag:s20] =	ssyncadd.s32 $0xFFFFFC00  }
0xe3: {  	_ =	swait.ge [sflag:s20], $0x400  }
0xe4: {  	[sflag:s20] =	ssyncset.done $0x0  }
0xe5: {  	[sflag:s20] =	ssyncadd.s32 $0xFFFFFC00  }
0xe6: {  	_ =	swait.ge [sflag:s20], $0x400  }
0xe7: {  	(v2sf) =	vpush v6, $0x0;
	_ =	sdelay $0xe  }
0xe8: {  	s22 =	spop (v2sf)  }
0xe9: {  	s11 =	sand.u32 $0x7F, s22  }
0xea: {  	v7 =	vor.u32 s11, v0  }
0xeb: {  	v8 =	vor.u32 s11, v1;
	_ =	sdelay $0x1  }
0xec: {  	[sflag:s20] =	ssyncset.done $0x0  }
0xed: {  	s30 =	simm.s32 $0x3880;
	[sflag:s20] =	ssyncadd.s32 $0xFFFFFC00  }
0xee: {  	v9 =	vbroadcast v5, $0x0;
	v7 =	vld.idx.msk [tilespmem:v7+s30+$0x0], $0xffff  }
0xef: {  	v8 =	vld.idx.msk [tilespmem:v8+s30+$0x0], $0xffff  }
0xf0: {  	v10 =	vadd.s32 v0, v9  }
0xf1: {  	v9 =	vadd.s32 v1, v9;
	(v2sf) =	vpush v6, $0x8;
	_ =	sdelay $0x1  }
0xf2: {  	[tilespmem:s8+$0xFFFFFC00] =	vst v7  }
0xf3: {  	[tilespmem:s8+$0xFFFFFC10] =	vst v8  }
0xf4: {  	v47 =	vbroadcast v4, $0x0;
	v7 =	vld.idx.msk [tilespmem:v10+s17+$0x0], $0xffff  }
0xf5: {  	v9 =	vld.idx.msk [tilespmem:v9+s17+$0x0], $0xffff  }
0xf6: {  	v48 =	vadd.s32 v0, v47  }
0xf7: {  	v8 =	vadd.s32 v1, v47;
	_ =	sdelay $0x1  }
0xf8: {  	[tilespmem:s8+$0xFFFFFC20] =	vst v7  }
0xf9: {  	[tilespmem:s8+$0xFFFFFC30] =	vst v9  }
0xfa: {  	v49 =	vbroadcast v3, $0x0;
	v7 =	vld.idx.msk [tilespmem:v48+s18+$0x0], $0xffff  }
0xfb: {  	v8 =	vld.idx.msk [tilespmem:v8+s18+$0x0], $0xffff  }
0xfc: {  	v50 =	vadd.s32 v0, v49  }
0xfd: {  	v9 =	vadd.s32 v1, v49  }
0xfe: {  	s23 =	spop (v2sf)  }
0xff: {  	s31 =	sand.u32 $0x7F, s23;
	[tilespmem:s8+$0xFFFFFC40] =	vst v7  }
0x100: {  	s12 =	sshra.s32 s23, $0x1F;
	p0 =	slt.s32 s23, $0x1;
	p1 =	sne.s32 s31, $0x0;
	[tilespmem:s8+$0xFFFFFC50] =	vst v8  }
0x101: {  	s12 =	sshrl.u32 s12, $0x19;
	p0 =	por !p0, !p1;
	v7 =	vld.idx.msk [tilespmem:v50+s19+$0x0], $0xffff  }
0x102: {  	s11 =	sadd.s32 s12, s23;
	s12 =	simm.s32 $0x1;
	p0 =	por !p0, !p0;
	v8 =	vld.idx.msk [tilespmem:v9+s19+$0x0], $0xffff  }
0x103: {  	s11 =	sshrl.u32 s11, $0x7;
	s12 =	simm.s32 @!p0 $0x0  }
0x104: {  	s11 =	ssub.s32 s11, s12  }
0x105: {  	s11 =	sshll.u32 s11, $0xA  }
0x106: {  	s24 =	sshrl.u32 s11, $0x3;
	[tilespmem:s8+$0xFFFFFC60] =	vst v7  }
0x107: {  	s25 =	sadd.s32 $0x7A1400, s11;
	s12 =	sadd.s32 s1, s24;
	[tilespmem:s8+$0xFFFFFC70] =	vst v8  }
0x108: {  	[tilespmem:s30], [sflag:$0x1] =	stream.linear.gather [hbm4b:s12+s3], $0x400, $0x38;
	[tilespmem:$0x1B880] =	vst v63  }
0x109: {  	s12 =	sshrl.u32 s25, $0x3  }
0x10a: {  	s14 =	simm.s32 $0x3C80;
	s28 =	sadd.s32 $0xF42800, s11;
	s12 =	sadd.s32 s1, s12  }
0x10b: {  	[tilespmem:s14], [sflag:$0x1] =	stream.linear.gather [hbm4b:s12+s3], $0x400, $0x38;
	[tilespmem:$0x1B880] =	vst v63  }
0x10c: {  	s11 =	sadd.s32 $0x16E3C00, s11;
	s12 =	sshrl.u32 s28, $0x3  }
0x10d: {  	s5 =	simm.s32 $0x4080;
	s11 =	sshrl.u32 s11, $0x3;
	s12 =	sadd.s32 s1, s12  }
0x10e: {  	[tilespmem:s5], [sflag:$0x1] =	stream.linear.gather [hbm4b:s12+s3], $0x400, $0x38;
	[tilespmem:$0x1B880] =	vst v63  }
0x10f: {  	s9 =	simm.s32 $0x4480;
	s11 =	sadd.s32 s1, s11  }
0x110: {  	[tilespmem:s9], [sflag:$0x1] =	stream.linear.gather [hbm4b:s11+s3], $0x400, $0x38;
	[tilespmem:$0x1B880] =	vst v63  }
0x111: {  	_ =	swait.ge [sflag:s0], $0x400  }
0x112: {  	[sflag:s0] =	ssyncset.done $0x0  }
0x113: {  	[sflag:s0] =	ssyncadd.s32 $0xFFFFFC00  }
0x114: {  	_ =	swait.ge [sflag:s0], $0x400  }
0x115: {  	[sflag:s0] =	ssyncset.done $0x0  }
0x116: {  	[sflag:s0] =	ssyncadd.s32 $0xFFFFFC00  }
0x117: {  	_ =	swait.ge [sflag:s0], $0x400  }
0x118: {  	[sflag:s0] =	ssyncset.done $0x0  }
0x119: {  	[sflag:s0] =	ssyncadd.s32 $0xFFFFFC00  }
0x11a: {  	_ =	swait.ge [sflag:s0], $0x400  }
0x11b: {  	(v2sf) =	vpush v6, $0x1;
	_ =	sdelay $0xe  }
0x11c: {  	s13 =	spop (v2sf)  }
0x11d: {  	s11 =	sand.u32 $0x7F, s13  }
0x11e: {  	v51 =	vor.u32 s11, v0  }
0x11f: {  	v52 =	vor.u32 s11, v1;
	_ =	sdelay $0x1  }
0x120: {  	[sflag:s0] =	ssyncset.done $0x0  }
0x121: {  	s5 =	simm.s32 $0x4880;
	[sflag:s0] =	ssyncadd.s32 $0xFFFFFC00  }
0x122: {  	v53 =	vbroadcast v5, $0x1;
	v7 =	vld.idx.msk [tilespmem:v51+s5+$0x0], $0xffff  }
0x123: {  	v8 =	vld.idx.msk [tilespmem:v52+s5+$0x0], $0xffff  }
0x124: {  	v54 =	vadd.s32 v0, v53  }
0x125: {  	v9 =	vadd.s32 v1, v53;
	(v2sf) =	vpush v6, $0x9;
	_ =	sdelay $0x1  }
0x126: {  	[tilespmem:s8+$0xFFFFFC80] =	vst v7  }
0x127: {  	[tilespmem:s8+$0xFFFFFC90] =	vst v8  }
0x128: {  	v55 =	vbroadcast v4, $0x1;
	v7 =	vld.idx.msk [tilespmem:v54+s17+$0x0], $0xffff  }
0x129: {  	v9 =	vld.idx.msk [tilespmem:v9+s17+$0x0], $0xffff  }
0x12a: {  	v56 =	vadd.s32 v0, v55  }
0x12b: {  	v8 =	vadd.s32 v1, v55;
	_ =	sdelay $0x1  }
0x12c: {  	[tilespmem:s8+$0xFFFFFCA0] =	vst v7  }
0x12d: {  	[tilespmem:s8+$0xFFFFFCB0] =	vst v9  }
0x12e: {  	v57 =	vbroadcast v3, $0x1;
	v7 =	vld.idx.msk [tilespmem:v56+s18+$0x0], $0xffff  }
0x12f: {  	v8 =	vld.idx.msk [tilespmem:v8+s18+$0x0], $0xffff  }
0x130: {  	v58 =	vadd.s32 v0, v57  }
0x131: {  	v9 =	vadd.s32 v1, v57  }
0x132: {  	s14 =	spop (v2sf)  }
0x133: {  	s29 =	sand.u32 $0x7F, s14;
	[tilespmem:s8+$0xFFFFFCC0] =	vst v7  }
0x134: {  	s21 =	sshra.s32 s14, $0x1F;
	p5 =	slt.s32 s14, $0x1;
	p6 =	sne.s32 s29, $0x0;
	[tilespmem:s8+$0xFFFFFCD0] =	vst v8  }
0x135: {  	s12 =	sshrl.u32 s21, $0x19;
	p0 =	por !p5, !p6;
	v7 =	vld.idx.msk [tilespmem:v58+s19+$0x0], $0xffff  }
0x136: {  	s11 =	sadd.s32 s12, s14;
	s12 =	simm.s32 $0x1;
	p0 =	por !p0, !p0;
	v8 =	vld.idx.msk [tilespmem:v9+s19+$0x0], $0xffff  }
0x137: {  	s11 =	sshrl.u32 s11, $0x7;
	s12 =	simm.s32 @!p0 $0x0  }
0x138: {  	s11 =	ssub.s32 s11, s12  }
0x139: {  	s11 =	sshll.u32 s11, $0xA  }
0x13a: {  	s22 =	sshrl.u32 s11, $0x3;
	[tilespmem:s8+$0xFFFFFCE0] =	vst v7  }
0x13b: {  	s23 =	sadd.s32 $0x7A1400, s11;
	s12 =	sadd.s32 s1, s22;
	[tilespmem:s8+$0xFFFFFCF0] =	vst v8  }
0x13c: {  	[tilespmem:s5], [sflag:$0x2] =	stream.linear.gather [hbm4b:s12+s3], $0x400, $0x38;
	[tilespmem:$0x1B880] =	vst v63  }
0x13d: {  	s12 =	sshrl.u32 s23, $0x3  }
0x13e: {  	s24 =	simm.s32 $0x4C80;
	s25 =	sadd.s32 $0xF42800, s11;
	s12 =	sadd.s32 s1, s12  }
0x13f: {  	[tilespmem:s24], [sflag:$0x2] =	stream.linear.gather [hbm4b:s12+s3], $0x400, $0x38;
	[tilespmem:$0x1B880] =	vst v63  }
0x140: {  	s11 =	sadd.s32 $0x16E3C00, s11;
	s12 =	sshrl.u32 s25, $0x3  }
0x141: {  	s28 =	simm.s32 $0x5080;
	s11 =	sshrl.u32 s11, $0x3;
	s12 =	sadd.s32 s1, s12  }
0x142: {  	[tilespmem:s28], [sflag:$0x2] =	stream.linear.gather [hbm4b:s12+s3], $0x400, $0x38;
	[tilespmem:$0x1B880] =	vst v63  }
0x143: {  	s9 =	simm.s32 $0x5480;
	s11 =	sadd.s32 s1, s11  }
0x144: {  	[tilespmem:s9], [sflag:$0x2] =	stream.linear.gather [hbm4b:s11+s3], $0x400, $0x38;
	[tilespmem:$0x1B880] =	vst v63  }
0x145: {  	_ =	swait.ge [sflag:s2], $0x400  }
0x146: {  	[sflag:s2] =	ssyncset.done $0x0  }
0x147: {  	[sflag:s2] =	ssyncadd.s32 $0xFFFFFC00  }
0x148: {  	_ =	swait.ge [sflag:s2], $0x400  }
0x149: {  	[sflag:s2] =	ssyncset.done $0x0  }
0x14a: {  	[sflag:s2] =	ssyncadd.s32 $0xFFFFFC00  }
0x14b: {  	_ =	swait.ge [sflag:s2], $0x400  }
0x14c: {  	[sflag:s2] =	ssyncset.done $0x0  }
0x14d: {  	[sflag:s2] =	ssyncadd.s32 $0xFFFFFC00  }
0x14e: {  	_ =	swait.ge [sflag:s2], $0x400  }
0x14f: {  	(v2sf) =	vpush v6, $0x2;
	_ =	sdelay $0xe  }
0x150: {  	s13 =	spop (v2sf)  }
0x151: {  	s11 =	sand.u32 $0x7F, s13  }
0x152: {  	v59 =	vor.u32 s11, v0  }
0x153: {  	v60 =	vor.u32 s11, v1;
	_ =	sdelay $0x1  }
0x154: {  	[sflag:s2] =	ssyncset.done $0x0  }
0x155: {  	s9 =	simm.s32 $0x5880;
	[sflag:s2] =	ssyncadd.s32 $0xFFFFFC00  }
0x156: {  	v61 =	vbroadcast v5, $0x2;
	v7 =	vld.idx.msk [tilespmem:v59+s9+$0x0], $0xffff  }
0x157: {  	v8 =	vld.idx.msk [tilespmem:v60+s9+$0x0], $0xffff  }
0x158: {  	v62 =	vadd.s32 v0, v61  }
0x159: {  	v9 =	vadd.s32 v1, v61;
	(v2sf) =	vpush v6, $0xA;
	_ =	sdelay $0x1  }
0x15a: {  	[tilespmem:s8+$0xFFFFFD00] =	vst v7  }
0x15b: {  	[tilespmem:s8+$0xFFFFFD10] =	vst v8  }
0x15c: {  	v63 =	vbroadcast v4, $0x2;
	v7 =	vld.idx.msk [tilespmem:v62+s17+$0x0], $0xffff  }
0x15d: {  	v9 =	vld.idx.msk [tilespmem:v9+s17+$0x0], $0xffff  }
0x15e: {  	v12 =	vadd.s32 v0, v63  }
0x15f: {  	v8 =	vadd.s32 v1, v63;
	_ =	sdelay $0x1  }
0x160: {  	[tilespmem:s8+$0xFFFFFD20] =	vst v7  }
0x161: {  	[tilespmem:s8+$0xFFFFFD30] =	vst v9  }
0x162: {  	v13 =	vbroadcast v3, $0x2;
	v7 =	vld.idx.msk [tilespmem:v12+s18+$0x0], $0xffff  }
0x163: {  	v8 =	vld.idx.msk [tilespmem:v8+s18+$0x0], $0xffff  }
0x164: {  	v14 =	vadd.s32 v0, v13  }
0x165: {  	v9 =	vadd.s32 v1, v13  }
0x166: {  	s14 =	spop (v2sf)  }
0x167: {  	s28 =	sand.u32 $0x7F, s14;
	[tilespmem:s8+$0xFFFFFD40] =	vst v7  }
0x168: {  	s21 =	sshra.s32 s14, $0x1F;
	p1 =	slt.s32 s14, $0x1;
	p2 =	sne.s32 s28, $0x0;
	[tilespmem:s8+$0xFFFFFD50] =	vst v8  }
0x169: {  	s12 =	sshrl.u32 s21, $0x19;
	p0 =	por !p1, !p2;
	v7 =	vld.idx.msk [tilespmem:v14+s19+$0x0], $0xffff  }
0x16a: {  	s11 =	sadd.s32 s12, s14;
	s12 =	simm.s32 $0x1;
	p0 =	por !p0, !p0;
	v8 =	vld.idx.msk [tilespmem:v9+s19+$0x0], $0xffff  }
0x16b: {  	s11 =	sshrl.u32 s11, $0x7;
	s12 =	simm.s32 @!p0 $0x0  }
0x16c: {  	s11 =	ssub.s32 s11, s12  }
0x16d: {  	s11 =	sshll.u32 s11, $0xA  }
0x16e: {  	s22 =	sshrl.u32 s11, $0x3;
	[tilespmem:s8+$0xFFFFFD60] =	vst v7  }
0x16f: {  	s23 =	sadd.s32 $0x7A1400, s11;
	s12 =	sadd.s32 s1, s22;
	[tilespmem:s8+$0xFFFFFD70] =	vst v8  }
0x170: {  	[tilespmem:s9], [sflag:$0x3] =	stream.linear.gather [hbm4b:s12+s3], $0x400, $0x38;
	[tilespmem:$0x1B880] =	vst v63  }
0x171: {  	s12 =	sshrl.u32 s23, $0x3  }
0x172: {  	s24 =	simm.s32 $0x5C80;
	s25 =	sadd.s32 $0xF42800, s11;
	s12 =	sadd.s32 s1, s12  }
0x173: {  	[tilespmem:s24], [sflag:$0x3] =	stream.linear.gather [hbm4b:s12+s3], $0x400, $0x38;
	[tilespmem:$0x1B880] =	vst v63  }
0x174: {  	s11 =	sadd.s32 $0x16E3C00, s11;
	s12 =	sshrl.u32 s25, $0x3  }
0x175: {  	s13 =	simm.s32 $0x6080;
	s11 =	sshrl.u32 s11, $0x3;
	s12 =	sadd.s32 s1, s12  }
0x176: {  	[tilespmem:s13], [sflag:$0x3] =	stream.linear.gather [hbm4b:s12+s3], $0x400, $0x38;
	[tilespmem:$0x1B880] =	vst v63  }
0x177: {  	s14 =	simm.s32 $0x6480;
	s11 =	sadd.s32 s1, s11  }
0x178: {  	[tilespmem:s14], [sflag:$0x3] =	stream.linear.gather [hbm4b:s11+s3], $0x400, $0x38;
	[tilespmem:$0x1B880] =	vst v63  }
0x179: {  	_ =	swait.ge [sflag:s15], $0x400  }
0x17a: {  	[sflag:s15] =	ssyncset.done $0x0  }
0x17b: {  	[sflag:s15] =	ssyncadd.s32 $0xFFFFFC00  }
0x17c: {  	_ =	swait.ge [sflag:s15], $0x400  }
0x17d: {  	[sflag:s15] =	ssyncset.done $0x0  }
0x17e: {  	[sflag:s15] =	ssyncadd.s32 $0xFFFFFC00  }
0x17f: {  	_ =	swait.ge [sflag:s15], $0x400  }
0x180: {  	[sflag:s15] =	ssyncset.done $0x0  }
0x181: {  	[sflag:s15] =	ssyncadd.s32 $0xFFFFFC00  }
0x182: {  	_ =	swait.ge [sflag:s15], $0x400  }
0x183: {  	(v2sf) =	vpush v6, $0x3;
	_ =	sdelay $0xe  }
0x184: {  	s21 =	spop (v2sf)  }
0x185: {  	s11 =	sand.u32 $0x7F, s21  }
0x186: {  	v15 =	vor.u32 s11, v0  }
0x187: {  	v16 =	vor.u32 s11, v1;
	_ =	sdelay $0x1  }
0x188: {  	[sflag:s15] =	ssyncset.done $0x0  }
0x189: {  	s13 =	simm.s32 $0x6880;
	[sflag:s15] =	ssyncadd.s32 $0xFFFFFC00  }
0x18a: {  	v17 =	vbroadcast v5, $0x3;
	v7 =	vld.idx.msk [tilespmem:v15+s13+$0x0], $0xffff  }
0x18b: {  	v8 =	vld.idx.msk [tilespmem:v16+s13+$0x0], $0xffff  }
0x18c: {  	v18 =	vadd.s32 v0, v17  }
0x18d: {  	v9 =	vadd.s32 v1, v17;
	(v2sf) =	vpush v6, $0xB;
	_ =	sdelay $0x1  }
0x18e: {  	[tilespmem:s8+$0xFFFFFD80] =	vst v7  }
0x18f: {  	[tilespmem:s8+$0xFFFFFD90] =	vst v8  }
0x190: {  	v19 =	vbroadcast v4, $0x3;
	v7 =	vld.idx.msk [tilespmem:v18+s17+$0x0], $0xffff  }
0x191: {  	v9 =	vld.idx.msk [tilespmem:v9+s17+$0x0], $0xffff  }
0x192: {  	v20 =	vadd.s32 v0, v19  }
0x193: {  	v8 =	vadd.s32 v1, v19;
	_ =	sdelay $0x1  }
0x194: {  	[tilespmem:s8+$0xFFFFFDA0] =	vst v7  }
0x195: {  	[tilespmem:s8+$0xFFFFFDB0] =	vst v9  }
0x196: {  	v21 =	vbroadcast v3, $0x3;
	v7 =	vld.idx.msk [tilespmem:v20+s18+$0x0], $0xffff  }
0x197: {  	v8 =	vld.idx.msk [tilespmem:v8+s18+$0x0], $0xffff  }
0x198: {  	v22 =	vadd.s32 v0, v21  }
0x199: {  	v9 =	vadd.s32 v1, v21  }
0x19a: {  	s22 =	spop (v2sf)  }
0x19b: {  	s24 =	sand.u32 $0x7F, s22;
	[tilespmem:s8+$0xFFFFFDC0] =	vst v7  }
0x19c: {  	s23 =	sshra.s32 s22, $0x1F;
	p3 =	slt.s32 s22, $0x1;
	p4 =	sne.s32 s24, $0x0;
	[tilespmem:s8+$0xFFFFFDD0] =	vst v8  }
0x19d: {  	s12 =	sshrl.u32 s23, $0x19;
	p0 =	por !p3, !p4;
	v7 =	vld.idx.msk [tilespmem:v22+s19+$0x0], $0xffff  }
0x19e: {  	s11 =	sadd.s32 s12, s22;
	s12 =	simm.s32 $0x1;
	p0 =	por !p0, !p0;
	v8 =	vld.idx.msk [tilespmem:v9+s19+$0x0], $0xffff  }
0x19f: {  	s11 =	sshrl.u32 s11, $0x7;
	s12 =	simm.s32 @!p0 $0x0  }
0x1a0: {  	s11 =	ssub.s32 s11, s12  }
0x1a1: {  	s11 =	sshll.u32 s11, $0xA  }
0x1a2: {  	s25 =	sshrl.u32 s11, $0x3;
	[tilespmem:s8+$0xFFFFFDE0] =	vst v7  }
0x1a3: {  	s14 =	sadd.s32 $0x7A1400, s11;
	s12 =	sadd.s32 s1, s25;
	[tilespmem:s8+$0xFFFFFDF0] =	vst v8  }
0x1a4: {  	[tilespmem:s13], [sflag:$0x4] =	stream.linear.gather [hbm4b:s12+s3], $0x400, $0x38;
	[tilespmem:$0x1B880] =	vst v63  }
0x1a5: {  	s12 =	sshrl.u32 s14, $0x3  }
0x1a6: {  	s21 =	simm.s32 $0x6C80;
	s22 =	sadd.s32 $0xF42800, s11;
	s12 =	sadd.s32 s1, s12  }
0x1a7: {  	[tilespmem:s21], [sflag:$0x4] =	stream.linear.gather [hbm4b:s12+s3], $0x400, $0x38;
	[tilespmem:$0x1B880] =	vst v63  }
0x1a8: {  	s11 =	sadd.s32 $0x16E3C00, s11;
	s12 =	sshrl.u32 s22, $0x3  }
0x1a9: {  	s23 =	simm.s32 $0x7080;
	s11 =	sshrl.u32 s11, $0x3;
	s12 =	sadd.s32 s1, s12  }
0x1aa: {  	[tilespmem:s23], [sflag:$0x4] =	stream.linear.gather [hbm4b:s12+s3], $0x400, $0x38;
	[tilespmem:$0x1B880] =	vst v63  }
0x1ab: {  	s25 =	simm.s32 $0x7480;
	s11 =	sadd.s32 s1, s11  }
0x1ac: {  	[tilespmem:s25], [sflag:$0x4] =	stream.linear.gather [hbm4b:s11+s3], $0x400, $0x38;
	[tilespmem:$0x1B880] =	vst v63  }
0x1ad: {  	_ =	swait.ge [sflag:s16], $0x400  }
0x1ae: {  	[sflag:s16] =	ssyncset.done $0x0  }
0x1af: {  	[sflag:s16] =	ssyncadd.s32 $0xFFFFFC00  }
0x1b0: {  	_ =	swait.ge [sflag:s16], $0x400  }
0x1b1: {  	[sflag:s16] =	ssyncset.done $0x0  }
0x1b2: {  	[sflag:s16] =	ssyncadd.s32 $0xFFFFFC00  }
0x1b3: {  	_ =	swait.ge [sflag:s16], $0x400  }
0x1b4: {  	[sflag:s16] =	ssyncset.done $0x0  }
0x1b5: {  	[sflag:s16] =	ssyncadd.s32 $0xFFFFFC00  }
0x1b6: {  	_ =	swait.ge [sflag:s16], $0x400  }
0x1b7: {  	(v2sf) =	vpush v6, $0x4;
	_ =	sdelay $0xe  }
0x1b8: {  	s14 =	spop (v2sf)  }
0x1b9: {  	s11 =	sand.u32 $0x7F, s14  }
0x1ba: {  	v23 =	vor.u32 s11, v0  }
0x1bb: {  	v24 =	vor.u32 s11, v1;
	_ =	sdelay $0x1  }
0x1bc: {  	[sflag:s16] =	ssyncset.done $0x0  }
0x1bd: {  	[sflag:s16] =	ssyncadd.s32 $0xFFFFFC00  }
0x1be: {  	v25 =	vbroadcast v5, $0x4;
	v7 =	vld.idx.msk [tilespmem:v23+s26+$0x0], $0xffff  }
0x1bf: {  	v8 =	vld.idx.msk [tilespmem:v24+s26+$0x0], $0xffff  }
0x1c0: {  	v26 =	vadd.s32 v0, v25  }
0x1c1: {  	v9 =	vadd.s32 v1, v25;
	(v2sf) =	vpush v6, $0xC;
	_ =	sdelay $0x1  }
0x1c2: {  	[tilespmem:s8+$0xFFFFFE00] =	vst v7  }
0x1c3: {  	[tilespmem:s8+$0xFFFFFE10] =	vst v8  }
0x1c4: {  	v27 =	vbroadcast v4, $0x4;
	v7 =	vld.idx.msk [tilespmem:v26+s17+$0x0], $0xffff  }
0x1c5: {  	v9 =	vld.idx.msk [tilespmem:v9+s17+$0x0], $0xffff  }
0x1c6: {  	v28 =	vadd.s32 v0, v27  }
0x1c7: {  	v8 =	vadd.s32 v1, v27;
	_ =	sdelay $0x1  }
0x1c8: {  	[tilespmem:s8+$0xFFFFFE20] =	vst v7  }
0x1c9: {  	[tilespmem:s8+$0xFFFFFE30] =	vst v9  }
0x1ca: {  	v29 =	vbroadcast v3, $0x4;
	v7 =	vld.idx.msk [tilespmem:v28+s18+$0x0], $0xffff  }
0x1cb: {  	v8 =	vld.idx.msk [tilespmem:v8+s18+$0x0], $0xffff  }
0x1cc: {  	v30 =	vadd.s32 v0, v29  }
0x1cd: {  	v9 =	vadd.s32 v1, v29  }
0x1ce: {  	s21 =	spop (v2sf)  }
0x1cf: {  	s23 =	sand.u32 $0x7F, s21;
	[tilespmem:s8+$0xFFFFFE40] =	vst v7  }
0x1d0: {  	s22 =	sshra.s32 s21, $0x1F;
	p5 =	slt.s32 s21, $0x1;
	p6 =	sne.s32 s23, $0x0;
	[tilespmem:s8+$0xFFFFFE50] =	vst v8  }
0x1d1: {  	s12 =	sshrl.u32 s22, $0x19;
	p0 =	por !p5, !p6;
	v7 =	vld.idx.msk [tilespmem:v30+s19+$0x0], $0xffff  }
0x1d2: {  	s11 =	sadd.s32 s12, s21;
	s12 =	simm.s32 $0x1;
	p0 =	por !p0, !p0;
	v8 =	vld.idx.msk [tilespmem:v9+s19+$0x0], $0xffff  }
0x1d3: {  	s11 =	sshrl.u32 s11, $0x7;
	s12 =	simm.s32 @!p0 $0x0  }
0x1d4: {  	s11 =	ssub.s32 s11, s12  }
0x1d5: {  	s11 =	sshll.u32 s11, $0xA  }
0x1d6: {  	s25 =	sshrl.u32 s11, $0x3;
	[tilespmem:s8+$0xFFFFFE60] =	vst v7  }
0x1d7: {  	s14 =	sadd.s32 $0x7A1400, s11;
	s12 =	sadd.s32 s1, s25;
	[tilespmem:s8+$0xFFFFFE70] =	vst v8  }
0x1d8: {  	[tilespmem:s26], [sflag:$0x5] =	stream.linear.gather [hbm4b:s12+s3], $0x400, $0x38;
	[tilespmem:$0x1B880] =	vst v63  }
0x1d9: {  	s12 =	sshrl.u32 s14, $0x3  }
0x1da: {  	s21 =	simm.s32 $0x7C80;
	s22 =	sadd.s32 $0xF42800, s11;
	s12 =	sadd.s32 s1, s12  }
0x1db: {  	[tilespmem:s21], [sflag:$0x5] =	stream.linear.gather [hbm4b:s12+s3], $0x400, $0x38;
	[tilespmem:$0x1B880] =	vst v63  }
0x1dc: {  	s11 =	sadd.s32 $0x16E3C00, s11;
	s12 =	sshrl.u32 s22, $0x3  }
0x1dd: {  	s25 =	simm.s32 $0x8080;
	s11 =	sshrl.u32 s11, $0x3;
	s12 =	sadd.s32 s1, s12  }
0x1de: {  	[tilespmem:s25], [sflag:$0x5] =	stream.linear.gather [hbm4b:s12+s3], $0x400, $0x38;
	[tilespmem:$0x1B880] =	vst v63  }
0x1df: {  	s11 =	sadd.s32 s1, s11;
	s14 =	simm.s32 $0x8480  }
0x1e0: {  	[tilespmem:s14], [sflag:$0x5] =	stream.linear.gather [hbm4b:s11+s3], $0x400, $0x38;
	[tilespmem:$0x1B880] =	vst v63  }
0x1e1: {  	_ =	swait.ge [sflag:s4], $0x400  }
0x1e2: {  	[sflag:s4] =	ssyncset.done $0x0  }
0x1e3: {  	[sflag:s4] =	ssyncadd.s32 $0xFFFFFC00  }
0x1e4: {  	_ =	swait.ge [sflag:s4], $0x400  }
0x1e5: {  	[sflag:s4] =	ssyncset.done $0x0  }
0x1e6: {  	[sflag:s4] =	ssyncadd.s32 $0xFFFFFC00  }
0x1e7: {  	_ =	swait.ge [sflag:s4], $0x400  }
0x1e8: {  	[sflag:s4] =	ssyncset.done $0x0  }
0x1e9: {  	[sflag:s4] =	ssyncadd.s32 $0xFFFFFC00  }
0x1ea: {  	_ =	swait.ge [sflag:s4], $0x400  }
0x1eb: {  	(v2sf) =	vpush v6, $0x5;
	_ =	sdelay $0xe  }
0x1ec: {  	s21 =	spop (v2sf)  }
0x1ed: {  	s11 =	sand.u32 $0x7F, s21  }
0x1ee: {  	v31 =	vor.u32 s11, v0  }
0x1ef: {  	v32 =	vor.u32 s11, v1;
	_ =	sdelay $0x1  }
0x1f0: {  	[sflag:s4] =	ssyncset.done $0x0  }
0x1f1: {  	s22 =	simm.s32 $0x8880;
	[sflag:s4] =	ssyncadd.s32 $0xFFFFFC00  }
0x1f2: {  	v33 =	vbroadcast v5, $0x5;
	v7 =	vld.idx.msk [tilespmem:v31+s22+$0x0], $0xffff  }
0x1f3: {  	v8 =	vld.idx.msk [tilespmem:v32+s22+$0x0], $0xffff  }
0x1f4: {  	v34 =	vadd.s32 v0, v33  }
0x1f5: {  	v9 =	vadd.s32 v1, v33;
	(v2sf) =	vpush v6, $0xD;
	_ =	sdelay $0x1  }
0x1f6: {  	[tilespmem:s8+$0xFFFFFE80] =	vst v7  }
0x1f7: {  	[tilespmem:s8+$0xFFFFFE90] =	vst v8  }
0x1f8: {  	v35 =	vbroadcast v4, $0x5;
	v7 =	vld.idx.msk [tilespmem:v34+s17+$0x0], $0xffff  }
0x1f9: {  	v9 =	vld.idx.msk [tilespmem:v9+s17+$0x0], $0xffff  }
0x1fa: {  	v36 =	vadd.s32 v0, v35  }
0x1fb: {  	v8 =	vadd.s32 v1, v35;
	_ =	sdelay $0x1  }
0x1fc: {  	[tilespmem:s8+$0xFFFFFEA0] =	vst v7  }
0x1fd: {  	[tilespmem:s8+$0xFFFFFEB0] =	vst v9  }
0x1fe: {  	v37 =	vbroadcast v3, $0x5;
	v7 =	vld.idx.msk [tilespmem:v36+s18+$0x0], $0xffff  }
0x1ff: {  	v8 =	vld.idx.msk [tilespmem:v8+s18+$0x0], $0xffff  }
0x200: {  	v38 =	vadd.s32 v0, v37  }
0x201: {  	v9 =	vadd.s32 v1, v37  }
0x202: {  	s25 =	spop (v2sf)  }
0x203: {  	s22 =	sand.u32 $0x7F, s25;
	[tilespmem:s8+$0xFFFFFEC0] =	vst v7  }
0x204: {  	s21 =	sshra.s32 s25, $0x1F;
	p1 =	slt.s32 s25, $0x1;
	p2 =	sne.s32 s22, $0x0;
	[tilespmem:s8+$0xFFFFFED0] =	vst v8  }
0x205: {  	s12 =	sshrl.u32 s21, $0x19;
	p0 =	por !p1, !p2;
	v7 =	vld.idx.msk [tilespmem:v38+s19+$0x0], $0xffff  }
0x206: {  	s11 =	sadd.s32 s12, s25;
	s12 =	simm.s32 $0x1;
	p0 =	por !p0, !p0;
	v8 =	vld.idx.msk [tilespmem:v9+s19+$0x0], $0xffff  }
0x207: {  	s11 =	sshrl.u32 s11, $0x7;
	s12 =	simm.s32 @!p0 $0x0  }
0x208: {  	s11 =	ssub.s32 s11, s12  }
0x209: {  	s11 =	sshll.u32 s11, $0xA  }
0x20a: {  	s25 =	sshrl.u32 s11, $0x3;
	[tilespmem:s8+$0xFFFFFEE0] =	vst v7  }
0x20b: {  	s14 =	simm.s32 $0x8880;
	s21 =	sadd.s32 $0x7A1400, s11;
	s12 =	sadd.s32 s1, s25;
	[tilespmem:s8+$0xFFFFFEF0] =	vst v8  }
0x20c: {  	[tilespmem:s14], [sflag:$0x6] =	stream.linear.gather [hbm4b:s12+s3], $0x400, $0x38;
	[tilespmem:$0x1B880] =	vst v63  }
0x20d: {  	s12 =	sshrl.u32 s21, $0x3  }
0x20e: {  	s25 =	simm.s32 $0x8C80;
	s14 =	sadd.s32 $0xF42800, s11;
	s12 =	sadd.s32 s1, s12  }
0x20f: {  	[tilespmem:s25], [sflag:$0x6] =	stream.linear.gather [hbm4b:s12+s3], $0x400, $0x38;
	[tilespmem:$0x1B880] =	vst v63  }
0x210: {  	s11 =	sadd.s32 $0x16E3C00, s11;
	s12 =	sshrl.u32 s14, $0x3  }
0x211: {  	s21 =	simm.s32 $0x9080;
	s11 =	sshrl.u32 s11, $0x3;
	s12 =	sadd.s32 s1, s12  }
0x212: {  	[tilespmem:s21], [sflag:$0x6] =	stream.linear.gather [hbm4b:s12+s3], $0x400, $0x38;
	[tilespmem:$0x1B880] =	vst v63  }
0x213: {  	s11 =	sadd.s32 s1, s11;
	s25 =	simm.s32 $0x9480  }
0x214: {  	[tilespmem:s25], [sflag:$0x6] =	stream.linear.gather [hbm4b:s11+s3], $0x400, $0x38;
	[tilespmem:$0x1B880] =	vst v63  }
0x215: {  	_ =	swait.ge [sflag:s6], $0x400  }
0x216: {  	[sflag:s6] =	ssyncset.done $0x0  }
0x217: {  	[sflag:s6] =	ssyncadd.s32 $0xFFFFFC00  }
0x218: {  	_ =	swait.ge [sflag:s6], $0x400  }
0x219: {  	[sflag:s6] =	ssyncset.done $0x0  }
0x21a: {  	[sflag:s6] =	ssyncadd.s32 $0xFFFFFC00  }
0x21b: {  	_ =	swait.ge [sflag:s6], $0x400  }
0x21c: {  	[sflag:s6] =	ssyncset.done $0x0  }
0x21d: {  	[sflag:s6] =	ssyncadd.s32 $0xFFFFFC00  }
0x21e: {  	_ =	swait.ge [sflag:s6], $0x400  }
0x21f: {  	(v2sf) =	vpush v6, $0x6;
	_ =	sdelay $0xe  }
0x220: {  	s14 =	spop (v2sf)  }
0x221: {  	s11 =	sand.u32 $0x7F, s14  }
0x222: {  	v39 =	vor.u32 s11, v0  }
0x223: {  	v40 =	vor.u32 s11, v1;
	_ =	sdelay $0x1  }
0x224: {  	[sflag:s6] =	ssyncset.done $0x0  }
0x225: {  	s21 =	simm.s32 $0x9880;
	[sflag:s6] =	ssyncadd.s32 $0xFFFFFC00  }
0x226: {  	v41 =	vbroadcast v5, $0x6;
	v7 =	vld.idx.msk [tilespmem:v39+s21+$0x0], $0xffff  }
0x227: {  	v8 =	vld.idx.msk [tilespmem:v40+s21+$0x0], $0xffff  }
0x228: {  	v42 =	vadd.s32 v0, v41  }
0x229: {  	v9 =	vadd.s32 v1, v41;
	(v2sf) =	vpush v6, $0xE;
	_ =	sdelay $0x1  }
0x22a: {  	[tilespmem:s8+$0xFFFFFF00] =	vst v7  }
0x22b: {  	[tilespmem:s8+$0xFFFFFF10] =	vst v8  }
0x22c: {  	v43 =	vbroadcast v4, $0x6;
	v7 =	vld.idx.msk [tilespmem:v42+s17+$0x0], $0xffff  }
0x22d: {  	v9 =	vld.idx.msk [tilespmem:v9+s17+$0x0], $0xffff  }
0x22e: {  	v44 =	vadd.s32 v0, v43  }
0x22f: {  	v8 =	vadd.s32 v1, v43;
	_ =	sdelay $0x1  }
0x230: {  	[tilespmem:s8+$0xFFFFFF20] =	vst v7  }
0x231: {  	[tilespmem:s8+$0xFFFFFF30] =	vst v9  }
0x232: {  	v45 =	vbroadcast v3, $0x6;
	v7 =	vld.idx.msk [tilespmem:v44+s18+$0x0], $0xffff  }
0x233: {  	v8 =	vld.idx.msk [tilespmem:v8+s18+$0x0], $0xffff  }
0x234: {  	v46 =	vadd.s32 v0, v45  }
0x235: {  	v9 =	vadd.s32 v1, v45  }
0x236: {  	s25 =	spop (v2sf)  }
0x237: {  	s12 =	sand.u32 $0x7F, s25;
	[tilespmem:s8+$0xFFFFFF40] =	vst v7  }
0x238: {  	s21 =	sshra.s32 s25, $0x1F;
	p3 =	slt.s32 s25, $0x1;
	p4 =	sne.s32 s12, $0x0;
	[tilespmem:s8+$0xFFFFFF50] =	vst v8  }
0x239: {  	s21 =	sshrl.u32 s21, $0x19;
	p0 =	por !p3, !p4;
	v7 =	vld.idx.msk [tilespmem:v46+s19+$0x0], $0xffff  }
0x23a: {  	s11 =	sadd.s32 s21, s25;
	s21 =	simm.s32 $0x1;
	p0 =	por !p0, !p0;
	v8 =	vld.idx.msk [tilespmem:v9+s19+$0x0], $0xffff  }
0x23b: {  	s11 =	sshrl.u32 s11, $0x7;
	s21 =	simm.s32 @!p0 $0x0  }
0x23c: {  	s11 =	ssub.s32 s11, s21  }
0x23d: {  	s11 =	sshll.u32 s11, $0xA  }
0x23e: {  	s25 =	sshrl.u32 s11, $0x3;
	[tilespmem:s8+$0xFFFFFF60] =	vst v7  }
0x23f: {  	s14 =	simm.s32 $0x9880;
	s21 =	sadd.s32 s1, s25;
	[tilespmem:s8+$0xFFFFFF70] =	vst v8  }
0x240: {  	[tilespmem:s14], [sflag:$0x7] =	stream.linear.gather [hbm4b:s21+s3], $0x400, $0x38;
	[tilespmem:$0x1B880] =	vst v63  }
0x241: {  	s14 =	sadd.s32 $0x7A1400, s11  }
0x242: {  	s21 =	sshrl.u32 s14, $0x3  }
0x243: {  	s25 =	simm.s32 $0x9C80;
	s21 =	sadd.s32 s1, s21  }
0x244: {  	[tilespmem:s25], [sflag:$0x7] =	stream.linear.gather [hbm4b:s21+s3], $0x400, $0x38;
	[tilespmem:$0x1B880] =	vst v63  }
0x245: {  	s25 =	sadd.s32 $0xF42800, s11  }
0x246: {  	s11 =	sadd.s32 $0x16E3C00, s11;
	s21 =	sshrl.u32 s25, $0x3  }
0x247: {  	s14 =	simm.s32 $0xA080;
	s11 =	sshrl.u32 s11, $0x3;
	s21 =	sadd.s32 s1, s21  }
0x248: {  	[tilespmem:s14], [sflag:$0x7] =	stream.linear.gather [hbm4b:s21+s3], $0x400, $0x38;
	[tilespmem:$0x1B880] =	vst v63  }
0x249: {  	s11 =	sadd.s32 s1, s11;
	s14 =	simm.s32 $0xA480  }
0x24a: {  	[tilespmem:s14], [sflag:$0x7] =	stream.linear.gather [hbm4b:s11+s3], $0x400, $0x38;
	[tilespmem:$0x1B880] =	vst v63  }
0x24b: {  	_ =	swait.ge [sflag:s7], $0x400  }
0x24c: {  	[sflag:s7] =	ssyncset.done $0x0  }
0x24d: {  	[sflag:s7] =	ssyncadd.s32 $0xFFFFFC00  }
0x24e: {  	_ =	swait.ge [sflag:s7], $0x400  }
0x24f: {  	[sflag:s7] =	ssyncset.done $0x0  }
0x250: {  	[sflag:s7] =	ssyncadd.s32 $0xFFFFFC00  }
0x251: {  	_ =	swait.ge [sflag:s7], $0x400  }
0x252: {  	[sflag:s7] =	ssyncset.done $0x0  }
0x253: {  	[sflag:s7] =	ssyncadd.s32 $0xFFFFFC00  }
0x254: {  	_ =	swait.ge [sflag:s7], $0x400  }
0x255: {  	(v2sf) =	vpush v6, $0x7;
	_ =	sdelay $0xe  }
0x256: {  	s25 =	spop (v2sf)  }
0x257: {  	s11 =	sand.u32 $0x7F, s25  }
0x258: {  	v47 =	vor.u32 s11, v0  }
0x259: {  	v48 =	vor.u32 s11, v1;
	_ =	sdelay $0x1  }
0x25a: {  	[sflag:s7] =	ssyncset.done $0x0  }
0x25b: {  	[sflag:s7] =	ssyncadd.s32 $0xFFFFFC00  }
0x25c: {  	v49 =	vbroadcast v5, $0x7;
	v7 =	vld.idx.msk [tilespmem:v47+s10+$0x0], $0xffff  }
0x25d: {  	v8 =	vld.idx.msk [tilespmem:v48+s10+$0x0], $0xffff  }
0x25e: {  	v50 =	vadd.s32 v0, v49  }
0x25f: {  	v51 =	vadd.s32 v1, v49;
	(v2sf) =	vpush v6, $0xF;
	_ =	sdelay $0x1  }
0x260: {  	[tilespmem:s8+$0xFFFFFF80] =	vst v7  }
0x261: {  	[tilespmem:s8+$0xFFFFFF90] =	vst v8  }
0x262: {  	v52 =	vbroadcast v4, $0x7;
	v7 =	vld.idx.msk [tilespmem:v50+s17+$0x0], $0xffff  }
0x263: {  	v6 =	vld.idx.msk [tilespmem:v51+s17+$0x0], $0xffff  }
0x264: {  	v53 =	vadd.s32 v0, v52  }
0x265: {  	v8 =	vadd.s32 v1, v52;
	_ =	sdelay $0x1  }
0x266: {  	[tilespmem:s8+$0xFFFFFFA0] =	vst v7  }
0x267: {  	[tilespmem:s8+$0xFFFFFFB0] =	vst v6  }
0x268: {  	v54 =	vbroadcast v3, $0x7;
	v6 =	vld.idx.msk [tilespmem:v53+s18+$0x0], $0xffff  }
0x269: {  	v8 =	vld.idx.msk [tilespmem:v8+s18+$0x0], $0xffff  }
0x26a: {  	v55 =	vadd.s32 v0, v54  }
0x26b: {  	v7 =	vadd.s32 v1, v54  }
0x26c: {  	s21 =	spop (v2sf)  }
0x26d: {  	s11 =	sand.u32 $0x7F, s21;
	[tilespmem:s8+$0xFFFFFFC0] =	vst v6  }
0x26e: {  	s14 =	sshra.s32 s21, $0x1F;
	p5 =	slt.s32 s21, $0x1;
	p6 =	sne.s32 s11, $0x0;
	[tilespmem:s8+$0xFFFFFFD0] =	vst v8  }
0x26f: {  	s25 =	sshrl.u32 s14, $0x19;
	p0 =	por !p5, !p6;
	v6 =	vld.idx.msk [tilespmem:v55+s19+$0x0], $0xffff  }
0x270: {  	s21 =	sadd.s32 s25, s21;
	s25 =	simm.s32 $0x1;
	p0 =	por !p0, !p0;
	v7 =	vld.idx.msk [tilespmem:v7+s19+$0x0], $0xffff  }
0x271: {  	s21 =	sshrl.u32 s21, $0x7;
	s25 =	simm.s32 @!p0 $0x0  }
0x272: {  	s21 =	ssub.s32 s21, s25  }
0x273: {  	s21 =	sshll.u32 s21, $0xA  }
0x274: {  	s14 =	sshrl.u32 s21, $0x3;
	[tilespmem:s8+$0xFFFFFFE0] =	vst v6  }
0x275: {  	s25 =	sadd.s32 s1, s14;
	s14 =	sadd.s32 $0x7A1400, s21;
	[tilespmem:s8+$0xFFFFFFF0] =	vst v7  }
0x276: {  	[tilespmem:s10], [sflag:$0x8] =	stream.linear.gather [hbm4b:s25+s3], $0x400, $0x38;
	[tilespmem:$0x1B880] =	vst v63  }
0x277: {  	s25 =	sshrl.u32 s14, $0x3  }
0x278: {  	s14 =	simm.s32 $0xAC80;
	s25 =	sadd.s32 s1, s25  }
0x279: {  	[tilespmem:s14], [sflag:$0x8] =	stream.linear.gather [hbm4b:s25+s3], $0x400, $0x38;
	[tilespmem:$0x1B880] =	vst v63  }
0x27a: {  	s14 =	sadd.s32 $0xF42800, s21  }
0x27b: {  	s21 =	sadd.s32 $0x16E3C00, s21;
	s25 =	sshrl.u32 s14, $0x3  }
0x27c: {  	s14 =	simm.s32 $0xB080;
	s21 =	sshrl.u32 s21, $0x3;
	s25 =	sadd.s32 s1, s25  }
0x27d: {  	[tilespmem:s14], [sflag:$0x8] =	stream.linear.gather [hbm4b:s25+s3], $0x400, $0x38;
	[tilespmem:$0x1B880] =	vst v63  }
0x27e: {  	s21 =	sadd.s32 s1, s21;
	s25 =	simm.s32 $0xB480  }
0x27f: {  	[tilespmem:s25], [sflag:$0x8] =	stream.linear.gather [hbm4b:s21+s3], $0x400, $0x38;
	[tilespmem:$0x1B880] =	vst v63  }
0x280: {  	_ =	swait.ge [sflag:s20], $0x400  }
0x281: {  	[sflag:s20] =	ssyncset.done $0x0  }
0x282: {  	[sflag:s20] =	ssyncadd.s32 $0xFFFFFC00  }
0x283: {  	_ =	swait.ge [sflag:s20], $0x400  }
0x284: {  	[sflag:s20] =	ssyncset.done $0x0  }
0x285: {  	[sflag:s20] =	ssyncadd.s32 $0xFFFFFC00  }
0x286: {  	_ =	swait.ge [sflag:s20], $0x400  }
0x287: {  	v56 =	vor.u32 s31, v0;
	[sflag:s20] =	ssyncset.done $0x0  }
0x288: {  	v57 =	vor.u32 s31, v1;
	[sflag:s20] =	ssyncadd.s32 $0xFFFFFC00  }
0x289: {  	_ =	swait.ge [sflag:s20], $0x400  }
0x28a: {  	[sflag:s20] =	ssyncset.done $0x0  }
0x28b: {  	[sflag:s20] =	ssyncadd.s32 $0xFFFFFC00  }
0x28c: {  	v58 =	vbroadcast v5, $0x8;
	s21 =	rddreg [dreg:$0x12];
	v6 =	vld.idx.msk [tilespmem:v56+s30+$0x0], $0xffff  }
0x28d: {  	p0 =	seq.s32 s21, $0x7C0;
	v7 =	vld.idx.msk [tilespmem:v57+s30+$0x0], $0xffff  }
0x28e: {  	v59 =	vadd.s32 v0, v58;
	(v2sf) =	vpush @!p0 v2, $0x0  }
0x28f: {  	v8 =	vadd.s32 v1, v58;
	_ =	sdelay $0x1  }
0x290: {  	[tilespmem:s8+$0x0] =	vst v6  }
0x291: {  	[tilespmem:s8+$0x10] =	vst v7  }
0x292: {  	v60 =	vbroadcast v4, $0x8;
	v6 =	vld.idx.msk [tilespmem:v59+s17+$0x0], $0xffff  }
0x293: {  	v8 =	vld.idx.msk [tilespmem:v8+s17+$0x0], $0xffff  }
0x294: {  	v61 =	vadd.s32 v0, v60  }
0x295: {  	v7 =	vadd.s32 v1, v60;
	_ =	sdelay $0x1  }
0x296: {  	[tilespmem:s8+$0x20] =	vst v6  }
0x297: {  	[tilespmem:s8+$0x30] =	vst v8  }
0x298: {  	v62 =	vbroadcast v3, $0x8;
	v6 =	vld.idx.msk [tilespmem:v61+s18+$0x0], $0xffff  }
0x299: {  	v7 =	vld.idx.msk [tilespmem:v7+s18+$0x0], $0xffff  }
0x29a: {  	v63 =	vadd.s32 v0, v62  }
0x29b: {  	v8 =	vadd.s32 v1, v62;
	s21 =	spop @!p0 (v2sf)  }
0x29c: {  	s25 =	sand.u32 @!p0 $0x7F, s21  }
0x29d: {  	p1 =	slt.s32 @!p0 s21, $0x1;
	[tilespmem:s8+$0x40] =	vst v6;
	p2 =	sne.s32 @!p0 s25, $0x0  }
0x29e: {  	[tilespmem:s8+$0x50] =	vst v7;
	s25 =	sshra.s32 @!p0 s21, $0x1F;
	p1 =	por @!p0 !p1, !p2  }
0x29f: {  	v6 =	vld.idx.msk [tilespmem:v63+s19+$0x0], $0xffff;
	s25 =	sshrl.u32 @!p0 s25, $0x19;
	p1 =	por @!p0 !p1, !p1  }
0x2a0: {  	v7 =	vld.idx.msk [tilespmem:v8+s19+$0x0], $0xffff;
	s21 =	sadd.s32 @!p0 s25, s21;
	s25 =	simm.s32 @!p0 $0x1;
	p1 =	por !p1, p0  }
0x2a1: {  	s21 =	sshrl.u32 @!p0 s21, $0x7;
	s25 =	simm.s32 @p1 $0x0  }
0x2a2: {  	s21 =	ssub.s32 @!p0 s21, s25  }
0x2a3: {  	s21 =	sshll.u32 @!p0 s21, $0xA  }
0x2a4: {  	[tilespmem:s8+$0x60] =	vst v6;
	s25 =	sshrl.u32 @!p0 s21, $0x3  }
0x2a5: {  	s31 =	simm.s32 @!p0 $0x0;
	s30 =	simm.s32 @!p0 $0x3880;
	[tilespmem:s8+$0x70] =	vst v7;
	s25 =	sadd.s32 @!p0 s1, s25  }
0x2a6: {  	[tilespmem:s30], [sflag:$0x1] =	stream.linear.gather @!p0 [hbm4b:s25+s31], $0x400, $0x38;
	[tilespmem:$0x1B880] =	vst v63  }
0x2a7: {  	s25 =	sadd.s32 @!p0 $0x7A1400, s21  }
0x2a8: {  	s25 =	sshrl.u32 @!p0 s25, $0x3  }
0x2a9: {  	s30 =	simm.s32 @!p0 $0x3C80;
	s25 =	sadd.s32 @!p0 s1, s25  }
0x2aa: {  	[tilespmem:s30], [sflag:$0x1] =	stream.linear.gather @!p0 [hbm4b:s25+s31], $0x400, $0x38;
	[tilespmem:$0x1B880] =	vst v63  }
0x2ab: {  	s25 =	sadd.s32 @!p0 $0xF42800, s21  }
0x2ac: {  	s21 =	sadd.s32 @!p0 $0x16E3C00, s21;
	s25 =	sshrl.u32 @!p0 s25, $0x3  }
0x2ad: {  	s30 =	simm.s32 @!p0 $0x4080;
	s21 =	sshrl.u32 @!p0 s21, $0x3;
	s25 =	sadd.s32 @!p0 s1, s25  }
0x2ae: {  	[tilespmem:s30], [sflag:$0x1] =	stream.linear.gather @!p0 [hbm4b:s25+s31], $0x400, $0x38;
	[tilespmem:$0x1B880] =	vst v63  }
0x2af: {  	s21 =	sadd.s32 @!p0 s1, s21;
	s25 =	simm.s32 @!p0 $0x4480  }
0x2b0: {  	[tilespmem:s25], [sflag:$0x1] =	stream.linear.gather @!p0 [hbm4b:s21+s31], $0x400, $0x38;
	[tilespmem:$0x1B880] =	vst v63  }
0x2b1: {  	_ =	swait.ge [sflag:s0], $0x400  }
0x2b2: {  	[sflag:s0] =	ssyncset.done $0x0  }
0x2b3: {  	[sflag:s0] =	ssyncadd.s32 $0xFFFFFC00  }
0x2b4: {  	_ =	swait.ge [sflag:s0], $0x400  }
0x2b5: {  	[sflag:s0] =	ssyncset.done $0x0  }
0x2b6: {  	[sflag:s0] =	ssyncadd.s32 $0xFFFFFC00  }
0x2b7: {  	_ =	swait.ge [sflag:s0], $0x400  }
0x2b8: {  	v11 =	vor.u32 s29, v0;
	[sflag:s0] =	ssyncset.done $0x0  }
0x2b9: {  	v12 =	vor.u32 s29, v1;
	[sflag:s0] =	ssyncadd.s32 $0xFFFFFC00  }
0x2ba: {  	_ =	swait.ge [sflag:s0], $0x400  }
0x2bb: {  	[sflag:s0] =	ssyncset.done $0x0  }
0x2bc: {  	[sflag:s0] =	ssyncadd.s32 $0xFFFFFC00  }
0x2bd: {  	v13 =	vbroadcast v5, $0x9;
	v6 =	vld.idx.msk [tilespmem:v11+s5+$0x0], $0xffff  }
0x2be: {  	v7 =	vld.idx.msk [tilespmem:v12+s5+$0x0], $0xffff  }
0x2bf: {  	v14 =	vadd.s32 v0, v13;
	(v2sf) =	vpush @!p0 v2, $0x1  }
0x2c0: {  	v8 =	vadd.s32 v1, v13;
	_ =	sdelay $0x1  }
0x2c1: {  	[tilespmem:s8+$0x80] =	vst v6  }
0x2c2: {  	[tilespmem:s8+$0x90] =	vst v7  }
0x2c3: {  	v15 =	vbroadcast v4, $0x9;
	v6 =	vld.idx.msk [tilespmem:v14+s17+$0x0], $0xffff  }
0x2c4: {  	v8 =	vld.idx.msk [tilespmem:v8+s17+$0x0], $0xffff  }
0x2c5: {  	v16 =	vadd.s32 v0, v15  }
0x2c6: {  	v7 =	vadd.s32 v1, v15;
	_ =	sdelay $0x1  }
0x2c7: {  	[tilespmem:s8+$0xA0] =	vst v6  }
0x2c8: {  	[tilespmem:s8+$0xB0] =	vst v8  }
0x2c9: {  	v17 =	vbroadcast v3, $0x9;
	v6 =	vld.idx.msk [tilespmem:v16+s18+$0x0], $0xffff  }
0x2ca: {  	v7 =	vld.idx.msk [tilespmem:v7+s18+$0x0], $0xffff  }
0x2cb: {  	v18 =	vadd.s32 v0, v17  }
0x2cc: {  	v8 =	vadd.s32 v1, v17;
	s21 =	spop @!p0 (v2sf)  }
0x2cd: {  	s25 =	sand.u32 @!p0 $0x7F, s21  }
0x2ce: {  	p1 =	slt.s32 @!p0 s21, $0x1;
	p2 =	sne.s32 @!p0 s25, $0x0;
	[tilespmem:s8+$0xC0] =	vst v6  }
0x2cf: {  	s25 =	sshra.s32 @!p0 s21, $0x1F;
	p1 =	por @!p0 !p1, !p2;
	[tilespmem:s8+$0xD0] =	vst v7  }
0x2d0: {  	s25 =	sshrl.u32 @!p0 s25, $0x19;
	p1 =	por @!p0 !p1, !p1;
	v6 =	vld.idx.msk [tilespmem:v18+s19+$0x0], $0xffff  }
0x2d1: {  	s21 =	sadd.s32 @!p0 s25, s21;
	s25 =	simm.s32 @!p0 $0x1;
	v7 =	vld.idx.msk [tilespmem:v8+s19+$0x0], $0xffff;
	p1 =	por !p1, p0  }
0x2d2: {  	s21 =	sshrl.u32 @!p0 s21, $0x7;
	s25 =	simm.s32 @p1 $0x0  }
0x2d3: {  	s21 =	ssub.s32 @!p0 s21, s25  }
0x2d4: {  	s21 =	sshll.u32 @!p0 s21, $0xA  }
0x2d5: {  	s25 =	sshrl.u32 @!p0 s21, $0x3;
	[tilespmem:s8+$0xE0] =	vst v6  }
0x2d6: {  	s29 =	simm.s32 @!p0 $0x4880;
	[tilespmem:s8+$0xF0] =	vst v7;
	s25 =	sadd.s32 @!p0 s1, s25  }
0x2d7: {  	[tilespmem:s29], [sflag:$0x2] =	stream.linear.gather @!p0 [hbm4b:s25+s31], $0x400, $0x38;
	[tilespmem:$0x1B880] =	vst v63  }
0x2d8: {  	s25 =	sadd.s32 @!p0 $0x7A1400, s21  }
0x2d9: {  	s25 =	sshrl.u32 @!p0 s25, $0x3  }
0x2da: {  	s29 =	simm.s32 @!p0 $0x4C80;
	s25 =	sadd.s32 @!p0 s1, s25  }
0x2db: {  	[tilespmem:s29], [sflag:$0x2] =	stream.linear.gather @!p0 [hbm4b:s25+s31], $0x400, $0x38;
	[tilespmem:$0x1B880] =	vst v63  }
0x2dc: {  	s25 =	sadd.s32 @!p0 $0xF42800, s21  }
0x2dd: {  	s21 =	sadd.s32 @!p0 $0x16E3C00, s21;
	s25 =	sshrl.u32 @!p0 s25, $0x3  }
0x2de: {  	s29 =	simm.s32 @!p0 $0x5080;
	s21 =	sshrl.u32 @!p0 s21, $0x3;
	s25 =	sadd.s32 @!p0 s1, s25  }
0x2df: {  	[tilespmem:s29], [sflag:$0x2] =	stream.linear.gather @!p0 [hbm4b:s25+s31], $0x400, $0x38;
	[tilespmem:$0x1B880] =	vst v63  }
0x2e0: {  	s21 =	sadd.s32 @!p0 s1, s21;
	s25 =	simm.s32 @!p0 $0x5480  }
0x2e1: {  	[tilespmem:s25], [sflag:$0x2] =	stream.linear.gather @!p0 [hbm4b:s21+s31], $0x400, $0x38;
	[tilespmem:$0x1B880] =	vst v63  }
0x2e2: {  	_ =	swait.ge [sflag:s2], $0x400  }
0x2e3: {  	[sflag:s2] =	ssyncset.done $0x0  }
0x2e4: {  	[sflag:s2] =	ssyncadd.s32 $0xFFFFFC00  }
0x2e5: {  	_ =	swait.ge [sflag:s2], $0x400  }
0x2e6: {  	[sflag:s2] =	ssyncset.done $0x0  }
0x2e7: {  	[sflag:s2] =	ssyncadd.s32 $0xFFFFFC00  }
0x2e8: {  	_ =	swait.ge [sflag:s2], $0x400  }
0x2e9: {  	v19 =	vor.u32 s28, v0;
	[sflag:s2] =	ssyncset.done $0x0  }
0x2ea: {  	v20 =	vor.u32 s28, v1;
	[sflag:s2] =	ssyncadd.s32 $0xFFFFFC00  }
0x2eb: {  	_ =	swait.ge [sflag:s2], $0x400  }
0x2ec: {  	[sflag:s2] =	ssyncset.done $0x0  }
0x2ed: {  	[sflag:s2] =	ssyncadd.s32 $0xFFFFFC00  }
0x2ee: {  	v21 =	vbroadcast v5, $0xA;
	v6 =	vld.idx.msk [tilespmem:v19+s9+$0x0], $0xffff  }
0x2ef: {  	v7 =	vld.idx.msk [tilespmem:v20+s9+$0x0], $0xffff  }
0x2f0: {  	v22 =	vadd.s32 v0, v21;
	(v2sf) =	vpush @!p0 v2, $0x2  }
0x2f1: {  	v8 =	vadd.s32 v1, v21;
	_ =	sdelay $0x1  }
0x2f2: {  	[tilespmem:s8+$0x100] =	vst v6  }
0x2f3: {  	[tilespmem:s8+$0x110] =	vst v7  }
0x2f4: {  	v23 =	vbroadcast v4, $0xA;
	v6 =	vld.idx.msk [tilespmem:v22+s17+$0x0], $0xffff  }
0x2f5: {  	v8 =	vld.idx.msk [tilespmem:v8+s17+$0x0], $0xffff  }
0x2f6: {  	v24 =	vadd.s32 v0, v23  }
0x2f7: {  	v7 =	vadd.s32 v1, v23;
	_ =	sdelay $0x1  }
0x2f8: {  	[tilespmem:s8+$0x120] =	vst v6  }
0x2f9: {  	[tilespmem:s8+$0x130] =	vst v8  }
0x2fa: {  	v25 =	vbroadcast v3, $0xA;
	v6 =	vld.idx.msk [tilespmem:v24+s18+$0x0], $0xffff  }
0x2fb: {  	v7 =	vld.idx.msk [tilespmem:v7+s18+$0x0], $0xffff  }
0x2fc: {  	v26 =	vadd.s32 v0, v25  }
0x2fd: {  	v8 =	vadd.s32 v1, v25;
	s21 =	spop @!p0 (v2sf)  }
0x2fe: {  	s25 =	sand.u32 @!p0 $0x7F, s21  }
0x2ff: {  	p1 =	slt.s32 @!p0 s21, $0x1;
	p2 =	sne.s32 @!p0 s25, $0x0;
	[tilespmem:s8+$0x140] =	vst v6  }
0x300: {  	s25 =	sshra.s32 @!p0 s21, $0x1F;
	p1 =	por @!p0 !p1, !p2;
	[tilespmem:s8+$0x150] =	vst v7  }
0x301: {  	s25 =	sshrl.u32 @!p0 s25, $0x19;
	p1 =	por @!p0 !p1, !p1;
	v6 =	vld.idx.msk [tilespmem:v26+s19+$0x0], $0xffff  }
0x302: {  	s21 =	sadd.s32 @!p0 s25, s21;
	s25 =	simm.s32 @!p0 $0x1;
	v7 =	vld.idx.msk [tilespmem:v8+s19+$0x0], $0xffff;
	p1 =	por !p1, p0  }
0x303: {  	s21 =	sshrl.u32 @!p0 s21, $0x7;
	s25 =	simm.s32 @p1 $0x0  }
0x304: {  	s21 =	ssub.s32 @!p0 s21, s25  }
0x305: {  	s21 =	sshll.u32 @!p0 s21, $0xA  }
0x306: {  	s25 =	sshrl.u32 @!p0 s21, $0x3;
	[tilespmem:s8+$0x160] =	vst v6  }
0x307: {  	s28 =	simm.s32 @!p0 $0x5880;
	[tilespmem:s8+$0x170] =	vst v7;
	s25 =	sadd.s32 @!p0 s1, s25  }
0x308: {  	[tilespmem:s28], [sflag:$0x3] =	stream.linear.gather @!p0 [hbm4b:s25+s31], $0x400, $0x38;
	[tilespmem:$0x1B880] =	vst v63  }
0x309: {  	s25 =	sadd.s32 @!p0 $0x7A1400, s21  }
0x30a: {  	s25 =	sshrl.u32 @!p0 s25, $0x3  }
0x30b: {  	s28 =	simm.s32 @!p0 $0x5C80;
	s25 =	sadd.s32 @!p0 s1, s25  }
0x30c: {  	[tilespmem:s28], [sflag:$0x3] =	stream.linear.gather @!p0 [hbm4b:s25+s31], $0x400, $0x38;
	[tilespmem:$0x1B880] =	vst v63  }
0x30d: {  	s25 =	sadd.s32 @!p0 $0xF42800, s21  }
0x30e: {  	s21 =	sadd.s32 @!p0 $0x16E3C00, s21;
	s25 =	sshrl.u32 @!p0 s25, $0x3  }
0x30f: {  	s28 =	simm.s32 @!p0 $0x6080;
	s21 =	sshrl.u32 @!p0 s21, $0x3;
	s25 =	sadd.s32 @!p0 s1, s25  }
0x310: {  	[tilespmem:s28], [sflag:$0x3] =	stream.linear.gather @!p0 [hbm4b:s25+s31], $0x400, $0x38;
	[tilespmem:$0x1B880] =	vst v63  }
0x311: {  	s21 =	sadd.s32 @!p0 s1, s21;
	s25 =	simm.s32 @!p0 $0x6480  }
0x312: {  	[tilespmem:s25], [sflag:$0x3] =	stream.linear.gather @!p0 [hbm4b:s21+s31], $0x400, $0x38;
	[tilespmem:$0x1B880] =	vst v63  }
0x313: {  	_ =	swait.ge [sflag:s15], $0x400  }
0x314: {  	[sflag:s15] =	ssyncset.done $0x0  }
0x315: {  	[sflag:s15] =	ssyncadd.s32 $0xFFFFFC00  }
0x316: {  	_ =	swait.ge [sflag:s15], $0x400  }
0x317: {  	[sflag:s15] =	ssyncset.done $0x0  }
0x318: {  	[sflag:s15] =	ssyncadd.s32 $0xFFFFFC00  }
0x319: {  	_ =	swait.ge [sflag:s15], $0x400  }
0x31a: {  	v27 =	vor.u32 s24, v0;
	[sflag:s15] =	ssyncset.done $0x0  }
0x31b: {  	v28 =	vor.u32 s24, v1;
	[sflag:s15] =	ssyncadd.s32 $0xFFFFFC00  }
0x31c: {  	_ =	swait.ge [sflag:s15], $0x400  }
0x31d: {  	[sflag:s15] =	ssyncset.done $0x0  }
0x31e: {  	[sflag:s15] =	ssyncadd.s32 $0xFFFFFC00  }
0x31f: {  	v29 =	vbroadcast v5, $0xB;
	v6 =	vld.idx.msk [tilespmem:v27+s13+$0x0], $0xffff  }
0x320: {  	v7 =	vld.idx.msk [tilespmem:v28+s13+$0x0], $0xffff  }
0x321: {  	v30 =	vadd.s32 v0, v29;
	(v2sf) =	vpush @!p0 v2, $0x3  }
0x322: {  	v8 =	vadd.s32 v1, v29;
	_ =	sdelay $0x1  }
0x323: {  	[tilespmem:s8+$0x180] =	vst v6  }
0x324: {  	[tilespmem:s8+$0x190] =	vst v7  }
0x325: {  	v31 =	vbroadcast v4, $0xB;
	v6 =	vld.idx.msk [tilespmem:v30+s17+$0x0], $0xffff  }
0x326: {  	v8 =	vld.idx.msk [tilespmem:v8+s17+$0x0], $0xffff  }
0x327: {  	v32 =	vadd.s32 v0, v31  }
0x328: {  	v7 =	vadd.s32 v1, v31;
	_ =	sdelay $0x1  }
0x329: {  	[tilespmem:s8+$0x1A0] =	vst v6  }
0x32a: {  	[tilespmem:s8+$0x1B0] =	vst v8  }
0x32b: {  	v33 =	vbroadcast v3, $0xB;
	v6 =	vld.idx.msk [tilespmem:v32+s18+$0x0], $0xffff  }
0x32c: {  	v7 =	vld.idx.msk [tilespmem:v7+s18+$0x0], $0xffff  }
0x32d: {  	v34 =	vadd.s32 v0, v33  }
0x32e: {  	v8 =	vadd.s32 v1, v33;
	s21 =	spop @!p0 (v2sf)  }
0x32f: {  	s24 =	sand.u32 @!p0 $0x7F, s21  }
0x330: {  	p1 =	slt.s32 @!p0 s21, $0x1;
	p2 =	sne.s32 @!p0 s24, $0x0;
	[tilespmem:s8+$0x1C0] =	vst v6  }
0x331: {  	s24 =	sshra.s32 @!p0 s21, $0x1F;
	p1 =	por @!p0 !p1, !p2;
	[tilespmem:s8+$0x1D0] =	vst v7  }
0x332: {  	s24 =	sshrl.u32 @!p0 s24, $0x19;
	p1 =	por @!p0 !p1, !p1;
	v6 =	vld.idx.msk [tilespmem:v34+s19+$0x0], $0xffff  }
0x333: {  	s21 =	sadd.s32 @!p0 s24, s21;
	s24 =	simm.s32 @!p0 $0x1;
	v7 =	vld.idx.msk [tilespmem:v8+s19+$0x0], $0xffff;
	p1 =	por !p1, p0  }
0x334: {  	s21 =	sshrl.u32 @!p0 s21, $0x7;
	s24 =	simm.s32 @p1 $0x0  }
0x335: {  	s21 =	ssub.s32 @!p0 s21, s24  }
0x336: {  	s21 =	sshll.u32 @!p0 s21, $0xA  }
0x337: {  	s24 =	sshrl.u32 @!p0 s21, $0x3;
	[tilespmem:s8+$0x1E0] =	vst v6  }
0x338: {  	s25 =	simm.s32 @!p0 $0x6880;
	[tilespmem:s8+$0x1F0] =	vst v7;
	s24 =	sadd.s32 @!p0 s1, s24  }
0x339: {  	[tilespmem:s25], [sflag:$0x4] =	stream.linear.gather @!p0 [hbm4b:s24+s31], $0x400, $0x38;
	[tilespmem:$0x1B880] =	vst v63  }
0x33a: {  	s24 =	sadd.s32 @!p0 $0x7A1400, s21  }
0x33b: {  	s24 =	sshrl.u32 @!p0 s24, $0x3  }
0x33c: {  	s25 =	simm.s32 @!p0 $0x6C80;
	s24 =	sadd.s32 @!p0 s1, s24  }
0x33d: {  	[tilespmem:s25], [sflag:$0x4] =	stream.linear.gather @!p0 [hbm4b:s24+s31], $0x400, $0x38;
	[tilespmem:$0x1B880] =	vst v63  }
0x33e: {  	s24 =	sadd.s32 @!p0 $0xF42800, s21  }
0x33f: {  	s21 =	sadd.s32 @!p0 $0x16E3C00, s21;
	s24 =	sshrl.u32 @!p0 s24, $0x3  }
0x340: {  	s25 =	simm.s32 @!p0 $0x7080;
	s21 =	sshrl.u32 @!p0 s21, $0x3;
	s24 =	sadd.s32 @!p0 s1, s24  }
0x341: {  	[tilespmem:s25], [sflag:$0x4] =	stream.linear.gather @!p0 [hbm4b:s24+s31], $0x400, $0x38;
	[tilespmem:$0x1B880] =	vst v63  }
0x342: {  	s21 =	sadd.s32 @!p0 s1, s21;
	s24 =	simm.s32 @!p0 $0x7480  }
0x343: {  	[tilespmem:s24], [sflag:$0x4] =	stream.linear.gather @!p0 [hbm4b:s21+s31], $0x400, $0x38;
	[tilespmem:$0x1B880] =	vst v63  }
0x344: {  	_ =	swait.ge [sflag:s16], $0x400  }
0x345: {  	[sflag:s16] =	ssyncset.done $0x0  }
0x346: {  	[sflag:s16] =	ssyncadd.s32 $0xFFFFFC00  }
0x347: {  	_ =	swait.ge [sflag:s16], $0x400  }
0x348: {  	[sflag:s16] =	ssyncset.done $0x0  }
0x349: {  	[sflag:s16] =	ssyncadd.s32 $0xFFFFFC00  }
0x34a: {  	_ =	swait.ge [sflag:s16], $0x400  }
0x34b: {  	v35 =	vor.u32 s23, v0;
	[sflag:s16] =	ssyncset.done $0x0  }
0x34c: {  	v36 =	vor.u32 s23, v1;
	[sflag:s16] =	ssyncadd.s32 $0xFFFFFC00  }
0x34d: {  	_ =	swait.ge [sflag:s16], $0x400  }
0x34e: {  	[sflag:s16] =	ssyncset.done $0x0  }
0x34f: {  	[sflag:s16] =	ssyncadd.s32 $0xFFFFFC00  }
0x350: {  	v37 =	vbroadcast v5, $0xC;
	v6 =	vld.idx.msk [tilespmem:v35+s26+$0x0], $0xffff  }
0x351: {  	v7 =	vld.idx.msk [tilespmem:v36+s26+$0x0], $0xffff  }
0x352: {  	v38 =	vadd.s32 v0, v37;
	(v2sf) =	vpush @!p0 v2, $0x4  }
0x353: {  	v8 =	vadd.s32 v1, v37;
	_ =	sdelay $0x1  }
0x354: {  	[tilespmem:s8+$0x200] =	vst v6  }
0x355: {  	[tilespmem:s8+$0x210] =	vst v7  }
0x356: {  	v39 =	vbroadcast v4, $0xC;
	v6 =	vld.idx.msk [tilespmem:v38+s17+$0x0], $0xffff  }
0x357: {  	v8 =	vld.idx.msk [tilespmem:v8+s17+$0x0], $0xffff  }
0x358: {  	v40 =	vadd.s32 v0, v39  }
0x359: {  	v7 =	vadd.s32 v1, v39;
	_ =	sdelay $0x1  }
0x35a: {  	[tilespmem:s8+$0x220] =	vst v6  }
0x35b: {  	[tilespmem:s8+$0x230] =	vst v8  }
0x35c: {  	v41 =	vbroadcast v3, $0xC;
	v6 =	vld.idx.msk [tilespmem:v40+s18+$0x0], $0xffff  }
0x35d: {  	v7 =	vld.idx.msk [tilespmem:v7+s18+$0x0], $0xffff  }
0x35e: {  	v42 =	vadd.s32 v0, v41  }
0x35f: {  	v8 =	vadd.s32 v1, v41;
	s21 =	spop @!p0 (v2sf)  }
0x360: {  	s23 =	sand.u32 @!p0 $0x7F, s21  }
0x361: {  	p1 =	slt.s32 @!p0 s21, $0x1;
	p2 =	sne.s32 @!p0 s23, $0x0;
	[tilespmem:s8+$0x240] =	vst v6  }
0x362: {  	s23 =	sshra.s32 @!p0 s21, $0x1F;
	p1 =	por @!p0 !p1, !p2;
	[tilespmem:s8+$0x250] =	vst v7  }
0x363: {  	s23 =	sshrl.u32 @!p0 s23, $0x19;
	p1 =	por @!p0 !p1, !p1;
	v6 =	vld.idx.msk [tilespmem:v42+s19+$0x0], $0xffff  }
0x364: {  	s21 =	sadd.s32 @!p0 s23, s21;
	s23 =	simm.s32 @!p0 $0x1;
	v7 =	vld.idx.msk [tilespmem:v8+s19+$0x0], $0xffff;
	p1 =	por !p1, p0  }
0x365: {  	s21 =	sshrl.u32 @!p0 s21, $0x7;
	s23 =	simm.s32 @p1 $0x0  }
0x366: {  	s21 =	ssub.s32 @!p0 s21, s23  }
0x367: {  	s21 =	sshll.u32 @!p0 s21, $0xA  }
0x368: {  	s23 =	sshrl.u32 @!p0 s21, $0x3;
	[tilespmem:s8+$0x260] =	vst v6  }
0x369: {  	s24 =	simm.s32 @!p0 $0x7880;
	[tilespmem:s8+$0x270] =	vst v7;
	s23 =	sadd.s32 @!p0 s1, s23  }
0x36a: {  	[tilespmem:s24], [sflag:$0x5] =	stream.linear.gather @!p0 [hbm4b:s23+s31], $0x400, $0x38;
	[tilespmem:$0x1B880] =	vst v63  }
0x36b: {  	s23 =	sadd.s32 @!p0 $0x7A1400, s21  }
0x36c: {  	s23 =	sshrl.u32 @!p0 s23, $0x3  }
0x36d: {  	s24 =	simm.s32 @!p0 $0x7C80;
	s23 =	sadd.s32 @!p0 s1, s23  }
0x36e: {  	[tilespmem:s24], [sflag:$0x5] =	stream.linear.gather @!p0 [hbm4b:s23+s31], $0x400, $0x38;
	[tilespmem:$0x1B880] =	vst v63  }
0x36f: {  	s23 =	sadd.s32 @!p0 $0xF42800, s21  }
0x370: {  	s21 =	sadd.s32 @!p0 $0x16E3C00, s21;
	s23 =	sshrl.u32 @!p0 s23, $0x3  }
0x371: {  	s24 =	simm.s32 @!p0 $0x8080;
	s21 =	sshrl.u32 @!p0 s21, $0x3;
	s23 =	sadd.s32 @!p0 s1, s23  }
0x372: {  	[tilespmem:s24], [sflag:$0x5] =	stream.linear.gather @!p0 [hbm4b:s23+s31], $0x400, $0x38;
	[tilespmem:$0x1B880] =	vst v63  }
0x373: {  	s21 =	sadd.s32 @!p0 s1, s21;
	s23 =	simm.s32 @!p0 $0x8480  }
0x374: {  	[tilespmem:s23], [sflag:$0x5] =	stream.linear.gather @!p0 [hbm4b:s21+s31], $0x400, $0x38;
	[tilespmem:$0x1B880] =	vst v63  }
0x375: {  	_ =	swait.ge [sflag:s4], $0x400  }
0x376: {  	[sflag:s4] =	ssyncset.done $0x0  }
0x377: {  	[sflag:s4] =	ssyncadd.s32 $0xFFFFFC00  }
0x378: {  	_ =	swait.ge [sflag:s4], $0x400  }
0x379: {  	[sflag:s4] =	ssyncset.done $0x0  }
0x37a: {  	[sflag:s4] =	ssyncadd.s32 $0xFFFFFC00  }
0x37b: {  	_ =	swait.ge [sflag:s4], $0x400  }
0x37c: {  	v43 =	vor.u32 s22, v0;
	[sflag:s4] =	ssyncset.done $0x0  }
0x37d: {  	v44 =	vor.u32 s22, v1;
	[sflag:s4] =	ssyncadd.s32 $0xFFFFFC00  }
0x37e: {  	_ =	swait.ge [sflag:s4], $0x400  }
0x37f: {  	[sflag:s4] =	ssyncset.done $0x0  }
0x380: {  	s25 =	simm.s32 $0x8880;
	[sflag:s4] =	ssyncadd.s32 $0xFFFFFC00  }
0x381: {  	v45 =	vbroadcast v5, $0xD;
	v6 =	vld.idx.msk [tilespmem:v43+s25+$0x0], $0xffff  }
0x382: {  	v7 =	vld.idx.msk [tilespmem:v44+s25+$0x0], $0xffff  }
0x383: {  	v46 =	vadd.s32 v0, v45;
	(v2sf) =	vpush @!p0 v2, $0x5  }
0x384: {  	v8 =	vadd.s32 v1, v45;
	_ =	sdelay $0x1  }
0x385: {  	[tilespmem:s8+$0x280] =	vst v6  }
0x386: {  	[tilespmem:s8+$0x290] =	vst v7  }
0x387: {  	v47 =	vbroadcast v4, $0xD;
	v6 =	vld.idx.msk [tilespmem:v46+s17+$0x0], $0xffff  }
0x388: {  	v8 =	vld.idx.msk [tilespmem:v8+s17+$0x0], $0xffff  }
0x389: {  	v48 =	vadd.s32 v0, v47  }
0x38a: {  	v7 =	vadd.s32 v1, v47;
	_ =	sdelay $0x1  }
0x38b: {  	[tilespmem:s8+$0x2A0] =	vst v6  }
0x38c: {  	[tilespmem:s8+$0x2B0] =	vst v8  }
0x38d: {  	v49 =	vbroadcast v3, $0xD;
	v6 =	vld.idx.msk [tilespmem:v48+s18+$0x0], $0xffff  }
0x38e: {  	v7 =	vld.idx.msk [tilespmem:v7+s18+$0x0], $0xffff  }
0x38f: {  	v50 =	vadd.s32 v0, v49  }
0x390: {  	v8 =	vadd.s32 v1, v49;
	s21 =	spop @!p0 (v2sf)  }
0x391: {  	s22 =	sand.u32 @!p0 $0x7F, s21  }
0x392: {  	p1 =	slt.s32 @!p0 s21, $0x1;
	p2 =	sne.s32 @!p0 s22, $0x0;
	[tilespmem:s8+$0x2C0] =	vst v6  }
0x393: {  	s22 =	sshra.s32 @!p0 s21, $0x1F;
	p1 =	por @!p0 !p1, !p2;
	[tilespmem:s8+$0x2D0] =	vst v7  }
0x394: {  	s22 =	sshrl.u32 @!p0 s22, $0x19;
	p1 =	por @!p0 !p1, !p1;
	v6 =	vld.idx.msk [tilespmem:v50+s19+$0x0], $0xffff  }
0x395: {  	s21 =	sadd.s32 @!p0 s22, s21;
	s22 =	simm.s32 @!p0 $0x1;
	v7 =	vld.idx.msk [tilespmem:v8+s19+$0x0], $0xffff;
	p1 =	por !p1, p0  }
0x396: {  	s21 =	sshrl.u32 @!p0 s21, $0x7;
	s22 =	simm.s32 @p1 $0x0  }
0x397: {  	s21 =	ssub.s32 @!p0 s21, s22  }
0x398: {  	s21 =	sshll.u32 @!p0 s21, $0xA  }
0x399: {  	s22 =	sshrl.u32 @!p0 s21, $0x3;
	[tilespmem:s8+$0x2E0] =	vst v6  }
0x39a: {  	s23 =	simm.s32 @!p0 $0x8880;
	[tilespmem:s8+$0x2F0] =	vst v7;
	s22 =	sadd.s32 @!p0 s1, s22  }
0x39b: {  	[tilespmem:s23], [sflag:$0x6] =	stream.linear.gather @!p0 [hbm4b:s22+s31], $0x400, $0x38;
	[tilespmem:$0x1B880] =	vst v63  }
0x39c: {  	s22 =	sadd.s32 @!p0 $0x7A1400, s21  }
0x39d: {  	s22 =	sshrl.u32 @!p0 s22, $0x3  }
0x39e: {  	s23 =	simm.s32 @!p0 $0x8C80;
	s22 =	sadd.s32 @!p0 s1, s22  }
0x39f: {  	[tilespmem:s23], [sflag:$0x6] =	stream.linear.gather @!p0 [hbm4b:s22+s31], $0x400, $0x38;
	[tilespmem:$0x1B880] =	vst v63  }
0x3a0: {  	s22 =	sadd.s32 @!p0 $0xF42800, s21  }
0x3a1: {  	s21 =	sadd.s32 @!p0 $0x16E3C00, s21;
	s22 =	sshrl.u32 @!p0 s22, $0x3  }
0x3a2: {  	s23 =	simm.s32 @!p0 $0x9080;
	s21 =	sshrl.u32 @!p0 s21, $0x3;
	s22 =	sadd.s32 @!p0 s1, s22  }
0x3a3: {  	[tilespmem:s23], [sflag:$0x6] =	stream.linear.gather @!p0 [hbm4b:s22+s31], $0x400, $0x38;
	[tilespmem:$0x1B880] =	vst v63  }
0x3a4: {  	s21 =	sadd.s32 @!p0 s1, s21;
	s22 =	simm.s32 @!p0 $0x9480  }
0x3a5: {  	[tilespmem:s22], [sflag:$0x6] =	stream.linear.gather @!p0 [hbm4b:s21+s31], $0x400, $0x38;
	[tilespmem:$0x1B880] =	vst v63  }
0x3a6: {  	_ =	swait.ge [sflag:s6], $0x400  }
0x3a7: {  	[sflag:s6] =	ssyncset.done $0x0  }
0x3a8: {  	[sflag:s6] =	ssyncadd.s32 $0xFFFFFC00  }
0x3a9: {  	_ =	swait.ge [sflag:s6], $0x400  }
0x3aa: {  	[sflag:s6] =	ssyncset.done $0x0  }
0x3ab: {  	[sflag:s6] =	ssyncadd.s32 $0xFFFFFC00  }
0x3ac: {  	_ =	swait.ge [sflag:s6], $0x400  }
0x3ad: {  	v51 =	vor.u32 s12, v0;
	[sflag:s6] =	ssyncset.done $0x0  }
0x3ae: {  	v52 =	vor.u32 s12, v1;
	[sflag:s6] =	ssyncadd.s32 $0xFFFFFC00  }
0x3af: {  	_ =	swait.ge [sflag:s6], $0x400  }
0x3b0: {  	[sflag:s6] =	ssyncset.done $0x0  }
0x3b1: {  	s28 =	simm.s32 $0x9880;
	[sflag:s6] =	ssyncadd.s32 $0xFFFFFC00  }
0x3b2: {  	v53 =	vbroadcast v5, $0xE;
	v6 =	vld.idx.msk [tilespmem:v51+s28+$0x0], $0xffff  }
0x3b3: {  	v7 =	vld.idx.msk [tilespmem:v52+s28+$0x0], $0xffff  }
0x3b4: {  	v54 =	vadd.s32 v0, v53;
	(v2sf) =	vpush @!p0 v2, $0x6  }
0x3b5: {  	v8 =	vadd.s32 v1, v53;
	_ =	sdelay $0x1  }
0x3b6: {  	[tilespmem:s8+$0x300] =	vst v6  }
0x3b7: {  	[tilespmem:s8+$0x310] =	vst v7  }
0x3b8: {  	v55 =	vbroadcast v4, $0xE;
	v6 =	vld.idx.msk [tilespmem:v54+s17+$0x0], $0xffff  }
0x3b9: {  	v8 =	vld.idx.msk [tilespmem:v8+s17+$0x0], $0xffff  }
0x3ba: {  	v56 =	vadd.s32 v0, v55  }
0x3bb: {  	v7 =	vadd.s32 v1, v55;
	_ =	sdelay $0x1  }
0x3bc: {  	[tilespmem:s8+$0x320] =	vst v6  }
0x3bd: {  	[tilespmem:s8+$0x330] =	vst v8  }
0x3be: {  	v57 =	vbroadcast v3, $0xE;
	v6 =	vld.idx.msk [tilespmem:v56+s18+$0x0], $0xffff  }
0x3bf: {  	v7 =	vld.idx.msk [tilespmem:v7+s18+$0x0], $0xffff  }
0x3c0: {  	v58 =	vadd.s32 v0, v57  }
0x3c1: {  	v8 =	vadd.s32 v1, v57;
	s12 =	spop @!p0 (v2sf)  }
0x3c2: {  	s21 =	sand.u32 @!p0 $0x7F, s12  }
0x3c3: {  	p1 =	slt.s32 @!p0 s12, $0x1;
	p2 =	sne.s32 @!p0 s21, $0x0;
	[tilespmem:s8+$0x340] =	vst v6  }
0x3c4: {  	s21 =	sshra.s32 @!p0 s12, $0x1F;
	p1 =	por @!p0 !p1, !p2;
	[tilespmem:s8+$0x350] =	vst v7  }
0x3c5: {  	s21 =	sshrl.u32 @!p0 s21, $0x19;
	p1 =	por @!p0 !p1, !p1;
	v6 =	vld.idx.msk [tilespmem:v58+s19+$0x0], $0xffff  }
0x3c6: {  	s22 =	simm.s32 @!p0 $0x1;
	s12 =	sadd.s32 @!p0 s21, s12;
	v7 =	vld.idx.msk [tilespmem:v8+s19+$0x0], $0xffff;
	p1 =	por !p1, p0  }
0x3c7: {  	s12 =	sshrl.u32 @!p0 s12, $0x7;
	s22 =	simm.s32 @p1 $0x0  }
0x3c8: {  	s12 =	ssub.s32 @!p0 s12, s22  }
0x3c9: {  	s12 =	sshll.u32 @!p0 s12, $0xA  }
0x3ca: {  	s21 =	sshrl.u32 @!p0 s12, $0x3;
	[tilespmem:s8+$0x360] =	vst v6  }
0x3cb: {  	s22 =	simm.s32 @!p0 $0x9880;
	[tilespmem:s8+$0x370] =	vst v7;
	s21 =	sadd.s32 @!p0 s1, s21  }
0x3cc: {  	[tilespmem:s22], [sflag:$0x7] =	stream.linear.gather @!p0 [hbm4b:s21+s31], $0x400, $0x38;
	[tilespmem:$0x1B880] =	vst v63  }
0x3cd: {  	s21 =	sadd.s32 @!p0 $0x7A1400, s12  }
0x3ce: {  	s21 =	sshrl.u32 @!p0 s21, $0x3  }
0x3cf: {  	s22 =	simm.s32 @!p0 $0x9C80;
	s21 =	sadd.s32 @!p0 s1, s21  }
0x3d0: {  	[tilespmem:s22], [sflag:$0x7] =	stream.linear.gather @!p0 [hbm4b:s21+s31], $0x400, $0x38;
	[tilespmem:$0x1B880] =	vst v63  }
0x3d1: {  	s21 =	sadd.s32 @!p0 $0xF42800, s12  }
0x3d2: {  	s12 =	sadd.s32 @!p0 $0x16E3C00, s12;
	s21 =	sshrl.u32 @!p0 s21, $0x3  }
0x3d3: {  	s22 =	simm.s32 @!p0 $0xA080;
	s12 =	sshrl.u32 @!p0 s12, $0x3;
	s21 =	sadd.s32 @!p0 s1, s21  }
0x3d4: {  	[tilespmem:s22], [sflag:$0x7] =	stream.linear.gather @!p0 [hbm4b:s21+s31], $0x400, $0x38;
	[tilespmem:$0x1B880] =	vst v63  }
0x3d5: {  	s12 =	sadd.s32 @!p0 s1, s12;
	s21 =	simm.s32 @!p0 $0xA480  }
0x3d6: {  	[tilespmem:s21], [sflag:$0x7] =	stream.linear.gather @!p0 [hbm4b:s12+s31], $0x400, $0x38;
	[tilespmem:$0x1B880] =	vst v63  }
0x3d7: {  	_ =	swait.ge [sflag:s7], $0x400  }
0x3d8: {  	[sflag:s7] =	ssyncset.done $0x0  }
0x3d9: {  	[sflag:s7] =	ssyncadd.s32 $0xFFFFFC00  }
0x3da: {  	_ =	swait.ge [sflag:s7], $0x400  }
0x3db: {  	[sflag:s7] =	ssyncset.done $0x0  }
0x3dc: {  	[sflag:s7] =	ssyncadd.s32 $0xFFFFFC00  }
0x3dd: {  	_ =	swait.ge [sflag:s7], $0x400  }
0x3de: {  	v59 =	vor.u32 s11, v0;
	[sflag:s7] =	ssyncset.done $0x0  }
0x3df: {  	v60 =	vor.u32 s11, v1;
	[sflag:s7] =	ssyncadd.s32 $0xFFFFFC00  }
0x3e0: {  	_ =	swait.ge [sflag:s7], $0x400  }
0x3e1: {  	[sflag:s7] =	ssyncset.done $0x0  }
0x3e2: {  	[sflag:s7] =	ssyncadd.s32 $0xFFFFFC00  }
0x3e3: {  	v5 =	vbroadcast v5, $0xF;
	v6 =	vld.idx.msk [tilespmem:v59+s10+$0x0], $0xffff  }
0x3e4: {  	v7 =	vld.idx.msk [tilespmem:v60+s10+$0x0], $0xffff  }
0x3e5: {  	v61 =	vadd.s32 v0, v5  }
0x3e6: {  	v5 =	vadd.s32 v1, v5;
	_ =	sdelay $0x1  }
0x3e7: {  	[tilespmem:s8+$0x380] =	vst v6  }
0x3e8: {  	[tilespmem:s8+$0x390] =	vst v7  }
0x3e9: {  	v4 =	vbroadcast v4, $0xF;
	v6 =	vld.idx.msk [tilespmem:v61+s17+$0x0], $0xffff  }
0x3ea: {  	v5 =	vld.idx.msk [tilespmem:v5+s17+$0x0], $0xffff  }
0x3eb: {  	v62 =	vadd.s32 v0, v4  }
0x3ec: {  	v4 =	vadd.s32 v1, v4;
	_ =	sdelay $0x1  }
0x3ed: {  	[tilespmem:s8+$0x3A0] =	vst v6  }
0x3ee: {  	[tilespmem:s8+$0x3B0] =	vst v5  }
0x3ef: {  	v3 =	vbroadcast v3, $0xF;
	v5 =	vld.idx.msk [tilespmem:v62+s18+$0x0], $0xffff  }
0x3f0: {  	v4 =	vld.idx.msk [tilespmem:v4+s18+$0x0], $0xffff  }
0x3f1: {  	v63 =	vadd.s32 v0, v3  }
0x3f2: {  	v3 =	vadd.s32 v1, v3;
	_ =	sdelay $0x1  }
0x3f3: {  	[tilespmem:s8+$0x3C0] =	vst v5  }
0x3f4: {  	[tilespmem:s8+$0x3D0] =	vst v4  }
0x3f5: {  	v4 =	vld.idx.msk [tilespmem:v63+s19+$0x0], $0xffff  }
0x3f6: {  	v3 =	vld.idx.msk [tilespmem:v3+s19+$0x0], $0xffff  }
.Ltmp2:
0x3f7: {  	_ = 	snop;
	(pc) =	sbr.rel @p0 .LBB2_4-.Ltmp2, $4  }
0x3f8: {  	_ = 	snop  }
0x3f9: {  	s14 =	simm.s32 $0xA880  }
0x3fa: {  	s30 =	simm.s32 $0x4880;
	s29 =	simm.s32 $0x5880;
	s9 =	simm.s32 $0x6880;
	[tilespmem:s8+$0x3E0] =	vst v4  }
0x3fb: {  	s13 =	simm.s32 $0x7880;
	s24 =	simm.s32 $0x8880;
	s23 =	simm.s32 $0x9880;
	[tilespmem:s8+$0x3F0] =	vst v3  }
0x3fc: {  	(v2sf) =	vpush v2, $0x7;
	_ =	sdelay $0xe  }
0x3fd: {  	s11 =	spop (v2sf)  }
0x3fe: {  	s12 =	sand.u32 $0x7F, s11  }
0x3ff: {  	s23 =	sshra.s32 s11, $0x1F;
	p1 =	slt.s32 s11, $0x1;
	p0 =	sne.s32 s12, $0x0  }
0x400: {  	s12 =	sshrl.u32 s23, $0x19;
	p0 =	por !p1, !p0  }
0x401: {  	s11 =	sadd.s32 s12, s11;
	s12 =	simm.s32 $0x1;
	p0 =	por !p0, !p0  }
0x402: {  	s11 =	sshrl.u32 s11, $0x7;
	s12 =	simm.s32 @!p0 $0x0  }
0x403: {  	s11 =	ssub.s32 s11, s12  }
0x404: {  	s11 =	sshll.u32 s11, $0xA  }
0x405: {  	s5 =	simm.s32 $0xAC80;
	s24 =	sshrl.u32 s11, $0x3  }
0x406: {  	s29 =	simm.s32 $0xB080;
	s25 =	sadd.s32 $0x7A1400, s11;
	s12 =	sadd.s32 s1, s24  }
0x407: {  	[tilespmem:s14], [sflag:$0x8] =	stream.linear.gather [hbm4b:s12+s3], $0x400, $0x38;
	[tilespmem:$0x1B880] =	vst v63  }
0x408: {  	s30 =	simm.s32 $0xB480;
	s31 =	rddreg [dreg:$0x12];
	s12 =	sshrl.u32 s25, $0x3  }
0x409: {  	s8 =	sadd.s32 $0x800, s8;
	s28 =	sadd.s32 $0xF42800, s11;
	s12 =	sadd.s32 s1, s12  }
0x40a: {  	[tilespmem:s5], [sflag:$0x8] =	stream.linear.gather [hbm4b:s12+s3], $0x400, $0x38;
	[tilespmem:$0x1B880] =	vst v63  }
.Ltmp3:
0x40b: {  	s11 =	sadd.s32 $0x16E3C00, s11;
	s12 =	sshrl.u32 s28, $0x3;
	(pc) =	sbr.rel .LBB2_2-.Ltmp3, $4  }
0x40c: {  	s11 =	sshrl.u32 s11, $0x3;
	s5 =	sadd.s32 $0x40, s31;
	s12 =	sadd.s32 s1, s12  }
0x40d: {  	[tilespmem:s29], [sflag:$0x8] =	stream.linear.gather [hbm4b:s12+s3], $0x400, $0x38;
	[tilespmem:$0x1B880] =	vst v63  }
0x40e: {  	s10 =	simm.s32 $0xA880;
	s11 =	sadd.s32 s1, s11;
	[dreg:$0x12] =	wrdreg s5  }
0x40f: {  	[tilespmem:s30], [sflag:$0x8] =	stream.linear.gather [hbm4b:s11+s3], $0x400, $0x38;
	[tilespmem:$0x1B880] =	vst v63  }
.LBB2_5:
0x410: {  	_ =	sfence.sel $0x180000  }
0x411: {  	[bflag:$0x0] =	sbarrier.arrive $0xFFFF  }
0x412: {  	_ =	strace $0x90000047  }
0x413: {  	s0 =	stileid.u32;
	[bflag:$0x2] =	sbarrier.arrive $0xFFFF  }
0x414: {  	p0 =	sne.s32 s0, $0x0;
	s0 =	rddreg [dreg:$0x7]  }
0x415: {  	s0 =	sadd.s32 @!p0 $0x100000, s0  }
0x416: {  	[sflag:s0] =	ssyncadd.tile.s32 @!p0 $0x1;
	_ =	shalt  }
.Lfunc_end2:
_tile_overlayer_lowered:
.L_overlay_start_2:
0x417: {  	(tag) =	ssettag $0x2  }
0x418: {  	s0 =	rddreg [dreg:$0x0];
	s2 =	stileid.u32  }
0x419: {  	s1 =	rddreg [dreg:$0x1];
	p0 =	sne.s32 s2, $0x0  }
0x41a: {  	s3 =	rddreg [dreg:$0x2];
	[bflag:$0x3] =	sbarrier.arrive $0xFFFF;
	s2 =	simm.s32 @!p0 $0x1C09  }
0x41b: {  	[timem:s3], [sflag:s2] =	dma.local @!p0 [hbm:s0], s1  }
0x41c: {  	s0 =	simm.s32 @!p0 $0x9  }
0x41d: {  	_ =	swait.ge @!p0 [sflag:s0], s1  }
0x41e: {  	s1 =	ssub.s32 @!p0 $0x0, s1;
	[sflag:s0] =	ssyncset.done @!p0 $0x0  }
0x41f: {  	[sflag:s0] =	ssyncadd.s32 @!p0 s1  }
0x420: {  	[bflag:$0x3] =	sbarrier.arrive $0xFFFF  }
0x421: {  	_ =	shalt  }

</sc_bundles>
